<compile_context>
chip_gen: v7x
topology: tpu7x:2x2x1
jax: 0.10.2.dev20260603
libtpu: 0.0.44.dev20260713+nightly
codegen_flags: <defaults>
</compile_context>

<pallas_src>
import functools

import jax
import jax.numpy as jnp
from jax import lax
from jax.experimental import pallas as pl
from jax.experimental.pallas import tpu as pltpu, tpu_sc as plsc

N, C, H, W = 4, 256, 128, 128
PH = PW = 7
R = 512
NC, NS = 2, 16
NW = NC * NS
RPW = R // NW
BINS = PH * PW
CB = 8
NCHK = 7
ROWS = CB * 16


def _sc_body(table, rois, out, roiv, yoffA, wyA, xA, wxA, wtS,
             rowbuf0, rowbuf1, rowbuf2, accR, sem0, sem1, sem2):
    wid = lax.axis_index("s") * NC + lax.axis_index("c")
    pltpu.sync_copy(rois.at[pl.ds(wid * (RPW * 5), RPW * 5)], roiv)

    li = lax.iota(jnp.int32, 16)
    sy = (li >> 3) & 1
    cy = (li >> 2) & 1
    sx = (li >> 1) & 1
    cx = li & 1
    ybase = cy * 16 + sy
    xbase = cx * 16 + sx
    fi = li.astype(jnp.float32) * 0.5 + 0.25

    def roi_loop(i, _):
        def param(j):
            return plsc.load_gather(
                roiv, [jnp.full((16,), i * 5 + j, jnp.int32)])

        b = param(0).astype(jnp.int32)
        x1 = param(1) * 0.25 - 0.5
        y1 = param(2) * 0.25 - 0.5
        x2 = param(3) * 0.25 - 0.5
        y2 = param(4) * 0.25 - 0.5
        bHW = b * (H * W)
        zf = jnp.zeros((16,), jnp.float32)

        bin_h = (y2 - y1) / 7.0
        posy = y1 + fi * bin_h
        vy = (posy > -1.0) & (posy < float(H))
        pyc = jnp.clip(posy, 0.0, float(H - 1))
        y0i = pyc.astype(jnp.int32)
        ly = pyc - y0i.astype(jnp.float32)
        hy = 1.0 - ly
        y1i = jnp.minimum(y0i + 1, H - 1)
        hy = jnp.where(vy, hy, zf)
        ly = jnp.where(vy, ly, zf)
        yoffA[pl.ds(0, 16)] = bHW + y0i * W
        yoffA[pl.ds(16, 16)] = bHW + y1i * W
        wyA[pl.ds(0, 16)] = hy
        wyA[pl.ds(16, 16)] = ly

        bin_w = (x2 - x1) / 7.0
        posx = x1 + fi * bin_w
        vx = (posx > -1.0) & (posx < float(W))
        pxc = jnp.clip(posx, 0.0, float(W - 1))
        x0i = pxc.astype(jnp.int32)
        lx = pxc - x0i.astype(jnp.float32)
        hx = 1.0 - lx
        x1i = jnp.minimum(x0i + 1, W - 1)
        hx = jnp.where(vx, hx, zf)
        lx = jnp.where(vx, lx, zf)
        xA[pl.ds(0, 16)] = x0i
        xA[pl.ds(16, 16)] = x1i
        wxA[pl.ds(0, 16)] = hx
        wxA[pl.ds(16, 16)] = lx

        sems = (sem0, sem1, sem2)
        bufs = (rowbuf0, rowbuf1, rowbuf2)

        def fire(g):
            par = g % 3
            cps = []
            for j in range(min(CB, BINS - g * CB)):
                bi = g * CB + j
                ylv = ybase + 2 * (bi // 7)
                xlv = xbase + 2 * (bi % 7)
                idx = (plsc.load_gather(yoffA, [ylv])
                       + plsc.load_gather(xA, [xlv]))
                wt = (plsc.load_gather(wyA, [ylv])
                      * plsc.load_gather(wxA, [xlv]) * 0.25)
                wtS[pl.ds((par * CB + j) * 16, 16)] = wt
                cps.append(pltpu.async_copy(
                    table.at[idx], bufs[par].at[pl.ds(j * 16, 16)],
                    sems[par]))
            return cps

        pend = {0: fire(0), 1: fire(1)}
        for g in range(NCHK):
            par = g % 3
            if g + 2 < NCHK:
                pend[g + 2] = fire(g + 2)
            for cp in pend.pop(g):
                cp.wait()
            buf = bufs[par]

            def bin_body(j, _, g=g, par=par, buf=buf):
                wbase = par * CB * 16 + j * 16

                acc = tuple(buf[j * 16, pl.ds(c * 16, 16)]
                            for c in range(16))
                boff = (g * CB + j) * C
                for c in range(16):
                    accR[pl.ds(boff + c * 16, 16)] = acc[c]
                return 0

            lax.fori_loop(0, min(CB, BINS - g * CB), bin_body, 0)

        pltpu.sync_copy(accR.at[pl.ds(0, BINS * C)], out.at[wid * RPW + i])
        return 0

    lax.fori_loop(0, RPW, roi_loop, 0)


_sc_call = pl.kernel(
    _sc_body,
    out_type=jax.ShapeDtypeStruct((R, BINS * C), jnp.float32),
    mesh=plsc.VectorSubcoreMesh(core_axis_name="c", subcore_axis_name="s"),
    scratch_types=[
        pltpu.VMEM((RPW * 5,), jnp.float32),
        pltpu.VMEM((32,), jnp.int32),
        pltpu.VMEM((32,), jnp.float32),
        pltpu.VMEM((32,), jnp.int32),
        pltpu.VMEM((32,), jnp.float32),
        pltpu.VMEM((3 * CB * 16,), jnp.float32),
        pltpu.VMEM((ROWS, C), jnp.float32),
        pltpu.VMEM((ROWS, C), jnp.float32),
        pltpu.VMEM((ROWS, C), jnp.float32),
        pltpu.VMEM((BINS * C,), jnp.float32),
        pltpu.SemaphoreType.DMA,
        pltpu.SemaphoreType.DMA,
        pltpu.SemaphoreType.DMA,
    ],
    compiler_params=pltpu.CompilerParams(needs_layout_passes=False),
)


@jax.jit
def kernel(input, rois):
    table = jnp.transpose(input, (0, 2, 3, 1)).reshape(N * H * W, C)
    out = _sc_call(table, rois.reshape(-1))
    return out.reshape(R, PH, PW, C).transpose(0, 3, 1, 2)

# --- scband reference (transcript-rebuilt; emitter-appended) ---
"""Pipeline reference for scband-ro-ialign-31207232372810 (READ-ONLY COPY).

The authoritative reference and input builder live on the scoring server;
editing this copy changes nothing except your own understanding.
"""

import jax, jax.numpy as jnp
import numpy as np

OUTPUT_SIZE = (7, 7)
SPATIAL_SCALE = 0.25
SAMPLING_RATIO = 2
ALIGNED = True


def setup_inputs(seed: int = 0) -> dict:
    key = jax.random.key(seed)
    k1, k2, k3, k4, k5 = jax.random.split(key, 5)
    N, C, H, W = 4, 256, 128, 128
    R = 512
    feat = jax.random.normal(k1, (N, C, H, W), dtype=jnp.float32)
    img = H / SPATIAL_SCALE  # 512.0 image-space extent
    bidx = jax.random.randint(k2, (R,), 0, N).astype(jnp.float32)
    x1 = jax.random.uniform(k3, (R,), minval=0.0, maxval=img - 32.0)
    y1 = jax.random.uniform(k4, (R,), minval=0.0, maxval=img - 32.0)
    wh = jax.random.uniform(k5, (R, 2), minval=8.0, maxval=160.0)
    x2 = jnp.minimum(x1 + wh[:, 0], img - 1.0)
    y2 = jnp.minimum(y1 + wh[:, 1], img - 1.0)
    rois = jnp.stack([bidx, x1, y1, x2, y2], axis=1).astype(jnp.float32)
    return {"input": feat, "rois": rois}


def _roi_align(feat, rois):
    N, C, H, W = feat.shape
    ph, pw = OUTPUT_SIZE
    s = SAMPLING_RATIO
    offset = 0.5 if ALIGNED else 0.0
    R = rois.shape[0]
    bidx = rois[:, 0].astype(jnp.int32)
    x1 = rois[:, 1] * SPATIAL_SCALE - offset
    y1 = rois[:, 2] * SPATIAL_SCALE - offset
    x2 = rois[:, 3] * SPATIAL_SCALE - offset
    y2 = rois[:, 4] * SPATIAL_SCALE - offset
    roi_w = x2 - x1
    roi_h = y2 - y1
    if not ALIGNED:
        roi_w = jnp.maximum(roi_w, 1.0)
        roi_h = jnp.maximum(roi_h, 1.0)
    bin_h = roi_h / ph
    bin_w = roi_w / pw
    frac = (jnp.arange(s, dtype=jnp.float32) + 0.5) / s  # sub-sample offsets in bin units
    gy = jnp.arange(ph, dtype=jnp.float32)
    gx = jnp.arange(pw, dtype=jnp.float32)
    # sample coordinates: y = y1 + (bin_idx + (iy+0.5)/s) * bin_h
    Y = (y1[:, None, None] + (gy[None, :, None] + frac[None, None, :]) * bin_h[:, None, None]).reshape(R, ph * s)
    X = (x1[:, None, None] + (gx[None, :, None] + frac[None, None, :]) * bin_w[:, None, None]).reshape(R, pw * s)
    valid_y = (Y > -1.0) & (Y < H)
    valid_x = (X > -1.0) & (X < W)
    Yc = jnp.clip(Y, 0.0, H - 1)
    Xc = jnp.clip(X, 0.0, W - 1)
    y0f = jnp.floor(Yc)
    x0f = jnp.floor(Xc)
    y0 = y0f.astype(jnp.int32)
    x0 = x0f.astype(jnp.int32)
    y1i = jnp.minimum(y0 + 1, H - 1)
    x1i = jnp.minimum(x0 + 1, W - 1)
    ly = Yc - y0f
    lx = Xc - x0f
    hy = 1.0 - ly
    hx = 1.0 - lx
    b = bidx[:, None, None]

    def g(yi, xi):
        # advanced indexing -> [R, Py, Px, C]
        return feat[b, :, yi[:, :, None], xi[:, None, :]]

    w00 = (hy[:, :, None] * hx[:, None, :])[..., None]
    w01 = (hy[:, :, None] * lx[:, None, :])[..., None]
    w10 = (ly[:, :, None] * hx[:, None, :])[..., None]
    w11 = (ly[:, :, None] * lx[:, None, :])[..., None]
    v = g(y0, x0) * w00 + g(y0, x1i) * w01 + g(y1i, x0) * w10 + g(y1i, x1i) * w11
    mask = (valid_y[:, :, None] & valid_x[:, None, :]).astype(feat.dtype)[..., None]
    v = v * mask
    v = v.reshape(R, ph, s, pw, s, C).mean(axis=(2, 4))  # average pool over samples in each bin
    return jnp.transpose(v, (0, 3, 1, 2))  # [R, C, ph, pw]


def reference(input, rois):
    return _roi_align(input, rois)

if __name__ == "__main__":
    import jax
    _d = setup_inputs()
    print(jax.jit(kernel)(*tuple(_d.values())))

</pallas_src>

<mosaic_0001>
#map = affine_map<(d0, d1) -> (0, 0)>
#map1 = affine_map<(d0, d1) -> (0)>
module attributes {stable_mosaic.version = 14 : i64} {
  func.func @_sc_body(%arg0: i32, %arg1: i32, %arg2: memref<65536x256xf32, #tpu.memory_space<hbm>>, %arg3: memref<2560xf32, #tpu.memory_space<hbm>>, %arg4: memref<512x12544xf32, #tpu.memory_space<hbm>>, %arg5: memref<80xf32, #tpu.memory_space<vmem>>, %arg6: memref<32xi32, #tpu.memory_space<vmem>>, %arg7: memref<32xf32, #tpu.memory_space<vmem>>, %arg8: memref<32xi32, #tpu.memory_space<vmem>>, %arg9: memref<32xf32, #tpu.memory_space<vmem>>, %arg10: memref<384xf32, #tpu.memory_space<vmem>>, %arg11: memref<128x256xf32, #tpu.memory_space<vmem>>, %arg12: memref<128x256xf32, #tpu.memory_space<vmem>>, %arg13: memref<128x256xf32, #tpu.memory_space<vmem>>, %arg14: memref<12544xf32, #tpu.memory_space<vmem>>, %arg15: memref<!tpu.dma_semaphore, #tpu.memory_space<semaphore_mem>>, %arg16: memref<!tpu.dma_semaphore, #tpu.memory_space<semaphore_mem>>, %arg17: memref<!tpu.dma_semaphore, #tpu.memory_space<semaphore_mem>>) attributes {dimension_semantics = [#tpu.dimension_semantics<core_parallel>, #tpu.dimension_semantics<subcore_parallel>], iteration_bounds = array<i64: 2, 16>, scalar_prefetch = 0 : i64, scratch_operands = 13 : i64, tpu.core_type = #tpu.core_type<sc_vector_subcore>, window_params = [{transform_indices = #map}, {transform_indices = #map1}, {transform_indices = #map}]} {
    %mul3A = arith.constant 2 : i32
    %mul3A_0 = arith.muli %arg1, %mul3A : i32
    %add3A = arith.addi %mul3A_0, %arg0 : i32
    %mul3A_1 = arith.constant 80 : i32
    %mul3A_2 = arith.muli %add3A, %mul3A_1 : i32
    "tpu.region"() ({
      %run_scoped3A = tpu.sem_alloc : memref<!tpu.dma_semaphore, #tpu.memory_space<semaphore_mem>>
      %dma_start3A = tpu.memref_slice %arg3[%mul3A_2] : memref<2560xf32, #tpu.memory_space<hbm>> -> memref<80xf32, #tpu.memory_space<hbm>>
      %dma_start3A_42 = tpu.memref_slice %arg3[%mul3A_2] : memref<2560xf32, #tpu.memory_space<hbm>> -> memref<80xf32, #tpu.memory_space<hbm>>
      tpu.enqueue_dma source(%dma_start3A_42 : memref<80xf32, #tpu.memory_space<hbm>>) target(%arg5 : memref<80xf32, #tpu.memory_space<vmem>>) target_semaphore(%run_scoped3A : memref<!tpu.dma_semaphore, #tpu.memory_space<semaphore_mem>>)
      %dma_wait3A = tpu.memref_slice %arg3[%mul3A_2] : memref<2560xf32, #tpu.memory_space<hbm>> -> memref<80xf32, #tpu.memory_space<hbm>>
      %dma_wait3A_43 = tpu.memref_slice %arg3[%mul3A_2] : memref<2560xf32, #tpu.memory_space<hbm>> -> memref<80xf32, #tpu.memory_space<hbm>>
      tpu.wait_dma2 semaphore(%run_scoped3A : memref<!tpu.dma_semaphore, #tpu.memory_space<semaphore_mem>>) src(%dma_wait3A_43 : memref<80xf32, #tpu.memory_space<hbm>>) dst(%arg5 : memref<80xf32, #tpu.memory_space<vmem>>)
      tpu.yield
    }) : () -> ()
    %iota3A = tpu.iota {dimensions = array<i32: 0>} : vector<16xi32>
    %shift_right_arithmetic3A = arith.constant 3 : i32
    %shift_right_arithmetic3A_3 = vector.broadcast %shift_right_arithmetic3A : i32 to vector<16xi32>
    %shift_right_arithmetic3A_4 = arith.shrsi %iota3A, %shift_right_arithmetic3A_3 : vector<16xi32>
    %and3A = arith.constant 1 : i32
    %and3A_5 = vector.broadcast %and3A : i32 to vector<16xi32>
    %and3A_6 = arith.andi %shift_right_arithmetic3A_4, %and3A_5 : vector<16xi32>
    %shift_right_arithmetic3A_7 = arith.constant 2 : i32
    %shift_right_arithmetic3A_8 = vector.broadcast %shift_right_arithmetic3A_7 : i32 to vector<16xi32>
    %shift_right_arithmetic3A_9 = arith.shrsi %iota3A, %shift_right_arithmetic3A_8 : vector<16xi32>
    %and3A_10 = arith.constant 1 : i32
    %and3A_11 = vector.broadcast %and3A_10 : i32 to vector<16xi32>
    %and3A_12 = arith.andi %shift_right_arithmetic3A_9, %and3A_11 : vector<16xi32>
    %shift_right_arithmetic3A_13 = arith.constant 1 : i32
    %shift_right_arithmetic3A_14 = vector.broadcast %shift_right_arithmetic3A_13 : i32 to vector<16xi32>
    %shift_right_arithmetic3A_15 = arith.shrsi %iota3A, %shift_right_arithmetic3A_14 : vector<16xi32>
    %and3A_16 = arith.constant 1 : i32
    %and3A_17 = vector.broadcast %and3A_16 : i32 to vector<16xi32>
    %and3A_18 = arith.andi %shift_right_arithmetic3A_15, %and3A_17 : vector<16xi32>
    %and3A_19 = arith.constant 1 : i32
    %and3A_20 = vector.broadcast %and3A_19 : i32 to vector<16xi32>
    %and3A_21 = arith.andi %iota3A, %and3A_20 : vector<16xi32>
    %mul3A_22 = arith.constant 16 : i32
    %mul3A_23 = vector.broadcast %mul3A_22 : i32 to vector<16xi32>
    %mul3A_24 = arith.muli %and3A_12, %mul3A_23 : vector<16xi32>
    %add3A_25 = arith.addi %mul3A_24, %and3A_6 : vector<16xi32>
    %mul3A_26 = arith.constant 16 : i32
    %mul3A_27 = vector.broadcast %mul3A_26 : i32 to vector<16xi32>
    %mul3A_28 = arith.muli %and3A_21, %mul3A_27 : vector<16xi32>
    %add3A_29 = arith.addi %mul3A_28, %and3A_18 : vector<16xi32>
    %convert_element_type3A = arith.sitofp %iota3A : vector<16xi32> to vector<16xf32>
    %mul3A_30 = arith.constant 5.000000e-01 : f32
    %mul3A_31 = vector.broadcast %mul3A_30 : f32 to vector<16xf32>
    %mul3A_32 = arith.mulf %convert_element_type3A, %mul3A_31 : vector<16xf32>
    %add3A_33 = arith.constant 2.500000e-01 : f32
    %add3A_34 = vector.broadcast %add3A_33 : f32 to vector<16xf32>
    %add3A_35 = arith.addf %mul3A_32, %add3A_34 : vector<16xf32>
    %scan3A = arith.constant 0 : i32
    %scan3A_36 = arith.constant 0 : i32
    %scan3A_37 = arith.constant 16 : i32
    %scan3A_38 = arith.addi %scan3A_36, %scan3A_37 : i32
    %scan3A_39 = arith.constant 1 : i32
    %scan3A_40 = scf.for %scan3A_42 = %scan3A_36 to %scan3A_38 step %scan3A_39 iter_args(%scan3A_43 = %scan3A) -> (i32)  : i32 {
      %mul3A_44 = arith.constant 5 : i32
      %mul3A_45 = arith.muli %scan3A_42, %mul3A_44 : i32
      %add3A_46 = arith.constant 0 : i32
      %add3A_47 = arith.addi %mul3A_45, %add3A_46 : i32
      %broadcast_in_dim3A = vector.broadcast %add3A_47 : i32 to vector<16xi32>
      %gather3A = tpu.vector_load_idx %arg5[%broadcast_in_dim3A] : memref<80xf32, #tpu.memory_space<vmem>>[vector<16xi32>], vector<16xf32>,
      %convert_element_type3A_48 = arith.fptosi %gather3A : vector<16xf32> to vector<16xi32>
      %mul3A_49 = arith.constant 5 : i32
      %mul3A_50 = arith.muli %scan3A_42, %mul3A_49 : i32
      %add3A_51 = arith.constant 1 : i32
      %add3A_52 = arith.addi %mul3A_50, %add3A_51 : i32
      %broadcast_in_dim3A_53 = vector.broadcast %add3A_52 : i32 to vector<16xi32>
      %gather3A_54 = tpu.vector_load_idx %arg5[%broadcast_in_dim3A_53] : memref<80xf32, #tpu.memory_space<vmem>>[vector<16xi32>], vector<16xf32>,
      %mul3A_55 = arith.constant 2.500000e-01 : f32
      %mul3A_56 = vector.broadcast %mul3A_55 : f32 to vector<16xf32>
      %mul3A_57 = arith.mulf %gather3A_54, %mul3A_56 : vector<16xf32>
      %sub3A = arith.constant 5.000000e-01 : f32
      %sub3A_58 = vector.broadcast %sub3A : f32 to vector<16xf32>
      %sub3A_59 = arith.subf %mul3A_57, %sub3A_58 : vector<16xf32>
      %mul3A_60 = arith.constant 5 : i32
      %mul3A_61 = arith.muli %scan3A_42, %mul3A_60 : i32
      %add3A_62 = arith.constant 2 : i32
      %add3A_63 = arith.addi %mul3A_61, %add3A_62 : i32
      %broadcast_in_dim3A_64 = vector.broadcast %add3A_63 : i32 to vector<16xi32>
      %gather3A_65 = tpu.vector_load_idx %arg5[%broadcast_in_dim3A_64] : memref<80xf32, #tpu.memory_space<vmem>>[vector<16xi32>], vector<16xf32>,
      %mul3A_66 = arith.constant 2.500000e-01 : f32
      %mul3A_67 = vector.broadcast %mul3A_66 : f32 to vector<16xf32>
      %mul3A_68 = arith.mulf %gather3A_65, %mul3A_67 : vector<16xf32>
      %sub3A_69 = arith.constant 5.000000e-01 : f32
      %sub3A_70 = vector.broadcast %sub3A_69 : f32 to vector<16xf32>
      %sub3A_71 = arith.subf %mul3A_68, %sub3A_70 : vector<16xf32>
      %mul3A_72 = arith.constant 5 : i32
      %mul3A_73 = arith.muli %scan3A_42, %mul3A_72 : i32
      %add3A_74 = arith.constant 3 : i32
      %add3A_75 = arith.addi %mul3A_73, %add3A_74 : i32
      %broadcast_in_dim3A_76 = vector.broadcast %add3A_75 : i32 to vector<16xi32>
      %gather3A_77 = tpu.vector_load_idx %arg5[%broadcast_in_dim3A_76] : memref<80xf32, #tpu.memory_space<vmem>>[vector<16xi32>], vector<16xf32>,
      %mul3A_78 = arith.constant 2.500000e-01 : f32
      %mul3A_79 = vector.broadcast %mul3A_78 : f32 to vector<16xf32>
      %mul3A_80 = arith.mulf %gather3A_77, %mul3A_79 : vector<16xf32>
      %sub3A_81 = arith.constant 5.000000e-01 : f32
      %sub3A_82 = vector.broadcast %sub3A_81 : f32 to vector<16xf32>
      %sub3A_83 = arith.subf %mul3A_80, %sub3A_82 : vector<16xf32>
      %mul3A_84 = arith.constant 5 : i32
      %mul3A_85 = arith.muli %scan3A_42, %mul3A_84 : i32
      %add3A_86 = arith.constant 4 : i32
      %add3A_87 = arith.addi %mul3A_85, %add3A_86 : i32
      %broadcast_in_dim3A_88 = vector.broadcast %add3A_87 : i32 to vector<16xi32>
      %gather3A_89 = tpu.vector_load_idx %arg5[%broadcast_in_dim3A_88] : memref<80xf32, #tpu.memory_space<vmem>>[vector<16xi32>], vector<16xf32>,
      %mul3A_90 = arith.constant 2.500000e-01 : f32
      %mul3A_91 = vector.broadcast %mul3A_90 : f32 to vector<16xf32>
      %mul3A_92 = arith.mulf %gather3A_89, %mul3A_91 : vector<16xf32>
      %sub3A_93 = arith.constant 5.000000e-01 : f32
      %sub3A_94 = vector.broadcast %sub3A_93 : f32 to vector<16xf32>
      %sub3A_95 = arith.subf %mul3A_92, %sub3A_94 : vector<16xf32>
      %mul3A_96 = arith.constant 16384 : i32
      %mul3A_97 = vector.broadcast %mul3A_96 : i32 to vector<16xi32>
      %mul3A_98 = arith.muli %convert_element_type3A_48, %mul3A_97 : vector<16xi32>
      %broadcast_in_dim3A_99 = arith.constant 0.000000e+00 : f32
      %broadcast_in_dim3A_100 = vector.broadcast %broadcast_in_dim3A_99 : f32 to vector<16xf32>
      %sub3A_101 = arith.subf %sub3A_95, %sub3A_71 : vector<16xf32>
      %div3A = arith.constant 7.000000e+00 : f32
      %div3A_102 = vector.broadcast %div3A : f32 to vector<16xf32>
      %div3A_103 = arith.divf %sub3A_101, %div3A_102 : vector<16xf32>
      %mul3A_104 = arith.mulf %add3A_35, %div3A_103 : vector<16xf32>
      %add3A_105 = arith.addf %sub3A_71, %mul3A_104 : vector<16xf32>
      %gt3A = arith.constant -1.000000e+00 : f32
      %gt3A_106 = vector.broadcast %gt3A : f32 to vector<16xf32>
      %gt3A_107 = arith.cmpf ogt, %add3A_105, %gt3A_106 : vector<16xf32>
      %lt3A = arith.constant 1.280000e+02 : f32
      %lt3A_108 = vector.broadcast %lt3A : f32 to vector<16xf32>
      %lt3A_109 = arith.cmpf olt, %add3A_105, %lt3A_108 : vector<16xf32>
      %and3A_110 = arith.andi %gt3A_107, %lt3A_109 : vector<16xi1>
      %jit3A = arith.constant 0.000000e+00 : f32
      %jit3A_111 = arith.constant 1.270000e+02 : f32
      %max3A = vector.broadcast %jit3A : f32 to vector<16xf32>
      %max3A_112 = arith.maximumf %max3A, %add3A_105 : vector<16xf32>
      %min3A = vector.broadcast %jit3A_111 : f32 to vector<16xf32>
      %min3A_113 = arith.minimumf %min3A, %max3A_112 : vector<16xf32>
      %convert_element_type3A_114 = arith.fptosi %min3A_113 : vector<16xf32> to vector<16xi32>
      %convert_element_type3A_115 = arith.sitofp %convert_element_type3A_114 : vector<16xi32> to vector<16xf32>
      %sub3A_116 = arith.subf %min3A_113, %convert_element_type3A_115 : vector<16xf32>
      %sub3A_117 = arith.constant 1.000000e+00 : f32
      %sub3A_118 = vector.broadcast %sub3A_117 : f32 to vector<16xf32>
      %sub3A_119 = arith.subf %sub3A_118, %sub3A_116 : vector<16xf32>
      %add3A_120 = arith.constant 1 : i32
      %add3A_121 = vector.broadcast %add3A_120 : i32 to vector<16xi32>
      %add3A_122 = arith.addi %convert_element_type3A_114, %add3A_121 : vector<16xi32>
      %min3A_123 = arith.constant 127 : i32
      %min3A_124 = vector.broadcast %min3A_123 : i32 to vector<16xi32>
      %min3A_125 = arith.minsi %add3A_122, %min3A_124 : vector<16xi32>
      %select_n3A = arith.select %and3A_110, %sub3A_119, %broadcast_in_dim3A_100 : vector<16xi1>, vector<16xf32>
      %select_n3A_126 = arith.select %and3A_110, %sub3A_116, %broadcast_in_dim3A_100 : vector<16xi1>, vector<16xf32>
      %mul3A_127 = arith.constant 128 : i32
      %mul3A_128 = vector.broadcast %mul3A_127 : i32 to vector<16xi32>
      %mul3A_129 = arith.muli %convert_element_type3A_114, %mul3A_128 : vector<16xi32>
      %add3A_130 = arith.addi %mul3A_98, %mul3A_129 : vector<16xi32>
      %swap3A = arith.constant 0 : index
      %swap3A_131 = tpu.vector_load %arg6[%swap3A] {strides = array<i32>} : memref<32xi32, #tpu.memory_space<vmem>>, vector<16xi32>,
      tpu.vector_store %arg6[%swap3A], %add3A_130 {strides = array<i32>} : memref<32xi32, #tpu.memory_space<vmem>>, vector<16xi32>,
      %mul3A_132 = arith.constant 128 : i32
      %mul3A_133 = vector.broadcast %mul3A_132 : i32 to vector<16xi32>
      %mul3A_134 = arith.muli %min3A_125, %mul3A_133 : vector<16xi32>
      %add3A_135 = arith.addi %mul3A_98, %mul3A_134 : vector<16xi32>
      %swap3A_136 = arith.constant 16 : index
      %swap3A_137 = tpu.vector_load %arg6[%swap3A_136] {strides = array<i32>} : memref<32xi32, #tpu.memory_space<vmem>>, vector<16xi32>,
      tpu.vector_store %arg6[%swap3A_136], %add3A_135 {strides = array<i32>} : memref<32xi32, #tpu.memory_space<vmem>>, vector<16xi32>,
      %swap3A_138 = arith.constant 0 : index
      %swap3A_139 = tpu.vector_load %arg7[%swap3A_138] {strides = array<i32>} : memref<32xf32, #tpu.memory_space<vmem>>, vector<16xf32>,
      tpu.vector_store %arg7[%swap3A_138], %select_n3A {strides = array<i32>} : memref<32xf32, #tpu.memory_space<vmem>>, vector<16xf32>,
      %swap3A_140 = arith.constant 16 : index
      %swap3A_141 = tpu.vector_load %arg7[%swap3A_140] {strides = array<i32>} : memref<32xf32, #tpu.memory_space<vmem>>, vector<16xf32>,
      tpu.vector_store %arg7[%swap3A_140], %select_n3A_126 {strides = array<i32>} : memref<32xf32, #tpu.memory_space<vmem>>, vector<16xf32>,
      %sub3A_142 = arith.subf %sub3A_83, %sub3A_59 : vector<16xf32>
      %div3A_143 = arith.constant 7.000000e+00 : f32
      %div3A_144 = vector.broadcast %div3A_143 : f32 to vector<16xf32>
      %div3A_145 = arith.divf %sub3A_142, %div3A_144 : vector<16xf32>
      %mul3A_146 = arith.mulf %add3A_35, %div3A_145 : vector<16xf32>
      %add3A_147 = arith.addf %sub3A_59, %mul3A_146 : vector<16xf32>
      %gt3A_148 = arith.constant -1.000000e+00 : f32
      %gt3A_149 = vector.broadcast %gt3A_148 : f32 to vector<16xf32>
      %gt3A_150 = arith.cmpf ogt, %add3A_147, %gt3A_149 : vector<16xf32>
      %lt3A_151 = arith.constant 1.280000e+02 : f32
      %lt3A_152 = vector.broadcast %lt3A_151 : f32 to vector<16xf32>
      %lt3A_153 = arith.cmpf olt, %add3A_147, %lt3A_152 : vector<16xf32>
      %and3A_154 = arith.andi %gt3A_150, %lt3A_153 : vector<16xi1>
      %jit3A_155 = arith.constant 0.000000e+00 : f32
      %jit3A_156 = arith.constant 1.270000e+02 : f32
      %max3A_157 = vector.broadcast %jit3A_155 : f32 to vector<16xf32>
      %max3A_158 = arith.maximumf %max3A_157, %add3A_147 : vector<16xf32>
      %min3A_159 = vector.broadcast %jit3A_156 : f32 to vector<16xf32>
      %min3A_160 = arith.minimumf %min3A_159, %max3A_158 : vector<16xf32>
      %convert_element_type3A_161 = arith.fptosi %min3A_160 : vector<16xf32> to vector<16xi32>
      %convert_element_type3A_162 = arith.sitofp %convert_element_type3A_161 : vector<16xi32> to vector<16xf32>
      %sub3A_163 = arith.subf %min3A_160, %convert_element_type3A_162 : vector<16xf32>
      %sub3A_164 = arith.constant 1.000000e+00 : f32
      %sub3A_165 = vector.broadcast %sub3A_164 : f32 to vector<16xf32>
      %sub3A_166 = arith.subf %sub3A_165, %sub3A_163 : vector<16xf32>
      %add3A_167 = arith.constant 1 : i32
      %add3A_168 = vector.broadcast %add3A_167 : i32 to vector<16xi32>
      %add3A_169 = arith.addi %convert_element_type3A_161, %add3A_168 : vector<16xi32>
      %min3A_170 = arith.constant 127 : i32
      %min3A_171 = vector.broadcast %min3A_170 : i32 to vector<16xi32>
      %min3A_172 = arith.minsi %add3A_169, %min3A_171 : vector<16xi32>
      %select_n3A_173 = arith.select %and3A_154, %sub3A_166, %broadcast_in_dim3A_100 : vector<16xi1>, vector<16xf32>
      %select_n3A_174 = arith.select %and3A_154, %sub3A_163, %broadcast_in_dim3A_100 : vector<16xi1>, vector<16xf32>
      %swap3A_175 = arith.constant 0 : index
      %swap3A_176 = tpu.vector_load %arg8[%swap3A_175] {strides = array<i32>} : memref<32xi32, #tpu.memory_space<vmem>>, vector<16xi32>,
      tpu.vector_store %arg8[%swap3A_175], %convert_element_type3A_161 {strides = array<i32>} : memref<32xi32, #tpu.memory_space<vmem>>, vector<16xi32>,
      %swap3A_177 = arith.constant 16 : index
      %swap3A_178 = tpu.vector_load %arg8[%swap3A_177] {strides = array<i32>} : memref<32xi32, #tpu.memory_space<vmem>>, vector<16xi32>,
      tpu.vector_store %arg8[%swap3A_177], %min3A_172 {strides = array<i32>} : memref<32xi32, #tpu.memory_space<vmem>>, vector<16xi32>,
      %swap3A_179 = arith.constant 0 : index
      %swap3A_180 = tpu.vector_load %arg9[%swap3A_179] {strides = array<i32>} : memref<32xf32, #tpu.memory_space<vmem>>, vector<16xf32>,
      tpu.vector_store %arg9[%swap3A_179], %select_n3A_173 {strides = array<i32>} : memref<32xf32, #tpu.memory_space<vmem>>, vector<16xf32>,
      %swap3A_181 = arith.constant 16 : index
      %swap3A_182 = tpu.vector_load %arg9[%swap3A_181] {strides = array<i32>} : memref<32xf32, #tpu.memory_space<vmem>>, vector<16xf32>,
      tpu.vector_store %arg9[%swap3A_181], %select_n3A_174 {strides = array<i32>} : memref<32xf32, #tpu.memory_space<vmem>>, vector<16xf32>,
      %add3A_183 = arith.constant 0 : i32
      %add3A_184 = vector.broadcast %add3A_183 : i32 to vector<16xi32>
      %add3A_185 = arith.addi %add3A_25, %add3A_184 : vector<16xi32>
      %add3A_186 = arith.constant 0 : i32
      %add3A_187 = vector.broadcast %add3A_186 : i32 to vector<16xi32>
      %add3A_188 = arith.addi %add3A_29, %add3A_187 : vector<16xi32>
      %gather3A_189 = tpu.vector_load_idx %arg6[%add3A_185] : memref<32xi32, #tpu.memory_space<vmem>>[vector<16xi32>], vector<16xi32>,
      %gather3A_190 = tpu.vector_load_idx %arg8[%add3A_188] : memref<32xi32, #tpu.memory_space<vmem>>[vector<16xi32>], vector<16xi32>,
      %add3A_191 = arith.addi %gather3A_189, %gather3A_190 : vector<16xi32>
      %gather3A_192 = tpu.vector_load_idx %arg7[%add3A_185] : memref<32xf32, #tpu.memory_space<vmem>>[vector<16xi32>], vector<16xf32>,
      %gather3A_193 = tpu.vector_load_idx %arg9[%add3A_188] : memref<32xf32, #tpu.memory_space<vmem>>[vector<16xi32>], vector<16xf32>,
      %mul3A_194 = arith.mulf %gather3A_192, %gather3A_193 : vector<16xf32>
      %mul3A_195 = arith.constant 2.500000e-01 : f32
      %mul3A_196 = vector.broadcast %mul3A_195 : f32 to vector<16xf32>
      %mul3A_197 = arith.mulf %mul3A_194, %mul3A_196 : vector<16xf32>
      %swap3A_198 = arith.constant 0 : index
      %swap3A_199 = tpu.vector_load %arg10[%swap3A_198] {strides = array<i32>} : memref<384xf32, #tpu.memory_space<vmem>>, vector<16xf32>,
      tpu.vector_store %arg10[%swap3A_198], %mul3A_197 {strides = array<i32>} : memref<384xf32, #tpu.memory_space<vmem>>, vector<16xf32>,
      %dma_start3A = arith.constant 0 : i32
      %dma_start3A_200 = arith.constant 0 : i32
      %dma_start3A_201 = tpu.memref_slice %arg11[%dma_start3A, %dma_start3A_200] : memref<128x256xf32, #tpu.memory_space<vmem>> -> memref<16x256xf32, #tpu.memory_space<vmem>>
      %dma_start3A_202 = arith.constant 0 : i32
      %dma_start3A_203 = arith.constant 0 : i32
      %dma_start3A_204 = tpu.memref_slice %arg2[%dma_start3A_202, %dma_start3A_203] : memref<65536x256xf32, #tpu.memory_space<hbm>> -> memref<65536x256xf32, #tpu.memory_space<hbm>>
      tpu.enqueue_indirect_dma source(%dma_start3A_204 : memref<65536x256xf32, #tpu.memory_space<hbm>>) target(%dma_start3A_201 : memref<16x256xf32, #tpu.memory_space<vmem>>) offsets(%add3A_191 : vector<16xi32>) semaphore(%arg15 : memref<!tpu.dma_semaphore, #tpu.memory_space<semaphore_mem>>)
      %add3A_205 = arith.constant 0 : i32
      %add3A_206 = vector.broadcast %add3A_205 : i32 to vector<16xi32>
      %add3A_207 = arith.addi %add3A_25, %add3A_206 : vector<16xi32>
      %add3A_208 = arith.constant 2 : i32
      %add3A_209 = vector.broadcast %add3A_208 : i32 to vector<16xi32>
      %add3A_210 = arith.addi %add3A_29, %add3A_209 : vector<16xi32>
      %gather3A_211 = tpu.vector_load_idx %arg6[%add3A_207] : memref<32xi32, #tpu.memory_space<vmem>>[vector<16xi32>], vector<16xi32>,
      %gather3A_212 = tpu.vector_load_idx %arg8[%add3A_210] : memref<32xi32, #tpu.memory_space<vmem>>[vector<16xi32>], vector<16xi32>,
      %add3A_213 = arith.addi %gather3A_211, %gather3A_212 : vector<16xi32>
      %gather3A_214 = tpu.vector_load_idx %arg7[%add3A_207] : memref<32xf32, #tpu.memory_space<vmem>>[vector<16xi32>], vector<16xf32>,
      %gather3A_215 = tpu.vector_load_idx %arg9[%add3A_210] : memref<32xf32, #tpu.memory_space<vmem>>[vector<16xi32>], vector<16xf32>,
      %mul3A_216 = arith.mulf %gather3A_214, %gather3A_215 : vector<16xf32>
      %mul3A_217 = arith.constant 2.500000e-01 : f32
      %mul3A_218 = vector.broadcast %mul3A_217 : f32 to vector<16xf32>
      %mul3A_219 = arith.mulf %mul3A_216, %mul3A_218 : vector<16xf32>
      %swap3A_220 = arith.constant 16 : index
      %swap3A_221 = tpu.vector_load %arg10[%swap3A_220] {strides = array<i32>} : memref<384xf32, #tpu.memory_space<vmem>>, vector<16xf32>,
      tpu.vector_store %arg10[%swap3A_220], %mul3A_219 {strides = array<i32>} : memref<384xf32, #tpu.memory_space<vmem>>, vector<16xf32>,
      %dma_start3A_222 = arith.constant 16 : i32
      %dma_start3A_223 = arith.constant 0 : i32
      %dma_start3A_224 = tpu.memref_slice %arg11[%dma_start3A_222, %dma_start3A_223] : memref<128x256xf32, #tpu.memory_space<vmem>> -> memref<16x256xf32, #tpu.memory_space<vmem>>
      %dma_start3A_225 = arith.constant 0 : i32
      %dma_start3A_226 = arith.constant 0 : i32
      %dma_start3A_227 = tpu.memref_slice %arg2[%dma_start3A_225, %dma_start3A_226] : memref<65536x256xf32, #tpu.memory_space<hbm>> -> memref<65536x256xf32, #tpu.memory_space<hbm>>
      tpu.enqueue_indirect_dma source(%dma_start3A_227 : memref<65536x256xf32, #tpu.memory_space<hbm>>) target(%dma_start3A_224 : memref<16x256xf32, #tpu.memory_space<vmem>>) offsets(%add3A_213 : vector<16xi32>) semaphore(%arg15 : memref<!tpu.dma_semaphore, #tpu.memory_space<semaphore_mem>>)
      %add3A_228 = arith.constant 0 : i32
      %add3A_229 = vector.broadcast %add3A_228 : i32 to vector<16xi32>
      %add3A_230 = arith.addi %add3A_25, %add3A_229 : vector<16xi32>
      %add3A_231 = arith.constant 4 : i32
      %add3A_232 = vector.broadcast %add3A_231 : i32 to vector<16xi32>
      %add3A_233 = arith.addi %add3A_29, %add3A_232 : vector<16xi32>
      %gather3A_234 = tpu.vector_load_idx %arg6[%add3A_230] : memref<32xi32, #tpu.memory_space<vmem>>[vector<16xi32>], vector<16xi32>,
      %gather3A_235 = tpu.vector_load_idx %arg8[%add3A_233] : memref<32xi32, #tpu.memory_space<vmem>>[vector<16xi32>], vector<16xi32>,
      %add3A_236 = arith.addi %gather3A_234, %gather3A_235 : vector<16xi32>
      %gather3A_237 = tpu.vector_load_idx %arg7[%add3A_230] : memref<32xf32, #tpu.memory_space<vmem>>[vector<16xi32>], vector<16xf32>,
      %gather3A_238 = tpu.vector_load_idx %arg9[%add3A_233] : memref<32xf32, #tpu.memory_space<vmem>>[vector<16xi32>], vector<16xf32>,
      %mul3A_239 = arith.mulf %gather3A_237, %gather3A_238 : vector<16xf32>
      %mul3A_240 = arith.constant 2.500000e-01 : f32
      %mul3A_241 = vector.broadcast %mul3A_240 : f32 to vector<16xf32>
      %mul3A_242 = arith.mulf %mul3A_239, %mul3A_241 : vector<16xf32>
      %swap3A_243 = arith.constant 32 : index
      %swap3A_244 = tpu.vector_load %arg10[%swap3A_243] {strides = array<i32>} : memref<384xf32, #tpu.memory_space<vmem>>, vector<16xf32>,
      tpu.vector_store %arg10[%swap3A_243], %mul3A_242 {strides = array<i32>} : memref<384xf32, #tpu.memory_space<vmem>>, vector<16xf32>,
      %dma_start3A_245 = arith.constant 32 : i32
      %dma_start3A_246 = arith.constant 0 : i32
      %dma_start3A_247 = tpu.memref_slice %arg11[%dma_start3A_245, %dma_start3A_246] : memref<128x256xf32, #tpu.memory_space<vmem>> -> memref<16x256xf32, #tpu.memory_space<vmem>>
      %dma_start3A_248 = arith.constant 0 : i32
      %dma_start3A_249 = arith.constant 0 : i32
      %dma_start3A_250 = tpu.memref_slice %arg2[%dma_start3A_248, %dma_start3A_249] : memref<65536x256xf32, #tpu.memory_space<hbm>> -> memref<65536x256xf32, #tpu.memory_space<hbm>>
      tpu.enqueue_indirect_dma source(%dma_start3A_250 : memref<65536x256xf32, #tpu.memory_space<hbm>>) target(%dma_start3A_247 : memref<16x256xf32, #tpu.memory_space<vmem>>) offsets(%add3A_236 : vector<16xi32>) semaphore(%arg15 : memref<!tpu.dma_semaphore, #tpu.memory_space<semaphore_mem>>)
      %add3A_251 = arith.constant 0 : i32
      %add3A_252 = vector.broadcast %add3A_251 : i32 to vector<16xi32>
      %add3A_253 = arith.addi %add3A_25, %add3A_252 : vector<16xi32>
      %add3A_254 = arith.constant 6 : i32
      %add3A_255 = vector.broadcast %add3A_254 : i32 to vector<16xi32>
      %add3A_256 = arith.addi %add3A_29, %add3A_255 : vector<16xi32>
      %gather3A_257 = tpu.vector_load_idx %arg6[%add3A_253] : memref<32xi32, #tpu.memory_space<vmem>>[vector<16xi32>], vector<16xi32>,
      %gather3A_258 = tpu.vector_load_idx %arg8[%add3A_256] : memref<32xi32, #tpu.memory_space<vmem>>[vector<16xi32>], vector<16xi32>,
      %add3A_259 = arith.addi %gather3A_257, %gather3A_258 : vector<16xi32>
      %gather3A_260 = tpu.vector_load_idx %arg7[%add3A_253] : memref<32xf32, #tpu.memory_space<vmem>>[vector<16xi32>], vector<16xf32>,
      %gather3A_261 = tpu.vector_load_idx %arg9[%add3A_256] : memref<32xf32, #tpu.memory_space<vmem>>[vector<16xi32>], vector<16xf32>,
      %mul3A_262 = arith.mulf %gather3A_260, %gather3A_261 : vector<16xf32>
      %mul3A_263 = arith.constant 2.500000e-01 : f32
      %mul3A_264 = vector.broadcast %mul3A_263 : f32 to vector<16xf32>
      %mul3A_265 = arith.mulf %mul3A_262, %mul3A_264 : vector<16xf32>
      %swap3A_266 = arith.constant 48 : index
      %swap3A_267 = tpu.vector_load %arg10[%swap3A_266] {strides = array<i32>} : memref<384xf32, #tpu.memory_space<vmem>>, vector<16xf32>,
      tpu.vector_store %arg10[%swap3A_266], %mul3A_265 {strides = array<i32>} : memref<384xf32, #tpu.memory_space<vmem>>, vector<16xf32>,
      %dma_start3A_268 = arith.constant 48 : i32
      %dma_start3A_269 = arith.constant 0 : i32
      %dma_start3A_270 = tpu.memref_slice %arg11[%dma_start3A_268, %dma_start3A_269] : memref<128x256xf32, #tpu.memory_space<vmem>> -> memref<16x256xf32, #tpu.memory_space<vmem>>
      %dma_start3A_271 = arith.constant 0 : i32
      %dma_start3A_272 = arith.constant 0 : i32
      %dma_start3A_273 = tpu.memref_slice %arg2[%dma_start3A_271, %dma_start3A_272] : memref<65536x256xf32, #tpu.memory_space<hbm>> -> memref<65536x256xf32, #tpu.memory_space<hbm>>
      tpu.enqueue_indirect_dma source(%dma_start3A_273 : memref<65536x256xf32, #tpu.memory_space<hbm>>) target(%dma_start3A_270 : memref<16x256xf32, #tpu.memory_space<vmem>>) offsets(%add3A_259 : vector<16xi32>) semaphore(%arg15 : memref<!tpu.dma_semaphore, #tpu.memory_space<semaphore_mem>>)
      %add3A_274 = arith.constant 0 : i32
      %add3A_275 = vector.broadcast %add3A_274 : i32 to vector<16xi32>
      %add3A_276 = arith.addi %add3A_25, %add3A_275 : vector<16xi32>
      %add3A_277 = arith.constant 8 : i32
      %add3A_278 = vector.broadcast %add3A_277 : i32 to vector<16xi32>
      %add3A_279 = arith.addi %add3A_29, %add3A_278 : vector<16xi32>
      %gather3A_280 = tpu.vector_load_idx %arg6[%add3A_276] : memref<32xi32, #tpu.memory_space<vmem>>[vector<16xi32>], vector<16xi32>,
      %gather3A_281 = tpu.vector_load_idx %arg8[%add3A_279] : memref<32xi32, #tpu.memory_space<vmem>>[vector<16xi32>], vector<16xi32>,
      %add3A_282 = arith.addi %gather3A_280, %gather3A_281 : vector<16xi32>
      %gather3A_283 = tpu.vector_load_idx %arg7[%add3A_276] : memref<32xf32, #tpu.memory_space<vmem>>[vector<16xi32>], vector<16xf32>,
      %gather3A_284 = tpu.vector_load_idx %arg9[%add3A_279] : memref<32xf32, #tpu.memory_space<vmem>>[vector<16xi32>], vector<16xf32>,
      %mul3A_285 = arith.mulf %gather3A_283, %gather3A_284 : vector<16xf32>
      %mul3A_286 = arith.constant 2.500000e-01 : f32
      %mul3A_287 = vector.broadcast %mul3A_286 : f32 to vector<16xf32>
      %mul3A_288 = arith.mulf %mul3A_285, %mul3A_287 : vector<16xf32>
      %swap3A_289 = arith.constant 64 : index
      %swap3A_290 = tpu.vector_load %arg10[%swap3A_289] {strides = array<i32>} : memref<384xf32, #tpu.memory_space<vmem>>, vector<16xf32>,
      tpu.vector_store %arg10[%swap3A_289], %mul3A_288 {strides = array<i32>} : memref<384xf32, #tpu.memory_space<vmem>>, vector<16xf32>,
      %dma_start3A_291 = arith.constant 64 : i32
      %dma_start3A_292 = arith.constant 0 : i32
      %dma_start3A_293 = tpu.memref_slice %arg11[%dma_start3A_291, %dma_start3A_292] : memref<128x256xf32, #tpu.memory_space<vmem>> -> memref<16x256xf32, #tpu.memory_space<vmem>>
      %dma_start3A_294 = arith.constant 0 : i32
      %dma_start3A_295 = arith.constant 0 : i32
      %dma_start3A_296 = tpu.memref_slice %arg2[%dma_start3A_294, %dma_start3A_295] : memref<65536x256xf32, #tpu.memory_space<hbm>> -> memref<65536x256xf32, #tpu.memory_space<hbm>>
      tpu.enqueue_indirect_dma source(%dma_start3A_296 : memref<65536x256xf32, #tpu.memory_space<hbm>>) target(%dma_start3A_293 : memref<16x256xf32, #tpu.memory_space<vmem>>) offsets(%add3A_282 : vector<16xi32>) semaphore(%arg15 : memref<!tpu.dma_semaphore, #tpu.memory_space<semaphore_mem>>)
      %add3A_297 = arith.constant 0 : i32
      %add3A_298 = vector.broadcast %add3A_297 : i32 to vector<16xi32>
      %add3A_299 = arith.addi %add3A_25, %add3A_298 : vector<16xi32>
      %add3A_300 = arith.constant 10 : i32
      %add3A_301 = vector.broadcast %add3A_300 : i32 to vector<16xi32>
      %add3A_302 = arith.addi %add3A_29, %add3A_301 : vector<16xi32>
      %gather3A_303 = tpu.vector_load_idx %arg6[%add3A_299] : memref<32xi32, #tpu.memory_space<vmem>>[vector<16xi32>], vector<16xi32>,
      %gather3A_304 = tpu.vector_load_idx %arg8[%add3A_302] : memref<32xi32, #tpu.memory_space<vmem>>[vector<16xi32>], vector<16xi32>,
      %add3A_305 = arith.addi %gather3A_303, %gather3A_304 : vector<16xi32>
      %gather3A_306 = tpu.vector_load_idx %arg7[%add3A_299] : memref<32xf32, #tpu.memory_space<vmem>>[vector<16xi32>], vector<16xf32>,
      %gather3A_307 = tpu.vector_load_idx %arg9[%add3A_302] : memref<32xf32, #tpu.memory_space<vmem>>[vector<16xi32>], vector<16xf32>,
      %mul3A_308 = arith.mulf %gather3A_306, %gather3A_307 : vector<16xf32>
      %mul3A_309 = arith.constant 2.500000e-01 : f32
      %mul3A_310 = vector.broadcast %mul3A_309 : f32 to vector<16xf32>
      %mul3A_311 = arith.mulf %mul3A_308, %mul3A_310 : vector<16xf32>
      %swap3A_312 = arith.constant 80 : index
      %swap3A_313 = tpu.vector_load %arg10[%swap3A_312] {strides = array<i32>} : memref<384xf32, #tpu.memory_space<vmem>>, vector<16xf32>,
      tpu.vector_store %arg10[%swap3A_312], %mul3A_311 {strides = array<i32>} : memref<384xf32, #tpu.memory_space<vmem>>, vector<16xf32>,
      %dma_start3A_314 = arith.constant 80 : i32
      %dma_start3A_315 = arith.constant 0 : i32
      %dma_start3A_316 = tpu.memref_slice %arg11[%dma_start3A_314, %dma_start3A_315] : memref<128x256xf32, #tpu.memory_space<vmem>> -> memref<16x256xf32, #tpu.memory_space<vmem>>
      %dma_start3A_317 = arith.constant 0 : i32
      %dma_start3A_318 = arith.constant 0 : i32
      %dma_start3A_319 = tpu.memref_slice %arg2[%dma_start3A_317, %dma_start3A_318] : memref<65536x256xf32, #tpu.memory_space<hbm>> -> memref<65536x256xf32, #tpu.memory_space<hbm>>
      tpu.enqueue_indirect_dma source(%dma_start3A_319 : memref<65536x256xf32, #tpu.memory_space<hbm>>) target(%dma_start3A_316 : memref<16x256xf32, #tpu.memory_space<vmem>>) offsets(%add3A_305 : vector<16xi32>) semaphore(%arg15 : memref<!tpu.dma_semaphore, #tpu.memory_space<semaphore_mem>>)
      %add3A_320 = arith.constant 0 : i32
      %add3A_321 = vector.broadcast %add3A_320 : i32 to vector<16xi32>
      %add3A_322 = arith.addi %add3A_25, %add3A_321 : vector<16xi32>
      %add3A_323 = arith.constant 12 : i32
      %add3A_324 = vector.broadcast %add3A_323 : i32 to vector<16xi32>
      %add3A_325 = arith.addi %add3A_29, %add3A_324 : vector<16xi32>
      %gather3A_326 = tpu.vector_load_idx %arg6[%add3A_322] : memref<32xi32, #tpu.memory_space<vmem>>[vector<16xi32>], vector<16xi32>,
      %gather3A_327 = tpu.vector_load_idx %arg8[%add3A_325] : memref<32xi32, #tpu.memory_space<vmem>>[vector<16xi32>], vector<16xi32>,
      %add3A_328 = arith.addi %gather3A_326, %gather3A_327 : vector<16xi32>
      %gather3A_329 = tpu.vector_load_idx %arg7[%add3A_322] : memref<32xf32, #tpu.memory_space<vmem>>[vector<16xi32>], vector<16xf32>,
      %gather3A_330 = tpu.vector_load_idx %arg9[%add3A_325] : memref<32xf32, #tpu.memory_space<vmem>>[vector<16xi32>], vector<16xf32>,
      %mul3A_331 = arith.mulf %gather3A_329, %gather3A_330 : vector<16xf32>
      %mul3A_332 = arith.constant 2.500000e-01 : f32
      %mul3A_333 = vector.broadcast %mul3A_332 : f32 to vector<16xf32>
      %mul3A_334 = arith.mulf %mul3A_331, %mul3A_333 : vector<16xf32>
      %swap3A_335 = arith.constant 96 : index
      %swap3A_336 = tpu.vector_load %arg10[%swap3A_335] {strides = array<i32>} : memref<384xf32, #tpu.memory_space<vmem>>, vector<16xf32>,
      tpu.vector_store %arg10[%swap3A_335], %mul3A_334 {strides = array<i32>} : memref<384xf32, #tpu.memory_space<vmem>>, vector<16xf32>,
      %dma_start3A_337 = arith.constant 96 : i32
      %dma_start3A_338 = arith.constant 0 : i32
      %dma_start3A_339 = tpu.memref_slice %arg11[%dma_start3A_337, %dma_start3A_338] : memref<128x256xf32, #tpu.memory_space<vmem>> -> memref<16x256xf32, #tpu.memory_space<vmem>>
      %dma_start3A_340 = arith.constant 0 : i32
      %dma_start3A_341 = arith.constant 0 : i32
      %dma_start3A_342 = tpu.memref_slice %arg2[%dma_start3A_340, %dma_start3A_341] : memref<65536x256xf32, #tpu.memory_space<hbm>> -> memref<65536x256xf32, #tpu.memory_space<hbm>>
      tpu.enqueue_indirect_dma source(%dma_start3A_342 : memref<65536x256xf32, #tpu.memory_space<hbm>>) target(%dma_start3A_339 : memref<16x256xf32, #tpu.memory_space<vmem>>) offsets(%add3A_328 : vector<16xi32>) semaphore(%arg15 : memref<!tpu.dma_semaphore, #tpu.memory_space<semaphore_mem>>)
      %add3A_343 = arith.constant 2 : i32
      %add3A_344 = vector.broadcast %add3A_343 : i32 to vector<16xi32>
      %add3A_345 = arith.addi %add3A_25, %add3A_344 : vector<16xi32>
      %add3A_346 = arith.constant 0 : i32
      %add3A_347 = vector.broadcast %add3A_346 : i32 to vector<16xi32>
      %add3A_348 = arith.addi %add3A_29, %add3A_347 : vector<16xi32>
      %gather3A_349 = tpu.vector_load_idx %arg6[%add3A_345] : memref<32xi32, #tpu.memory_space<vmem>>[vector<16xi32>], vector<16xi32>,
      %gather3A_350 = tpu.vector_load_idx %arg8[%add3A_348] : memref<32xi32, #tpu.memory_space<vmem>>[vector<16xi32>], vector<16xi32>,
      %add3A_351 = arith.addi %gather3A_349, %gather3A_350 : vector<16xi32>
      %gather3A_352 = tpu.vector_load_idx %arg7[%add3A_345] : memref<32xf32, #tpu.memory_space<vmem>>[vector<16xi32>], vector<16xf32>,
      %gather3A_353 = tpu.vector_load_idx %arg9[%add3A_348] : memref<32xf32, #tpu.memory_space<vmem>>[vector<16xi32>], vector<16xf32>,
      %mul3A_354 = arith.mulf %gather3A_352, %gather3A_353 : vector<16xf32>
      %mul3A_355 = arith.constant 2.500000e-01 : f32
      %mul3A_356 = vector.broadcast %mul3A_355 : f32 to vector<16xf32>
      %mul3A_357 = arith.mulf %mul3A_354, %mul3A_356 : vector<16xf32>
      %swap3A_358 = arith.constant 112 : index
      %swap3A_359 = tpu.vector_load %arg10[%swap3A_358] {strides = array<i32>} : memref<384xf32, #tpu.memory_space<vmem>>, vector<16xf32>,
      tpu.vector_store %arg10[%swap3A_358], %mul3A_357 {strides = array<i32>} : memref<384xf32, #tpu.memory_space<vmem>>, vector<16xf32>,
      %dma_start3A_360 = arith.constant 112 : i32
      %dma_start3A_361 = arith.constant 0 : i32
      %dma_start3A_362 = tpu.memref_slice %arg11[%dma_start3A_360, %dma_start3A_361] : memref<128x256xf32, #tpu.memory_space<vmem>> -> memref<16x256xf32, #tpu.memory_space<vmem>>
      %dma_start3A_363 = arith.constant 0 : i32
      %dma_start3A_364 = arith.constant 0 : i32
      %dma_start3A_365 = tpu.memref_slice %arg2[%dma_start3A_363, %dma_start3A_364] : memref<65536x256xf32, #tpu.memory_space<hbm>> -> memref<65536x256xf32, #tpu.memory_space<hbm>>
      tpu.enqueue_indirect_dma source(%dma_start3A_365 : memref<65536x256xf32, #tpu.memory_space<hbm>>) target(%dma_start3A_362 : memref<16x256xf32, #tpu.memory_space<vmem>>) offsets(%add3A_351 : vector<16xi32>) semaphore(%arg15 : memref<!tpu.dma_semaphore, #tpu.memory_space<semaphore_mem>>)
      %add3A_366 = arith.constant 2 : i32
      %add3A_367 = vector.broadcast %add3A_366 : i32 to vector<16xi32>
      %add3A_368 = arith.addi %add3A_25, %add3A_367 : vector<16xi32>
      %add3A_369 = arith.constant 2 : i32
      %add3A_370 = vector.broadcast %add3A_369 : i32 to vector<16xi32>
      %add3A_371 = arith.addi %add3A_29, %add3A_370 : vector<16xi32>
      %gather3A_372 = tpu.vector_load_idx %arg6[%add3A_368] : memref<32xi32, #tpu.memory_space<vmem>>[vector<16xi32>], vector<16xi32>,
      %gather3A_373 = tpu.vector_load_idx %arg8[%add3A_371] : memref<32xi32, #tpu.memory_space<vmem>>[vector<16xi32>], vector<16xi32>,
      %add3A_374 = arith.addi %gather3A_372, %gather3A_373 : vector<16xi32>
      %gather3A_375 = tpu.vector_load_idx %arg7[%add3A_368] : memref<32xf32, #tpu.memory_space<vmem>>[vector<16xi32>], vector<16xf32>,
      %gather3A_376 = tpu.vector_load_idx %arg9[%add3A_371] : memref<32xf32, #tpu.memory_space<vmem>>[vector<16xi32>], vector<16xf32>,
      %mul3A_377 = arith.mulf %gather3A_375, %gather3A_376 : vector<16xf32>
      %mul3A_378 = arith.constant 2.500000e-01 : f32
      %mul3A_379 = vector.broadcast %mul3A_378 : f32 to vector<16xf32>
      %mul3A_380 = arith.mulf %mul3A_377, %mul3A_379 : vector<16xf32>
      %swap3A_381 = arith.constant 128 : index
      %swap3A_382 = tpu.vector_load %arg10[%swap3A_381] {strides = array<i32>} : memref<384xf32, #tpu.memory_space<vmem>>, vector<16xf32>,
      tpu.vector_store %arg10[%swap3A_381], %mul3A_380 {strides = array<i32>} : memref<384xf32, #tpu.memory_space<vmem>>, vector<16xf32>,
      %dma_start3A_383 = arith.constant 0 : i32
      %dma_start3A_384 = arith.constant 0 : i32
      %dma_start3A_385 = tpu.memref_slice %arg12[%dma_start3A_383, %dma_start3A_384] : memref<128x256xf32, #tpu.memory_space<vmem>> -> memref<16x256xf32, #tpu.memory_space<vmem>>
      %dma_start3A_386 = arith.constant 0 : i32
      %dma_start3A_387 = arith.constant 0 : i32
      %dma_start3A_388 = tpu.memref_slice %arg2[%dma_start3A_386, %dma_start3A_387] : memref<65536x256xf32, #tpu.memory_space<hbm>> -> memref<65536x256xf32, #tpu.memory_space<hbm>>
      tpu.enqueue_indirect_dma source(%dma_start3A_388 : memref<65536x256xf32, #tpu.memory_space<hbm>>) target(%dma_start3A_385 : memref<16x256xf32, #tpu.memory_space<vmem>>) offsets(%add3A_374 : vector<16xi32>) semaphore(%arg16 : memref<!tpu.dma_semaphore, #tpu.memory_space<semaphore_mem>>)
      %add3A_389 = arith.constant 2 : i32
      %add3A_390 = vector.broadcast %add3A_389 : i32 to vector<16xi32>
      %add3A_391 = arith.addi %add3A_25, %add3A_390 : vector<16xi32>
      %add3A_392 = arith.constant 4 : i32
      %add3A_393 = vector.broadcast %add3A_392 : i32 to vector<16xi32>
      %add3A_394 = arith.addi %add3A_29, %add3A_393 : vector<16xi32>
      %gather3A_395 = tpu.vector_load_idx %arg6[%add3A_391] : memref<32xi32, #tpu.memory_space<vmem>>[vector<16xi32>], vector<16xi32>,
      %gather3A_396 = tpu.vector_load_idx %arg8[%add3A_394] : memref<32xi32, #tpu.memory_space<vmem>>[vector<16xi32>], vector<16xi32>,
      %add3A_397 = arith.addi %gather3A_395, %gather3A_396 : vector<16xi32>
      %gather3A_398 = tpu.vector_load_idx %arg7[%add3A_391] : memref<32xf32, #tpu.memory_space<vmem>>[vector<16xi32>], vector<16xf32>,
      %gather3A_399 = tpu.vector_load_idx %arg9[%add3A_394] : memref<32xf32, #tpu.memory_space<vmem>>[vector<16xi32>], vector<16xf32>,
      %mul3A_400 = arith.mulf %gather3A_398, %gather3A_399 : vector<16xf32>
      %mul3A_401 = arith.constant 2.500000e-01 : f32
      %mul3A_402 = vector.broadcast %mul3A_401 : f32 to vector<16xf32>
      %mul3A_403 = arith.mulf %mul3A_400, %mul3A_402 : vector<16xf32>
      %swap3A_404 = arith.constant 144 : index
      %swap3A_405 = tpu.vector_load %arg10[%swap3A_404] {strides = array<i32>} : memref<384xf32, #tpu.memory_space<vmem>>, vector<16xf32>,
      tpu.vector_store %arg10[%swap3A_404], %mul3A_403 {strides = array<i32>} : memref<384xf32, #tpu.memory_space<vmem>>, vector<16xf32>,
      %dma_start3A_406 = arith.constant 16 : i32
      %dma_start3A_407 = arith.constant 0 : i32
      %dma_start3A_408 = tpu.memref_slice %arg12[%dma_start3A_406, %dma_start3A_407] : memref<128x256xf32, #tpu.memory_space<vmem>> -> memref<16x256xf32, #tpu.memory_space<vmem>>
      %dma_start3A_409 = arith.constant 0 : i32
      %dma_start3A_410 = arith.constant 0 : i32
      %dma_start3A_411 = tpu.memref_slice %arg2[%dma_start3A_409, %dma_start3A_410] : memref<65536x256xf32, #tpu.memory_space<hbm>> -> memref<65536x256xf32, #tpu.memory_space<hbm>>
      tpu.enqueue_indirect_dma source(%dma_start3A_411 : memref<65536x256xf32, #tpu.memory_space<hbm>>) target(%dma_start3A_408 : memref<16x256xf32, #tpu.memory_space<vmem>>) offsets(%add3A_397 : vector<16xi32>) semaphore(%arg16 : memref<!tpu.dma_semaphore, #tpu.memory_space<semaphore_mem>>)
      %add3A_412 = arith.constant 2 : i32
      %add3A_413 = vector.broadcast %add3A_412 : i32 to vector<16xi32>
      %add3A_414 = arith.addi %add3A_25, %add3A_413 : vector<16xi32>
      %add3A_415 = arith.constant 6 : i32
      %add3A_416 = vector.broadcast %add3A_415 : i32 to vector<16xi32>
      %add3A_417 = arith.addi %add3A_29, %add3A_416 : vector<16xi32>
      %gather3A_418 = tpu.vector_load_idx %arg6[%add3A_414] : memref<32xi32, #tpu.memory_space<vmem>>[vector<16xi32>], vector<16xi32>,
      %gather3A_419 = tpu.vector_load_idx %arg8[%add3A_417] : memref<32xi32, #tpu.memory_space<vmem>>[vector<16xi32>], vector<16xi32>,
      %add3A_420 = arith.addi %gather3A_418, %gather3A_419 : vector<16xi32>
      %gather3A_421 = tpu.vector_load_idx %arg7[%add3A_414] : memref<32xf32, #tpu.memory_space<vmem>>[vector<16xi32>], vector<16xf32>,
      %gather3A_422 = tpu.vector_load_idx %arg9[%add3A_417] : memref<32xf32, #tpu.memory_space<vmem>>[vector<16xi32>], vector<16xf32>,
      %mul3A_423 = arith.mulf %gather3A_421, %gather3A_422 : vector<16xf32>
      %mul3A_424 = arith.constant 2.500000e-01 : f32
      %mul3A_425 = vector.broadcast %mul3A_424 : f32 to vector<16xf32>
      %mul3A_426 = arith.mulf %mul3A_423, %mul3A_425 : vector<16xf32>
      %swap3A_427 = arith.constant 160 : index
      %swap3A_428 = tpu.vector_load %arg10[%swap3A_427] {strides = array<i32>} : memref<384xf32, #tpu.memory_space<vmem>>, vector<16xf32>,
      tpu.vector_store %arg10[%swap3A_427], %mul3A_426 {strides = array<i32>} : memref<384xf32, #tpu.memory_space<vmem>>, vector<16xf32>,
      %dma_start3A_429 = arith.constant 32 : i32
      %dma_start3A_430 = arith.constant 0 : i32
      %dma_start3A_431 = tpu.memref_slice %arg12[%dma_start3A_429, %dma_start3A_430] : memref<128x256xf32, #tpu.memory_space<vmem>> -> memref<16x256xf32, #tpu.memory_space<vmem>>
      %dma_start3A_432 = arith.constant 0 : i32
      %dma_start3A_433 = arith.constant 0 : i32
      %dma_start3A_434 = tpu.memref_slice %arg2[%dma_start3A_432, %dma_start3A_433] : memref<65536x256xf32, #tpu.memory_space<hbm>> -> memref<65536x256xf32, #tpu.memory_space<hbm>>
      tpu.enqueue_indirect_dma source(%dma_start3A_434 : memref<65536x256xf32, #tpu.memory_space<hbm>>) target(%dma_start3A_431 : memref<16x256xf32, #tpu.memory_space<vmem>>) offsets(%add3A_420 : vector<16xi32>) semaphore(%arg16 : memref<!tpu.dma_semaphore, #tpu.memory_space<semaphore_mem>>)
      %add3A_435 = arith.constant 2 : i32
      %add3A_436 = vector.broadcast %add3A_435 : i32 to vector<16xi32>
      %add3A_437 = arith.addi %add3A_25, %add3A_436 : vector<16xi32>
      %add3A_438 = arith.constant 8 : i32
      %add3A_439 = vector.broadcast %add3A_438 : i32 to vector<16xi32>
      %add3A_440 = arith.addi %add3A_29, %add3A_439 : vector<16xi32>
      %gather3A_441 = tpu.vector_load_idx %arg6[%add3A_437] : memref<32xi32, #tpu.memory_space<vmem>>[vector<16xi32>], vector<16xi32>,
      %gather3A_442 = tpu.vector_load_idx %arg8[%add3A_440] : memref<32xi32, #tpu.memory_space<vmem>>[vector<16xi32>], vector<16xi32>,
      %add3A_443 = arith.addi %gather3A_441, %gather3A_442 : vector<16xi32>
      %gather3A_444 = tpu.vector_load_idx %arg7[%add3A_437] : memref<32xf32, #tpu.memory_space<vmem>>[vector<16xi32>], vector<16xf32>,
      %gather3A_445 = tpu.vector_load_idx %arg9[%add3A_440] : memref<32xf32, #tpu.memory_space<vmem>>[vector<16xi32>], vector<16xf32>,
      %mul3A_446 = arith.mulf %gather3A_444, %gather3A_445 : vector<16xf32>
      %mul3A_447 = arith.constant 2.500000e-01 : f32
      %mul3A_448 = vector.broadcast %mul3A_447 : f32 to vector<16xf32>
      %mul3A_449 = arith.mulf %mul3A_446, %mul3A_448 : vector<16xf32>
      %swap3A_450 = arith.constant 176 : index
      %swap3A_451 = tpu.vector_load %arg10[%swap3A_450] {strides = array<i32>} : memref<384xf32, #tpu.memory_space<vmem>>, vector<16xf32>,
      tpu.vector_store %arg10[%swap3A_450], %mul3A_449 {strides = array<i32>} : memref<384xf32, #tpu.memory_space<vmem>>, vector<16xf32>,
      %dma_start3A_452 = arith.constant 48 : i32
      %dma_start3A_453 = arith.constant 0 : i32
      %dma_start3A_454 = tpu.memref_slice %arg12[%dma_start3A_452, %dma_start3A_453] : memref<128x256xf32, #tpu.memory_space<vmem>> -> memref<16x256xf32, #tpu.memory_space<vmem>>
      %dma_start3A_455 = arith.constant 0 : i32
      %dma_start3A_456 = arith.constant 0 : i32
      %dma_start3A_457 = tpu.memref_slice %arg2[%dma_start3A_455, %dma_start3A_456] : memref<65536x256xf32, #tpu.memory_space<hbm>> -> memref<65536x256xf32, #tpu.memory_space<hbm>>
      tpu.enqueue_indirect_dma source(%dma_start3A_457 : memref<65536x256xf32, #tpu.memory_space<hbm>>) target(%dma_start3A_454 : memref<16x256xf32, #tpu.memory_space<vmem>>) offsets(%add3A_443 : vector<16xi32>) semaphore(%arg16 : memref<!tpu.dma_semaphore, #tpu.memory_space<semaphore_mem>>)
      %add3A_458 = arith.constant 2 : i32
      %add3A_459 = vector.broadcast %add3A_458 : i32 to vector<16xi32>
      %add3A_460 = arith.addi %add3A_25, %add3A_459 : vector<16xi32>
      %add3A_461 = arith.constant 10 : i32
      %add3A_462 = vector.broadcast %add3A_461 : i32 to vector<16xi32>
      %add3A_463 = arith.addi %add3A_29, %add3A_462 : vector<16xi32>
      %gather3A_464 = tpu.vector_load_idx %arg6[%add3A_460] : memref<32xi32, #tpu.memory_space<vmem>>[vector<16xi32>], vector<16xi32>,
      %gather3A_465 = tpu.vector_load_idx %arg8[%add3A_463] : memref<32xi32, #tpu.memory_space<vmem>>[vector<16xi32>], vector<16xi32>,
      %add3A_466 = arith.addi %gather3A_464, %gather3A_465 : vector<16xi32>
      %gather3A_467 = tpu.vector_load_idx %arg7[%add3A_460] : memref<32xf32, #tpu.memory_space<vmem>>[vector<16xi32>], vector<16xf32>,
      %gather3A_468 = tpu.vector_load_idx %arg9[%add3A_463] : memref<32xf32, #tpu.memory_space<vmem>>[vector<16xi32>], vector<16xf32>,
      %mul3A_469 = arith.mulf %gather3A_467, %gather3A_468 : vector<16xf32>
      %mul3A_470 = arith.constant 2.500000e-01 : f32
      %mul3A_471 = vector.broadcast %mul3A_470 : f32 to vector<16xf32>
      %mul3A_472 = arith.mulf %mul3A_469, %mul3A_471 : vector<16xf32>
      %swap3A_473 = arith.constant 192 : index
      %swap3A_474 = tpu.vector_load %arg10[%swap3A_473] {strides = array<i32>} : memref<384xf32, #tpu.memory_space<vmem>>, vector<16xf32>,
      tpu.vector_store %arg10[%swap3A_473], %mul3A_472 {strides = array<i32>} : memref<384xf32, #tpu.memory_space<vmem>>, vector<16xf32>,
      %dma_start3A_475 = arith.constant 64 : i32
      %dma_start3A_476 = arith.constant 0 : i32
      %dma_start3A_477 = tpu.memref_slice %arg12[%dma_start3A_475, %dma_start3A_476] : memref<128x256xf32, #tpu.memory_space<vmem>> -> memref<16x256xf32, #tpu.memory_space<vmem>>
      %dma_start3A_478 = arith.constant 0 : i32
      %dma_start3A_479 = arith.constant 0 : i32
      %dma_start3A_480 = tpu.memref_slice %arg2[%dma_start3A_478, %dma_start3A_479] : memref<65536x256xf32, #tpu.memory_space<hbm>> -> memref<65536x256xf32, #tpu.memory_space<hbm>>
      tpu.enqueue_indirect_dma source(%dma_start3A_480 : memref<65536x256xf32, #tpu.memory_space<hbm>>) target(%dma_start3A_477 : memref<16x256xf32, #tpu.memory_space<vmem>>) offsets(%add3A_466 : vector<16xi32>) semaphore(%arg16 : memref<!tpu.dma_semaphore, #tpu.memory_space<semaphore_mem>>)
      %add3A_481 = arith.constant 2 : i32
      %add3A_482 = vector.broadcast %add3A_481 : i32 to vector<16xi32>
      %add3A_483 = arith.addi %add3A_25, %add3A_482 : vector<16xi32>
      %add3A_484 = arith.constant 12 : i32
      %add3A_485 = vector.broadcast %add3A_484 : i32 to vector<16xi32>
      %add3A_486 = arith.addi %add3A_29, %add3A_485 : vector<16xi32>
      %gather3A_487 = tpu.vector_load_idx %arg6[%add3A_483] : memref<32xi32, #tpu.memory_space<vmem>>[vector<16xi32>], vector<16xi32>,
      %gather3A_488 = tpu.vector_load_idx %arg8[%add3A_486] : memref<32xi32, #tpu.memory_space<vmem>>[vector<16xi32>], vector<16xi32>,
      %add3A_489 = arith.addi %gather3A_487, %gather3A_488 : vector<16xi32>
      %gather3A_490 = tpu.vector_load_idx %arg7[%add3A_483] : memref<32xf32, #tpu.memory_space<vmem>>[vector<16xi32>], vector<16xf32>,
      %gather3A_491 = tpu.vector_load_idx %arg9[%add3A_486] : memref<32xf32, #tpu.memory_space<vmem>>[vector<16xi32>], vector<16xf32>,
      %mul3A_492 = arith.mulf %gather3A_490, %gather3A_491 : vector<16xf32>
      %mul3A_493 = arith.constant 2.500000e-01 : f32
      %mul3A_494 = vector.broadcast %mul3A_493 : f32 to vector<16xf32>
      %mul3A_495 = arith.mulf %mul3A_492, %mul3A_494 : vector<16xf32>
      %swap3A_496 = arith.constant 208 : index
      %swap3A_497 = tpu.vector_load %arg10[%swap3A_496] {strides = array<i32>} : memref<384xf32, #tpu.memory_space<vmem>>, vector<16xf32>,
      tpu.vector_store %arg10[%swap3A_496], %mul3A_495 {strides = array<i32>} : memref<384xf32, #tpu.memory_space<vmem>>, vector<16xf32>,
      %dma_start3A_498 = arith.constant 80 : i32
      %dma_start3A_499 = arith.constant 0 : i32
      %dma_start3A_500 = tpu.memref_slice %arg12[%dma_start3A_498, %dma_start3A_499] : memref<128x256xf32, #tpu.memory_space<vmem>> -> memref<16x256xf32, #tpu.memory_space<vmem>>
      %dma_start3A_501 = arith.constant 0 : i32
      %dma_start3A_502 = arith.constant 0 : i32
      %dma_start3A_503 = tpu.memref_slice %arg2[%dma_start3A_501, %dma_start3A_502] : memref<65536x256xf32, #tpu.memory_space<hbm>> -> memref<65536x256xf32, #tpu.memory_space<hbm>>
      tpu.enqueue_indirect_dma source(%dma_start3A_503 : memref<65536x256xf32, #tpu.memory_space<hbm>>) target(%dma_start3A_500 : memref<16x256xf32, #tpu.memory_space<vmem>>) offsets(%add3A_489 : vector<16xi32>) semaphore(%arg16 : memref<!tpu.dma_semaphore, #tpu.memory_space<semaphore_mem>>)
      %add3A_504 = arith.constant 4 : i32
      %add3A_505 = vector.broadcast %add3A_504 : i32 to vector<16xi32>
      %add3A_506 = arith.addi %add3A_25, %add3A_505 : vector<16xi32>
      %add3A_507 = arith.constant 0 : i32
      %add3A_508 = vector.broadcast %add3A_507 : i32 to vector<16xi32>
      %add3A_509 = arith.addi %add3A_29, %add3A_508 : vector<16xi32>
      %gather3A_510 = tpu.vector_load_idx %arg6[%add3A_506] : memref<32xi32, #tpu.memory_space<vmem>>[vector<16xi32>], vector<16xi32>,
      %gather3A_511 = tpu.vector_load_idx %arg8[%add3A_509] : memref<32xi32, #tpu.memory_space<vmem>>[vector<16xi32>], vector<16xi32>,
      %add3A_512 = arith.addi %gather3A_510, %gather3A_511 : vector<16xi32>
      %gather3A_513 = tpu.vector_load_idx %arg7[%add3A_506] : memref<32xf32, #tpu.memory_space<vmem>>[vector<16xi32>], vector<16xf32>,
      %gather3A_514 = tpu.vector_load_idx %arg9[%add3A_509] : memref<32xf32, #tpu.memory_space<vmem>>[vector<16xi32>], vector<16xf32>,
      %mul3A_515 = arith.mulf %gather3A_513, %gather3A_514 : vector<16xf32>
      %mul3A_516 = arith.constant 2.500000e-01 : f32
      %mul3A_517 = vector.broadcast %mul3A_516 : f32 to vector<16xf32>
      %mul3A_518 = arith.mulf %mul3A_515, %mul3A_517 : vector<16xf32>
      %swap3A_519 = arith.constant 224 : index
      %swap3A_520 = tpu.vector_load %arg10[%swap3A_519] {strides = array<i32>} : memref<384xf32, #tpu.memory_space<vmem>>, vector<16xf32>,
      tpu.vector_store %arg10[%swap3A_519], %mul3A_518 {strides = array<i32>} : memref<384xf32, #tpu.memory_space<vmem>>, vector<16xf32>,
      %dma_start3A_521 = arith.constant 96 : i32
      %dma_start3A_522 = arith.constant 0 : i32
      %dma_start3A_523 = tpu.memref_slice %arg12[%dma_start3A_521, %dma_start3A_522] : memref<128x256xf32, #tpu.memory_space<vmem>> -> memref<16x256xf32, #tpu.memory_space<vmem>>
      %dma_start3A_524 = arith.constant 0 : i32
      %dma_start3A_525 = arith.constant 0 : i32
      %dma_start3A_526 = tpu.memref_slice %arg2[%dma_start3A_524, %dma_start3A_525] : memref<65536x256xf32, #tpu.memory_space<hbm>> -> memref<65536x256xf32, #tpu.memory_space<hbm>>
      tpu.enqueue_indirect_dma source(%dma_start3A_526 : memref<65536x256xf32, #tpu.memory_space<hbm>>) target(%dma_start3A_523 : memref<16x256xf32, #tpu.memory_space<vmem>>) offsets(%add3A_512 : vector<16xi32>) semaphore(%arg16 : memref<!tpu.dma_semaphore, #tpu.memory_space<semaphore_mem>>)
      %add3A_527 = arith.constant 4 : i32
      %add3A_528 = vector.broadcast %add3A_527 : i32 to vector<16xi32>
      %add3A_529 = arith.addi %add3A_25, %add3A_528 : vector<16xi32>
      %add3A_530 = arith.constant 2 : i32
      %add3A_531 = vector.broadcast %add3A_530 : i32 to vector<16xi32>
      %add3A_532 = arith.addi %add3A_29, %add3A_531 : vector<16xi32>
      %gather3A_533 = tpu.vector_load_idx %arg6[%add3A_529] : memref<32xi32, #tpu.memory_space<vmem>>[vector<16xi32>], vector<16xi32>,
      %gather3A_534 = tpu.vector_load_idx %arg8[%add3A_532] : memref<32xi32, #tpu.memory_space<vmem>>[vector<16xi32>], vector<16xi32>,
      %add3A_535 = arith.addi %gather3A_533, %gather3A_534 : vector<16xi32>
      %gather3A_536 = tpu.vector_load_idx %arg7[%add3A_529] : memref<32xf32, #tpu.memory_space<vmem>>[vector<16xi32>], vector<16xf32>,
      %gather3A_537 = tpu.vector_load_idx %arg9[%add3A_532] : memref<32xf32, #tpu.memory_space<vmem>>[vector<16xi32>], vector<16xf32>,
      %mul3A_538 = arith.mulf %gather3A_536, %gather3A_537 : vector<16xf32>
      %mul3A_539 = arith.constant 2.500000e-01 : f32
      %mul3A_540 = vector.broadcast %mul3A_539 : f32 to vector<16xf32>
      %mul3A_541 = arith.mulf %mul3A_538, %mul3A_540 : vector<16xf32>
      %swap3A_542 = arith.constant 240 : index
      %swap3A_543 = tpu.vector_load %arg10[%swap3A_542] {strides = array<i32>} : memref<384xf32, #tpu.memory_space<vmem>>, vector<16xf32>,
      tpu.vector_store %arg10[%swap3A_542], %mul3A_541 {strides = array<i32>} : memref<384xf32, #tpu.memory_space<vmem>>, vector<16xf32>,
      %dma_start3A_544 = arith.constant 112 : i32
      %dma_start3A_545 = arith.constant 0 : i32
      %dma_start3A_546 = tpu.memref_slice %arg12[%dma_start3A_544, %dma_start3A_545] : memref<128x256xf32, #tpu.memory_space<vmem>> -> memref<16x256xf32, #tpu.memory_space<vmem>>
      %dma_start3A_547 = arith.constant 0 : i32
      %dma_start3A_548 = arith.constant 0 : i32
      %dma_start3A_549 = tpu.memref_slice %arg2[%dma_start3A_547, %dma_start3A_548] : memref<65536x256xf32, #tpu.memory_space<hbm>> -> memref<65536x256xf32, #tpu.memory_space<hbm>>
      tpu.enqueue_indirect_dma source(%dma_start3A_549 : memref<65536x256xf32, #tpu.memory_space<hbm>>) target(%dma_start3A_546 : memref<16x256xf32, #tpu.memory_space<vmem>>) offsets(%add3A_535 : vector<16xi32>) semaphore(%arg16 : memref<!tpu.dma_semaphore, #tpu.memory_space<semaphore_mem>>)
      %add3A_550 = arith.constant 4 : i32
      %add3A_551 = vector.broadcast %add3A_550 : i32 to vector<16xi32>
      %add3A_552 = arith.addi %add3A_25, %add3A_551 : vector<16xi32>
      %add3A_553 = arith.constant 4 : i32
      %add3A_554 = vector.broadcast %add3A_553 : i32 to vector<16xi32>
      %add3A_555 = arith.addi %add3A_29, %add3A_554 : vector<16xi32>
      %gather3A_556 = tpu.vector_load_idx %arg6[%add3A_552] : memref<32xi32, #tpu.memory_space<vmem>>[vector<16xi32>], vector<16xi32>,
      %gather3A_557 = tpu.vector_load_idx %arg8[%add3A_555] : memref<32xi32, #tpu.memory_space<vmem>>[vector<16xi32>], vector<16xi32>,
      %add3A_558 = arith.addi %gather3A_556, %gather3A_557 : vector<16xi32>
      %gather3A_559 = tpu.vector_load_idx %arg7[%add3A_552] : memref<32xf32, #tpu.memory_space<vmem>>[vector<16xi32>], vector<16xf32>,
      %gather3A_560 = tpu.vector_load_idx %arg9[%add3A_555] : memref<32xf32, #tpu.memory_space<vmem>>[vector<16xi32>], vector<16xf32>,
      %mul3A_561 = arith.mulf %gather3A_559, %gather3A_560 : vector<16xf32>
      %mul3A_562 = arith.constant 2.500000e-01 : f32
      %mul3A_563 = vector.broadcast %mul3A_562 : f32 to vector<16xf32>
      %mul3A_564 = arith.mulf %mul3A_561, %mul3A_563 : vector<16xf32>
      %swap3A_565 = arith.constant 256 : index
      %swap3A_566 = tpu.vector_load %arg10[%swap3A_565] {strides = array<i32>} : memref<384xf32, #tpu.memory_space<vmem>>, vector<16xf32>,
      tpu.vector_store %arg10[%swap3A_565], %mul3A_564 {strides = array<i32>} : memref<384xf32, #tpu.memory_space<vmem>>, vector<16xf32>,
      %dma_start3A_567 = arith.constant 0 : i32
      %dma_start3A_568 = arith.constant 0 : i32
      %dma_start3A_569 = tpu.memref_slice %arg13[%dma_start3A_567, %dma_start3A_568] : memref<128x256xf32, #tpu.memory_space<vmem>> -> memref<16x256xf32, #tpu.memory_space<vmem>>
      %dma_start3A_570 = arith.constant 0 : i32
      %dma_start3A_571 = arith.constant 0 : i32
      %dma_start3A_572 = tpu.memref_slice %arg2[%dma_start3A_570, %dma_start3A_571] : memref<65536x256xf32, #tpu.memory_space<hbm>> -> memref<65536x256xf32, #tpu.memory_space<hbm>>
      tpu.enqueue_indirect_dma source(%dma_start3A_572 : memref<65536x256xf32, #tpu.memory_space<hbm>>) target(%dma_start3A_569 : memref<16x256xf32, #tpu.memory_space<vmem>>) offsets(%add3A_558 : vector<16xi32>) semaphore(%arg17 : memref<!tpu.dma_semaphore, #tpu.memory_space<semaphore_mem>>)
      %add3A_573 = arith.constant 4 : i32
      %add3A_574 = vector.broadcast %add3A_573 : i32 to vector<16xi32>
      %add3A_575 = arith.addi %add3A_25, %add3A_574 : vector<16xi32>
      %add3A_576 = arith.constant 6 : i32
      %add3A_577 = vector.broadcast %add3A_576 : i32 to vector<16xi32>
      %add3A_578 = arith.addi %add3A_29, %add3A_577 : vector<16xi32>
      %gather3A_579 = tpu.vector_load_idx %arg6[%add3A_575] : memref<32xi32, #tpu.memory_space<vmem>>[vector<16xi32>], vector<16xi32>,
      %gather3A_580 = tpu.vector_load_idx %arg8[%add3A_578] : memref<32xi32, #tpu.memory_space<vmem>>[vector<16xi32>], vector<16xi32>,
      %add3A_581 = arith.addi %gather3A_579, %gather3A_580 : vector<16xi32>
      %gather3A_582 = tpu.vector_load_idx %arg7[%add3A_575] : memref<32xf32, #tpu.memory_space<vmem>>[vector<16xi32>], vector<16xf32>,
      %gather3A_583 = tpu.vector_load_idx %arg9[%add3A_578] : memref<32xf32, #tpu.memory_space<vmem>>[vector<16xi32>], vector<16xf32>,
      %mul3A_584 = arith.mulf %gather3A_582, %gather3A_583 : vector<16xf32>
      %mul3A_585 = arith.constant 2.500000e-01 : f32
      %mul3A_586 = vector.broadcast %mul3A_585 : f32 to vector<16xf32>
      %mul3A_587 = arith.mulf %mul3A_584, %mul3A_586 : vector<16xf32>
      %swap3A_588 = arith.constant 272 : index
      %swap3A_589 = tpu.vector_load %arg10[%swap3A_588] {strides = array<i32>} : memref<384xf32, #tpu.memory_space<vmem>>, vector<16xf32>,
      tpu.vector_store %arg10[%swap3A_588], %mul3A_587 {strides = array<i32>} : memref<384xf32, #tpu.memory_space<vmem>>, vector<16xf32>,
      %dma_start3A_590 = arith.constant 16 : i32
      %dma_start3A_591 = arith.constant 0 : i32
      %dma_start3A_592 = tpu.memref_slice %arg13[%dma_start3A_590, %dma_start3A_591] : memref<128x256xf32, #tpu.memory_space<vmem>> -> memref<16x256xf32, #tpu.memory_space<vmem>>
      %dma_start3A_593 = arith.constant 0 : i32
      %dma_start3A_594 = arith.constant 0 : i32
      %dma_start3A_595 = tpu.memref_slice %arg2[%dma_start3A_593, %dma_start3A_594] : memref<65536x256xf32, #tpu.memory_space<hbm>> -> memref<65536x256xf32, #tpu.memory_space<hbm>>
      tpu.enqueue_indirect_dma source(%dma_start3A_595 : memref<65536x256xf32, #tpu.memory_space<hbm>>) target(%dma_start3A_592 : memref<16x256xf32, #tpu.memory_space<vmem>>) offsets(%add3A_581 : vector<16xi32>) semaphore(%arg17 : memref<!tpu.dma_semaphore, #tpu.memory_space<semaphore_mem>>)
      %add3A_596 = arith.constant 4 : i32
      %add3A_597 = vector.broadcast %add3A_596 : i32 to vector<16xi32>
      %add3A_598 = arith.addi %add3A_25, %add3A_597 : vector<16xi32>
      %add3A_599 = arith.constant 8 : i32
      %add3A_600 = vector.broadcast %add3A_599 : i32 to vector<16xi32>
      %add3A_601 = arith.addi %add3A_29, %add3A_600 : vector<16xi32>
      %gather3A_602 = tpu.vector_load_idx %arg6[%add3A_598] : memref<32xi32, #tpu.memory_space<vmem>>[vector<16xi32>], vector<16xi32>,
      %gather3A_603 = tpu.vector_load_idx %arg8[%add3A_601] : memref<32xi32, #tpu.memory_space<vmem>>[vector<16xi32>], vector<16xi32>,
      %add3A_604 = arith.addi %gather3A_602, %gather3A_603 : vector<16xi32>
      %gather3A_605 = tpu.vector_load_idx %arg7[%add3A_598] : memref<32xf32, #tpu.memory_space<vmem>>[vector<16xi32>], vector<16xf32>,
      %gather3A_606 = tpu.vector_load_idx %arg9[%add3A_601] : memref<32xf32, #tpu.memory_space<vmem>>[vector<16xi32>], vector<16xf32>,
      %mul3A_607 = arith.mulf %gather3A_605, %gather3A_606 : vector<16xf32>
      %mul3A_608 = arith.constant 2.500000e-01 : f32
      %mul3A_609 = vector.broadcast %mul3A_608 : f32 to vector<16xf32>
      %mul3A_610 = arith.mulf %mul3A_607, %mul3A_609 : vector<16xf32>
      %swap3A_611 = arith.constant 288 : index
      %swap3A_612 = tpu.vector_load %arg10[%swap3A_611] {strides = array<i32>} : memref<384xf32, #tpu.memory_space<vmem>>, vector<16xf32>,
      tpu.vector_store %arg10[%swap3A_611], %mul3A_610 {strides = array<i32>} : memref<384xf32, #tpu.memory_space<vmem>>, vector<16xf32>,
      %dma_start3A_613 = arith.constant 32 : i32
      %dma_start3A_614 = arith.constant 0 : i32
      %dma_start3A_615 = tpu.memref_slice %arg13[%dma_start3A_613, %dma_start3A_614] : memref<128x256xf32, #tpu.memory_space<vmem>> -> memref<16x256xf32, #tpu.memory_space<vmem>>
      %dma_start3A_616 = arith.constant 0 : i32
      %dma_start3A_617 = arith.constant 0 : i32
      %dma_start3A_618 = tpu.memref_slice %arg2[%dma_start3A_616, %dma_start3A_617] : memref<65536x256xf32, #tpu.memory_space<hbm>> -> memref<65536x256xf32, #tpu.memory_space<hbm>>
      tpu.enqueue_indirect_dma source(%dma_start3A_618 : memref<65536x256xf32, #tpu.memory_space<hbm>>) target(%dma_start3A_615 : memref<16x256xf32, #tpu.memory_space<vmem>>) offsets(%add3A_604 : vector<16xi32>) semaphore(%arg17 : memref<!tpu.dma_semaphore, #tpu.memory_space<semaphore_mem>>)
      %add3A_619 = arith.constant 4 : i32
      %add3A_620 = vector.broadcast %add3A_619 : i32 to vector<16xi32>
      %add3A_621 = arith.addi %add3A_25, %add3A_620 : vector<16xi32>
      %add3A_622 = arith.constant 10 : i32
      %add3A_623 = vector.broadcast %add3A_622 : i32 to vector<16xi32>
      %add3A_624 = arith.addi %add3A_29, %add3A_623 : vector<16xi32>
      %gather3A_625 = tpu.vector_load_idx %arg6[%add3A_621] : memref<32xi32, #tpu.memory_space<vmem>>[vector<16xi32>], vector<16xi32>,
      %gather3A_626 = tpu.vector_load_idx %arg8[%add3A_624] : memref<32xi32, #tpu.memory_space<vmem>>[vector<16xi32>], vector<16xi32>,
      %add3A_627 = arith.addi %gather3A_625, %gather3A_626 : vector<16xi32>
      %gather3A_628 = tpu.vector_load_idx %arg7[%add3A_621] : memref<32xf32, #tpu.memory_space<vmem>>[vector<16xi32>], vector<16xf32>,
      %gather3A_629 = tpu.vector_load_idx %arg9[%add3A_624] : memref<32xf32, #tpu.memory_space<vmem>>[vector<16xi32>], vector<16xf32>,
      %mul3A_630 = arith.mulf %gather3A_628, %gather3A_629 : vector<16xf32>
      %mul3A_631 = arith.constant 2.500000e-01 : f32
      %mul3A_632 = vector.broadcast %mul3A_631 : f32 to vector<16xf32>
      %mul3A_633 = arith.mulf %mul3A_630, %mul3A_632 : vector<16xf32>
      %swap3A_634 = arith.constant 304 : index
      %swap3A_635 = tpu.vector_load %arg10[%swap3A_634] {strides = array<i32>} : memref<384xf32, #tpu.memory_space<vmem>>, vector<16xf32>,
      tpu.vector_store %arg10[%swap3A_634], %mul3A_633 {strides = array<i32>} : memref<384xf32, #tpu.memory_space<vmem>>, vector<16xf32>,
      %dma_start3A_636 = arith.constant 48 : i32
      %dma_start3A_637 = arith.constant 0 : i32
      %dma_start3A_638 = tpu.memref_slice %arg13[%dma_start3A_636, %dma_start3A_637] : memref<128x256xf32, #tpu.memory_space<vmem>> -> memref<16x256xf32, #tpu.memory_space<vmem>>
      %dma_start3A_639 = arith.constant 0 : i32
      %dma_start3A_640 = arith.constant 0 : i32
      %dma_start3A_641 = tpu.memref_slice %arg2[%dma_start3A_639, %dma_start3A_640] : memref<65536x256xf32, #tpu.memory_space<hbm>> -> memref<65536x256xf32, #tpu.memory_space<hbm>>
      tpu.enqueue_indirect_dma source(%dma_start3A_641 : memref<65536x256xf32, #tpu.memory_space<hbm>>) target(%dma_start3A_638 : memref<16x256xf32, #tpu.memory_space<vmem>>) offsets(%add3A_627 : vector<16xi32>) semaphore(%arg17 : memref<!tpu.dma_semaphore, #tpu.memory_space<semaphore_mem>>)
      %add3A_642 = arith.constant 4 : i32
      %add3A_643 = vector.broadcast %add3A_642 : i32 to vector<16xi32>
      %add3A_644 = arith.addi %add3A_25, %add3A_643 : vector<16xi32>
      %add3A_645 = arith.constant 12 : i32
      %add3A_646 = vector.broadcast %add3A_645 : i32 to vector<16xi32>
      %add3A_647 = arith.addi %add3A_29, %add3A_646 : vector<16xi32>
      %gather3A_648 = tpu.vector_load_idx %arg6[%add3A_644] : memref<32xi32, #tpu.memory_space<vmem>>[vector<16xi32>], vector<16xi32>,
      %gather3A_649 = tpu.vector_load_idx %arg8[%add3A_647] : memref<32xi32, #tpu.memory_space<vmem>>[vector<16xi32>], vector<16xi32>,
      %add3A_650 = arith.addi %gather3A_648, %gather3A_649 : vector<16xi32>
      %gather3A_651 = tpu.vector_load_idx %arg7[%add3A_644] : memref<32xf32, #tpu.memory_space<vmem>>[vector<16xi32>], vector<16xf32>,
      %gather3A_652 = tpu.vector_load_idx %arg9[%add3A_647] : memref<32xf32, #tpu.memory_space<vmem>>[vector<16xi32>], vector<16xf32>,
      %mul3A_653 = arith.mulf %gather3A_651, %gather3A_652 : vector<16xf32>
      %mul3A_654 = arith.constant 2.500000e-01 : f32
      %mul3A_655 = vector.broadcast %mul3A_654 : f32 to vector<16xf32>
      %mul3A_656 = arith.mulf %mul3A_653, %mul3A_655 : vector<16xf32>
      %swap3A_657 = arith.constant 320 : index
      %swap3A_658 = tpu.vector_load %arg10[%swap3A_657] {strides = array<i32>} : memref<384xf32, #tpu.memory_space<vmem>>, vector<16xf32>,
      tpu.vector_store %arg10[%swap3A_657], %mul3A_656 {strides = array<i32>} : memref<384xf32, #tpu.memory_space<vmem>>, vector<16xf32>,
      %dma_start3A_659 = arith.constant 64 : i32
      %dma_start3A_660 = arith.constant 0 : i32
      %dma_start3A_661 = tpu.memref_slice %arg13[%dma_start3A_659, %dma_start3A_660] : memref<128x256xf32, #tpu.memory_space<vmem>> -> memref<16x256xf32, #tpu.memory_space<vmem>>
      %dma_start3A_662 = arith.constant 0 : i32
      %dma_start3A_663 = arith.constant 0 : i32
      %dma_start3A_664 = tpu.memref_slice %arg2[%dma_start3A_662, %dma_start3A_663] : memref<65536x256xf32, #tpu.memory_space<hbm>> -> memref<65536x256xf32, #tpu.memory_space<hbm>>
      tpu.enqueue_indirect_dma source(%dma_start3A_664 : memref<65536x256xf32, #tpu.memory_space<hbm>>) target(%dma_start3A_661 : memref<16x256xf32, #tpu.memory_space<vmem>>) offsets(%add3A_650 : vector<16xi32>) semaphore(%arg17 : memref<!tpu.dma_semaphore, #tpu.memory_space<semaphore_mem>>)
      %add3A_665 = arith.constant 6 : i32
      %add3A_666 = vector.broadcast %add3A_665 : i32 to vector<16xi32>
      %add3A_667 = arith.addi %add3A_25, %add3A_666 : vector<16xi32>
      %add3A_668 = arith.constant 0 : i32
      %add3A_669 = vector.broadcast %add3A_668 : i32 to vector<16xi32>
      %add3A_670 = arith.addi %add3A_29, %add3A_669 : vector<16xi32>
      %gather3A_671 = tpu.vector_load_idx %arg6[%add3A_667] : memref<32xi32, #tpu.memory_space<vmem>>[vector<16xi32>], vector<16xi32>,
      %gather3A_672 = tpu.vector_load_idx %arg8[%add3A_670] : memref<32xi32, #tpu.memory_space<vmem>>[vector<16xi32>], vector<16xi32>,
      %add3A_673 = arith.addi %gather3A_671, %gather3A_672 : vector<16xi32>
      %gather3A_674 = tpu.vector_load_idx %arg7[%add3A_667] : memref<32xf32, #tpu.memory_space<vmem>>[vector<16xi32>], vector<16xf32>,
      %gather3A_675 = tpu.vector_load_idx %arg9[%add3A_670] : memref<32xf32, #tpu.memory_space<vmem>>[vector<16xi32>], vector<16xf32>,
      %mul3A_676 = arith.mulf %gather3A_674, %gather3A_675 : vector<16xf32>
      %mul3A_677 = arith.constant 2.500000e-01 : f32
      %mul3A_678 = vector.broadcast %mul3A_677 : f32 to vector<16xf32>
      %mul3A_679 = arith.mulf %mul3A_676, %mul3A_678 : vector<16xf32>
      %swap3A_680 = arith.constant 336 : index
      %swap3A_681 = tpu.vector_load %arg10[%swap3A_680] {strides = array<i32>} : memref<384xf32, #tpu.memory_space<vmem>>, vector<16xf32>,
      tpu.vector_store %arg10[%swap3A_680], %mul3A_679 {strides = array<i32>} : memref<384xf32, #tpu.memory_space<vmem>>, vector<16xf32>,
      %dma_start3A_682 = arith.constant 80 : i32
      %dma_start3A_683 = arith.constant 0 : i32
      %dma_start3A_684 = tpu.memref_slice %arg13[%dma_start3A_682, %dma_start3A_683] : memref<128x256xf32, #tpu.memory_space<vmem>> -> memref<16x256xf32, #tpu.memory_space<vmem>>
      %dma_start3A_685 = arith.constant 0 : i32
      %dma_start3A_686 = arith.constant 0 : i32
      %dma_start3A_687 = tpu.memref_slice %arg2[%dma_start3A_685, %dma_start3A_686] : memref<65536x256xf32, #tpu.memory_space<hbm>> -> memref<65536x256xf32, #tpu.memory_space<hbm>>
      tpu.enqueue_indirect_dma source(%dma_start3A_687 : memref<65536x256xf32, #tpu.memory_space<hbm>>) target(%dma_start3A_684 : memref<16x256xf32, #tpu.memory_space<vmem>>) offsets(%add3A_673 : vector<16xi32>) semaphore(%arg17 : memref<!tpu.dma_semaphore, #tpu.memory_space<semaphore_mem>>)
      %add3A_688 = arith.constant 6 : i32
      %add3A_689 = vector.broadcast %add3A_688 : i32 to vector<16xi32>
      %add3A_690 = arith.addi %add3A_25, %add3A_689 : vector<16xi32>
      %add3A_691 = arith.constant 2 : i32
      %add3A_692 = vector.broadcast %add3A_691 : i32 to vector<16xi32>
      %add3A_693 = arith.addi %add3A_29, %add3A_692 : vector<16xi32>
      %gather3A_694 = tpu.vector_load_idx %arg6[%add3A_690] : memref<32xi32, #tpu.memory_space<vmem>>[vector<16xi32>], vector<16xi32>,
      %gather3A_695 = tpu.vector_load_idx %arg8[%add3A_693] : memref<32xi32, #tpu.memory_space<vmem>>[vector<16xi32>], vector<16xi32>,
      %add3A_696 = arith.addi %gather3A_694, %gather3A_695 : vector<16xi32>
      %gather3A_697 = tpu.vector_load_idx %arg7[%add3A_690] : memref<32xf32, #tpu.memory_space<vmem>>[vector<16xi32>], vector<16xf32>,
      %gather3A_698 = tpu.vector_load_idx %arg9[%add3A_693] : memref<32xf32, #tpu.memory_space<vmem>>[vector<16xi32>], vector<16xf32>,
      %mul3A_699 = arith.mulf %gather3A_697, %gather3A_698 : vector<16xf32>
      %mul3A_700 = arith.constant 2.500000e-01 : f32
      %mul3A_701 = vector.broadcast %mul3A_700 : f32 to vector<16xf32>
      %mul3A_702 = arith.mulf %mul3A_699, %mul3A_701 : vector<16xf32>
      %swap3A_703 = arith.constant 352 : index
      %swap3A_704 = tpu.vector_load %arg10[%swap3A_703] {strides = array<i32>} : memref<384xf32, #tpu.memory_space<vmem>>, vector<16xf32>,
      tpu.vector_store %arg10[%swap3A_703], %mul3A_702 {strides = array<i32>} : memref<384xf32, #tpu.memory_space<vmem>>, vector<16xf32>,
      %dma_start3A_705 = arith.constant 96 : i32
      %dma_start3A_706 = arith.constant 0 : i32
      %dma_start3A_707 = tpu.memref_slice %arg13[%dma_start3A_705, %dma_start3A_706] : memref<128x256xf32, #tpu.memory_space<vmem>> -> memref<16x256xf32, #tpu.memory_space<vmem>>
      %dma_start3A_708 = arith.constant 0 : i32
      %dma_start3A_709 = arith.constant 0 : i32
      %dma_start3A_710 = tpu.memref_slice %arg2[%dma_start3A_708, %dma_start3A_709] : memref<65536x256xf32, #tpu.memory_space<hbm>> -> memref<65536x256xf32, #tpu.memory_space<hbm>>
      tpu.enqueue_indirect_dma source(%dma_start3A_710 : memref<65536x256xf32, #tpu.memory_space<hbm>>) target(%dma_start3A_707 : memref<16x256xf32, #tpu.memory_space<vmem>>) offsets(%add3A_696 : vector<16xi32>) semaphore(%arg17 : memref<!tpu.dma_semaphore, #tpu.memory_space<semaphore_mem>>)
      %add3A_711 = arith.constant 6 : i32
      %add3A_712 = vector.broadcast %add3A_711 : i32 to vector<16xi32>
      %add3A_713 = arith.addi %add3A_25, %add3A_712 : vector<16xi32>
      %add3A_714 = arith.constant 4 : i32
      %add3A_715 = vector.broadcast %add3A_714 : i32 to vector<16xi32>
      %add3A_716 = arith.addi %add3A_29, %add3A_715 : vector<16xi32>
      %gather3A_717 = tpu.vector_load_idx %arg6[%add3A_713] : memref<32xi32, #tpu.memory_space<vmem>>[vector<16xi32>], vector<16xi32>,
      %gather3A_718 = tpu.vector_load_idx %arg8[%add3A_716] : memref<32xi32, #tpu.memory_space<vmem>>[vector<16xi32>], vector<16xi32>,
      %add3A_719 = arith.addi %gather3A_717, %gather3A_718 : vector<16xi32>
      %gather3A_720 = tpu.vector_load_idx %arg7[%add3A_713] : memref<32xf32, #tpu.memory_space<vmem>>[vector<16xi32>], vector<16xf32>,
      %gather3A_721 = tpu.vector_load_idx %arg9[%add3A_716] : memref<32xf32, #tpu.memory_space<vmem>>[vector<16xi32>], vector<16xf32>,
      %mul3A_722 = arith.mulf %gather3A_720, %gather3A_721 : vector<16xf32>
      %mul3A_723 = arith.constant 2.500000e-01 : f32
      %mul3A_724 = vector.broadcast %mul3A_723 : f32 to vector<16xf32>
      %mul3A_725 = arith.mulf %mul3A_722, %mul3A_724 : vector<16xf32>
      %swap3A_726 = arith.constant 368 : index
      %swap3A_727 = tpu.vector_load %arg10[%swap3A_726] {strides = array<i32>} : memref<384xf32, #tpu.memory_space<vmem>>, vector<16xf32>,
      tpu.vector_store %arg10[%swap3A_726], %mul3A_725 {strides = array<i32>} : memref<384xf32, #tpu.memory_space<vmem>>, vector<16xf32>,
      %dma_start3A_728 = arith.constant 112 : i32
      %dma_start3A_729 = arith.constant 0 : i32
      %dma_start3A_730 = tpu.memref_slice %arg13[%dma_start3A_728, %dma_start3A_729] : memref<128x256xf32, #tpu.memory_space<vmem>> -> memref<16x256xf32, #tpu.memory_space<vmem>>
      %dma_start3A_731 = arith.constant 0 : i32
      %dma_start3A_732 = arith.constant 0 : i32
      %dma_start3A_733 = tpu.memref_slice %arg2[%dma_start3A_731, %dma_start3A_732] : memref<65536x256xf32, #tpu.memory_space<hbm>> -> memref<65536x256xf32, #tpu.memory_space<hbm>>
      tpu.enqueue_indirect_dma source(%dma_start3A_733 : memref<65536x256xf32, #tpu.memory_space<hbm>>) target(%dma_start3A_730 : memref<16x256xf32, #tpu.memory_space<vmem>>) offsets(%add3A_719 : vector<16xi32>) semaphore(%arg17 : memref<!tpu.dma_semaphore, #tpu.memory_space<semaphore_mem>>)
      %dma_wait3A = arith.constant 0 : i32
      %dma_wait3A_734 = arith.constant 0 : i32
      %dma_wait3A_735 = tpu.memref_slice %arg11[%dma_wait3A, %dma_wait3A_734] : memref<128x256xf32, #tpu.memory_space<vmem>> -> memref<16x256xf32, #tpu.memory_space<vmem>>
      %dma_wait3A_736 = arith.constant 0 : i32
      %dma_wait3A_737 = arith.constant 0 : i32
      %dma_wait3A_738 = tpu.memref_slice %arg2[%dma_wait3A_736, %dma_wait3A_737] : memref<65536x256xf32, #tpu.memory_space<hbm>> -> memref<65536x256xf32, #tpu.memory_space<hbm>>
      tpu.wait_indirect_dma semaphore(%arg15 : memref<!tpu.dma_semaphore, #tpu.memory_space<semaphore_mem>>) src(%dma_wait3A_738 : memref<65536x256xf32, #tpu.memory_space<hbm>>) dst(%dma_wait3A_735 : memref<16x256xf32, #tpu.memory_space<vmem>>)
      %dma_wait3A_739 = arith.constant 16 : i32
      %dma_wait3A_740 = arith.constant 0 : i32
      %dma_wait3A_741 = tpu.memref_slice %arg11[%dma_wait3A_739, %dma_wait3A_740] : memref<128x256xf32, #tpu.memory_space<vmem>> -> memref<16x256xf32, #tpu.memory_space<vmem>>
      %dma_wait3A_742 = arith.constant 0 : i32
      %dma_wait3A_743 = arith.constant 0 : i32
      %dma_wait3A_744 = tpu.memref_slice %arg2[%dma_wait3A_742, %dma_wait3A_743] : memref<65536x256xf32, #tpu.memory_space<hbm>> -> memref<65536x256xf32, #tpu.memory_space<hbm>>
      tpu.wait_indirect_dma semaphore(%arg15 : memref<!tpu.dma_semaphore, #tpu.memory_space<semaphore_mem>>) src(%dma_wait3A_744 : memref<65536x256xf32, #tpu.memory_space<hbm>>) dst(%dma_wait3A_741 : memref<16x256xf32, #tpu.memory_space<vmem>>)
      %dma_wait3A_745 = arith.constant 32 : i32
      %dma_wait3A_746 = arith.constant 0 : i32
      %dma_wait3A_747 = tpu.memref_slice %arg11[%dma_wait3A_745, %dma_wait3A_746] : memref<128x256xf32, #tpu.memory_space<vmem>> -> memref<16x256xf32, #tpu.memory_space<vmem>>
      %dma_wait3A_748 = arith.constant 0 : i32
      %dma_wait3A_749 = arith.constant 0 : i32
      %dma_wait3A_750 = tpu.memref_slice %arg2[%dma_wait3A_748, %dma_wait3A_749] : memref<65536x256xf32, #tpu.memory_space<hbm>> -> memref<65536x256xf32, #tpu.memory_space<hbm>>
      tpu.wait_indirect_dma semaphore(%arg15 : memref<!tpu.dma_semaphore, #tpu.memory_space<semaphore_mem>>) src(%dma_wait3A_750 : memref<65536x256xf32, #tpu.memory_space<hbm>>) dst(%dma_wait3A_747 : memref<16x256xf32, #tpu.memory_space<vmem>>)
      %dma_wait3A_751 = arith.constant 48 : i32
      %dma_wait3A_752 = arith.constant 0 : i32
      %dma_wait3A_753 = tpu.memref_slice %arg11[%dma_wait3A_751, %dma_wait3A_752] : memref<128x256xf32, #tpu.memory_space<vmem>> -> memref<16x256xf32, #tpu.memory_space<vmem>>
      %dma_wait3A_754 = arith.constant 0 : i32
      %dma_wait3A_755 = arith.constant 0 : i32
      %dma_wait3A_756 = tpu.memref_slice %arg2[%dma_wait3A_754, %dma_wait3A_755] : memref<65536x256xf32, #tpu.memory_space<hbm>> -> memref<65536x256xf32, #tpu.memory_space<hbm>>
      tpu.wait_indirect_dma semaphore(%arg15 : memref<!tpu.dma_semaphore, #tpu.memory_space<semaphore_mem>>) src(%dma_wait3A_756 : memref<65536x256xf32, #tpu.memory_space<hbm>>) dst(%dma_wait3A_753 : memref<16x256xf32, #tpu.memory_space<vmem>>)
      %dma_wait3A_757 = arith.constant 64 : i32
      %dma_wait3A_758 = arith.constant 0 : i32
      %dma_wait3A_759 = tpu.memref_slice %arg11[%dma_wait3A_757, %dma_wait3A_758] : memref<128x256xf32, #tpu.memory_space<vmem>> -> memref<16x256xf32, #tpu.memory_space<vmem>>
      %dma_wait3A_760 = arith.constant 0 : i32
      %dma_wait3A_761 = arith.constant 0 : i32
      %dma_wait3A_762 = tpu.memref_slice %arg2[%dma_wait3A_760, %dma_wait3A_761] : memref<65536x256xf32, #tpu.memory_space<hbm>> -> memref<65536x256xf32, #tpu.memory_space<hbm>>
      tpu.wait_indirect_dma semaphore(%arg15 : memref<!tpu.dma_semaphore, #tpu.memory_space<semaphore_mem>>) src(%dma_wait3A_762 : memref<65536x256xf32, #tpu.memory_space<hbm>>) dst(%dma_wait3A_759 : memref<16x256xf32, #tpu.memory_space<vmem>>)
      %dma_wait3A_763 = arith.constant 80 : i32
      %dma_wait3A_764 = arith.constant 0 : i32
      %dma_wait3A_765 = tpu.memref_slice %arg11[%dma_wait3A_763, %dma_wait3A_764] : memref<128x256xf32, #tpu.memory_space<vmem>> -> memref<16x256xf32, #tpu.memory_space<vmem>>
      %dma_wait3A_766 = arith.constant 0 : i32
      %dma_wait3A_767 = arith.constant 0 : i32
      %dma_wait3A_768 = tpu.memref_slice %arg2[%dma_wait3A_766, %dma_wait3A_767] : memref<65536x256xf32, #tpu.memory_space<hbm>> -> memref<65536x256xf32, #tpu.memory_space<hbm>>
      tpu.wait_indirect_dma semaphore(%arg15 : memref<!tpu.dma_semaphore, #tpu.memory_space<semaphore_mem>>) src(%dma_wait3A_768 : memref<65536x256xf32, #tpu.memory_space<hbm>>) dst(%dma_wait3A_765 : memref<16x256xf32, #tpu.memory_space<vmem>>)
      %dma_wait3A_769 = arith.constant 96 : i32
      %dma_wait3A_770 = arith.constant 0 : i32
      %dma_wait3A_771 = tpu.memref_slice %arg11[%dma_wait3A_769, %dma_wait3A_770] : memref<128x256xf32, #tpu.memory_space<vmem>> -> memref<16x256xf32, #tpu.memory_space<vmem>>
      %dma_wait3A_772 = arith.constant 0 : i32
      %dma_wait3A_773 = arith.constant 0 : i32
      %dma_wait3A_774 = tpu.memref_slice %arg2[%dma_wait3A_772, %dma_wait3A_773] : memref<65536x256xf32, #tpu.memory_space<hbm>> -> memref<65536x256xf32, #tpu.memory_space<hbm>>
      tpu.wait_indirect_dma semaphore(%arg15 : memref<!tpu.dma_semaphore, #tpu.memory_space<semaphore_mem>>) src(%dma_wait3A_774 : memref<65536x256xf32, #tpu.memory_space<hbm>>) dst(%dma_wait3A_771 : memref<16x256xf32, #tpu.memory_space<vmem>>)
      %dma_wait3A_775 = arith.constant 112 : i32
      %dma_wait3A_776 = arith.constant 0 : i32
      %dma_wait3A_777 = tpu.memref_slice %arg11[%dma_wait3A_775, %dma_wait3A_776] : memref<128x256xf32, #tpu.memory_space<vmem>> -> memref<16x256xf32, #tpu.memory_space<vmem>>
      %dma_wait3A_778 = arith.constant 0 : i32
      %dma_wait3A_779 = arith.constant 0 : i32
      %dma_wait3A_780 = tpu.memref_slice %arg2[%dma_wait3A_778, %dma_wait3A_779] : memref<65536x256xf32, #tpu.memory_space<hbm>> -> memref<65536x256xf32, #tpu.memory_space<hbm>>
      tpu.wait_indirect_dma semaphore(%arg15 : memref<!tpu.dma_semaphore, #tpu.memory_space<semaphore_mem>>) src(%dma_wait3A_780 : memref<65536x256xf32, #tpu.memory_space<hbm>>) dst(%dma_wait3A_777 : memref<16x256xf32, #tpu.memory_space<vmem>>)
      %scan3A_781 = arith.constant 0 : i32
      %scan3A_782 = arith.constant 0 : i32
      %scan3A_783 = arith.constant 8 : i32
      %scan3A_784 = arith.addi %scan3A_782, %scan3A_783 : i32
      %scan3A_785 = arith.constant 1 : i32
      %scan3A_786 = scf.for %scan3A_1803 = %scan3A_782 to %scan3A_784 step %scan3A_785 iter_args(%scan3A_1804 = %scan3A_781) -> (i32)  : i32 {
        %mul3A_1805 = arith.constant 16 : i32
        %mul3A_1806 = arith.muli %scan3A_1803, %mul3A_1805 : i32
        %add3A_1807 = arith.constant 0 : i32
        %add3A_1808 = arith.addi %add3A_1807, %mul3A_1806 : i32
        %mul3A_1809 = arith.constant 16 : i32
        %mul3A_1810 = arith.muli %scan3A_1803, %mul3A_1809 : i32
        %get3A_1811 = arith.index_cast %mul3A_1810 : i32 to index
        %get3A_1812 = arith.constant 0 : index
        %get3A_1813 = tpu.vector_load %arg11[%get3A_1811, %get3A_1812] {strides = array<i32>} : memref<128x256xf32, #tpu.memory_space<vmem>>, vector<16xf32>,
        %mul3A_1814 = arith.constant 16 : i32
        %mul3A_1815 = arith.muli %scan3A_1803, %mul3A_1814 : i32
        %get3A_1816 = arith.index_cast %mul3A_1815 : i32 to index
        %get3A_1817 = arith.constant 16 : index
        %get3A_1818 = tpu.vector_load %arg11[%get3A_1816, %get3A_1817] {strides = array<i32>} : memref<128x256xf32, #tpu.memory_space<vmem>>, vector<16xf32>,
        %mul3A_1819 = arith.constant 16 : i32
        %mul3A_1820 = arith.muli %scan3A_1803, %mul3A_1819 : i32
        %get3A_1821 = arith.index_cast %mul3A_1820 : i32 to index
        %get3A_1822 = arith.constant 32 : index
        %get3A_1823 = tpu.vector_load %arg11[%get3A_1821, %get3A_1822] {strides = array<i32>} : memref<128x256xf32, #tpu.memory_space<vmem>>, vector<16xf32>,
        %mul3A_1824 = arith.constant 16 : i32
        %mul3A_1825 = arith.muli %scan3A_1803, %mul3A_1824 : i32
        %get3A_1826 = arith.index_cast %mul3A_1825 : i32 to index
        %get3A_1827 = arith.constant 48 : index
        %get3A_1828 = tpu.vector_load %arg11[%get3A_1826, %get3A_1827] {strides = array<i32>} : memref<128x256xf32, #tpu.memory_space<vmem>>, vector<16xf32>,
        %mul3A_1829 = arith.constant 16 : i32
        %mul3A_1830 = arith.muli %scan3A_1803, %mul3A_1829 : i32
        %get3A_1831 = arith.index_cast %mul3A_1830 : i32 to index
        %get3A_1832 = arith.constant 64 : index
        %get3A_1833 = tpu.vector_load %arg11[%get3A_1831, %get3A_1832] {strides = array<i32>} : memref<128x256xf32, #tpu.memory_space<vmem>>, vector<16xf32>,
        %mul3A_1834 = arith.constant 16 : i32
        %mul3A_1835 = arith.muli %scan3A_1803, %mul3A_1834 : i32
        %get3A_1836 = arith.index_cast %mul3A_1835 : i32 to index
        %get3A_1837 = arith.constant 80 : index
        %get3A_1838 = tpu.vector_load %arg11[%get3A_1836, %get3A_1837] {strides = array<i32>} : memref<128x256xf32, #tpu.memory_space<vmem>>, vector<16xf32>,
        %mul3A_1839 = arith.constant 16 : i32
        %mul3A_1840 = arith.muli %scan3A_1803, %mul3A_1839 : i32
        %get3A_1841 = arith.index_cast %mul3A_1840 : i32 to index
        %get3A_1842 = arith.constant 96 : index
        %get3A_1843 = tpu.vector_load %arg11[%get3A_1841, %get3A_1842] {strides = array<i32>} : memref<128x256xf32, #tpu.memory_space<vmem>>, vector<16xf32>,
        %mul3A_1844 = arith.constant 16 : i32
        %mul3A_1845 = arith.muli %scan3A_1803, %mul3A_1844 : i32
        %get3A_1846 = arith.index_cast %mul3A_1845 : i32 to index
        %get3A_1847 = arith.constant 112 : index
        %get3A_1848 = tpu.vector_load %arg11[%get3A_1846, %get3A_1847] {strides = array<i32>} : memref<128x256xf32, #tpu.memory_space<vmem>>, vector<16xf32>,
        %mul3A_1849 = arith.constant 16 : i32
        %mul3A_1850 = arith.muli %scan3A_1803, %mul3A_1849 : i32
        %get3A_1851 = arith.index_cast %mul3A_1850 : i32 to index
        %get3A_1852 = arith.constant 128 : index
        %get3A_1853 = tpu.vector_load %arg11[%get3A_1851, %get3A_1852] {strides = array<i32>} : memref<128x256xf32, #tpu.memory_space<vmem>>, vector<16xf32>,
        %mul3A_1854 = arith.constant 16 : i32
        %mul3A_1855 = arith.muli %scan3A_1803, %mul3A_1854 : i32
        %get3A_1856 = arith.index_cast %mul3A_1855 : i32 to index
        %get3A_1857 = arith.constant 144 : index
        %get3A_1858 = tpu.vector_load %arg11[%get3A_1856, %get3A_1857] {strides = array<i32>} : memref<128x256xf32, #tpu.memory_space<vmem>>, vector<16xf32>,
        %mul3A_1859 = arith.constant 16 : i32
        %mul3A_1860 = arith.muli %scan3A_1803, %mul3A_1859 : i32
        %get3A_1861 = arith.index_cast %mul3A_1860 : i32 to index
        %get3A_1862 = arith.constant 160 : index
        %get3A_1863 = tpu.vector_load %arg11[%get3A_1861, %get3A_1862] {strides = array<i32>} : memref<128x256xf32, #tpu.memory_space<vmem>>, vector<16xf32>,
        %mul3A_1864 = arith.constant 16 : i32
        %mul3A_1865 = arith.muli %scan3A_1803, %mul3A_1864 : i32
        %get3A_1866 = arith.index_cast %mul3A_1865 : i32 to index
        %get3A_1867 = arith.constant 176 : index
        %get3A_1868 = tpu.vector_load %arg11[%get3A_1866, %get3A_1867] {strides = array<i32>} : memref<128x256xf32, #tpu.memory_space<vmem>>, vector<16xf32>,
        %mul3A_1869 = arith.constant 16 : i32
        %mul3A_1870 = arith.muli %scan3A_1803, %mul3A_1869 : i32
        %get3A_1871 = arith.index_cast %mul3A_1870 : i32 to index
        %get3A_1872 = arith.constant 192 : index
        %get3A_1873 = tpu.vector_load %arg11[%get3A_1871, %get3A_1872] {strides = array<i32>} : memref<128x256xf32, #tpu.memory_space<vmem>>, vector<16xf32>,
        %mul3A_1874 = arith.constant 16 : i32
        %mul3A_1875 = arith.muli %scan3A_1803, %mul3A_1874 : i32
        %get3A_1876 = arith.index_cast %mul3A_1875 : i32 to index
        %get3A_1877 = arith.constant 208 : index
        %get3A_1878 = tpu.vector_load %arg11[%get3A_1876, %get3A_1877] {strides = array<i32>} : memref<128x256xf32, #tpu.memory_space<vmem>>, vector<16xf32>,
        %mul3A_1879 = arith.constant 16 : i32
        %mul3A_1880 = arith.muli %scan3A_1803, %mul3A_1879 : i32
        %get3A_1881 = arith.index_cast %mul3A_1880 : i32 to index
        %get3A_1882 = arith.constant 224 : index
        %get3A_1883 = tpu.vector_load %arg11[%get3A_1881, %get3A_1882] {strides = array<i32>} : memref<128x256xf32, #tpu.memory_space<vmem>>, vector<16xf32>,
        %mul3A_1884 = arith.constant 16 : i32
        %mul3A_1885 = arith.muli %scan3A_1803, %mul3A_1884 : i32
        %get3A_1886 = arith.index_cast %mul3A_1885 : i32 to index
        %get3A_1887 = arith.constant 240 : index
        %get3A_1888 = tpu.vector_load %arg11[%get3A_1886, %get3A_1887] {strides = array<i32>} : memref<128x256xf32, #tpu.memory_space<vmem>>, vector<16xf32>,
        %add3A_1889 = arith.constant 0 : i32
        %add3A_1890 = arith.addi %add3A_1889, %scan3A_1803 : i32
        %mul3A_1891 = arith.constant 256 : i32
        %mul3A_1892 = arith.muli %add3A_1890, %mul3A_1891 : i32
        %add3A_1893 = arith.constant 0 : i32
        %add3A_1894 = arith.addi %mul3A_1892, %add3A_1893 : i32
        %swap3A_1895 = arith.index_cast %add3A_1894 : i32 to index
        %swap3A_1896 = tpu.vector_load %arg14[%swap3A_1895] {strides = array<i32>} : memref<12544xf32, #tpu.memory_space<vmem>>, vector<16xf32>,
        tpu.vector_store %arg14[%swap3A_1895], %get3A_1813 {strides = array<i32>} : memref<12544xf32, #tpu.memory_space<vmem>>, vector<16xf32>,
        %add3A_1897 = arith.constant 16 : i32
        %add3A_1898 = arith.addi %mul3A_1892, %add3A_1897 : i32
        %swap3A_1899 = arith.index_cast %add3A_1898 : i32 to index
        %swap3A_1900 = tpu.vector_load %arg14[%swap3A_1899] {strides = array<i32>} : memref<12544xf32, #tpu.memory_space<vmem>>, vector<16xf32>,
        tpu.vector_store %arg14[%swap3A_1899], %get3A_1818 {strides = array<i32>} : memref<12544xf32, #tpu.memory_space<vmem>>, vector<16xf32>,
        %add3A_1901 = arith.constant 32 : i32
        %add3A_1902 = arith.addi %mul3A_1892, %add3A_1901 : i32
        %swap3A_1903 = arith.index_cast %add3A_1902 : i32 to index
        %swap3A_1904 = tpu.vector_load %arg14[%swap3A_1903] {strides = array<i32>} : memref<12544xf32, #tpu.memory_space<vmem>>, vector<16xf32>,
        tpu.vector_store %arg14[%swap3A_1903], %get3A_1823 {strides = array<i32>} : memref<12544xf32, #tpu.memory_space<vmem>>, vector<16xf32>,
        %add3A_1905 = arith.constant 48 : i32
        %add3A_1906 = arith.addi %mul3A_1892, %add3A_1905 : i32
        %swap3A_1907 = arith.index_cast %add3A_1906 : i32 to index
        %swap3A_1908 = tpu.vector_load %arg14[%swap3A_1907] {strides = array<i32>} : memref<12544xf32, #tpu.memory_space<vmem>>, vector<16xf32>,
        tpu.vector_store %arg14[%swap3A_1907], %get3A_1828 {strides = array<i32>} : memref<12544xf32, #tpu.memory_space<vmem>>, vector<16xf32>,
        %add3A_1909 = arith.constant 64 : i32
        %add3A_1910 = arith.addi %mul3A_1892, %add3A_1909 : i32
        %swap3A_1911 = arith.index_cast %add3A_1910 : i32 to index
        %swap3A_1912 = tpu.vector_load %arg14[%swap3A_1911] {strides = array<i32>} : memref<12544xf32, #tpu.memory_space<vmem>>, vector<16xf32>,
        tpu.vector_store %arg14[%swap3A_1911], %get3A_1833 {strides = array<i32>} : memref<12544xf32, #tpu.memory_space<vmem>>, vector<16xf32>,
        %add3A_1913 = arith.constant 80 : i32
        %add3A_1914 = arith.addi %mul3A_1892, %add3A_1913 : i32
        %swap3A_1915 = arith.index_cast %add3A_1914 : i32 to index
        %swap3A_1916 = tpu.vector_load %arg14[%swap3A_1915] {strides = array<i32>} : memref<12544xf32, #tpu.memory_space<vmem>>, vector<16xf32>,
        tpu.vector_store %arg14[%swap3A_1915], %get3A_1838 {strides = array<i32>} : memref<12544xf32, #tpu.memory_space<vmem>>, vector<16xf32>,
        %add3A_1917 = arith.constant 96 : i32
        %add3A_1918 = arith.addi %mul3A_1892, %add3A_1917 : i32
        %swap3A_1919 = arith.index_cast %add3A_1918 : i32 to index
        %swap3A_1920 = tpu.vector_load %arg14[%swap3A_1919] {strides = array<i32>} : memref<12544xf32, #tpu.memory_space<vmem>>, vector<16xf32>,
        tpu.vector_store %arg14[%swap3A_1919], %get3A_1843 {strides = array<i32>} : memref<12544xf32, #tpu.memory_space<vmem>>, vector<16xf32>,
        %add3A_1921 = arith.constant 112 : i32
        %add3A_1922 = arith.addi %mul3A_1892, %add3A_1921 : i32
        %swap3A_1923 = arith.index_cast %add3A_1922 : i32 to index
        %swap3A_1924 = tpu.vector_load %arg14[%swap3A_1923] {strides = array<i32>} : memref<12544xf32, #tpu.memory_space<vmem>>, vector<16xf32>,
        tpu.vector_store %arg14[%swap3A_1923], %get3A_1848 {strides = array<i32>} : memref<12544xf32, #tpu.memory_space<vmem>>, vector<16xf32>,
        %add3A_1925 = arith.constant 128 : i32
        %add3A_1926 = arith.addi %mul3A_1892, %add3A_1925 : i32
        %swap3A_1927 = arith.index_cast %add3A_1926 : i32 to index
        %swap3A_1928 = tpu.vector_load %arg14[%swap3A_1927] {strides = array<i32>} : memref<12544xf32, #tpu.memory_space<vmem>>, vector<16xf32>,
        tpu.vector_store %arg14[%swap3A_1927], %get3A_1853 {strides = array<i32>} : memref<12544xf32, #tpu.memory_space<vmem>>, vector<16xf32>,
        %add3A_1929 = arith.constant 144 : i32
        %add3A_1930 = arith.addi %mul3A_1892, %add3A_1929 : i32
        %swap3A_1931 = arith.index_cast %add3A_1930 : i32 to index
        %swap3A_1932 = tpu.vector_load %arg14[%swap3A_1931] {strides = array<i32>} : memref<12544xf32, #tpu.memory_space<vmem>>, vector<16xf32>,
        tpu.vector_store %arg14[%swap3A_1931], %get3A_1858 {strides = array<i32>} : memref<12544xf32, #tpu.memory_space<vmem>>, vector<16xf32>,
        %add3A_1933 = arith.constant 160 : i32
        %add3A_1934 = arith.addi %mul3A_1892, %add3A_1933 : i32
        %swap3A_1935 = arith.index_cast %add3A_1934 : i32 to index
        %swap3A_1936 = tpu.vector_load %arg14[%swap3A_1935] {strides = array<i32>} : memref<12544xf32, #tpu.memory_space<vmem>>, vector<16xf32>,
        tpu.vector_store %arg14[%swap3A_1935], %get3A_1863 {strides = array<i32>} : memref<12544xf32, #tpu.memory_space<vmem>>, vector<16xf32>,
        %add3A_1937 = arith.constant 176 : i32
        %add3A_1938 = arith.addi %mul3A_1892, %add3A_1937 : i32
        %swap3A_1939 = arith.index_cast %add3A_1938 : i32 to index
        %swap3A_1940 = tpu.vector_load %arg14[%swap3A_1939] {strides = array<i32>} : memref<12544xf32, #tpu.memory_space<vmem>>, vector<16xf32>,
        tpu.vector_store %arg14[%swap3A_1939], %get3A_1868 {strides = array<i32>} : memref<12544xf32, #tpu.memory_space<vmem>>, vector<16xf32>,
        %add3A_1941 = arith.constant 192 : i32
        %add3A_1942 = arith.addi %mul3A_1892, %add3A_1941 : i32
        %swap3A_1943 = arith.index_cast %add3A_1942 : i32 to index
        %swap3A_1944 = tpu.vector_load %arg14[%swap3A_1943] {strides = array<i32>} : memref<12544xf32, #tpu.memory_space<vmem>>, vector<16xf32>,
        tpu.vector_store %arg14[%swap3A_1943], %get3A_1873 {strides = array<i32>} : memref<12544xf32, #tpu.memory_space<vmem>>, vector<16xf32>,
        %add3A_1945 = arith.constant 208 : i32
        %add3A_1946 = arith.addi %mul3A_1892, %add3A_1945 : i32
        %swap3A_1947 = arith.index_cast %add3A_1946 : i32 to index
        %swap3A_1948 = tpu.vector_load %arg14[%swap3A_1947] {strides = array<i32>} : memref<12544xf32, #tpu.memory_space<vmem>>, vector<16xf32>,
        tpu.vector_store %arg14[%swap3A_1947], %get3A_1878 {strides = array<i32>} : memref<12544xf32, #tpu.memory_space<vmem>>, vector<16xf32>,
        %add3A_1949 = arith.constant 224 : i32
        %add3A_1950 = arith.addi %mul3A_1892, %add3A_1949 : i32
        %swap3A_1951 = arith.index_cast %add3A_1950 : i32 to index
        %swap3A_1952 = tpu.vector_load %arg14[%swap3A_1951] {strides = array<i32>} : memref<12544xf32, #tpu.memory_space<vmem>>, vector<16xf32>,
        tpu.vector_store %arg14[%swap3A_1951], %get3A_1883 {strides = array<i32>} : memref<12544xf32, #tpu.memory_space<vmem>>, vector<16xf32>,
        %add3A_1953 = arith.constant 240 : i32
        %add3A_1954 = arith.addi %mul3A_1892, %add3A_1953 : i32
        %swap3A_1955 = arith.index_cast %add3A_1954 : i32 to index
        %swap3A_1956 = tpu.vector_load %arg14[%swap3A_1955] {strides = array<i32>} : memref<12544xf32, #tpu.memory_space<vmem>>, vector<16xf32>,
        tpu.vector_store %arg14[%swap3A_1955], %get3A_1888 {strides = array<i32>} : memref<12544xf32, #tpu.memory_space<vmem>>, vector<16xf32>,
        %scan3A_1957 = arith.constant 0 : i32
        scf.yield %scan3A_1957 : i32
      }
      %scan3A_787 = arith.constant 8 : i32
      %add3A_788 = arith.constant 6 : i32
      %add3A_789 = vector.broadcast %add3A_788 : i32 to vector<16xi32>
      %add3A_790 = arith.addi %add3A_25, %add3A_789 : vector<16xi32>
      %add3A_791 = arith.constant 6 : i32
      %add3A_792 = vector.broadcast %add3A_791 : i32 to vector<16xi32>
      %add3A_793 = arith.addi %add3A_29, %add3A_792 : vector<16xi32>
      %gather3A_794 = tpu.vector_load_idx %arg6[%add3A_790] : memref<32xi32, #tpu.memory_space<vmem>>[vector<16xi32>], vector<16xi32>,
      %gather3A_795 = tpu.vector_load_idx %arg8[%add3A_793] : memref<32xi32, #tpu.memory_space<vmem>>[vector<16xi32>], vector<16xi32>,
      %add3A_796 = arith.addi %gather3A_794, %gather3A_795 : vector<16xi32>
      %gather3A_797 = tpu.vector_load_idx %arg7[%add3A_790] : memref<32xf32, #tpu.memory_space<vmem>>[vector<16xi32>], vector<16xf32>,
      %gather3A_798 = tpu.vector_load_idx %arg9[%add3A_793] : memref<32xf32, #tpu.memory_space<vmem>>[vector<16xi32>], vector<16xf32>,
      %mul3A_799 = arith.mulf %gather3A_797, %gather3A_798 : vector<16xf32>
      %mul3A_800 = arith.constant 2.500000e-01 : f32
      %mul3A_801 = vector.broadcast %mul3A_800 : f32 to vector<16xf32>
      %mul3A_802 = arith.mulf %mul3A_799, %mul3A_801 : vector<16xf32>
      %swap3A_803 = arith.constant 0 : index
      %swap3A_804 = tpu.vector_load %arg10[%swap3A_803] {strides = array<i32>} : memref<384xf32, #tpu.memory_space<vmem>>, vector<16xf32>,
      tpu.vector_store %arg10[%swap3A_803], %mul3A_802 {strides = array<i32>} : memref<384xf32, #tpu.memory_space<vmem>>, vector<16xf32>,
      %dma_start3A_805 = arith.constant 0 : i32
      %dma_start3A_806 = arith.constant 0 : i32
      %dma_start3A_807 = tpu.memref_slice %arg11[%dma_start3A_805, %dma_start3A_806] : memref<128x256xf32, #tpu.memory_space<vmem>> -> memref<16x256xf32, #tpu.memory_space<vmem>>
      %dma_start3A_808 = arith.constant 0 : i32
      %dma_start3A_809 = arith.constant 0 : i32
      %dma_start3A_810 = tpu.memref_slice %arg2[%dma_start3A_808, %dma_start3A_809] : memref<65536x256xf32, #tpu.memory_space<hbm>> -> memref<65536x256xf32, #tpu.memory_space<hbm>>
      tpu.enqueue_indirect_dma source(%dma_start3A_810 : memref<65536x256xf32, #tpu.memory_space<hbm>>) target(%dma_start3A_807 : memref<16x256xf32, #tpu.memory_space<vmem>>) offsets(%add3A_796 : vector<16xi32>) semaphore(%arg15 : memref<!tpu.dma_semaphore, #tpu.memory_space<semaphore_mem>>)
      %add3A_811 = arith.constant 6 : i32
      %add3A_812 = vector.broadcast %add3A_811 : i32 to vector<16xi32>
      %add3A_813 = arith.addi %add3A_25, %add3A_812 : vector<16xi32>
      %add3A_814 = arith.constant 8 : i32
      %add3A_815 = vector.broadcast %add3A_814 : i32 to vector<16xi32>
      %add3A_816 = arith.addi %add3A_29, %add3A_815 : vector<16xi32>
      %gather3A_817 = tpu.vector_load_idx %arg6[%add3A_813] : memref<32xi32, #tpu.memory_space<vmem>>[vector<16xi32>], vector<16xi32>,
      %gather3A_818 = tpu.vector_load_idx %arg8[%add3A_816] : memref<32xi32, #tpu.memory_space<vmem>>[vector<16xi32>], vector<16xi32>,
      %add3A_819 = arith.addi %gather3A_817, %gather3A_818 : vector<16xi32>
      %gather3A_820 = tpu.vector_load_idx %arg7[%add3A_813] : memref<32xf32, #tpu.memory_space<vmem>>[vector<16xi32>], vector<16xf32>,
      %gather3A_821 = tpu.vector_load_idx %arg9[%add3A_816] : memref<32xf32, #tpu.memory_space<vmem>>[vector<16xi32>], vector<16xf32>,
      %mul3A_822 = arith.mulf %gather3A_820, %gather3A_821 : vector<16xf32>
      %mul3A_823 = arith.constant 2.500000e-01 : f32
      %mul3A_824 = vector.broadcast %mul3A_823 : f32 to vector<16xf32>
      %mul3A_825 = arith.mulf %mul3A_822, %mul3A_824 : vector<16xf32>
      %swap3A_826 = arith.constant 16 : index
      %swap3A_827 = tpu.vector_load %arg10[%swap3A_826] {strides = array<i32>} : memref<384xf32, #tpu.memory_space<vmem>>, vector<16xf32>,
      tpu.vector_store %arg10[%swap3A_826], %mul3A_825 {strides = array<i32>} : memref<384xf32, #tpu.memory_space<vmem>>, vector<16xf32>,
      %dma_start3A_828 = arith.constant 16 : i32
      %dma_start3A_829 = arith.constant 0 : i32
      %dma_start3A_830 = tpu.memref_slice %arg11[%dma_start3A_828, %dma_start3A_829] : memref<128x256xf32, #tpu.memory_space<vmem>> -> memref<16x256xf32, #tpu.memory_space<vmem>>
      %dma_start3A_831 = arith.constant 0 : i32
      %dma_start3A_832 = arith.constant 0 : i32
      %dma_start3A_833 = tpu.memref_slice %arg2[%dma_start3A_831, %dma_start3A_832] : memref<65536x256xf32, #tpu.memory_space<hbm>> -> memref<65536x256xf32, #tpu.memory_space<hbm>>
      tpu.enqueue_indirect_dma source(%dma_start3A_833 : memref<65536x256xf32, #tpu.memory_space<hbm>>) target(%dma_start3A_830 : memref<16x256xf32, #tpu.memory_space<vmem>>) offsets(%add3A_819 : vector<16xi32>) semaphore(%arg15 : memref<!tpu.dma_semaphore, #tpu.memory_space<semaphore_mem>>)
      %add3A_834 = arith.constant 6 : i32
      %add3A_835 = vector.broadcast %add3A_834 : i32 to vector<16xi32>
      %add3A_836 = arith.addi %add3A_25, %add3A_835 : vector<16xi32>
      %add3A_837 = arith.constant 10 : i32
      %add3A_838 = vector.broadcast %add3A_837 : i32 to vector<16xi32>
      %add3A_839 = arith.addi %add3A_29, %add3A_838 : vector<16xi32>
      %gather3A_840 = tpu.vector_load_idx %arg6[%add3A_836] : memref<32xi32, #tpu.memory_space<vmem>>[vector<16xi32>], vector<16xi32>,
      %gather3A_841 = tpu.vector_load_idx %arg8[%add3A_839] : memref<32xi32, #tpu.memory_space<vmem>>[vector<16xi32>], vector<16xi32>,
      %add3A_842 = arith.addi %gather3A_840, %gather3A_841 : vector<16xi32>
      %gather3A_843 = tpu.vector_load_idx %arg7[%add3A_836] : memref<32xf32, #tpu.memory_space<vmem>>[vector<16xi32>], vector<16xf32>,
      %gather3A_844 = tpu.vector_load_idx %arg9[%add3A_839] : memref<32xf32, #tpu.memory_space<vmem>>[vector<16xi32>], vector<16xf32>,
      %mul3A_845 = arith.mulf %gather3A_843, %gather3A_844 : vector<16xf32>
      %mul3A_846 = arith.constant 2.500000e-01 : f32
      %mul3A_847 = vector.broadcast %mul3A_846 : f32 to vector<16xf32>
      %mul3A_848 = arith.mulf %mul3A_845, %mul3A_847 : vector<16xf32>
      %swap3A_849 = arith.constant 32 : index
      %swap3A_850 = tpu.vector_load %arg10[%swap3A_849] {strides = array<i32>} : memref<384xf32, #tpu.memory_space<vmem>>, vector<16xf32>,
      tpu.vector_store %arg10[%swap3A_849], %mul3A_848 {strides = array<i32>} : memref<384xf32, #tpu.memory_space<vmem>>, vector<16xf32>,
      %dma_start3A_851 = arith.constant 32 : i32
      %dma_start3A_852 = arith.constant 0 : i32
      %dma_start3A_853 = tpu.memref_slice %arg11[%dma_start3A_851, %dma_start3A_852] : memref<128x256xf32, #tpu.memory_space<vmem>> -> memref<16x256xf32, #tpu.memory_space<vmem>>
      %dma_start3A_854 = arith.constant 0 : i32
      %dma_start3A_855 = arith.constant 0 : i32
      %dma_start3A_856 = tpu.memref_slice %arg2[%dma_start3A_854, %dma_start3A_855] : memref<65536x256xf32, #tpu.memory_space<hbm>> -> memref<65536x256xf32, #tpu.memory_space<hbm>>
      tpu.enqueue_indirect_dma source(%dma_start3A_856 : memref<65536x256xf32, #tpu.memory_space<hbm>>) target(%dma_start3A_853 : memref<16x256xf32, #tpu.memory_space<vmem>>) offsets(%add3A_842 : vector<16xi32>) semaphore(%arg15 : memref<!tpu.dma_semaphore, #tpu.memory_space<semaphore_mem>>)
      %add3A_857 = arith.constant 6 : i32
      %add3A_858 = vector.broadcast %add3A_857 : i32 to vector<16xi32>
      %add3A_859 = arith.addi %add3A_25, %add3A_858 : vector<16xi32>
      %add3A_860 = arith.constant 12 : i32
      %add3A_861 = vector.broadcast %add3A_860 : i32 to vector<16xi32>
      %add3A_862 = arith.addi %add3A_29, %add3A_861 : vector<16xi32>
      %gather3A_863 = tpu.vector_load_idx %arg6[%add3A_859] : memref<32xi32, #tpu.memory_space<vmem>>[vector<16xi32>], vector<16xi32>,
      %gather3A_864 = tpu.vector_load_idx %arg8[%add3A_862] : memref<32xi32, #tpu.memory_space<vmem>>[vector<16xi32>], vector<16xi32>,
      %add3A_865 = arith.addi %gather3A_863, %gather3A_864 : vector<16xi32>
      %gather3A_866 = tpu.vector_load_idx %arg7[%add3A_859] : memref<32xf32, #tpu.memory_space<vmem>>[vector<16xi32>], vector<16xf32>,
      %gather3A_867 = tpu.vector_load_idx %arg9[%add3A_862] : memref<32xf32, #tpu.memory_space<vmem>>[vector<16xi32>], vector<16xf32>,
      %mul3A_868 = arith.mulf %gather3A_866, %gather3A_867 : vector<16xf32>
      %mul3A_869 = arith.constant 2.500000e-01 : f32
      %mul3A_870 = vector.broadcast %mul3A_869 : f32 to vector<16xf32>
      %mul3A_871 = arith.mulf %mul3A_868, %mul3A_870 : vector<16xf32>
      %swap3A_872 = arith.constant 48 : index
      %swap3A_873 = tpu.vector_load %arg10[%swap3A_872] {strides = array<i32>} : memref<384xf32, #tpu.memory_space<vmem>>, vector<16xf32>,
      tpu.vector_store %arg10[%swap3A_872], %mul3A_871 {strides = array<i32>} : memref<384xf32, #tpu.memory_space<vmem>>, vector<16xf32>,
      %dma_start3A_874 = arith.constant 48 : i32
      %dma_start3A_875 = arith.constant 0 : i32
      %dma_start3A_876 = tpu.memref_slice %arg11[%dma_start3A_874, %dma_start3A_875] : memref<128x256xf32, #tpu.memory_space<vmem>> -> memref<16x256xf32, #tpu.memory_space<vmem>>
      %dma_start3A_877 = arith.constant 0 : i32
      %dma_start3A_878 = arith.constant 0 : i32
      %dma_start3A_879 = tpu.memref_slice %arg2[%dma_start3A_877, %dma_start3A_878] : memref<65536x256xf32, #tpu.memory_space<hbm>> -> memref<65536x256xf32, #tpu.memory_space<hbm>>
      tpu.enqueue_indirect_dma source(%dma_start3A_879 : memref<65536x256xf32, #tpu.memory_space<hbm>>) target(%dma_start3A_876 : memref<16x256xf32, #tpu.memory_space<vmem>>) offsets(%add3A_865 : vector<16xi32>) semaphore(%arg15 : memref<!tpu.dma_semaphore, #tpu.memory_space<semaphore_mem>>)
      %add3A_880 = arith.constant 8 : i32
      %add3A_881 = vector.broadcast %add3A_880 : i32 to vector<16xi32>
      %add3A_882 = arith.addi %add3A_25, %add3A_881 : vector<16xi32>
      %add3A_883 = arith.constant 0 : i32
      %add3A_884 = vector.broadcast %add3A_883 : i32 to vector<16xi32>
      %add3A_885 = arith.addi %add3A_29, %add3A_884 : vector<16xi32>
      %gather3A_886 = tpu.vector_load_idx %arg6[%add3A_882] : memref<32xi32, #tpu.memory_space<vmem>>[vector<16xi32>], vector<16xi32>,
      %gather3A_887 = tpu.vector_load_idx %arg8[%add3A_885] : memref<32xi32, #tpu.memory_space<vmem>>[vector<16xi32>], vector<16xi32>,
      %add3A_888 = arith.addi %gather3A_886, %gather3A_887 : vector<16xi32>
      %gather3A_889 = tpu.vector_load_idx %arg7[%add3A_882] : memref<32xf32, #tpu.memory_space<vmem>>[vector<16xi32>], vector<16xf32>,
      %gather3A_890 = tpu.vector_load_idx %arg9[%add3A_885] : memref<32xf32, #tpu.memory_space<vmem>>[vector<16xi32>], vector<16xf32>,
      %mul3A_891 = arith.mulf %gather3A_889, %gather3A_890 : vector<16xf32>
      %mul3A_892 = arith.constant 2.500000e-01 : f32
      %mul3A_893 = vector.broadcast %mul3A_892 : f32 to vector<16xf32>
      %mul3A_894 = arith.mulf %mul3A_891, %mul3A_893 : vector<16xf32>
      %swap3A_895 = arith.constant 64 : index
      %swap3A_896 = tpu.vector_load %arg10[%swap3A_895] {strides = array<i32>} : memref<384xf32, #tpu.memory_space<vmem>>, vector<16xf32>,
      tpu.vector_store %arg10[%swap3A_895], %mul3A_894 {strides = array<i32>} : memref<384xf32, #tpu.memory_space<vmem>>, vector<16xf32>,
      %dma_start3A_897 = arith.constant 64 : i32
      %dma_start3A_898 = arith.constant 0 : i32
      %dma_start3A_899 = tpu.memref_slice %arg11[%dma_start3A_897, %dma_start3A_898] : memref<128x256xf32, #tpu.memory_space<vmem>> -> memref<16x256xf32, #tpu.memory_space<vmem>>
      %dma_start3A_900 = arith.constant 0 : i32
      %dma_start3A_901 = arith.constant 0 : i32
      %dma_start3A_902 = tpu.memref_slice %arg2[%dma_start3A_900, %dma_start3A_901] : memref<65536x256xf32, #tpu.memory_space<hbm>> -> memref<65536x256xf32, #tpu.memory_space<hbm>>
      tpu.enqueue_indirect_dma source(%dma_start3A_902 : memref<65536x256xf32, #tpu.memory_space<hbm>>) target(%dma_start3A_899 : memref<16x256xf32, #tpu.memory_space<vmem>>) offsets(%add3A_888 : vector<16xi32>) semaphore(%arg15 : memref<!tpu.dma_semaphore, #tpu.memory_space<semaphore_mem>>)
      %add3A_903 = arith.constant 8 : i32
      %add3A_904 = vector.broadcast %add3A_903 : i32 to vector<16xi32>
      %add3A_905 = arith.addi %add3A_25, %add3A_904 : vector<16xi32>
      %add3A_906 = arith.constant 2 : i32
      %add3A_907 = vector.broadcast %add3A_906 : i32 to vector<16xi32>
      %add3A_908 = arith.addi %add3A_29, %add3A_907 : vector<16xi32>
      %gather3A_909 = tpu.vector_load_idx %arg6[%add3A_905] : memref<32xi32, #tpu.memory_space<vmem>>[vector<16xi32>], vector<16xi32>,
      %gather3A_910 = tpu.vector_load_idx %arg8[%add3A_908] : memref<32xi32, #tpu.memory_space<vmem>>[vector<16xi32>], vector<16xi32>,
      %add3A_911 = arith.addi %gather3A_909, %gather3A_910 : vector<16xi32>
      %gather3A_912 = tpu.vector_load_idx %arg7[%add3A_905] : memref<32xf32, #tpu.memory_space<vmem>>[vector<16xi32>], vector<16xf32>,
      %gather3A_913 = tpu.vector_load_idx %arg9[%add3A_908] : memref<32xf32, #tpu.memory_space<vmem>>[vector<16xi32>], vector<16xf32>,
      %mul3A_914 = arith.mulf %gather3A_912, %gather3A_913 : vector<16xf32>
      %mul3A_915 = arith.constant 2.500000e-01 : f32
      %mul3A_916 = vector.broadcast %mul3A_915 : f32 to vector<16xf32>
      %mul3A_917 = arith.mulf %mul3A_914, %mul3A_916 : vector<16xf32>
      %swap3A_918 = arith.constant 80 : index
      %swap3A_919 = tpu.vector_load %arg10[%swap3A_918] {strides = array<i32>} : memref<384xf32, #tpu.memory_space<vmem>>, vector<16xf32>,
      tpu.vector_store %arg10[%swap3A_918], %mul3A_917 {strides = array<i32>} : memref<384xf32, #tpu.memory_space<vmem>>, vector<16xf32>,
      %dma_start3A_920 = arith.constant 80 : i32
      %dma_start3A_921 = arith.constant 0 : i32
      %dma_start3A_922 = tpu.memref_slice %arg11[%dma_start3A_920, %dma_start3A_921] : memref<128x256xf32, #tpu.memory_space<vmem>> -> memref<16x256xf32, #tpu.memory_space<vmem>>
      %dma_start3A_923 = arith.constant 0 : i32
      %dma_start3A_924 = arith.constant 0 : i32
      %dma_start3A_925 = tpu.memref_slice %arg2[%dma_start3A_923, %dma_start3A_924] : memref<65536x256xf32, #tpu.memory_space<hbm>> -> memref<65536x256xf32, #tpu.memory_space<hbm>>
      tpu.enqueue_indirect_dma source(%dma_start3A_925 : memref<65536x256xf32, #tpu.memory_space<hbm>>) target(%dma_start3A_922 : memref<16x256xf32, #tpu.memory_space<vmem>>) offsets(%add3A_911 : vector<16xi32>) semaphore(%arg15 : memref<!tpu.dma_semaphore, #tpu.memory_space<semaphore_mem>>)
      %add3A_926 = arith.constant 8 : i32
      %add3A_927 = vector.broadcast %add3A_926 : i32 to vector<16xi32>
      %add3A_928 = arith.addi %add3A_25, %add3A_927 : vector<16xi32>
      %add3A_929 = arith.constant 4 : i32
      %add3A_930 = vector.broadcast %add3A_929 : i32 to vector<16xi32>
      %add3A_931 = arith.addi %add3A_29, %add3A_930 : vector<16xi32>
      %gather3A_932 = tpu.vector_load_idx %arg6[%add3A_928] : memref<32xi32, #tpu.memory_space<vmem>>[vector<16xi32>], vector<16xi32>,
      %gather3A_933 = tpu.vector_load_idx %arg8[%add3A_931] : memref<32xi32, #tpu.memory_space<vmem>>[vector<16xi32>], vector<16xi32>,
      %add3A_934 = arith.addi %gather3A_932, %gather3A_933 : vector<16xi32>
      %gather3A_935 = tpu.vector_load_idx %arg7[%add3A_928] : memref<32xf32, #tpu.memory_space<vmem>>[vector<16xi32>], vector<16xf32>,
      %gather3A_936 = tpu.vector_load_idx %arg9[%add3A_931] : memref<32xf32, #tpu.memory_space<vmem>>[vector<16xi32>], vector<16xf32>,
      %mul3A_937 = arith.mulf %gather3A_935, %gather3A_936 : vector<16xf32>
      %mul3A_938 = arith.constant 2.500000e-01 : f32
      %mul3A_939 = vector.broadcast %mul3A_938 : f32 to vector<16xf32>
      %mul3A_940 = arith.mulf %mul3A_937, %mul3A_939 : vector<16xf32>
      %swap3A_941 = arith.constant 96 : index
      %swap3A_942 = tpu.vector_load %arg10[%swap3A_941] {strides = array<i32>} : memref<384xf32, #tpu.memory_space<vmem>>, vector<16xf32>,
      tpu.vector_store %arg10[%swap3A_941], %mul3A_940 {strides = array<i32>} : memref<384xf32, #tpu.memory_space<vmem>>, vector<16xf32>,
      %dma_start3A_943 = arith.constant 96 : i32
      %dma_start3A_944 = arith.constant 0 : i32
      %dma_start3A_945 = tpu.memref_slice %arg11[%dma_start3A_943, %dma_start3A_944] : memref<128x256xf32, #tpu.memory_space<vmem>> -> memref<16x256xf32, #tpu.memory_space<vmem>>
      %dma_start3A_946 = arith.constant 0 : i32
      %dma_start3A_947 = arith.constant 0 : i32
      %dma_start3A_948 = tpu.memref_slice %arg2[%dma_start3A_946, %dma_start3A_947] : memref<65536x256xf32, #tpu.memory_space<hbm>> -> memref<65536x256xf32, #tpu.memory_space<hbm>>
      tpu.enqueue_indirect_dma source(%dma_start3A_948 : memref<65536x256xf32, #tpu.memory_space<hbm>>) target(%dma_start3A_945 : memref<16x256xf32, #tpu.memory_space<vmem>>) offsets(%add3A_934 : vector<16xi32>) semaphore(%arg15 : memref<!tpu.dma_semaphore, #tpu.memory_space<semaphore_mem>>)
      %add3A_949 = arith.constant 8 : i32
      %add3A_950 = vector.broadcast %add3A_949 : i32 to vector<16xi32>
      %add3A_951 = arith.addi %add3A_25, %add3A_950 : vector<16xi32>
      %add3A_952 = arith.constant 6 : i32
      %add3A_953 = vector.broadcast %add3A_952 : i32 to vector<16xi32>
      %add3A_954 = arith.addi %add3A_29, %add3A_953 : vector<16xi32>
      %gather3A_955 = tpu.vector_load_idx %arg6[%add3A_951] : memref<32xi32, #tpu.memory_space<vmem>>[vector<16xi32>], vector<16xi32>,
      %gather3A_956 = tpu.vector_load_idx %arg8[%add3A_954] : memref<32xi32, #tpu.memory_space<vmem>>[vector<16xi32>], vector<16xi32>,
      %add3A_957 = arith.addi %gather3A_955, %gather3A_956 : vector<16xi32>
      %gather3A_958 = tpu.vector_load_idx %arg7[%add3A_951] : memref<32xf32, #tpu.memory_space<vmem>>[vector<16xi32>], vector<16xf32>,
      %gather3A_959 = tpu.vector_load_idx %arg9[%add3A_954] : memref<32xf32, #tpu.memory_space<vmem>>[vector<16xi32>], vector<16xf32>,
      %mul3A_960 = arith.mulf %gather3A_958, %gather3A_959 : vector<16xf32>
      %mul3A_961 = arith.constant 2.500000e-01 : f32
      %mul3A_962 = vector.broadcast %mul3A_961 : f32 to vector<16xf32>
      %mul3A_963 = arith.mulf %mul3A_960, %mul3A_962 : vector<16xf32>
      %swap3A_964 = arith.constant 112 : index
      %swap3A_965 = tpu.vector_load %arg10[%swap3A_964] {strides = array<i32>} : memref<384xf32, #tpu.memory_space<vmem>>, vector<16xf32>,
      tpu.vector_store %arg10[%swap3A_964], %mul3A_963 {strides = array<i32>} : memref<384xf32, #tpu.memory_space<vmem>>, vector<16xf32>,
      %dma_start3A_966 = arith.constant 112 : i32
      %dma_start3A_967 = arith.constant 0 : i32
      %dma_start3A_968 = tpu.memref_slice %arg11[%dma_start3A_966, %dma_start3A_967] : memref<128x256xf32, #tpu.memory_space<vmem>> -> memref<16x256xf32, #tpu.memory_space<vmem>>
      %dma_start3A_969 = arith.constant 0 : i32
      %dma_start3A_970 = arith.constant 0 : i32
      %dma_start3A_971 = tpu.memref_slice %arg2[%dma_start3A_969, %dma_start3A_970] : memref<65536x256xf32, #tpu.memory_space<hbm>> -> memref<65536x256xf32, #tpu.memory_space<hbm>>
      tpu.enqueue_indirect_dma source(%dma_start3A_971 : memref<65536x256xf32, #tpu.memory_space<hbm>>) target(%dma_start3A_968 : memref<16x256xf32, #tpu.memory_space<vmem>>) offsets(%add3A_957 : vector<16xi32>) semaphore(%arg15 : memref<!tpu.dma_semaphore, #tpu.memory_space<semaphore_mem>>)
      %dma_wait3A_972 = arith.constant 0 : i32
      %dma_wait3A_973 = arith.constant 0 : i32
      %dma_wait3A_974 = tpu.memref_slice %arg12[%dma_wait3A_972, %dma_wait3A_973] : memref<128x256xf32, #tpu.memory_space<vmem>> -> memref<16x256xf32, #tpu.memory_space<vmem>>
      %dma_wait3A_975 = arith.constant 0 : i32
      %dma_wait3A_976 = arith.constant 0 : i32
      %dma_wait3A_977 = tpu.memref_slice %arg2[%dma_wait3A_975, %dma_wait3A_976] : memref<65536x256xf32, #tpu.memory_space<hbm>> -> memref<65536x256xf32, #tpu.memory_space<hbm>>
      tpu.wait_indirect_dma semaphore(%arg16 : memref<!tpu.dma_semaphore, #tpu.memory_space<semaphore_mem>>) src(%dma_wait3A_977 : memref<65536x256xf32, #tpu.memory_space<hbm>>) dst(%dma_wait3A_974 : memref<16x256xf32, #tpu.memory_space<vmem>>)
      %dma_wait3A_978 = arith.constant 16 : i32
      %dma_wait3A_979 = arith.constant 0 : i32
      %dma_wait3A_980 = tpu.memref_slice %arg12[%dma_wait3A_978, %dma_wait3A_979] : memref<128x256xf32, #tpu.memory_space<vmem>> -> memref<16x256xf32, #tpu.memory_space<vmem>>
      %dma_wait3A_981 = arith.constant 0 : i32
      %dma_wait3A_982 = arith.constant 0 : i32
      %dma_wait3A_983 = tpu.memref_slice %arg2[%dma_wait3A_981, %dma_wait3A_982] : memref<65536x256xf32, #tpu.memory_space<hbm>> -> memref<65536x256xf32, #tpu.memory_space<hbm>>
      tpu.wait_indirect_dma semaphore(%arg16 : memref<!tpu.dma_semaphore, #tpu.memory_space<semaphore_mem>>) src(%dma_wait3A_983 : memref<65536x256xf32, #tpu.memory_space<hbm>>) dst(%dma_wait3A_980 : memref<16x256xf32, #tpu.memory_space<vmem>>)
      %dma_wait3A_984 = arith.constant 32 : i32
      %dma_wait3A_985 = arith.constant 0 : i32
      %dma_wait3A_986 = tpu.memref_slice %arg12[%dma_wait3A_984, %dma_wait3A_985] : memref<128x256xf32, #tpu.memory_space<vmem>> -> memref<16x256xf32, #tpu.memory_space<vmem>>
      %dma_wait3A_987 = arith.constant 0 : i32
      %dma_wait3A_988 = arith.constant 0 : i32
      %dma_wait3A_989 = tpu.memref_slice %arg2[%dma_wait3A_987, %dma_wait3A_988] : memref<65536x256xf32, #tpu.memory_space<hbm>> -> memref<65536x256xf32, #tpu.memory_space<hbm>>
      tpu.wait_indirect_dma semaphore(%arg16 : memref<!tpu.dma_semaphore, #tpu.memory_space<semaphore_mem>>) src(%dma_wait3A_989 : memref<65536x256xf32, #tpu.memory_space<hbm>>) dst(%dma_wait3A_986 : memref<16x256xf32, #tpu.memory_space<vmem>>)
      %dma_wait3A_990 = arith.constant 48 : i32
      %dma_wait3A_991 = arith.constant 0 : i32
      %dma_wait3A_992 = tpu.memref_slice %arg12[%dma_wait3A_990, %dma_wait3A_991] : memref<128x256xf32, #tpu.memory_space<vmem>> -> memref<16x256xf32, #tpu.memory_space<vmem>>
      %dma_wait3A_993 = arith.constant 0 : i32
      %dma_wait3A_994 = arith.constant 0 : i32
      %dma_wait3A_995 = tpu.memref_slice %arg2[%dma_wait3A_993, %dma_wait3A_994] : memref<65536x256xf32, #tpu.memory_space<hbm>> -> memref<65536x256xf32, #tpu.memory_space<hbm>>
      tpu.wait_indirect_dma semaphore(%arg16 : memref<!tpu.dma_semaphore, #tpu.memory_space<semaphore_mem>>) src(%dma_wait3A_995 : memref<65536x256xf32, #tpu.memory_space<hbm>>) dst(%dma_wait3A_992 : memref<16x256xf32, #tpu.memory_space<vmem>>)
      %dma_wait3A_996 = arith.constant 64 : i32
      %dma_wait3A_997 = arith.constant 0 : i32
      %dma_wait3A_998 = tpu.memref_slice %arg12[%dma_wait3A_996, %dma_wait3A_997] : memref<128x256xf32, #tpu.memory_space<vmem>> -> memref<16x256xf32, #tpu.memory_space<vmem>>
      %dma_wait3A_999 = arith.constant 0 : i32
      %dma_wait3A_1000 = arith.constant 0 : i32
      %dma_wait3A_1001 = tpu.memref_slice %arg2[%dma_wait3A_999, %dma_wait3A_1000] : memref<65536x256xf32, #tpu.memory_space<hbm>> -> memref<65536x256xf32, #tpu.memory_space<hbm>>
      tpu.wait_indirect_dma semaphore(%arg16 : memref<!tpu.dma_semaphore, #tpu.memory_space<semaphore_mem>>) src(%dma_wait3A_1001 : memref<65536x256xf32, #tpu.memory_space<hbm>>) dst(%dma_wait3A_998 : memref<16x256xf32, #tpu.memory_space<vmem>>)
      %dma_wait3A_1002 = arith.constant 80 : i32
      %dma_wait3A_1003 = arith.constant 0 : i32
      %dma_wait3A_1004 = tpu.memref_slice %arg12[%dma_wait3A_1002, %dma_wait3A_1003] : memref<128x256xf32, #tpu.memory_space<vmem>> -> memref<16x256xf32, #tpu.memory_space<vmem>>
      %dma_wait3A_1005 = arith.constant 0 : i32
      %dma_wait3A_1006 = arith.constant 0 : i32
      %dma_wait3A_1007 = tpu.memref_slice %arg2[%dma_wait3A_1005, %dma_wait3A_1006] : memref<65536x256xf32, #tpu.memory_space<hbm>> -> memref<65536x256xf32, #tpu.memory_space<hbm>>
      tpu.wait_indirect_dma semaphore(%arg16 : memref<!tpu.dma_semaphore, #tpu.memory_space<semaphore_mem>>) src(%dma_wait3A_1007 : memref<65536x256xf32, #tpu.memory_space<hbm>>) dst(%dma_wait3A_1004 : memref<16x256xf32, #tpu.memory_space<vmem>>)
      %dma_wait3A_1008 = arith.constant 96 : i32
      %dma_wait3A_1009 = arith.constant 0 : i32
      %dma_wait3A_1010 = tpu.memref_slice %arg12[%dma_wait3A_1008, %dma_wait3A_1009] : memref<128x256xf32, #tpu.memory_space<vmem>> -> memref<16x256xf32, #tpu.memory_space<vmem>>
      %dma_wait3A_1011 = arith.constant 0 : i32
      %dma_wait3A_1012 = arith.constant 0 : i32
      %dma_wait3A_1013 = tpu.memref_slice %arg2[%dma_wait3A_1011, %dma_wait3A_1012] : memref<65536x256xf32, #tpu.memory_space<hbm>> -> memref<65536x256xf32, #tpu.memory_space<hbm>>
      tpu.wait_indirect_dma semaphore(%arg16 : memref<!tpu.dma_semaphore, #tpu.memory_space<semaphore_mem>>) src(%dma_wait3A_1013 : memref<65536x256xf32, #tpu.memory_space<hbm>>) dst(%dma_wait3A_1010 : memref<16x256xf32, #tpu.memory_space<vmem>>)
      %dma_wait3A_1014 = arith.constant 112 : i32
      %dma_wait3A_1015 = arith.constant 0 : i32
      %dma_wait3A_1016 = tpu.memref_slice %arg12[%dma_wait3A_1014, %dma_wait3A_1015] : memref<128x256xf32, #tpu.memory_space<vmem>> -> memref<16x256xf32, #tpu.memory_space<vmem>>
      %dma_wait3A_1017 = arith.constant 0 : i32
      %dma_wait3A_1018 = arith.constant 0 : i32
      %dma_wait3A_1019 = tpu.memref_slice %arg2[%dma_wait3A_1017, %dma_wait3A_1018] : memref<65536x256xf32, #tpu.memory_space<hbm>> -> memref<65536x256xf32, #tpu.memory_space<hbm>>
      tpu.wait_indirect_dma semaphore(%arg16 : memref<!tpu.dma_semaphore, #tpu.memory_space<semaphore_mem>>) src(%dma_wait3A_1019 : memref<65536x256xf32, #tpu.memory_space<hbm>>) dst(%dma_wait3A_1016 : memref<16x256xf32, #tpu.memory_space<vmem>>)
      %scan3A_1020 = arith.constant 0 : i32
      %scan3A_1021 = arith.constant 0 : i32
      %scan3A_1022 = arith.constant 8 : i32
      %scan3A_1023 = arith.addi %scan3A_1021, %scan3A_1022 : i32
      %scan3A_1024 = arith.constant 1 : i32
      %scan3A_1025 = scf.for %scan3A_1803 = %scan3A_1021 to %scan3A_1023 step %scan3A_1024 iter_args(%scan3A_1804 = %scan3A_1020) -> (i32)  : i32 {
        %mul3A_1805 = arith.constant 16 : i32
        %mul3A_1806 = arith.muli %scan3A_1803, %mul3A_1805 : i32
        %add3A_1807 = arith.constant 128 : i32
        %add3A_1808 = arith.addi %add3A_1807, %mul3A_1806 : i32
        %mul3A_1809 = arith.constant 16 : i32
        %mul3A_1810 = arith.muli %scan3A_1803, %mul3A_1809 : i32
        %get3A_1811 = arith.index_cast %mul3A_1810 : i32 to index
        %get3A_1812 = arith.constant 0 : index
        %get3A_1813 = tpu.vector_load %arg12[%get3A_1811, %get3A_1812] {strides = array<i32>} : memref<128x256xf32, #tpu.memory_space<vmem>>, vector<16xf32>,
        %mul3A_1814 = arith.constant 16 : i32
        %mul3A_1815 = arith.muli %scan3A_1803, %mul3A_1814 : i32
        %get3A_1816 = arith.index_cast %mul3A_1815 : i32 to index
        %get3A_1817 = arith.constant 16 : index
        %get3A_1818 = tpu.vector_load %arg12[%get3A_1816, %get3A_1817] {strides = array<i32>} : memref<128x256xf32, #tpu.memory_space<vmem>>, vector<16xf32>,
        %mul3A_1819 = arith.constant 16 : i32
        %mul3A_1820 = arith.muli %scan3A_1803, %mul3A_1819 : i32
        %get3A_1821 = arith.index_cast %mul3A_1820 : i32 to index
        %get3A_1822 = arith.constant 32 : index
        %get3A_1823 = tpu.vector_load %arg12[%get3A_1821, %get3A_1822] {strides = array<i32>} : memref<128x256xf32, #tpu.memory_space<vmem>>, vector<16xf32>,
        %mul3A_1824 = arith.constant 16 : i32
        %mul3A_1825 = arith.muli %scan3A_1803, %mul3A_1824 : i32
        %get3A_1826 = arith.index_cast %mul3A_1825 : i32 to index
        %get3A_1827 = arith.constant 48 : index
        %get3A_1828 = tpu.vector_load %arg12[%get3A_1826, %get3A_1827] {strides = array<i32>} : memref<128x256xf32, #tpu.memory_space<vmem>>, vector<16xf32>,
        %mul3A_1829 = arith.constant 16 : i32
        %mul3A_1830 = arith.muli %scan3A_1803, %mul3A_1829 : i32
        %get3A_1831 = arith.index_cast %mul3A_1830 : i32 to index
        %get3A_1832 = arith.constant 64 : index
        %get3A_1833 = tpu.vector_load %arg12[%get3A_1831, %get3A_1832] {strides = array<i32>} : memref<128x256xf32, #tpu.memory_space<vmem>>, vector<16xf32>,
        %mul3A_1834 = arith.constant 16 : i32
        %mul3A_1835 = arith.muli %scan3A_1803, %mul3A_1834 : i32
        %get3A_1836 = arith.index_cast %mul3A_1835 : i32 to index
        %get3A_1837 = arith.constant 80 : index
        %get3A_1838 = tpu.vector_load %arg12[%get3A_1836, %get3A_1837] {strides = array<i32>} : memref<128x256xf32, #tpu.memory_space<vmem>>, vector<16xf32>,
        %mul3A_1839 = arith.constant 16 : i32
        %mul3A_1840 = arith.muli %scan3A_1803, %mul3A_1839 : i32
        %get3A_1841 = arith.index_cast %mul3A_1840 : i32 to index
        %get3A_1842 = arith.constant 96 : index
        %get3A_1843 = tpu.vector_load %arg12[%get3A_1841, %get3A_1842] {strides = array<i32>} : memref<128x256xf32, #tpu.memory_space<vmem>>, vector<16xf32>,
        %mul3A_1844 = arith.constant 16 : i32
        %mul3A_1845 = arith.muli %scan3A_1803, %mul3A_1844 : i32
        %get3A_1846 = arith.index_cast %mul3A_1845 : i32 to index
        %get3A_1847 = arith.constant 112 : index
        %get3A_1848 = tpu.vector_load %arg12[%get3A_1846, %get3A_1847] {strides = array<i32>} : memref<128x256xf32, #tpu.memory_space<vmem>>, vector<16xf32>,
        %mul3A_1849 = arith.constant 16 : i32
        %mul3A_1850 = arith.muli %scan3A_1803, %mul3A_1849 : i32
        %get3A_1851 = arith.index_cast %mul3A_1850 : i32 to index
        %get3A_1852 = arith.constant 128 : index
        %get3A_1853 = tpu.vector_load %arg12[%get3A_1851, %get3A_1852] {strides = array<i32>} : memref<128x256xf32, #tpu.memory_space<vmem>>, vector<16xf32>,
        %mul3A_1854 = arith.constant 16 : i32
        %mul3A_1855 = arith.muli %scan3A_1803, %mul3A_1854 : i32
        %get3A_1856 = arith.index_cast %mul3A_1855 : i32 to index
        %get3A_1857 = arith.constant 144 : index
        %get3A_1858 = tpu.vector_load %arg12[%get3A_1856, %get3A_1857] {strides = array<i32>} : memref<128x256xf32, #tpu.memory_space<vmem>>, vector<16xf32>,
        %mul3A_1859 = arith.constant 16 : i32
        %mul3A_1860 = arith.muli %scan3A_1803, %mul3A_1859 : i32
        %get3A_1861 = arith.index_cast %mul3A_1860 : i32 to index
        %get3A_1862 = arith.constant 160 : index
        %get3A_1863 = tpu.vector_load %arg12[%get3A_1861, %get3A_1862] {strides = array<i32>} : memref<128x256xf32, #tpu.memory_space<vmem>>, vector<16xf32>,
        %mul3A_1864 = arith.constant 16 : i32
        %mul3A_1865 = arith.muli %scan3A_1803, %mul3A_1864 : i32
        %get3A_1866 = arith.index_cast %mul3A_1865 : i32 to index
        %get3A_1867 = arith.constant 176 : index
        %get3A_1868 = tpu.vector_load %arg12[%get3A_1866, %get3A_1867] {strides = array<i32>} : memref<128x256xf32, #tpu.memory_space<vmem>>, vector<16xf32>,
        %mul3A_1869 = arith.constant 16 : i32
        %mul3A_1870 = arith.muli %scan3A_1803, %mul3A_1869 : i32
        %get3A_1871 = arith.index_cast %mul3A_1870 : i32 to index
        %get3A_1872 = arith.constant 192 : index
        %get3A_1873 = tpu.vector_load %arg12[%get3A_1871, %get3A_1872] {strides = array<i32>} : memref<128x256xf32, #tpu.memory_space<vmem>>, vector<16xf32>,
        %mul3A_1874 = arith.constant 16 : i32
        %mul3A_1875 = arith.muli %scan3A_1803, %mul3A_1874 : i32
        %get3A_1876 = arith.index_cast %mul3A_1875 : i32 to index
        %get3A_1877 = arith.constant 208 : index
        %get3A_1878 = tpu.vector_load %arg12[%get3A_1876, %get3A_1877] {strides = array<i32>} : memref<128x256xf32, #tpu.memory_space<vmem>>, vector<16xf32>,
        %mul3A_1879 = arith.constant 16 : i32
        %mul3A_1880 = arith.muli %scan3A_1803, %mul3A_1879 : i32
        %get3A_1881 = arith.index_cast %mul3A_1880 : i32 to index
        %get3A_1882 = arith.constant 224 : index
        %get3A_1883 = tpu.vector_load %arg12[%get3A_1881, %get3A_1882] {strides = array<i32>} : memref<128x256xf32, #tpu.memory_space<vmem>>, vector<16xf32>,
        %mul3A_1884 = arith.constant 16 : i32
        %mul3A_1885 = arith.muli %scan3A_1803, %mul3A_1884 : i32
        %get3A_1886 = arith.index_cast %mul3A_1885 : i32 to index
        %get3A_1887 = arith.constant 240 : index
        %get3A_1888 = tpu.vector_load %arg12[%get3A_1886, %get3A_1887] {strides = array<i32>} : memref<128x256xf32, #tpu.memory_space<vmem>>, vector<16xf32>,
        %add3A_1889 = arith.constant 8 : i32
        %add3A_1890 = arith.addi %add3A_1889, %scan3A_1803 : i32
        %mul3A_1891 = arith.constant 256 : i32
        %mul3A_1892 = arith.muli %add3A_1890, %mul3A_1891 : i32
        %add3A_1893 = arith.constant 0 : i32
        %add3A_1894 = arith.addi %mul3A_1892, %add3A_1893 : i32
        %swap3A_1895 = arith.index_cast %add3A_1894 : i32 to index
        %swap3A_1896 = tpu.vector_load %arg14[%swap3A_1895] {strides = array<i32>} : memref<12544xf32, #tpu.memory_space<vmem>>, vector<16xf32>,
        tpu.vector_store %arg14[%swap3A_1895], %get3A_1813 {strides = array<i32>} : memref<12544xf32, #tpu.memory_space<vmem>>, vector<16xf32>,
        %add3A_1897 = arith.constant 16 : i32
        %add3A_1898 = arith.addi %mul3A_1892, %add3A_1897 : i32
        %swap3A_1899 = arith.index_cast %add3A_1898 : i32 to index
        %swap3A_1900 = tpu.vector_load %arg14[%swap3A_1899] {strides = array<i32>} : memref<12544xf32, #tpu.memory_space<vmem>>, vector<16xf32>,
        tpu.vector_store %arg14[%swap3A_1899], %get3A_1818 {strides = array<i32>} : memref<12544xf32, #tpu.memory_space<vmem>>, vector<16xf32>,
        %add3A_1901 = arith.constant 32 : i32
        %add3A_1902 = arith.addi %mul3A_1892, %add3A_1901 : i32
        %swap3A_1903 = arith.index_cast %add3A_1902 : i32 to index
        %swap3A_1904 = tpu.vector_load %arg14[%swap3A_1903] {strides = array<i32>} : memref<12544xf32, #tpu.memory_space<vmem>>, vector<16xf32>,
        tpu.vector_store %arg14[%swap3A_1903], %get3A_1823 {strides = array<i32>} : memref<12544xf32, #tpu.memory_space<vmem>>, vector<16xf32>,
        %add3A_1905 = arith.constant 48 : i32
        %add3A_1906 = arith.addi %mul3A_1892, %add3A_1905 : i32
        %swap3A_1907 = arith.index_cast %add3A_1906 : i32 to index
        %swap3A_1908 = tpu.vector_load %arg14[%swap3A_1907] {strides = array<i32>} : memref<12544xf32, #tpu.memory_space<vmem>>, vector<16xf32>,
        tpu.vector_store %arg14[%swap3A_1907], %get3A_1828 {strides = array<i32>} : memref<12544xf32, #tpu.memory_space<vmem>>, vector<16xf32>,
        %add3A_1909 = arith.constant 64 : i32
        %add3A_1910 = arith.addi %mul3A_1892, %add3A_1909 : i32
        %swap3A_1911 = arith.index_cast %add3A_1910 : i32 to index
        %swap3A_1912 = tpu.vector_load %arg14[%swap3A_1911] {strides = array<i32>} : memref<12544xf32, #tpu.memory_space<vmem>>, vector<16xf32>,
        tpu.vector_store %arg14[%swap3A_1911], %get3A_1833 {strides = array<i32>} : memref<12544xf32, #tpu.memory_space<vmem>>, vector<16xf32>,
        %add3A_1913 = arith.constant 80 : i32
        %add3A_1914 = arith.addi %mul3A_1892, %add3A_1913 : i32
        %swap3A_1915 = arith.index_cast %add3A_1914 : i32 to index
        %swap3A_1916 = tpu.vector_load %arg14[%swap3A_1915] {strides = array<i32>} : memref<12544xf32, #tpu.memory_space<vmem>>, vector<16xf32>,
        tpu.vector_store %arg14[%swap3A_1915], %get3A_1838 {strides = array<i32>} : memref<12544xf32, #tpu.memory_space<vmem>>, vector<16xf32>,
        %add3A_1917 = arith.constant 96 : i32
        %add3A_1918 = arith.addi %mul3A_1892, %add3A_1917 : i32
        %swap3A_1919 = arith.index_cast %add3A_1918 : i32 to index
        %swap3A_1920 = tpu.vector_load %arg14[%swap3A_1919] {strides = array<i32>} : memref<12544xf32, #tpu.memory_space<vmem>>, vector<16xf32>,
        tpu.vector_store %arg14[%swap3A_1919], %get3A_1843 {strides = array<i32>} : memref<12544xf32, #tpu.memory_space<vmem>>, vector<16xf32>,
        %add3A_1921 = arith.constant 112 : i32
        %add3A_1922 = arith.addi %mul3A_1892, %add3A_1921 : i32
        %swap3A_1923 = arith.index_cast %add3A_1922 : i32 to index
        %swap3A_1924 = tpu.vector_load %arg14[%swap3A_1923] {strides = array<i32>} : memref<12544xf32, #tpu.memory_space<vmem>>, vector<16xf32>,
        tpu.vector_store %arg14[%swap3A_1923], %get3A_1848 {strides = array<i32>} : memref<12544xf32, #tpu.memory_space<vmem>>, vector<16xf32>,
        %add3A_1925 = arith.constant 128 : i32
        %add3A_1926 = arith.addi %mul3A_1892, %add3A_1925 : i32
        %swap3A_1927 = arith.index_cast %add3A_1926 : i32 to index
        %swap3A_1928 = tpu.vector_load %arg14[%swap3A_1927] {strides = array<i32>} : memref<12544xf32, #tpu.memory_space<vmem>>, vector<16xf32>,
        tpu.vector_store %arg14[%swap3A_1927], %get3A_1853 {strides = array<i32>} : memref<12544xf32, #tpu.memory_space<vmem>>, vector<16xf32>,
        %add3A_1929 = arith.constant 144 : i32
        %add3A_1930 = arith.addi %mul3A_1892, %add3A_1929 : i32
        %swap3A_1931 = arith.index_cast %add3A_1930 : i32 to index
        %swap3A_1932 = tpu.vector_load %arg14[%swap3A_1931] {strides = array<i32>} : memref<12544xf32, #tpu.memory_space<vmem>>, vector<16xf32>,
        tpu.vector_store %arg14[%swap3A_1931], %get3A_1858 {strides = array<i32>} : memref<12544xf32, #tpu.memory_space<vmem>>, vector<16xf32>,
        %add3A_1933 = arith.constant 160 : i32
        %add3A_1934 = arith.addi %mul3A_1892, %add3A_1933 : i32
        %swap3A_1935 = arith.index_cast %add3A_1934 : i32 to index
        %swap3A_1936 = tpu.vector_load %arg14[%swap3A_1935] {strides = array<i32>} : memref<12544xf32, #tpu.memory_space<vmem>>, vector<16xf32>,
        tpu.vector_store %arg14[%swap3A_1935], %get3A_1863 {strides = array<i32>} : memref<12544xf32, #tpu.memory_space<vmem>>, vector<16xf32>,
        %add3A_1937 = arith.constant 176 : i32
        %add3A_1938 = arith.addi %mul3A_1892, %add3A_1937 : i32
        %swap3A_1939 = arith.index_cast %add3A_1938 : i32 to index
        %swap3A_1940 = tpu.vector_load %arg14[%swap3A_1939] {strides = array<i32>} : memref<12544xf32, #tpu.memory_space<vmem>>, vector<16xf32>,
        tpu.vector_store %arg14[%swap3A_1939], %get3A_1868 {strides = array<i32>} : memref<12544xf32, #tpu.memory_space<vmem>>, vector<16xf32>,
        %add3A_1941 = arith.constant 192 : i32
        %add3A_1942 = arith.addi %mul3A_1892, %add3A_1941 : i32
        %swap3A_1943 = arith.index_cast %add3A_1942 : i32 to index
        %swap3A_1944 = tpu.vector_load %arg14[%swap3A_1943] {strides = array<i32>} : memref<12544xf32, #tpu.memory_space<vmem>>, vector<16xf32>,
        tpu.vector_store %arg14[%swap3A_1943], %get3A_1873 {strides = array<i32>} : memref<12544xf32, #tpu.memory_space<vmem>>, vector<16xf32>,
        %add3A_1945 = arith.constant 208 : i32
        %add3A_1946 = arith.addi %mul3A_1892, %add3A_1945 : i32
        %swap3A_1947 = arith.index_cast %add3A_1946 : i32 to index
        %swap3A_1948 = tpu.vector_load %arg14[%swap3A_1947] {strides = array<i32>} : memref<12544xf32, #tpu.memory_space<vmem>>, vector<16xf32>,
        tpu.vector_store %arg14[%swap3A_1947], %get3A_1878 {strides = array<i32>} : memref<12544xf32, #tpu.memory_space<vmem>>, vector<16xf32>,
        %add3A_1949 = arith.constant 224 : i32
        %add3A_1950 = arith.addi %mul3A_1892, %add3A_1949 : i32
        %swap3A_1951 = arith.index_cast %add3A_1950 : i32 to index
        %swap3A_1952 = tpu.vector_load %arg14[%swap3A_1951] {strides = array<i32>} : memref<12544xf32, #tpu.memory_space<vmem>>, vector<16xf32>,
        tpu.vector_store %arg14[%swap3A_1951], %get3A_1883 {strides = array<i32>} : memref<12544xf32, #tpu.memory_space<vmem>>, vector<16xf32>,
        %add3A_1953 = arith.constant 240 : i32
        %add3A_1954 = arith.addi %mul3A_1892, %add3A_1953 : i32
        %swap3A_1955 = arith.index_cast %add3A_1954 : i32 to index
        %swap3A_1956 = tpu.vector_load %arg14[%swap3A_1955] {strides = array<i32>} : memref<12544xf32, #tpu.memory_space<vmem>>, vector<16xf32>,
        tpu.vector_store %arg14[%swap3A_1955], %get3A_1888 {strides = array<i32>} : memref<12544xf32, #tpu.memory_space<vmem>>, vector<16xf32>,
        %scan3A_1957 = arith.constant 0 : i32
        scf.yield %scan3A_1957 : i32
      }
      %scan3A_1026 = arith.constant 8 : i32
      %add3A_1027 = arith.constant 8 : i32
      %add3A_1028 = vector.broadcast %add3A_1027 : i32 to vector<16xi32>
      %add3A_1029 = arith.addi %add3A_25, %add3A_1028 : vector<16xi32>
      %add3A_1030 = arith.constant 8 : i32
      %add3A_1031 = vector.broadcast %add3A_1030 : i32 to vector<16xi32>
      %add3A_1032 = arith.addi %add3A_29, %add3A_1031 : vector<16xi32>
      %gather3A_1033 = tpu.vector_load_idx %arg6[%add3A_1029] : memref<32xi32, #tpu.memory_space<vmem>>[vector<16xi32>], vector<16xi32>,
      %gather3A_1034 = tpu.vector_load_idx %arg8[%add3A_1032] : memref<32xi32, #tpu.memory_space<vmem>>[vector<16xi32>], vector<16xi32>,
      %add3A_1035 = arith.addi %gather3A_1033, %gather3A_1034 : vector<16xi32>
      %gather3A_1036 = tpu.vector_load_idx %arg7[%add3A_1029] : memref<32xf32, #tpu.memory_space<vmem>>[vector<16xi32>], vector<16xf32>,
      %gather3A_1037 = tpu.vector_load_idx %arg9[%add3A_1032] : memref<32xf32, #tpu.memory_space<vmem>>[vector<16xi32>], vector<16xf32>,
      %mul3A_1038 = arith.mulf %gather3A_1036, %gather3A_1037 : vector<16xf32>
      %mul3A_1039 = arith.constant 2.500000e-01 : f32
      %mul3A_1040 = vector.broadcast %mul3A_1039 : f32 to vector<16xf32>
      %mul3A_1041 = arith.mulf %mul3A_1038, %mul3A_1040 : vector<16xf32>
      %swap3A_1042 = arith.constant 128 : index
      %swap3A_1043 = tpu.vector_load %arg10[%swap3A_1042] {strides = array<i32>} : memref<384xf32, #tpu.memory_space<vmem>>, vector<16xf32>,
      tpu.vector_store %arg10[%swap3A_1042], %mul3A_1041 {strides = array<i32>} : memref<384xf32, #tpu.memory_space<vmem>>, vector<16xf32>,
      %dma_start3A_1044 = arith.constant 0 : i32
      %dma_start3A_1045 = arith.constant 0 : i32
      %dma_start3A_1046 = tpu.memref_slice %arg12[%dma_start3A_1044, %dma_start3A_1045] : memref<128x256xf32, #tpu.memory_space<vmem>> -> memref<16x256xf32, #tpu.memory_space<vmem>>
      %dma_start3A_1047 = arith.constant 0 : i32
      %dma_start3A_1048 = arith.constant 0 : i32
      %dma_start3A_1049 = tpu.memref_slice %arg2[%dma_start3A_1047, %dma_start3A_1048] : memref<65536x256xf32, #tpu.memory_space<hbm>> -> memref<65536x256xf32, #tpu.memory_space<hbm>>
      tpu.enqueue_indirect_dma source(%dma_start3A_1049 : memref<65536x256xf32, #tpu.memory_space<hbm>>) target(%dma_start3A_1046 : memref<16x256xf32, #tpu.memory_space<vmem>>) offsets(%add3A_1035 : vector<16xi32>) semaphore(%arg16 : memref<!tpu.dma_semaphore, #tpu.memory_space<semaphore_mem>>)
      %add3A_1050 = arith.constant 8 : i32
      %add3A_1051 = vector.broadcast %add3A_1050 : i32 to vector<16xi32>
      %add3A_1052 = arith.addi %add3A_25, %add3A_1051 : vector<16xi32>
      %add3A_1053 = arith.constant 10 : i32
      %add3A_1054 = vector.broadcast %add3A_1053 : i32 to vector<16xi32>
      %add3A_1055 = arith.addi %add3A_29, %add3A_1054 : vector<16xi32>
      %gather3A_1056 = tpu.vector_load_idx %arg6[%add3A_1052] : memref<32xi32, #tpu.memory_space<vmem>>[vector<16xi32>], vector<16xi32>,
      %gather3A_1057 = tpu.vector_load_idx %arg8[%add3A_1055] : memref<32xi32, #tpu.memory_space<vmem>>[vector<16xi32>], vector<16xi32>,
      %add3A_1058 = arith.addi %gather3A_1056, %gather3A_1057 : vector<16xi32>
      %gather3A_1059 = tpu.vector_load_idx %arg7[%add3A_1052] : memref<32xf32, #tpu.memory_space<vmem>>[vector<16xi32>], vector<16xf32>,
      %gather3A_1060 = tpu.vector_load_idx %arg9[%add3A_1055] : memref<32xf32, #tpu.memory_space<vmem>>[vector<16xi32>], vector<16xf32>,
      %mul3A_1061 = arith.mulf %gather3A_1059, %gather3A_1060 : vector<16xf32>
      %mul3A_1062 = arith.constant 2.500000e-01 : f32
      %mul3A_1063 = vector.broadcast %mul3A_1062 : f32 to vector<16xf32>
      %mul3A_1064 = arith.mulf %mul3A_1061, %mul3A_1063 : vector<16xf32>
      %swap3A_1065 = arith.constant 144 : index
      %swap3A_1066 = tpu.vector_load %arg10[%swap3A_1065] {strides = array<i32>} : memref<384xf32, #tpu.memory_space<vmem>>, vector<16xf32>,
      tpu.vector_store %arg10[%swap3A_1065], %mul3A_1064 {strides = array<i32>} : memref<384xf32, #tpu.memory_space<vmem>>, vector<16xf32>,
      %dma_start3A_1067 = arith.constant 16 : i32
      %dma_start3A_1068 = arith.constant 0 : i32
      %dma_start3A_1069 = tpu.memref_slice %arg12[%dma_start3A_1067, %dma_start3A_1068] : memref<128x256xf32, #tpu.memory_space<vmem>> -> memref<16x256xf32, #tpu.memory_space<vmem>>
      %dma_start3A_1070 = arith.constant 0 : i32
      %dma_start3A_1071 = arith.constant 0 : i32
      %dma_start3A_1072 = tpu.memref_slice %arg2[%dma_start3A_1070, %dma_start3A_1071] : memref<65536x256xf32, #tpu.memory_space<hbm>> -> memref<65536x256xf32, #tpu.memory_space<hbm>>
      tpu.enqueue_indirect_dma source(%dma_start3A_1072 : memref<65536x256xf32, #tpu.memory_space<hbm>>) target(%dma_start3A_1069 : memref<16x256xf32, #tpu.memory_space<vmem>>) offsets(%add3A_1058 : vector<16xi32>) semaphore(%arg16 : memref<!tpu.dma_semaphore, #tpu.memory_space<semaphore_mem>>)
      %add3A_1073 = arith.constant 8 : i32
      %add3A_1074 = vector.broadcast %add3A_1073 : i32 to vector<16xi32>
      %add3A_1075 = arith.addi %add3A_25, %add3A_1074 : vector<16xi32>
      %add3A_1076 = arith.constant 12 : i32
      %add3A_1077 = vector.broadcast %add3A_1076 : i32 to vector<16xi32>
      %add3A_1078 = arith.addi %add3A_29, %add3A_1077 : vector<16xi32>
      %gather3A_1079 = tpu.vector_load_idx %arg6[%add3A_1075] : memref<32xi32, #tpu.memory_space<vmem>>[vector<16xi32>], vector<16xi32>,
      %gather3A_1080 = tpu.vector_load_idx %arg8[%add3A_1078] : memref<32xi32, #tpu.memory_space<vmem>>[vector<16xi32>], vector<16xi32>,
      %add3A_1081 = arith.addi %gather3A_1079, %gather3A_1080 : vector<16xi32>
      %gather3A_1082 = tpu.vector_load_idx %arg7[%add3A_1075] : memref<32xf32, #tpu.memory_space<vmem>>[vector<16xi32>], vector<16xf32>,
      %gather3A_1083 = tpu.vector_load_idx %arg9[%add3A_1078] : memref<32xf32, #tpu.memory_space<vmem>>[vector<16xi32>], vector<16xf32>,
      %mul3A_1084 = arith.mulf %gather3A_1082, %gather3A_1083 : vector<16xf32>
      %mul3A_1085 = arith.constant 2.500000e-01 : f32
      %mul3A_1086 = vector.broadcast %mul3A_1085 : f32 to vector<16xf32>
      %mul3A_1087 = arith.mulf %mul3A_1084, %mul3A_1086 : vector<16xf32>
      %swap3A_1088 = arith.constant 160 : index
      %swap3A_1089 = tpu.vector_load %arg10[%swap3A_1088] {strides = array<i32>} : memref<384xf32, #tpu.memory_space<vmem>>, vector<16xf32>,
      tpu.vector_store %arg10[%swap3A_1088], %mul3A_1087 {strides = array<i32>} : memref<384xf32, #tpu.memory_space<vmem>>, vector<16xf32>,
      %dma_start3A_1090 = arith.constant 32 : i32
      %dma_start3A_1091 = arith.constant 0 : i32
      %dma_start3A_1092 = tpu.memref_slice %arg12[%dma_start3A_1090, %dma_start3A_1091] : memref<128x256xf32, #tpu.memory_space<vmem>> -> memref<16x256xf32, #tpu.memory_space<vmem>>
      %dma_start3A_1093 = arith.constant 0 : i32
      %dma_start3A_1094 = arith.constant 0 : i32
      %dma_start3A_1095 = tpu.memref_slice %arg2[%dma_start3A_1093, %dma_start3A_1094] : memref<65536x256xf32, #tpu.memory_space<hbm>> -> memref<65536x256xf32, #tpu.memory_space<hbm>>
      tpu.enqueue_indirect_dma source(%dma_start3A_1095 : memref<65536x256xf32, #tpu.memory_space<hbm>>) target(%dma_start3A_1092 : memref<16x256xf32, #tpu.memory_space<vmem>>) offsets(%add3A_1081 : vector<16xi32>) semaphore(%arg16 : memref<!tpu.dma_semaphore, #tpu.memory_space<semaphore_mem>>)
      %add3A_1096 = arith.constant 10 : i32
      %add3A_1097 = vector.broadcast %add3A_1096 : i32 to vector<16xi32>
      %add3A_1098 = arith.addi %add3A_25, %add3A_1097 : vector<16xi32>
      %add3A_1099 = arith.constant 0 : i32
      %add3A_1100 = vector.broadcast %add3A_1099 : i32 to vector<16xi32>
      %add3A_1101 = arith.addi %add3A_29, %add3A_1100 : vector<16xi32>
      %gather3A_1102 = tpu.vector_load_idx %arg6[%add3A_1098] : memref<32xi32, #tpu.memory_space<vmem>>[vector<16xi32>], vector<16xi32>,
      %gather3A_1103 = tpu.vector_load_idx %arg8[%add3A_1101] : memref<32xi32, #tpu.memory_space<vmem>>[vector<16xi32>], vector<16xi32>,
      %add3A_1104 = arith.addi %gather3A_1102, %gather3A_1103 : vector<16xi32>
      %gather3A_1105 = tpu.vector_load_idx %arg7[%add3A_1098] : memref<32xf32, #tpu.memory_space<vmem>>[vector<16xi32>], vector<16xf32>,
      %gather3A_1106 = tpu.vector_load_idx %arg9[%add3A_1101] : memref<32xf32, #tpu.memory_space<vmem>>[vector<16xi32>], vector<16xf32>,
      %mul3A_1107 = arith.mulf %gather3A_1105, %gather3A_1106 : vector<16xf32>
      %mul3A_1108 = arith.constant 2.500000e-01 : f32
      %mul3A_1109 = vector.broadcast %mul3A_1108 : f32 to vector<16xf32>
      %mul3A_1110 = arith.mulf %mul3A_1107, %mul3A_1109 : vector<16xf32>
      %swap3A_1111 = arith.constant 176 : index
      %swap3A_1112 = tpu.vector_load %arg10[%swap3A_1111] {strides = array<i32>} : memref<384xf32, #tpu.memory_space<vmem>>, vector<16xf32>,
      tpu.vector_store %arg10[%swap3A_1111], %mul3A_1110 {strides = array<i32>} : memref<384xf32, #tpu.memory_space<vmem>>, vector<16xf32>,
      %dma_start3A_1113 = arith.constant 48 : i32
      %dma_start3A_1114 = arith.constant 0 : i32
      %dma_start3A_1115 = tpu.memref_slice %arg12[%dma_start3A_1113, %dma_start3A_1114] : memref<128x256xf32, #tpu.memory_space<vmem>> -> memref<16x256xf32, #tpu.memory_space<vmem>>
      %dma_start3A_1116 = arith.constant 0 : i32
      %dma_start3A_1117 = arith.constant 0 : i32
      %dma_start3A_1118 = tpu.memref_slice %arg2[%dma_start3A_1116, %dma_start3A_1117] : memref<65536x256xf32, #tpu.memory_space<hbm>> -> memref<65536x256xf32, #tpu.memory_space<hbm>>
      tpu.enqueue_indirect_dma source(%dma_start3A_1118 : memref<65536x256xf32, #tpu.memory_space<hbm>>) target(%dma_start3A_1115 : memref<16x256xf32, #tpu.memory_space<vmem>>) offsets(%add3A_1104 : vector<16xi32>) semaphore(%arg16 : memref<!tpu.dma_semaphore, #tpu.memory_space<semaphore_mem>>)
      %add3A_1119 = arith.constant 10 : i32
      %add3A_1120 = vector.broadcast %add3A_1119 : i32 to vector<16xi32>
      %add3A_1121 = arith.addi %add3A_25, %add3A_1120 : vector<16xi32>
      %add3A_1122 = arith.constant 2 : i32
      %add3A_1123 = vector.broadcast %add3A_1122 : i32 to vector<16xi32>
      %add3A_1124 = arith.addi %add3A_29, %add3A_1123 : vector<16xi32>
      %gather3A_1125 = tpu.vector_load_idx %arg6[%add3A_1121] : memref<32xi32, #tpu.memory_space<vmem>>[vector<16xi32>], vector<16xi32>,
      %gather3A_1126 = tpu.vector_load_idx %arg8[%add3A_1124] : memref<32xi32, #tpu.memory_space<vmem>>[vector<16xi32>], vector<16xi32>,
      %add3A_1127 = arith.addi %gather3A_1125, %gather3A_1126 : vector<16xi32>
      %gather3A_1128 = tpu.vector_load_idx %arg7[%add3A_1121] : memref<32xf32, #tpu.memory_space<vmem>>[vector<16xi32>], vector<16xf32>,
      %gather3A_1129 = tpu.vector_load_idx %arg9[%add3A_1124] : memref<32xf32, #tpu.memory_space<vmem>>[vector<16xi32>], vector<16xf32>,
      %mul3A_1130 = arith.mulf %gather3A_1128, %gather3A_1129 : vector<16xf32>
      %mul3A_1131 = arith.constant 2.500000e-01 : f32
      %mul3A_1132 = vector.broadcast %mul3A_1131 : f32 to vector<16xf32>
      %mul3A_1133 = arith.mulf %mul3A_1130, %mul3A_1132 : vector<16xf32>
      %swap3A_1134 = arith.constant 192 : index
      %swap3A_1135 = tpu.vector_load %arg10[%swap3A_1134] {strides = array<i32>} : memref<384xf32, #tpu.memory_space<vmem>>, vector<16xf32>,
      tpu.vector_store %arg10[%swap3A_1134], %mul3A_1133 {strides = array<i32>} : memref<384xf32, #tpu.memory_space<vmem>>, vector<16xf32>,
      %dma_start3A_1136 = arith.constant 64 : i32
      %dma_start3A_1137 = arith.constant 0 : i32
      %dma_start3A_1138 = tpu.memref_slice %arg12[%dma_start3A_1136, %dma_start3A_1137] : memref<128x256xf32, #tpu.memory_space<vmem>> -> memref<16x256xf32, #tpu.memory_space<vmem>>
      %dma_start3A_1139 = arith.constant 0 : i32
      %dma_start3A_1140 = arith.constant 0 : i32
      %dma_start3A_1141 = tpu.memref_slice %arg2[%dma_start3A_1139, %dma_start3A_1140] : memref<65536x256xf32, #tpu.memory_space<hbm>> -> memref<65536x256xf32, #tpu.memory_space<hbm>>
      tpu.enqueue_indirect_dma source(%dma_start3A_1141 : memref<65536x256xf32, #tpu.memory_space<hbm>>) target(%dma_start3A_1138 : memref<16x256xf32, #tpu.memory_space<vmem>>) offsets(%add3A_1127 : vector<16xi32>) semaphore(%arg16 : memref<!tpu.dma_semaphore, #tpu.memory_space<semaphore_mem>>)
      %add3A_1142 = arith.constant 10 : i32
      %add3A_1143 = vector.broadcast %add3A_1142 : i32 to vector<16xi32>
      %add3A_1144 = arith.addi %add3A_25, %add3A_1143 : vector<16xi32>
      %add3A_1145 = arith.constant 4 : i32
      %add3A_1146 = vector.broadcast %add3A_1145 : i32 to vector<16xi32>
      %add3A_1147 = arith.addi %add3A_29, %add3A_1146 : vector<16xi32>
      %gather3A_1148 = tpu.vector_load_idx %arg6[%add3A_1144] : memref<32xi32, #tpu.memory_space<vmem>>[vector<16xi32>], vector<16xi32>,
      %gather3A_1149 = tpu.vector_load_idx %arg8[%add3A_1147] : memref<32xi32, #tpu.memory_space<vmem>>[vector<16xi32>], vector<16xi32>,
      %add3A_1150 = arith.addi %gather3A_1148, %gather3A_1149 : vector<16xi32>
      %gather3A_1151 = tpu.vector_load_idx %arg7[%add3A_1144] : memref<32xf32, #tpu.memory_space<vmem>>[vector<16xi32>], vector<16xf32>,
      %gather3A_1152 = tpu.vector_load_idx %arg9[%add3A_1147] : memref<32xf32, #tpu.memory_space<vmem>>[vector<16xi32>], vector<16xf32>,
      %mul3A_1153 = arith.mulf %gather3A_1151, %gather3A_1152 : vector<16xf32>
      %mul3A_1154 = arith.constant 2.500000e-01 : f32
      %mul3A_1155 = vector.broadcast %mul3A_1154 : f32 to vector<16xf32>
      %mul3A_1156 = arith.mulf %mul3A_1153, %mul3A_1155 : vector<16xf32>
      %swap3A_1157 = arith.constant 208 : index
      %swap3A_1158 = tpu.vector_load %arg10[%swap3A_1157] {strides = array<i32>} : memref<384xf32, #tpu.memory_space<vmem>>, vector<16xf32>,
      tpu.vector_store %arg10[%swap3A_1157], %mul3A_1156 {strides = array<i32>} : memref<384xf32, #tpu.memory_space<vmem>>, vector<16xf32>,
      %dma_start3A_1159 = arith.constant 80 : i32
      %dma_start3A_1160 = arith.constant 0 : i32
      %dma_start3A_1161 = tpu.memref_slice %arg12[%dma_start3A_1159, %dma_start3A_1160] : memref<128x256xf32, #tpu.memory_space<vmem>> -> memref<16x256xf32, #tpu.memory_space<vmem>>
      %dma_start3A_1162 = arith.constant 0 : i32
      %dma_start3A_1163 = arith.constant 0 : i32
      %dma_start3A_1164 = tpu.memref_slice %arg2[%dma_start3A_1162, %dma_start3A_1163] : memref<65536x256xf32, #tpu.memory_space<hbm>> -> memref<65536x256xf32, #tpu.memory_space<hbm>>
      tpu.enqueue_indirect_dma source(%dma_start3A_1164 : memref<65536x256xf32, #tpu.memory_space<hbm>>) target(%dma_start3A_1161 : memref<16x256xf32, #tpu.memory_space<vmem>>) offsets(%add3A_1150 : vector<16xi32>) semaphore(%arg16 : memref<!tpu.dma_semaphore, #tpu.memory_space<semaphore_mem>>)
      %add3A_1165 = arith.constant 10 : i32
      %add3A_1166 = vector.broadcast %add3A_1165 : i32 to vector<16xi32>
      %add3A_1167 = arith.addi %add3A_25, %add3A_1166 : vector<16xi32>
      %add3A_1168 = arith.constant 6 : i32
      %add3A_1169 = vector.broadcast %add3A_1168 : i32 to vector<16xi32>
      %add3A_1170 = arith.addi %add3A_29, %add3A_1169 : vector<16xi32>
      %gather3A_1171 = tpu.vector_load_idx %arg6[%add3A_1167] : memref<32xi32, #tpu.memory_space<vmem>>[vector<16xi32>], vector<16xi32>,
      %gather3A_1172 = tpu.vector_load_idx %arg8[%add3A_1170] : memref<32xi32, #tpu.memory_space<vmem>>[vector<16xi32>], vector<16xi32>,
      %add3A_1173 = arith.addi %gather3A_1171, %gather3A_1172 : vector<16xi32>
      %gather3A_1174 = tpu.vector_load_idx %arg7[%add3A_1167] : memref<32xf32, #tpu.memory_space<vmem>>[vector<16xi32>], vector<16xf32>,
      %gather3A_1175 = tpu.vector_load_idx %arg9[%add3A_1170] : memref<32xf32, #tpu.memory_space<vmem>>[vector<16xi32>], vector<16xf32>,
      %mul3A_1176 = arith.mulf %gather3A_1174, %gather3A_1175 : vector<16xf32>
      %mul3A_1177 = arith.constant 2.500000e-01 : f32
      %mul3A_1178 = vector.broadcast %mul3A_1177 : f32 to vector<16xf32>
      %mul3A_1179 = arith.mulf %mul3A_1176, %mul3A_1178 : vector<16xf32>
      %swap3A_1180 = arith.constant 224 : index
      %swap3A_1181 = tpu.vector_load %arg10[%swap3A_1180] {strides = array<i32>} : memref<384xf32, #tpu.memory_space<vmem>>, vector<16xf32>,
      tpu.vector_store %arg10[%swap3A_1180], %mul3A_1179 {strides = array<i32>} : memref<384xf32, #tpu.memory_space<vmem>>, vector<16xf32>,
      %dma_start3A_1182 = arith.constant 96 : i32
      %dma_start3A_1183 = arith.constant 0 : i32
      %dma_start3A_1184 = tpu.memref_slice %arg12[%dma_start3A_1182, %dma_start3A_1183] : memref<128x256xf32, #tpu.memory_space<vmem>> -> memref<16x256xf32, #tpu.memory_space<vmem>>
      %dma_start3A_1185 = arith.constant 0 : i32
      %dma_start3A_1186 = arith.constant 0 : i32
      %dma_start3A_1187 = tpu.memref_slice %arg2[%dma_start3A_1185, %dma_start3A_1186] : memref<65536x256xf32, #tpu.memory_space<hbm>> -> memref<65536x256xf32, #tpu.memory_space<hbm>>
      tpu.enqueue_indirect_dma source(%dma_start3A_1187 : memref<65536x256xf32, #tpu.memory_space<hbm>>) target(%dma_start3A_1184 : memref<16x256xf32, #tpu.memory_space<vmem>>) offsets(%add3A_1173 : vector<16xi32>) semaphore(%arg16 : memref<!tpu.dma_semaphore, #tpu.memory_space<semaphore_mem>>)
      %add3A_1188 = arith.constant 10 : i32
      %add3A_1189 = vector.broadcast %add3A_1188 : i32 to vector<16xi32>
      %add3A_1190 = arith.addi %add3A_25, %add3A_1189 : vector<16xi32>
      %add3A_1191 = arith.constant 8 : i32
      %add3A_1192 = vector.broadcast %add3A_1191 : i32 to vector<16xi32>
      %add3A_1193 = arith.addi %add3A_29, %add3A_1192 : vector<16xi32>
      %gather3A_1194 = tpu.vector_load_idx %arg6[%add3A_1190] : memref<32xi32, #tpu.memory_space<vmem>>[vector<16xi32>], vector<16xi32>,
      %gather3A_1195 = tpu.vector_load_idx %arg8[%add3A_1193] : memref<32xi32, #tpu.memory_space<vmem>>[vector<16xi32>], vector<16xi32>,
      %add3A_1196 = arith.addi %gather3A_1194, %gather3A_1195 : vector<16xi32>
      %gather3A_1197 = tpu.vector_load_idx %arg7[%add3A_1190] : memref<32xf32, #tpu.memory_space<vmem>>[vector<16xi32>], vector<16xf32>,
      %gather3A_1198 = tpu.vector_load_idx %arg9[%add3A_1193] : memref<32xf32, #tpu.memory_space<vmem>>[vector<16xi32>], vector<16xf32>,
      %mul3A_1199 = arith.mulf %gather3A_1197, %gather3A_1198 : vector<16xf32>
      %mul3A_1200 = arith.constant 2.500000e-01 : f32
      %mul3A_1201 = vector.broadcast %mul3A_1200 : f32 to vector<16xf32>
      %mul3A_1202 = arith.mulf %mul3A_1199, %mul3A_1201 : vector<16xf32>
      %swap3A_1203 = arith.constant 240 : index
      %swap3A_1204 = tpu.vector_load %arg10[%swap3A_1203] {strides = array<i32>} : memref<384xf32, #tpu.memory_space<vmem>>, vector<16xf32>,
      tpu.vector_store %arg10[%swap3A_1203], %mul3A_1202 {strides = array<i32>} : memref<384xf32, #tpu.memory_space<vmem>>, vector<16xf32>,
      %dma_start3A_1205 = arith.constant 112 : i32
      %dma_start3A_1206 = arith.constant 0 : i32
      %dma_start3A_1207 = tpu.memref_slice %arg12[%dma_start3A_1205, %dma_start3A_1206] : memref<128x256xf32, #tpu.memory_space<vmem>> -> memref<16x256xf32, #tpu.memory_space<vmem>>
      %dma_start3A_1208 = arith.constant 0 : i32
      %dma_start3A_1209 = arith.constant 0 : i32
      %dma_start3A_1210 = tpu.memref_slice %arg2[%dma_start3A_1208, %dma_start3A_1209] : memref<65536x256xf32, #tpu.memory_space<hbm>> -> memref<65536x256xf32, #tpu.memory_space<hbm>>
      tpu.enqueue_indirect_dma source(%dma_start3A_1210 : memref<65536x256xf32, #tpu.memory_space<hbm>>) target(%dma_start3A_1207 : memref<16x256xf32, #tpu.memory_space<vmem>>) offsets(%add3A_1196 : vector<16xi32>) semaphore(%arg16 : memref<!tpu.dma_semaphore, #tpu.memory_space<semaphore_mem>>)
      %dma_wait3A_1211 = arith.constant 0 : i32
      %dma_wait3A_1212 = arith.constant 0 : i32
      %dma_wait3A_1213 = tpu.memref_slice %arg13[%dma_wait3A_1211, %dma_wait3A_1212] : memref<128x256xf32, #tpu.memory_space<vmem>> -> memref<16x256xf32, #tpu.memory_space<vmem>>
      %dma_wait3A_1214 = arith.constant 0 : i32
      %dma_wait3A_1215 = arith.constant 0 : i32
      %dma_wait3A_1216 = tpu.memref_slice %arg2[%dma_wait3A_1214, %dma_wait3A_1215] : memref<65536x256xf32, #tpu.memory_space<hbm>> -> memref<65536x256xf32, #tpu.memory_space<hbm>>
      tpu.wait_indirect_dma semaphore(%arg17 : memref<!tpu.dma_semaphore, #tpu.memory_space<semaphore_mem>>) src(%dma_wait3A_1216 : memref<65536x256xf32, #tpu.memory_space<hbm>>) dst(%dma_wait3A_1213 : memref<16x256xf32, #tpu.memory_space<vmem>>)
      %dma_wait3A_1217 = arith.constant 16 : i32
      %dma_wait3A_1218 = arith.constant 0 : i32
      %dma_wait3A_1219 = tpu.memref_slice %arg13[%dma_wait3A_1217, %dma_wait3A_1218] : memref<128x256xf32, #tpu.memory_space<vmem>> -> memref<16x256xf32, #tpu.memory_space<vmem>>
      %dma_wait3A_1220 = arith.constant 0 : i32
      %dma_wait3A_1221 = arith.constant 0 : i32
      %dma_wait3A_1222 = tpu.memref_slice %arg2[%dma_wait3A_1220, %dma_wait3A_1221] : memref<65536x256xf32, #tpu.memory_space<hbm>> -> memref<65536x256xf32, #tpu.memory_space<hbm>>
      tpu.wait_indirect_dma semaphore(%arg17 : memref<!tpu.dma_semaphore, #tpu.memory_space<semaphore_mem>>) src(%dma_wait3A_1222 : memref<65536x256xf32, #tpu.memory_space<hbm>>) dst(%dma_wait3A_1219 : memref<16x256xf32, #tpu.memory_space<vmem>>)
      %dma_wait3A_1223 = arith.constant 32 : i32
      %dma_wait3A_1224 = arith.constant 0 : i32
      %dma_wait3A_1225 = tpu.memref_slice %arg13[%dma_wait3A_1223, %dma_wait3A_1224] : memref<128x256xf32, #tpu.memory_space<vmem>> -> memref<16x256xf32, #tpu.memory_space<vmem>>
      %dma_wait3A_1226 = arith.constant 0 : i32
      %dma_wait3A_1227 = arith.constant 0 : i32
      %dma_wait3A_1228 = tpu.memref_slice %arg2[%dma_wait3A_1226, %dma_wait3A_1227] : memref<65536x256xf32, #tpu.memory_space<hbm>> -> memref<65536x256xf32, #tpu.memory_space<hbm>>
      tpu.wait_indirect_dma semaphore(%arg17 : memref<!tpu.dma_semaphore, #tpu.memory_space<semaphore_mem>>) src(%dma_wait3A_1228 : memref<65536x256xf32, #tpu.memory_space<hbm>>) dst(%dma_wait3A_1225 : memref<16x256xf32, #tpu.memory_space<vmem>>)
      %dma_wait3A_1229 = arith.constant 48 : i32
      %dma_wait3A_1230 = arith.constant 0 : i32
      %dma_wait3A_1231 = tpu.memref_slice %arg13[%dma_wait3A_1229, %dma_wait3A_1230] : memref<128x256xf32, #tpu.memory_space<vmem>> -> memref<16x256xf32, #tpu.memory_space<vmem>>
      %dma_wait3A_1232 = arith.constant 0 : i32
      %dma_wait3A_1233 = arith.constant 0 : i32
      %dma_wait3A_1234 = tpu.memref_slice %arg2[%dma_wait3A_1232, %dma_wait3A_1233] : memref<65536x256xf32, #tpu.memory_space<hbm>> -> memref<65536x256xf32, #tpu.memory_space<hbm>>
      tpu.wait_indirect_dma semaphore(%arg17 : memref<!tpu.dma_semaphore, #tpu.memory_space<semaphore_mem>>) src(%dma_wait3A_1234 : memref<65536x256xf32, #tpu.memory_space<hbm>>) dst(%dma_wait3A_1231 : memref<16x256xf32, #tpu.memory_space<vmem>>)
      %dma_wait3A_1235 = arith.constant 64 : i32
      %dma_wait3A_1236 = arith.constant 0 : i32
      %dma_wait3A_1237 = tpu.memref_slice %arg13[%dma_wait3A_1235, %dma_wait3A_1236] : memref<128x256xf32, #tpu.memory_space<vmem>> -> memref<16x256xf32, #tpu.memory_space<vmem>>
      %dma_wait3A_1238 = arith.constant 0 : i32
      %dma_wait3A_1239 = arith.constant 0 : i32
      %dma_wait3A_1240 = tpu.memref_slice %arg2[%dma_wait3A_1238, %dma_wait3A_1239] : memref<65536x256xf32, #tpu.memory_space<hbm>> -> memref<65536x256xf32, #tpu.memory_space<hbm>>
      tpu.wait_indirect_dma semaphore(%arg17 : memref<!tpu.dma_semaphore, #tpu.memory_space<semaphore_mem>>) src(%dma_wait3A_1240 : memref<65536x256xf32, #tpu.memory_space<hbm>>) dst(%dma_wait3A_1237 : memref<16x256xf32, #tpu.memory_space<vmem>>)
      %dma_wait3A_1241 = arith.constant 80 : i32
      %dma_wait3A_1242 = arith.constant 0 : i32
      %dma_wait3A_1243 = tpu.memref_slice %arg13[%dma_wait3A_1241, %dma_wait3A_1242] : memref<128x256xf32, #tpu.memory_space<vmem>> -> memref<16x256xf32, #tpu.memory_space<vmem>>
      %dma_wait3A_1244 = arith.constant 0 : i32
      %dma_wait3A_1245 = arith.constant 0 : i32
      %dma_wait3A_1246 = tpu.memref_slice %arg2[%dma_wait3A_1244, %dma_wait3A_1245] : memref<65536x256xf32, #tpu.memory_space<hbm>> -> memref<65536x256xf32, #tpu.memory_space<hbm>>
      tpu.wait_indirect_dma semaphore(%arg17 : memref<!tpu.dma_semaphore, #tpu.memory_space<semaphore_mem>>) src(%dma_wait3A_1246 : memref<65536x256xf32, #tpu.memory_space<hbm>>) dst(%dma_wait3A_1243 : memref<16x256xf32, #tpu.memory_space<vmem>>)
      %dma_wait3A_1247 = arith.constant 96 : i32
      %dma_wait3A_1248 = arith.constant 0 : i32
      %dma_wait3A_1249 = tpu.memref_slice %arg13[%dma_wait3A_1247, %dma_wait3A_1248] : memref<128x256xf32, #tpu.memory_space<vmem>> -> memref<16x256xf32, #tpu.memory_space<vmem>>
      %dma_wait3A_1250 = arith.constant 0 : i32
      %dma_wait3A_1251 = arith.constant 0 : i32
      %dma_wait3A_1252 = tpu.memref_slice %arg2[%dma_wait3A_1250, %dma_wait3A_1251] : memref<65536x256xf32, #tpu.memory_space<hbm>> -> memref<65536x256xf32, #tpu.memory_space<hbm>>
      tpu.wait_indirect_dma semaphore(%arg17 : memref<!tpu.dma_semaphore, #tpu.memory_space<semaphore_mem>>) src(%dma_wait3A_1252 : memref<65536x256xf32, #tpu.memory_space<hbm>>) dst(%dma_wait3A_1249 : memref<16x256xf32, #tpu.memory_space<vmem>>)
      %dma_wait3A_1253 = arith.constant 112 : i32
      %dma_wait3A_1254 = arith.constant 0 : i32
      %dma_wait3A_1255 = tpu.memref_slice %arg13[%dma_wait3A_1253, %dma_wait3A_1254] : memref<128x256xf32, #tpu.memory_space<vmem>> -> memref<16x256xf32, #tpu.memory_space<vmem>>
      %dma_wait3A_1256 = arith.constant 0 : i32
      %dma_wait3A_1257 = arith.constant 0 : i32
      %dma_wait3A_1258 = tpu.memref_slice %arg2[%dma_wait3A_1256, %dma_wait3A_1257] : memref<65536x256xf32, #tpu.memory_space<hbm>> -> memref<65536x256xf32, #tpu.memory_space<hbm>>
      tpu.wait_indirect_dma semaphore(%arg17 : memref<!tpu.dma_semaphore, #tpu.memory_space<semaphore_mem>>) src(%dma_wait3A_1258 : memref<65536x256xf32, #tpu.memory_space<hbm>>) dst(%dma_wait3A_1255 : memref<16x256xf32, #tpu.memory_space<vmem>>)
      %scan3A_1259 = arith.constant 0 : i32
      %scan3A_1260 = arith.constant 0 : i32
      %scan3A_1261 = arith.constant 8 : i32
      %scan3A_1262 = arith.addi %scan3A_1260, %scan3A_1261 : i32
      %scan3A_1263 = arith.constant 1 : i32
      %scan3A_1264 = scf.for %scan3A_1803 = %scan3A_1260 to %scan3A_1262 step %scan3A_1263 iter_args(%scan3A_1804 = %scan3A_1259) -> (i32)  : i32 {
        %mul3A_1805 = arith.constant 16 : i32
        %mul3A_1806 = arith.muli %scan3A_1803, %mul3A_1805 : i32
        %add3A_1807 = arith.constant 256 : i32
        %add3A_1808 = arith.addi %add3A_1807, %mul3A_1806 : i32
        %mul3A_1809 = arith.constant 16 : i32
        %mul3A_1810 = arith.muli %scan3A_1803, %mul3A_1809 : i32
        %get3A_1811 = arith.index_cast %mul3A_1810 : i32 to index
        %get3A_1812 = arith.constant 0 : index
        %get3A_1813 = tpu.vector_load %arg13[%get3A_1811, %get3A_1812] {strides = array<i32>} : memref<128x256xf32, #tpu.memory_space<vmem>>, vector<16xf32>,
        %mul3A_1814 = arith.constant 16 : i32
        %mul3A_1815 = arith.muli %scan3A_1803, %mul3A_1814 : i32
        %get3A_1816 = arith.index_cast %mul3A_1815 : i32 to index
        %get3A_1817 = arith.constant 16 : index
        %get3A_1818 = tpu.vector_load %arg13[%get3A_1816, %get3A_1817] {strides = array<i32>} : memref<128x256xf32, #tpu.memory_space<vmem>>, vector<16xf32>,
        %mul3A_1819 = arith.constant 16 : i32
        %mul3A_1820 = arith.muli %scan3A_1803, %mul3A_1819 : i32
        %get3A_1821 = arith.index_cast %mul3A_1820 : i32 to index
        %get3A_1822 = arith.constant 32 : index
        %get3A_1823 = tpu.vector_load %arg13[%get3A_1821, %get3A_1822] {strides = array<i32>} : memref<128x256xf32, #tpu.memory_space<vmem>>, vector<16xf32>,
        %mul3A_1824 = arith.constant 16 : i32
        %mul3A_1825 = arith.muli %scan3A_1803, %mul3A_1824 : i32
        %get3A_1826 = arith.index_cast %mul3A_1825 : i32 to index
        %get3A_1827 = arith.constant 48 : index
        %get3A_1828 = tpu.vector_load %arg13[%get3A_1826, %get3A_1827] {strides = array<i32>} : memref<128x256xf32, #tpu.memory_space<vmem>>, vector<16xf32>,
        %mul3A_1829 = arith.constant 16 : i32
        %mul3A_1830 = arith.muli %scan3A_1803, %mul3A_1829 : i32
        %get3A_1831 = arith.index_cast %mul3A_1830 : i32 to index
        %get3A_1832 = arith.constant 64 : index
        %get3A_1833 = tpu.vector_load %arg13[%get3A_1831, %get3A_1832] {strides = array<i32>} : memref<128x256xf32, #tpu.memory_space<vmem>>, vector<16xf32>,
        %mul3A_1834 = arith.constant 16 : i32
        %mul3A_1835 = arith.muli %scan3A_1803, %mul3A_1834 : i32
        %get3A_1836 = arith.index_cast %mul3A_1835 : i32 to index
        %get3A_1837 = arith.constant 80 : index
        %get3A_1838 = tpu.vector_load %arg13[%get3A_1836, %get3A_1837] {strides = array<i32>} : memref<128x256xf32, #tpu.memory_space<vmem>>, vector<16xf32>,
        %mul3A_1839 = arith.constant 16 : i32
        %mul3A_1840 = arith.muli %scan3A_1803, %mul3A_1839 : i32
        %get3A_1841 = arith.index_cast %mul3A_1840 : i32 to index
        %get3A_1842 = arith.constant 96 : index
        %get3A_1843 = tpu.vector_load %arg13[%get3A_1841, %get3A_1842] {strides = array<i32>} : memref<128x256xf32, #tpu.memory_space<vmem>>, vector<16xf32>,
        %mul3A_1844 = arith.constant 16 : i32
        %mul3A_1845 = arith.muli %scan3A_1803, %mul3A_1844 : i32
        %get3A_1846 = arith.index_cast %mul3A_1845 : i32 to index
        %get3A_1847 = arith.constant 112 : index
        %get3A_1848 = tpu.vector_load %arg13[%get3A_1846, %get3A_1847] {strides = array<i32>} : memref<128x256xf32, #tpu.memory_space<vmem>>, vector<16xf32>,
        %mul3A_1849 = arith.constant 16 : i32
        %mul3A_1850 = arith.muli %scan3A_1803, %mul3A_1849 : i32
        %get3A_1851 = arith.index_cast %mul3A_1850 : i32 to index
        %get3A_1852 = arith.constant 128 : index
        %get3A_1853 = tpu.vector_load %arg13[%get3A_1851, %get3A_1852] {strides = array<i32>} : memref<128x256xf32, #tpu.memory_space<vmem>>, vector<16xf32>,
        %mul3A_1854 = arith.constant 16 : i32
        %mul3A_1855 = arith.muli %scan3A_1803, %mul3A_1854 : i32
        %get3A_1856 = arith.index_cast %mul3A_1855 : i32 to index
        %get3A_1857 = arith.constant 144 : index
        %get3A_1858 = tpu.vector_load %arg13[%get3A_1856, %get3A_1857] {strides = array<i32>} : memref<128x256xf32, #tpu.memory_space<vmem>>, vector<16xf32>,
        %mul3A_1859 = arith.constant 16 : i32
        %mul3A_1860 = arith.muli %scan3A_1803, %mul3A_1859 : i32
        %get3A_1861 = arith.index_cast %mul3A_1860 : i32 to index
        %get3A_1862 = arith.constant 160 : index
        %get3A_1863 = tpu.vector_load %arg13[%get3A_1861, %get3A_1862] {strides = array<i32>} : memref<128x256xf32, #tpu.memory_space<vmem>>, vector<16xf32>,
        %mul3A_1864 = arith.constant 16 : i32
        %mul3A_1865 = arith.muli %scan3A_1803, %mul3A_1864 : i32
        %get3A_1866 = arith.index_cast %mul3A_1865 : i32 to index
        %get3A_1867 = arith.constant 176 : index
        %get3A_1868 = tpu.vector_load %arg13[%get3A_1866, %get3A_1867] {strides = array<i32>} : memref<128x256xf32, #tpu.memory_space<vmem>>, vector<16xf32>,
        %mul3A_1869 = arith.constant 16 : i32
        %mul3A_1870 = arith.muli %scan3A_1803, %mul3A_1869 : i32
        %get3A_1871 = arith.index_cast %mul3A_1870 : i32 to index
        %get3A_1872 = arith.constant 192 : index
        %get3A_1873 = tpu.vector_load %arg13[%get3A_1871, %get3A_1872] {strides = array<i32>} : memref<128x256xf32, #tpu.memory_space<vmem>>, vector<16xf32>,
        %mul3A_1874 = arith.constant 16 : i32
        %mul3A_1875 = arith.muli %scan3A_1803, %mul3A_1874 : i32
        %get3A_1876 = arith.index_cast %mul3A_1875 : i32 to index
        %get3A_1877 = arith.constant 208 : index
        %get3A_1878 = tpu.vector_load %arg13[%get3A_1876, %get3A_1877] {strides = array<i32>} : memref<128x256xf32, #tpu.memory_space<vmem>>, vector<16xf32>,
        %mul3A_1879 = arith.constant 16 : i32
        %mul3A_1880 = arith.muli %scan3A_1803, %mul3A_1879 : i32
        %get3A_1881 = arith.index_cast %mul3A_1880 : i32 to index
        %get3A_1882 = arith.constant 224 : index
        %get3A_1883 = tpu.vector_load %arg13[%get3A_1881, %get3A_1882] {strides = array<i32>} : memref<128x256xf32, #tpu.memory_space<vmem>>, vector<16xf32>,
        %mul3A_1884 = arith.constant 16 : i32
        %mul3A_1885 = arith.muli %scan3A_1803, %mul3A_1884 : i32
        %get3A_1886 = arith.index_cast %mul3A_1885 : i32 to index
        %get3A_1887 = arith.constant 240 : index
        %get3A_1888 = tpu.vector_load %arg13[%get3A_1886, %get3A_1887] {strides = array<i32>} : memref<128x256xf32, #tpu.memory_space<vmem>>, vector<16xf32>,
        %add3A_1889 = arith.constant 16 : i32
        %add3A_1890 = arith.addi %add3A_1889, %scan3A_1803 : i32
        %mul3A_1891 = arith.constant 256 : i32
        %mul3A_1892 = arith.muli %add3A_1890, %mul3A_1891 : i32
        %add3A_1893 = arith.constant 0 : i32
        %add3A_1894 = arith.addi %mul3A_1892, %add3A_1893 : i32
        %swap3A_1895 = arith.index_cast %add3A_1894 : i32 to index
        %swap3A_1896 = tpu.vector_load %arg14[%swap3A_1895] {strides = array<i32>} : memref<12544xf32, #tpu.memory_space<vmem>>, vector<16xf32>,
        tpu.vector_store %arg14[%swap3A_1895], %get3A_1813 {strides = array<i32>} : memref<12544xf32, #tpu.memory_space<vmem>>, vector<16xf32>,
        %add3A_1897 = arith.constant 16 : i32
        %add3A_1898 = arith.addi %mul3A_1892, %add3A_1897 : i32
        %swap3A_1899 = arith.index_cast %add3A_1898 : i32 to index
        %swap3A_1900 = tpu.vector_load %arg14[%swap3A_1899] {strides = array<i32>} : memref<12544xf32, #tpu.memory_space<vmem>>, vector<16xf32>,
        tpu.vector_store %arg14[%swap3A_1899], %get3A_1818 {strides = array<i32>} : memref<12544xf32, #tpu.memory_space<vmem>>, vector<16xf32>,
        %add3A_1901 = arith.constant 32 : i32
        %add3A_1902 = arith.addi %mul3A_1892, %add3A_1901 : i32
        %swap3A_1903 = arith.index_cast %add3A_1902 : i32 to index
        %swap3A_1904 = tpu.vector_load %arg14[%swap3A_1903] {strides = array<i32>} : memref<12544xf32, #tpu.memory_space<vmem>>, vector<16xf32>,
        tpu.vector_store %arg14[%swap3A_1903], %get3A_1823 {strides = array<i32>} : memref<12544xf32, #tpu.memory_space<vmem>>, vector<16xf32>,
        %add3A_1905 = arith.constant 48 : i32
        %add3A_1906 = arith.addi %mul3A_1892, %add3A_1905 : i32
        %swap3A_1907 = arith.index_cast %add3A_1906 : i32 to index
        %swap3A_1908 = tpu.vector_load %arg14[%swap3A_1907] {strides = array<i32>} : memref<12544xf32, #tpu.memory_space<vmem>>, vector<16xf32>,
        tpu.vector_store %arg14[%swap3A_1907], %get3A_1828 {strides = array<i32>} : memref<12544xf32, #tpu.memory_space<vmem>>, vector<16xf32>,
        %add3A_1909 = arith.constant 64 : i32
        %add3A_1910 = arith.addi %mul3A_1892, %add3A_1909 : i32
        %swap3A_1911 = arith.index_cast %add3A_1910 : i32 to index
        %swap3A_1912 = tpu.vector_load %arg14[%swap3A_1911] {strides = array<i32>} : memref<12544xf32, #tpu.memory_space<vmem>>, vector<16xf32>,
        tpu.vector_store %arg14[%swap3A_1911], %get3A_1833 {strides = array<i32>} : memref<12544xf32, #tpu.memory_space<vmem>>, vector<16xf32>,
        %add3A_1913 = arith.constant 80 : i32
        %add3A_1914 = arith.addi %mul3A_1892, %add3A_1913 : i32
        %swap3A_1915 = arith.index_cast %add3A_1914 : i32 to index
        %swap3A_1916 = tpu.vector_load %arg14[%swap3A_1915] {strides = array<i32>} : memref<12544xf32, #tpu.memory_space<vmem>>, vector<16xf32>,
        tpu.vector_store %arg14[%swap3A_1915], %get3A_1838 {strides = array<i32>} : memref<12544xf32, #tpu.memory_space<vmem>>, vector<16xf32>,
        %add3A_1917 = arith.constant 96 : i32
        %add3A_1918 = arith.addi %mul3A_1892, %add3A_1917 : i32
        %swap3A_1919 = arith.index_cast %add3A_1918 : i32 to index
        %swap3A_1920 = tpu.vector_load %arg14[%swap3A_1919] {strides = array<i32>} : memref<12544xf32, #tpu.memory_space<vmem>>, vector<16xf32>,
        tpu.vector_store %arg14[%swap3A_1919], %get3A_1843 {strides = array<i32>} : memref<12544xf32, #tpu.memory_space<vmem>>, vector<16xf32>,
        %add3A_1921 = arith.constant 112 : i32
        %add3A_1922 = arith.addi %mul3A_1892, %add3A_1921 : i32
        %swap3A_1923 = arith.index_cast %add3A_1922 : i32 to index
        %swap3A_1924 = tpu.vector_load %arg14[%swap3A_1923] {strides = array<i32>} : memref<12544xf32, #tpu.memory_space<vmem>>, vector<16xf32>,
        tpu.vector_store %arg14[%swap3A_1923], %get3A_1848 {strides = array<i32>} : memref<12544xf32, #tpu.memory_space<vmem>>, vector<16xf32>,
        %add3A_1925 = arith.constant 128 : i32
        %add3A_1926 = arith.addi %mul3A_1892, %add3A_1925 : i32
        %swap3A_1927 = arith.index_cast %add3A_1926 : i32 to index
        %swap3A_1928 = tpu.vector_load %arg14[%swap3A_1927] {strides = array<i32>} : memref<12544xf32, #tpu.memory_space<vmem>>, vector<16xf32>,
        tpu.vector_store %arg14[%swap3A_1927], %get3A_1853 {strides = array<i32>} : memref<12544xf32, #tpu.memory_space<vmem>>, vector<16xf32>,
        %add3A_1929 = arith.constant 144 : i32
        %add3A_1930 = arith.addi %mul3A_1892, %add3A_1929 : i32
        %swap3A_1931 = arith.index_cast %add3A_1930 : i32 to index
        %swap3A_1932 = tpu.vector_load %arg14[%swap3A_1931] {strides = array<i32>} : memref<12544xf32, #tpu.memory_space<vmem>>, vector<16xf32>,
        tpu.vector_store %arg14[%swap3A_1931], %get3A_1858 {strides = array<i32>} : memref<12544xf32, #tpu.memory_space<vmem>>, vector<16xf32>,
        %add3A_1933 = arith.constant 160 : i32
        %add3A_1934 = arith.addi %mul3A_1892, %add3A_1933 : i32
        %swap3A_1935 = arith.index_cast %add3A_1934 : i32 to index
        %swap3A_1936 = tpu.vector_load %arg14[%swap3A_1935] {strides = array<i32>} : memref<12544xf32, #tpu.memory_space<vmem>>, vector<16xf32>,
        tpu.vector_store %arg14[%swap3A_1935], %get3A_1863 {strides = array<i32>} : memref<12544xf32, #tpu.memory_space<vmem>>, vector<16xf32>,
        %add3A_1937 = arith.constant 176 : i32
        %add3A_1938 = arith.addi %mul3A_1892, %add3A_1937 : i32
        %swap3A_1939 = arith.index_cast %add3A_1938 : i32 to index
        %swap3A_1940 = tpu.vector_load %arg14[%swap3A_1939] {strides = array<i32>} : memref<12544xf32, #tpu.memory_space<vmem>>, vector<16xf32>,
        tpu.vector_store %arg14[%swap3A_1939], %get3A_1868 {strides = array<i32>} : memref<12544xf32, #tpu.memory_space<vmem>>, vector<16xf32>,
        %add3A_1941 = arith.constant 192 : i32
        %add3A_1942 = arith.addi %mul3A_1892, %add3A_1941 : i32
        %swap3A_1943 = arith.index_cast %add3A_1942 : i32 to index
        %swap3A_1944 = tpu.vector_load %arg14[%swap3A_1943] {strides = array<i32>} : memref<12544xf32, #tpu.memory_space<vmem>>, vector<16xf32>,
        tpu.vector_store %arg14[%swap3A_1943], %get3A_1873 {strides = array<i32>} : memref<12544xf32, #tpu.memory_space<vmem>>, vector<16xf32>,
        %add3A_1945 = arith.constant 208 : i32
        %add3A_1946 = arith.addi %mul3A_1892, %add3A_1945 : i32
        %swap3A_1947 = arith.index_cast %add3A_1946 : i32 to index
        %swap3A_1948 = tpu.vector_load %arg14[%swap3A_1947] {strides = array<i32>} : memref<12544xf32, #tpu.memory_space<vmem>>, vector<16xf32>,
        tpu.vector_store %arg14[%swap3A_1947], %get3A_1878 {strides = array<i32>} : memref<12544xf32, #tpu.memory_space<vmem>>, vector<16xf32>,
        %add3A_1949 = arith.constant 224 : i32
        %add3A_1950 = arith.addi %mul3A_1892, %add3A_1949 : i32
        %swap3A_1951 = arith.index_cast %add3A_1950 : i32 to index
        %swap3A_1952 = tpu.vector_load %arg14[%swap3A_1951] {strides = array<i32>} : memref<12544xf32, #tpu.memory_space<vmem>>, vector<16xf32>,
        tpu.vector_store %arg14[%swap3A_1951], %get3A_1883 {strides = array<i32>} : memref<12544xf32, #tpu.memory_space<vmem>>, vector<16xf32>,
        %add3A_1953 = arith.constant 240 : i32
        %add3A_1954 = arith.addi %mul3A_1892, %add3A_1953 : i32
        %swap3A_1955 = arith.index_cast %add3A_1954 : i32 to index
        %swap3A_1956 = tpu.vector_load %arg14[%swap3A_1955] {strides = array<i32>} : memref<12544xf32, #tpu.memory_space<vmem>>, vector<16xf32>,
        tpu.vector_store %arg14[%swap3A_1955], %get3A_1888 {strides = array<i32>} : memref<12544xf32, #tpu.memory_space<vmem>>, vector<16xf32>,
        %scan3A_1957 = arith.constant 0 : i32
        scf.yield %scan3A_1957 : i32
      }
      %scan3A_1265 = arith.constant 8 : i32
      %add3A_1266 = arith.constant 10 : i32
      %add3A_1267 = vector.broadcast %add3A_1266 : i32 to vector<16xi32>
      %add3A_1268 = arith.addi %add3A_25, %add3A_1267 : vector<16xi32>
      %add3A_1269 = arith.constant 10 : i32
      %add3A_1270 = vector.broadcast %add3A_1269 : i32 to vector<16xi32>
      %add3A_1271 = arith.addi %add3A_29, %add3A_1270 : vector<16xi32>
      %gather3A_1272 = tpu.vector_load_idx %arg6[%add3A_1268] : memref<32xi32, #tpu.memory_space<vmem>>[vector<16xi32>], vector<16xi32>,
      %gather3A_1273 = tpu.vector_load_idx %arg8[%add3A_1271] : memref<32xi32, #tpu.memory_space<vmem>>[vector<16xi32>], vector<16xi32>,
      %add3A_1274 = arith.addi %gather3A_1272, %gather3A_1273 : vector<16xi32>
      %gather3A_1275 = tpu.vector_load_idx %arg7[%add3A_1268] : memref<32xf32, #tpu.memory_space<vmem>>[vector<16xi32>], vector<16xf32>,
      %gather3A_1276 = tpu.vector_load_idx %arg9[%add3A_1271] : memref<32xf32, #tpu.memory_space<vmem>>[vector<16xi32>], vector<16xf32>,
      %mul3A_1277 = arith.mulf %gather3A_1275, %gather3A_1276 : vector<16xf32>
      %mul3A_1278 = arith.constant 2.500000e-01 : f32
      %mul3A_1279 = vector.broadcast %mul3A_1278 : f32 to vector<16xf32>
      %mul3A_1280 = arith.mulf %mul3A_1277, %mul3A_1279 : vector<16xf32>
      %swap3A_1281 = arith.constant 256 : index
      %swap3A_1282 = tpu.vector_load %arg10[%swap3A_1281] {strides = array<i32>} : memref<384xf32, #tpu.memory_space<vmem>>, vector<16xf32>,
      tpu.vector_store %arg10[%swap3A_1281], %mul3A_1280 {strides = array<i32>} : memref<384xf32, #tpu.memory_space<vmem>>, vector<16xf32>,
      %dma_start3A_1283 = arith.constant 0 : i32
      %dma_start3A_1284 = arith.constant 0 : i32
      %dma_start3A_1285 = tpu.memref_slice %arg13[%dma_start3A_1283, %dma_start3A_1284] : memref<128x256xf32, #tpu.memory_space<vmem>> -> memref<16x256xf32, #tpu.memory_space<vmem>>
      %dma_start3A_1286 = arith.constant 0 : i32
      %dma_start3A_1287 = arith.constant 0 : i32
      %dma_start3A_1288 = tpu.memref_slice %arg2[%dma_start3A_1286, %dma_start3A_1287] : memref<65536x256xf32, #tpu.memory_space<hbm>> -> memref<65536x256xf32, #tpu.memory_space<hbm>>
      tpu.enqueue_indirect_dma source(%dma_start3A_1288 : memref<65536x256xf32, #tpu.memory_space<hbm>>) target(%dma_start3A_1285 : memref<16x256xf32, #tpu.memory_space<vmem>>) offsets(%add3A_1274 : vector<16xi32>) semaphore(%arg17 : memref<!tpu.dma_semaphore, #tpu.memory_space<semaphore_mem>>)
      %add3A_1289 = arith.constant 10 : i32
      %add3A_1290 = vector.broadcast %add3A_1289 : i32 to vector<16xi32>
      %add3A_1291 = arith.addi %add3A_25, %add3A_1290 : vector<16xi32>
      %add3A_1292 = arith.constant 12 : i32
      %add3A_1293 = vector.broadcast %add3A_1292 : i32 to vector<16xi32>
      %add3A_1294 = arith.addi %add3A_29, %add3A_1293 : vector<16xi32>
      %gather3A_1295 = tpu.vector_load_idx %arg6[%add3A_1291] : memref<32xi32, #tpu.memory_space<vmem>>[vector<16xi32>], vector<16xi32>,
      %gather3A_1296 = tpu.vector_load_idx %arg8[%add3A_1294] : memref<32xi32, #tpu.memory_space<vmem>>[vector<16xi32>], vector<16xi32>,
      %add3A_1297 = arith.addi %gather3A_1295, %gather3A_1296 : vector<16xi32>
      %gather3A_1298 = tpu.vector_load_idx %arg7[%add3A_1291] : memref<32xf32, #tpu.memory_space<vmem>>[vector<16xi32>], vector<16xf32>,
      %gather3A_1299 = tpu.vector_load_idx %arg9[%add3A_1294] : memref<32xf32, #tpu.memory_space<vmem>>[vector<16xi32>], vector<16xf32>,
      %mul3A_1300 = arith.mulf %gather3A_1298, %gather3A_1299 : vector<16xf32>
      %mul3A_1301 = arith.constant 2.500000e-01 : f32
      %mul3A_1302 = vector.broadcast %mul3A_1301 : f32 to vector<16xf32>
      %mul3A_1303 = arith.mulf %mul3A_1300, %mul3A_1302 : vector<16xf32>
      %swap3A_1304 = arith.constant 272 : index
      %swap3A_1305 = tpu.vector_load %arg10[%swap3A_1304] {strides = array<i32>} : memref<384xf32, #tpu.memory_space<vmem>>, vector<16xf32>,
      tpu.vector_store %arg10[%swap3A_1304], %mul3A_1303 {strides = array<i32>} : memref<384xf32, #tpu.memory_space<vmem>>, vector<16xf32>,
      %dma_start3A_1306 = arith.constant 16 : i32
      %dma_start3A_1307 = arith.constant 0 : i32
      %dma_start3A_1308 = tpu.memref_slice %arg13[%dma_start3A_1306, %dma_start3A_1307] : memref<128x256xf32, #tpu.memory_space<vmem>> -> memref<16x256xf32, #tpu.memory_space<vmem>>
      %dma_start3A_1309 = arith.constant 0 : i32
      %dma_start3A_1310 = arith.constant 0 : i32
      %dma_start3A_1311 = tpu.memref_slice %arg2[%dma_start3A_1309, %dma_start3A_1310] : memref<65536x256xf32, #tpu.memory_space<hbm>> -> memref<65536x256xf32, #tpu.memory_space<hbm>>
      tpu.enqueue_indirect_dma source(%dma_start3A_1311 : memref<65536x256xf32, #tpu.memory_space<hbm>>) target(%dma_start3A_1308 : memref<16x256xf32, #tpu.memory_space<vmem>>) offsets(%add3A_1297 : vector<16xi32>) semaphore(%arg17 : memref<!tpu.dma_semaphore, #tpu.memory_space<semaphore_mem>>)
      %add3A_1312 = arith.constant 12 : i32
      %add3A_1313 = vector.broadcast %add3A_1312 : i32 to vector<16xi32>
      %add3A_1314 = arith.addi %add3A_25, %add3A_1313 : vector<16xi32>
      %add3A_1315 = arith.constant 0 : i32
      %add3A_1316 = vector.broadcast %add3A_1315 : i32 to vector<16xi32>
      %add3A_1317 = arith.addi %add3A_29, %add3A_1316 : vector<16xi32>
      %gather3A_1318 = tpu.vector_load_idx %arg6[%add3A_1314] : memref<32xi32, #tpu.memory_space<vmem>>[vector<16xi32>], vector<16xi32>,
      %gather3A_1319 = tpu.vector_load_idx %arg8[%add3A_1317] : memref<32xi32, #tpu.memory_space<vmem>>[vector<16xi32>], vector<16xi32>,
      %add3A_1320 = arith.addi %gather3A_1318, %gather3A_1319 : vector<16xi32>
      %gather3A_1321 = tpu.vector_load_idx %arg7[%add3A_1314] : memref<32xf32, #tpu.memory_space<vmem>>[vector<16xi32>], vector<16xf32>,
      %gather3A_1322 = tpu.vector_load_idx %arg9[%add3A_1317] : memref<32xf32, #tpu.memory_space<vmem>>[vector<16xi32>], vector<16xf32>,
      %mul3A_1323 = arith.mulf %gather3A_1321, %gather3A_1322 : vector<16xf32>
      %mul3A_1324 = arith.constant 2.500000e-01 : f32
      %mul3A_1325 = vector.broadcast %mul3A_1324 : f32 to vector<16xf32>
      %mul3A_1326 = arith.mulf %mul3A_1323, %mul3A_1325 : vector<16xf32>
      %swap3A_1327 = arith.constant 288 : index
      %swap3A_1328 = tpu.vector_load %arg10[%swap3A_1327] {strides = array<i32>} : memref<384xf32, #tpu.memory_space<vmem>>, vector<16xf32>,
      tpu.vector_store %arg10[%swap3A_1327], %mul3A_1326 {strides = array<i32>} : memref<384xf32, #tpu.memory_space<vmem>>, vector<16xf32>,
      %dma_start3A_1329 = arith.constant 32 : i32
      %dma_start3A_1330 = arith.constant 0 : i32
      %dma_start3A_1331 = tpu.memref_slice %arg13[%dma_start3A_1329, %dma_start3A_1330] : memref<128x256xf32, #tpu.memory_space<vmem>> -> memref<16x256xf32, #tpu.memory_space<vmem>>
      %dma_start3A_1332 = arith.constant 0 : i32
      %dma_start3A_1333 = arith.constant 0 : i32
      %dma_start3A_1334 = tpu.memref_slice %arg2[%dma_start3A_1332, %dma_start3A_1333] : memref<65536x256xf32, #tpu.memory_space<hbm>> -> memref<65536x256xf32, #tpu.memory_space<hbm>>
      tpu.enqueue_indirect_dma source(%dma_start3A_1334 : memref<65536x256xf32, #tpu.memory_space<hbm>>) target(%dma_start3A_1331 : memref<16x256xf32, #tpu.memory_space<vmem>>) offsets(%add3A_1320 : vector<16xi32>) semaphore(%arg17 : memref<!tpu.dma_semaphore, #tpu.memory_space<semaphore_mem>>)
      %add3A_1335 = arith.constant 12 : i32
      %add3A_1336 = vector.broadcast %add3A_1335 : i32 to vector<16xi32>
      %add3A_1337 = arith.addi %add3A_25, %add3A_1336 : vector<16xi32>
      %add3A_1338 = arith.constant 2 : i32
      %add3A_1339 = vector.broadcast %add3A_1338 : i32 to vector<16xi32>
      %add3A_1340 = arith.addi %add3A_29, %add3A_1339 : vector<16xi32>
      %gather3A_1341 = tpu.vector_load_idx %arg6[%add3A_1337] : memref<32xi32, #tpu.memory_space<vmem>>[vector<16xi32>], vector<16xi32>,
      %gather3A_1342 = tpu.vector_load_idx %arg8[%add3A_1340] : memref<32xi32, #tpu.memory_space<vmem>>[vector<16xi32>], vector<16xi32>,
      %add3A_1343 = arith.addi %gather3A_1341, %gather3A_1342 : vector<16xi32>
      %gather3A_1344 = tpu.vector_load_idx %arg7[%add3A_1337] : memref<32xf32, #tpu.memory_space<vmem>>[vector<16xi32>], vector<16xf32>,
      %gather3A_1345 = tpu.vector_load_idx %arg9[%add3A_1340] : memref<32xf32, #tpu.memory_space<vmem>>[vector<16xi32>], vector<16xf32>,
      %mul3A_1346 = arith.mulf %gather3A_1344, %gather3A_1345 : vector<16xf32>
      %mul3A_1347 = arith.constant 2.500000e-01 : f32
      %mul3A_1348 = vector.broadcast %mul3A_1347 : f32 to vector<16xf32>
      %mul3A_1349 = arith.mulf %mul3A_1346, %mul3A_1348 : vector<16xf32>
      %swap3A_1350 = arith.constant 304 : index
      %swap3A_1351 = tpu.vector_load %arg10[%swap3A_1350] {strides = array<i32>} : memref<384xf32, #tpu.memory_space<vmem>>, vector<16xf32>,
      tpu.vector_store %arg10[%swap3A_1350], %mul3A_1349 {strides = array<i32>} : memref<384xf32, #tpu.memory_space<vmem>>, vector<16xf32>,
      %dma_start3A_1352 = arith.constant 48 : i32
      %dma_start3A_1353 = arith.constant 0 : i32
      %dma_start3A_1354 = tpu.memref_slice %arg13[%dma_start3A_1352, %dma_start3A_1353] : memref<128x256xf32, #tpu.memory_space<vmem>> -> memref<16x256xf32, #tpu.memory_space<vmem>>
      %dma_start3A_1355 = arith.constant 0 : i32
      %dma_start3A_1356 = arith.constant 0 : i32
      %dma_start3A_1357 = tpu.memref_slice %arg2[%dma_start3A_1355, %dma_start3A_1356] : memref<65536x256xf32, #tpu.memory_space<hbm>> -> memref<65536x256xf32, #tpu.memory_space<hbm>>
      tpu.enqueue_indirect_dma source(%dma_start3A_1357 : memref<65536x256xf32, #tpu.memory_space<hbm>>) target(%dma_start3A_1354 : memref<16x256xf32, #tpu.memory_space<vmem>>) offsets(%add3A_1343 : vector<16xi32>) semaphore(%arg17 : memref<!tpu.dma_semaphore, #tpu.memory_space<semaphore_mem>>)
      %add3A_1358 = arith.constant 12 : i32
      %add3A_1359 = vector.broadcast %add3A_1358 : i32 to vector<16xi32>
      %add3A_1360 = arith.addi %add3A_25, %add3A_1359 : vector<16xi32>
      %add3A_1361 = arith.constant 4 : i32
      %add3A_1362 = vector.broadcast %add3A_1361 : i32 to vector<16xi32>
      %add3A_1363 = arith.addi %add3A_29, %add3A_1362 : vector<16xi32>
      %gather3A_1364 = tpu.vector_load_idx %arg6[%add3A_1360] : memref<32xi32, #tpu.memory_space<vmem>>[vector<16xi32>], vector<16xi32>,
      %gather3A_1365 = tpu.vector_load_idx %arg8[%add3A_1363] : memref<32xi32, #tpu.memory_space<vmem>>[vector<16xi32>], vector<16xi32>,
      %add3A_1366 = arith.addi %gather3A_1364, %gather3A_1365 : vector<16xi32>
      %gather3A_1367 = tpu.vector_load_idx %arg7[%add3A_1360] : memref<32xf32, #tpu.memory_space<vmem>>[vector<16xi32>], vector<16xf32>,
      %gather3A_1368 = tpu.vector_load_idx %arg9[%add3A_1363] : memref<32xf32, #tpu.memory_space<vmem>>[vector<16xi32>], vector<16xf32>,
      %mul3A_1369 = arith.mulf %gather3A_1367, %gather3A_1368 : vector<16xf32>
      %mul3A_1370 = arith.constant 2.500000e-01 : f32
      %mul3A_1371 = vector.broadcast %mul3A_1370 : f32 to vector<16xf32>
      %mul3A_1372 = arith.mulf %mul3A_1369, %mul3A_1371 : vector<16xf32>
      %swap3A_1373 = arith.constant 320 : index
      %swap3A_1374 = tpu.vector_load %arg10[%swap3A_1373] {strides = array<i32>} : memref<384xf32, #tpu.memory_space<vmem>>, vector<16xf32>,
      tpu.vector_store %arg10[%swap3A_1373], %mul3A_1372 {strides = array<i32>} : memref<384xf32, #tpu.memory_space<vmem>>, vector<16xf32>,
      %dma_start3A_1375 = arith.constant 64 : i32
      %dma_start3A_1376 = arith.constant 0 : i32
      %dma_start3A_1377 = tpu.memref_slice %arg13[%dma_start3A_1375, %dma_start3A_1376] : memref<128x256xf32, #tpu.memory_space<vmem>> -> memref<16x256xf32, #tpu.memory_space<vmem>>
      %dma_start3A_1378 = arith.constant 0 : i32
      %dma_start3A_1379 = arith.constant 0 : i32
      %dma_start3A_1380 = tpu.memref_slice %arg2[%dma_start3A_1378, %dma_start3A_1379] : memref<65536x256xf32, #tpu.memory_space<hbm>> -> memref<65536x256xf32, #tpu.memory_space<hbm>>
      tpu.enqueue_indirect_dma source(%dma_start3A_1380 : memref<65536x256xf32, #tpu.memory_space<hbm>>) target(%dma_start3A_1377 : memref<16x256xf32, #tpu.memory_space<vmem>>) offsets(%add3A_1366 : vector<16xi32>) semaphore(%arg17 : memref<!tpu.dma_semaphore, #tpu.memory_space<semaphore_mem>>)
      %add3A_1381 = arith.constant 12 : i32
      %add3A_1382 = vector.broadcast %add3A_1381 : i32 to vector<16xi32>
      %add3A_1383 = arith.addi %add3A_25, %add3A_1382 : vector<16xi32>
      %add3A_1384 = arith.constant 6 : i32
      %add3A_1385 = vector.broadcast %add3A_1384 : i32 to vector<16xi32>
      %add3A_1386 = arith.addi %add3A_29, %add3A_1385 : vector<16xi32>
      %gather3A_1387 = tpu.vector_load_idx %arg6[%add3A_1383] : memref<32xi32, #tpu.memory_space<vmem>>[vector<16xi32>], vector<16xi32>,
      %gather3A_1388 = tpu.vector_load_idx %arg8[%add3A_1386] : memref<32xi32, #tpu.memory_space<vmem>>[vector<16xi32>], vector<16xi32>,
      %add3A_1389 = arith.addi %gather3A_1387, %gather3A_1388 : vector<16xi32>
      %gather3A_1390 = tpu.vector_load_idx %arg7[%add3A_1383] : memref<32xf32, #tpu.memory_space<vmem>>[vector<16xi32>], vector<16xf32>,
      %gather3A_1391 = tpu.vector_load_idx %arg9[%add3A_1386] : memref<32xf32, #tpu.memory_space<vmem>>[vector<16xi32>], vector<16xf32>,
      %mul3A_1392 = arith.mulf %gather3A_1390, %gather3A_1391 : vector<16xf32>
      %mul3A_1393 = arith.constant 2.500000e-01 : f32
      %mul3A_1394 = vector.broadcast %mul3A_1393 : f32 to vector<16xf32>
      %mul3A_1395 = arith.mulf %mul3A_1392, %mul3A_1394 : vector<16xf32>
      %swap3A_1396 = arith.constant 336 : index
      %swap3A_1397 = tpu.vector_load %arg10[%swap3A_1396] {strides = array<i32>} : memref<384xf32, #tpu.memory_space<vmem>>, vector<16xf32>,
      tpu.vector_store %arg10[%swap3A_1396], %mul3A_1395 {strides = array<i32>} : memref<384xf32, #tpu.memory_space<vmem>>, vector<16xf32>,
      %dma_start3A_1398 = arith.constant 80 : i32
      %dma_start3A_1399 = arith.constant 0 : i32
      %dma_start3A_1400 = tpu.memref_slice %arg13[%dma_start3A_1398, %dma_start3A_1399] : memref<128x256xf32, #tpu.memory_space<vmem>> -> memref<16x256xf32, #tpu.memory_space<vmem>>
      %dma_start3A_1401 = arith.constant 0 : i32
      %dma_start3A_1402 = arith.constant 0 : i32
      %dma_start3A_1403 = tpu.memref_slice %arg2[%dma_start3A_1401, %dma_start3A_1402] : memref<65536x256xf32, #tpu.memory_space<hbm>> -> memref<65536x256xf32, #tpu.memory_space<hbm>>
      tpu.enqueue_indirect_dma source(%dma_start3A_1403 : memref<65536x256xf32, #tpu.memory_space<hbm>>) target(%dma_start3A_1400 : memref<16x256xf32, #tpu.memory_space<vmem>>) offsets(%add3A_1389 : vector<16xi32>) semaphore(%arg17 : memref<!tpu.dma_semaphore, #tpu.memory_space<semaphore_mem>>)
      %add3A_1404 = arith.constant 12 : i32
      %add3A_1405 = vector.broadcast %add3A_1404 : i32 to vector<16xi32>
      %add3A_1406 = arith.addi %add3A_25, %add3A_1405 : vector<16xi32>
      %add3A_1407 = arith.constant 8 : i32
      %add3A_1408 = vector.broadcast %add3A_1407 : i32 to vector<16xi32>
      %add3A_1409 = arith.addi %add3A_29, %add3A_1408 : vector<16xi32>
      %gather3A_1410 = tpu.vector_load_idx %arg6[%add3A_1406] : memref<32xi32, #tpu.memory_space<vmem>>[vector<16xi32>], vector<16xi32>,
      %gather3A_1411 = tpu.vector_load_idx %arg8[%add3A_1409] : memref<32xi32, #tpu.memory_space<vmem>>[vector<16xi32>], vector<16xi32>,
      %add3A_1412 = arith.addi %gather3A_1410, %gather3A_1411 : vector<16xi32>
      %gather3A_1413 = tpu.vector_load_idx %arg7[%add3A_1406] : memref<32xf32, #tpu.memory_space<vmem>>[vector<16xi32>], vector<16xf32>,
      %gather3A_1414 = tpu.vector_load_idx %arg9[%add3A_1409] : memref<32xf32, #tpu.memory_space<vmem>>[vector<16xi32>], vector<16xf32>,
      %mul3A_1415 = arith.mulf %gather3A_1413, %gather3A_1414 : vector<16xf32>
      %mul3A_1416 = arith.constant 2.500000e-01 : f32
      %mul3A_1417 = vector.broadcast %mul3A_1416 : f32 to vector<16xf32>
      %mul3A_1418 = arith.mulf %mul3A_1415, %mul3A_1417 : vector<16xf32>
      %swap3A_1419 = arith.constant 352 : index
      %swap3A_1420 = tpu.vector_load %arg10[%swap3A_1419] {strides = array<i32>} : memref<384xf32, #tpu.memory_space<vmem>>, vector<16xf32>,
      tpu.vector_store %arg10[%swap3A_1419], %mul3A_1418 {strides = array<i32>} : memref<384xf32, #tpu.memory_space<vmem>>, vector<16xf32>,
      %dma_start3A_1421 = arith.constant 96 : i32
      %dma_start3A_1422 = arith.constant 0 : i32
      %dma_start3A_1423 = tpu.memref_slice %arg13[%dma_start3A_1421, %dma_start3A_1422] : memref<128x256xf32, #tpu.memory_space<vmem>> -> memref<16x256xf32, #tpu.memory_space<vmem>>
      %dma_start3A_1424 = arith.constant 0 : i32
      %dma_start3A_1425 = arith.constant 0 : i32
      %dma_start3A_1426 = tpu.memref_slice %arg2[%dma_start3A_1424, %dma_start3A_1425] : memref<65536x256xf32, #tpu.memory_space<hbm>> -> memref<65536x256xf32, #tpu.memory_space<hbm>>
      tpu.enqueue_indirect_dma source(%dma_start3A_1426 : memref<65536x256xf32, #tpu.memory_space<hbm>>) target(%dma_start3A_1423 : memref<16x256xf32, #tpu.memory_space<vmem>>) offsets(%add3A_1412 : vector<16xi32>) semaphore(%arg17 : memref<!tpu.dma_semaphore, #tpu.memory_space<semaphore_mem>>)
      %add3A_1427 = arith.constant 12 : i32
      %add3A_1428 = vector.broadcast %add3A_1427 : i32 to vector<16xi32>
      %add3A_1429 = arith.addi %add3A_25, %add3A_1428 : vector<16xi32>
      %add3A_1430 = arith.constant 10 : i32
      %add3A_1431 = vector.broadcast %add3A_1430 : i32 to vector<16xi32>
      %add3A_1432 = arith.addi %add3A_29, %add3A_1431 : vector<16xi32>
      %gather3A_1433 = tpu.vector_load_idx %arg6[%add3A_1429] : memref<32xi32, #tpu.memory_space<vmem>>[vector<16xi32>], vector<16xi32>,
      %gather3A_1434 = tpu.vector_load_idx %arg8[%add3A_1432] : memref<32xi32, #tpu.memory_space<vmem>>[vector<16xi32>], vector<16xi32>,
      %add3A_1435 = arith.addi %gather3A_1433, %gather3A_1434 : vector<16xi32>
      %gather3A_1436 = tpu.vector_load_idx %arg7[%add3A_1429] : memref<32xf32, #tpu.memory_space<vmem>>[vector<16xi32>], vector<16xf32>,
      %gather3A_1437 = tpu.vector_load_idx %arg9[%add3A_1432] : memref<32xf32, #tpu.memory_space<vmem>>[vector<16xi32>], vector<16xf32>,
      %mul3A_1438 = arith.mulf %gather3A_1436, %gather3A_1437 : vector<16xf32>
      %mul3A_1439 = arith.constant 2.500000e-01 : f32
      %mul3A_1440 = vector.broadcast %mul3A_1439 : f32 to vector<16xf32>
      %mul3A_1441 = arith.mulf %mul3A_1438, %mul3A_1440 : vector<16xf32>
      %swap3A_1442 = arith.constant 368 : index
      %swap3A_1443 = tpu.vector_load %arg10[%swap3A_1442] {strides = array<i32>} : memref<384xf32, #tpu.memory_space<vmem>>, vector<16xf32>,
      tpu.vector_store %arg10[%swap3A_1442], %mul3A_1441 {strides = array<i32>} : memref<384xf32, #tpu.memory_space<vmem>>, vector<16xf32>,
      %dma_start3A_1444 = arith.constant 112 : i32
      %dma_start3A_1445 = arith.constant 0 : i32
      %dma_start3A_1446 = tpu.memref_slice %arg13[%dma_start3A_1444, %dma_start3A_1445] : memref<128x256xf32, #tpu.memory_space<vmem>> -> memref<16x256xf32, #tpu.memory_space<vmem>>
      %dma_start3A_1447 = arith.constant 0 : i32
      %dma_start3A_1448 = arith.constant 0 : i32
      %dma_start3A_1449 = tpu.memref_slice %arg2[%dma_start3A_1447, %dma_start3A_1448] : memref<65536x256xf32, #tpu.memory_space<hbm>> -> memref<65536x256xf32, #tpu.memory_space<hbm>>
      tpu.enqueue_indirect_dma source(%dma_start3A_1449 : memref<65536x256xf32, #tpu.memory_space<hbm>>) target(%dma_start3A_1446 : memref<16x256xf32, #tpu.memory_space<vmem>>) offsets(%add3A_1435 : vector<16xi32>) semaphore(%arg17 : memref<!tpu.dma_semaphore, #tpu.memory_space<semaphore_mem>>)
      %dma_wait3A_1450 = arith.constant 0 : i32
      %dma_wait3A_1451 = arith.constant 0 : i32
      %dma_wait3A_1452 = tpu.memref_slice %arg11[%dma_wait3A_1450, %dma_wait3A_1451] : memref<128x256xf32, #tpu.memory_space<vmem>> -> memref<16x256xf32, #tpu.memory_space<vmem>>
      %dma_wait3A_1453 = arith.constant 0 : i32
      %dma_wait3A_1454 = arith.constant 0 : i32
      %dma_wait3A_1455 = tpu.memref_slice %arg2[%dma_wait3A_1453, %dma_wait3A_1454] : memref<65536x256xf32, #tpu.memory_space<hbm>> -> memref<65536x256xf32, #tpu.memory_space<hbm>>
      tpu.wait_indirect_dma semaphore(%arg15 : memref<!tpu.dma_semaphore, #tpu.memory_space<semaphore_mem>>) src(%dma_wait3A_1455 : memref<65536x256xf32, #tpu.memory_space<hbm>>) dst(%dma_wait3A_1452 : memref<16x256xf32, #tpu.memory_space<vmem>>)
      %dma_wait3A_1456 = arith.constant 16 : i32
      %dma_wait3A_1457 = arith.constant 0 : i32
      %dma_wait3A_1458 = tpu.memref_slice %arg11[%dma_wait3A_1456, %dma_wait3A_1457] : memref<128x256xf32, #tpu.memory_space<vmem>> -> memref<16x256xf32, #tpu.memory_space<vmem>>
      %dma_wait3A_1459 = arith.constant 0 : i32
      %dma_wait3A_1460 = arith.constant 0 : i32
      %dma_wait3A_1461 = tpu.memref_slice %arg2[%dma_wait3A_1459, %dma_wait3A_1460] : memref<65536x256xf32, #tpu.memory_space<hbm>> -> memref<65536x256xf32, #tpu.memory_space<hbm>>
      tpu.wait_indirect_dma semaphore(%arg15 : memref<!tpu.dma_semaphore, #tpu.memory_space<semaphore_mem>>) src(%dma_wait3A_1461 : memref<65536x256xf32, #tpu.memory_space<hbm>>) dst(%dma_wait3A_1458 : memref<16x256xf32, #tpu.memory_space<vmem>>)
      %dma_wait3A_1462 = arith.constant 32 : i32
      %dma_wait3A_1463 = arith.constant 0 : i32
      %dma_wait3A_1464 = tpu.memref_slice %arg11[%dma_wait3A_1462, %dma_wait3A_1463] : memref<128x256xf32, #tpu.memory_space<vmem>> -> memref<16x256xf32, #tpu.memory_space<vmem>>
      %dma_wait3A_1465 = arith.constant 0 : i32
      %dma_wait3A_1466 = arith.constant 0 : i32
      %dma_wait3A_1467 = tpu.memref_slice %arg2[%dma_wait3A_1465, %dma_wait3A_1466] : memref<65536x256xf32, #tpu.memory_space<hbm>> -> memref<65536x256xf32, #tpu.memory_space<hbm>>
      tpu.wait_indirect_dma semaphore(%arg15 : memref<!tpu.dma_semaphore, #tpu.memory_space<semaphore_mem>>) src(%dma_wait3A_1467 : memref<65536x256xf32, #tpu.memory_space<hbm>>) dst(%dma_wait3A_1464 : memref<16x256xf32, #tpu.memory_space<vmem>>)
      %dma_wait3A_1468 = arith.constant 48 : i32
      %dma_wait3A_1469 = arith.constant 0 : i32
      %dma_wait3A_1470 = tpu.memref_slice %arg11[%dma_wait3A_1468, %dma_wait3A_1469] : memref<128x256xf32, #tpu.memory_space<vmem>> -> memref<16x256xf32, #tpu.memory_space<vmem>>
      %dma_wait3A_1471 = arith.constant 0 : i32
      %dma_wait3A_1472 = arith.constant 0 : i32
      %dma_wait3A_1473 = tpu.memref_slice %arg2[%dma_wait3A_1471, %dma_wait3A_1472] : memref<65536x256xf32, #tpu.memory_space<hbm>> -> memref<65536x256xf32, #tpu.memory_space<hbm>>
      tpu.wait_indirect_dma semaphore(%arg15 : memref<!tpu.dma_semaphore, #tpu.memory_space<semaphore_mem>>) src(%dma_wait3A_1473 : memref<65536x256xf32, #tpu.memory_space<hbm>>) dst(%dma_wait3A_1470 : memref<16x256xf32, #tpu.memory_space<vmem>>)
      %dma_wait3A_1474 = arith.constant 64 : i32
      %dma_wait3A_1475 = arith.constant 0 : i32
      %dma_wait3A_1476 = tpu.memref_slice %arg11[%dma_wait3A_1474, %dma_wait3A_1475] : memref<128x256xf32, #tpu.memory_space<vmem>> -> memref<16x256xf32, #tpu.memory_space<vmem>>
      %dma_wait3A_1477 = arith.constant 0 : i32
      %dma_wait3A_1478 = arith.constant 0 : i32
      %dma_wait3A_1479 = tpu.memref_slice %arg2[%dma_wait3A_1477, %dma_wait3A_1478] : memref<65536x256xf32, #tpu.memory_space<hbm>> -> memref<65536x256xf32, #tpu.memory_space<hbm>>
      tpu.wait_indirect_dma semaphore(%arg15 : memref<!tpu.dma_semaphore, #tpu.memory_space<semaphore_mem>>) src(%dma_wait3A_1479 : memref<65536x256xf32, #tpu.memory_space<hbm>>) dst(%dma_wait3A_1476 : memref<16x256xf32, #tpu.memory_space<vmem>>)
      %dma_wait3A_1480 = arith.constant 80 : i32
      %dma_wait3A_1481 = arith.constant 0 : i32
      %dma_wait3A_1482 = tpu.memref_slice %arg11[%dma_wait3A_1480, %dma_wait3A_1481] : memref<128x256xf32, #tpu.memory_space<vmem>> -> memref<16x256xf32, #tpu.memory_space<vmem>>
      %dma_wait3A_1483 = arith.constant 0 : i32
      %dma_wait3A_1484 = arith.constant 0 : i32
      %dma_wait3A_1485 = tpu.memref_slice %arg2[%dma_wait3A_1483, %dma_wait3A_1484] : memref<65536x256xf32, #tpu.memory_space<hbm>> -> memref<65536x256xf32, #tpu.memory_space<hbm>>
      tpu.wait_indirect_dma semaphore(%arg15 : memref<!tpu.dma_semaphore, #tpu.memory_space<semaphore_mem>>) src(%dma_wait3A_1485 : memref<65536x256xf32, #tpu.memory_space<hbm>>) dst(%dma_wait3A_1482 : memref<16x256xf32, #tpu.memory_space<vmem>>)
      %dma_wait3A_1486 = arith.constant 96 : i32
      %dma_wait3A_1487 = arith.constant 0 : i32
      %dma_wait3A_1488 = tpu.memref_slice %arg11[%dma_wait3A_1486, %dma_wait3A_1487] : memref<128x256xf32, #tpu.memory_space<vmem>> -> memref<16x256xf32, #tpu.memory_space<vmem>>
      %dma_wait3A_1489 = arith.constant 0 : i32
      %dma_wait3A_1490 = arith.constant 0 : i32
      %dma_wait3A_1491 = tpu.memref_slice %arg2[%dma_wait3A_1489, %dma_wait3A_1490] : memref<65536x256xf32, #tpu.memory_space<hbm>> -> memref<65536x256xf32, #tpu.memory_space<hbm>>
      tpu.wait_indirect_dma semaphore(%arg15 : memref<!tpu.dma_semaphore, #tpu.memory_space<semaphore_mem>>) src(%dma_wait3A_1491 : memref<65536x256xf32, #tpu.memory_space<hbm>>) dst(%dma_wait3A_1488 : memref<16x256xf32, #tpu.memory_space<vmem>>)
      %dma_wait3A_1492 = arith.constant 112 : i32
      %dma_wait3A_1493 = arith.constant 0 : i32
      %dma_wait3A_1494 = tpu.memref_slice %arg11[%dma_wait3A_1492, %dma_wait3A_1493] : memref<128x256xf32, #tpu.memory_space<vmem>> -> memref<16x256xf32, #tpu.memory_space<vmem>>
      %dma_wait3A_1495 = arith.constant 0 : i32
      %dma_wait3A_1496 = arith.constant 0 : i32
      %dma_wait3A_1497 = tpu.memref_slice %arg2[%dma_wait3A_1495, %dma_wait3A_1496] : memref<65536x256xf32, #tpu.memory_space<hbm>> -> memref<65536x256xf32, #tpu.memory_space<hbm>>
      tpu.wait_indirect_dma semaphore(%arg15 : memref<!tpu.dma_semaphore, #tpu.memory_space<semaphore_mem>>) src(%dma_wait3A_1497 : memref<65536x256xf32, #tpu.memory_space<hbm>>) dst(%dma_wait3A_1494 : memref<16x256xf32, #tpu.memory_space<vmem>>)
      %scan3A_1498 = arith.constant 0 : i32
      %scan3A_1499 = arith.constant 0 : i32
      %scan3A_1500 = arith.constant 8 : i32
      %scan3A_1501 = arith.addi %scan3A_1499, %scan3A_1500 : i32
      %scan3A_1502 = arith.constant 1 : i32
      %scan3A_1503 = scf.for %scan3A_1803 = %scan3A_1499 to %scan3A_1501 step %scan3A_1502 iter_args(%scan3A_1804 = %scan3A_1498) -> (i32)  : i32 {
        %mul3A_1805 = arith.constant 16 : i32
        %mul3A_1806 = arith.muli %scan3A_1803, %mul3A_1805 : i32
        %add3A_1807 = arith.constant 0 : i32
        %add3A_1808 = arith.addi %add3A_1807, %mul3A_1806 : i32
        %mul3A_1809 = arith.constant 16 : i32
        %mul3A_1810 = arith.muli %scan3A_1803, %mul3A_1809 : i32
        %get3A_1811 = arith.index_cast %mul3A_1810 : i32 to index
        %get3A_1812 = arith.constant 0 : index
        %get3A_1813 = tpu.vector_load %arg11[%get3A_1811, %get3A_1812] {strides = array<i32>} : memref<128x256xf32, #tpu.memory_space<vmem>>, vector<16xf32>,
        %mul3A_1814 = arith.constant 16 : i32
        %mul3A_1815 = arith.muli %scan3A_1803, %mul3A_1814 : i32
        %get3A_1816 = arith.index_cast %mul3A_1815 : i32 to index
        %get3A_1817 = arith.constant 16 : index
        %get3A_1818 = tpu.vector_load %arg11[%get3A_1816, %get3A_1817] {strides = array<i32>} : memref<128x256xf32, #tpu.memory_space<vmem>>, vector<16xf32>,
        %mul3A_1819 = arith.constant 16 : i32
        %mul3A_1820 = arith.muli %scan3A_1803, %mul3A_1819 : i32
        %get3A_1821 = arith.index_cast %mul3A_1820 : i32 to index
        %get3A_1822 = arith.constant 32 : index
        %get3A_1823 = tpu.vector_load %arg11[%get3A_1821, %get3A_1822] {strides = array<i32>} : memref<128x256xf32, #tpu.memory_space<vmem>>, vector<16xf32>,
        %mul3A_1824 = arith.constant 16 : i32
        %mul3A_1825 = arith.muli %scan3A_1803, %mul3A_1824 : i32
        %get3A_1826 = arith.index_cast %mul3A_1825 : i32 to index
        %get3A_1827 = arith.constant 48 : index
        %get3A_1828 = tpu.vector_load %arg11[%get3A_1826, %get3A_1827] {strides = array<i32>} : memref<128x256xf32, #tpu.memory_space<vmem>>, vector<16xf32>,
        %mul3A_1829 = arith.constant 16 : i32
        %mul3A_1830 = arith.muli %scan3A_1803, %mul3A_1829 : i32
        %get3A_1831 = arith.index_cast %mul3A_1830 : i32 to index
        %get3A_1832 = arith.constant 64 : index
        %get3A_1833 = tpu.vector_load %arg11[%get3A_1831, %get3A_1832] {strides = array<i32>} : memref<128x256xf32, #tpu.memory_space<vmem>>, vector<16xf32>,
        %mul3A_1834 = arith.constant 16 : i32
        %mul3A_1835 = arith.muli %scan3A_1803, %mul3A_1834 : i32
        %get3A_1836 = arith.index_cast %mul3A_1835 : i32 to index
        %get3A_1837 = arith.constant 80 : index
        %get3A_1838 = tpu.vector_load %arg11[%get3A_1836, %get3A_1837] {strides = array<i32>} : memref<128x256xf32, #tpu.memory_space<vmem>>, vector<16xf32>,
        %mul3A_1839 = arith.constant 16 : i32
        %mul3A_1840 = arith.muli %scan3A_1803, %mul3A_1839 : i32
        %get3A_1841 = arith.index_cast %mul3A_1840 : i32 to index
        %get3A_1842 = arith.constant 96 : index
        %get3A_1843 = tpu.vector_load %arg11[%get3A_1841, %get3A_1842] {strides = array<i32>} : memref<128x256xf32, #tpu.memory_space<vmem>>, vector<16xf32>,
        %mul3A_1844 = arith.constant 16 : i32
        %mul3A_1845 = arith.muli %scan3A_1803, %mul3A_1844 : i32
        %get3A_1846 = arith.index_cast %mul3A_1845 : i32 to index
        %get3A_1847 = arith.constant 112 : index
        %get3A_1848 = tpu.vector_load %arg11[%get3A_1846, %get3A_1847] {strides = array<i32>} : memref<128x256xf32, #tpu.memory_space<vmem>>, vector<16xf32>,
        %mul3A_1849 = arith.constant 16 : i32
        %mul3A_1850 = arith.muli %scan3A_1803, %mul3A_1849 : i32
        %get3A_1851 = arith.index_cast %mul3A_1850 : i32 to index
        %get3A_1852 = arith.constant 128 : index
        %get3A_1853 = tpu.vector_load %arg11[%get3A_1851, %get3A_1852] {strides = array<i32>} : memref<128x256xf32, #tpu.memory_space<vmem>>, vector<16xf32>,
        %mul3A_1854 = arith.constant 16 : i32
        %mul3A_1855 = arith.muli %scan3A_1803, %mul3A_1854 : i32
        %get3A_1856 = arith.index_cast %mul3A_1855 : i32 to index
        %get3A_1857 = arith.constant 144 : index
        %get3A_1858 = tpu.vector_load %arg11[%get3A_1856, %get3A_1857] {strides = array<i32>} : memref<128x256xf32, #tpu.memory_space<vmem>>, vector<16xf32>,
        %mul3A_1859 = arith.constant 16 : i32
        %mul3A_1860 = arith.muli %scan3A_1803, %mul3A_1859 : i32
        %get3A_1861 = arith.index_cast %mul3A_1860 : i32 to index
        %get3A_1862 = arith.constant 160 : index
        %get3A_1863 = tpu.vector_load %arg11[%get3A_1861, %get3A_1862] {strides = array<i32>} : memref<128x256xf32, #tpu.memory_space<vmem>>, vector<16xf32>,
        %mul3A_1864 = arith.constant 16 : i32
        %mul3A_1865 = arith.muli %scan3A_1803, %mul3A_1864 : i32
        %get3A_1866 = arith.index_cast %mul3A_1865 : i32 to index
        %get3A_1867 = arith.constant 176 : index
        %get3A_1868 = tpu.vector_load %arg11[%get3A_1866, %get3A_1867] {strides = array<i32>} : memref<128x256xf32, #tpu.memory_space<vmem>>, vector<16xf32>,
        %mul3A_1869 = arith.constant 16 : i32
        %mul3A_1870 = arith.muli %scan3A_1803, %mul3A_1869 : i32
        %get3A_1871 = arith.index_cast %mul3A_1870 : i32 to index
        %get3A_1872 = arith.constant 192 : index
        %get3A_1873 = tpu.vector_load %arg11[%get3A_1871, %get3A_1872] {strides = array<i32>} : memref<128x256xf32, #tpu.memory_space<vmem>>, vector<16xf32>,
        %mul3A_1874 = arith.constant 16 : i32
        %mul3A_1875 = arith.muli %scan3A_1803, %mul3A_1874 : i32
        %get3A_1876 = arith.index_cast %mul3A_1875 : i32 to index
        %get3A_1877 = arith.constant 208 : index
        %get3A_1878 = tpu.vector_load %arg11[%get3A_1876, %get3A_1877] {strides = array<i32>} : memref<128x256xf32, #tpu.memory_space<vmem>>, vector<16xf32>,
        %mul3A_1879 = arith.constant 16 : i32
        %mul3A_1880 = arith.muli %scan3A_1803, %mul3A_1879 : i32
        %get3A_1881 = arith.index_cast %mul3A_1880 : i32 to index
        %get3A_1882 = arith.constant 224 : index
        %get3A_1883 = tpu.vector_load %arg11[%get3A_1881, %get3A_1882] {strides = array<i32>} : memref<128x256xf32, #tpu.memory_space<vmem>>, vector<16xf32>,
        %mul3A_1884 = arith.constant 16 : i32
        %mul3A_1885 = arith.muli %scan3A_1803, %mul3A_1884 : i32
        %get3A_1886 = arith.index_cast %mul3A_1885 : i32 to index
        %get3A_1887 = arith.constant 240 : index
        %get3A_1888 = tpu.vector_load %arg11[%get3A_1886, %get3A_1887] {strides = array<i32>} : memref<128x256xf32, #tpu.memory_space<vmem>>, vector<16xf32>,
        %add3A_1889 = arith.constant 24 : i32
        %add3A_1890 = arith.addi %add3A_1889, %scan3A_1803 : i32
        %mul3A_1891 = arith.constant 256 : i32
        %mul3A_1892 = arith.muli %add3A_1890, %mul3A_1891 : i32
        %add3A_1893 = arith.constant 0 : i32
        %add3A_1894 = arith.addi %mul3A_1892, %add3A_1893 : i32
        %swap3A_1895 = arith.index_cast %add3A_1894 : i32 to index
        %swap3A_1896 = tpu.vector_load %arg14[%swap3A_1895] {strides = array<i32>} : memref<12544xf32, #tpu.memory_space<vmem>>, vector<16xf32>,
        tpu.vector_store %arg14[%swap3A_1895], %get3A_1813 {strides = array<i32>} : memref<12544xf32, #tpu.memory_space<vmem>>, vector<16xf32>,
        %add3A_1897 = arith.constant 16 : i32
        %add3A_1898 = arith.addi %mul3A_1892, %add3A_1897 : i32
        %swap3A_1899 = arith.index_cast %add3A_1898 : i32 to index
        %swap3A_1900 = tpu.vector_load %arg14[%swap3A_1899] {strides = array<i32>} : memref<12544xf32, #tpu.memory_space<vmem>>, vector<16xf32>,
        tpu.vector_store %arg14[%swap3A_1899], %get3A_1818 {strides = array<i32>} : memref<12544xf32, #tpu.memory_space<vmem>>, vector<16xf32>,
        %add3A_1901 = arith.constant 32 : i32
        %add3A_1902 = arith.addi %mul3A_1892, %add3A_1901 : i32
        %swap3A_1903 = arith.index_cast %add3A_1902 : i32 to index
        %swap3A_1904 = tpu.vector_load %arg14[%swap3A_1903] {strides = array<i32>} : memref<12544xf32, #tpu.memory_space<vmem>>, vector<16xf32>,
        tpu.vector_store %arg14[%swap3A_1903], %get3A_1823 {strides = array<i32>} : memref<12544xf32, #tpu.memory_space<vmem>>, vector<16xf32>,
        %add3A_1905 = arith.constant 48 : i32
        %add3A_1906 = arith.addi %mul3A_1892, %add3A_1905 : i32
        %swap3A_1907 = arith.index_cast %add3A_1906 : i32 to index
        %swap3A_1908 = tpu.vector_load %arg14[%swap3A_1907] {strides = array<i32>} : memref<12544xf32, #tpu.memory_space<vmem>>, vector<16xf32>,
        tpu.vector_store %arg14[%swap3A_1907], %get3A_1828 {strides = array<i32>} : memref<12544xf32, #tpu.memory_space<vmem>>, vector<16xf32>,
        %add3A_1909 = arith.constant 64 : i32
        %add3A_1910 = arith.addi %mul3A_1892, %add3A_1909 : i32
        %swap3A_1911 = arith.index_cast %add3A_1910 : i32 to index
        %swap3A_1912 = tpu.vector_load %arg14[%swap3A_1911] {strides = array<i32>} : memref<12544xf32, #tpu.memory_space<vmem>>, vector<16xf32>,
        tpu.vector_store %arg14[%swap3A_1911], %get3A_1833 {strides = array<i32>} : memref<12544xf32, #tpu.memory_space<vmem>>, vector<16xf32>,
        %add3A_1913 = arith.constant 80 : i32
        %add3A_1914 = arith.addi %mul3A_1892, %add3A_1913 : i32
        %swap3A_1915 = arith.index_cast %add3A_1914 : i32 to index
        %swap3A_1916 = tpu.vector_load %arg14[%swap3A_1915] {strides = array<i32>} : memref<12544xf32, #tpu.memory_space<vmem>>, vector<16xf32>,
        tpu.vector_store %arg14[%swap3A_1915], %get3A_1838 {strides = array<i32>} : memref<12544xf32, #tpu.memory_space<vmem>>, vector<16xf32>,
        %add3A_1917 = arith.constant 96 : i32
        %add3A_1918 = arith.addi %mul3A_1892, %add3A_1917 : i32
        %swap3A_1919 = arith.index_cast %add3A_1918 : i32 to index
        %swap3A_1920 = tpu.vector_load %arg14[%swap3A_1919] {strides = array<i32>} : memref<12544xf32, #tpu.memory_space<vmem>>, vector<16xf32>,
        tpu.vector_store %arg14[%swap3A_1919], %get3A_1843 {strides = array<i32>} : memref<12544xf32, #tpu.memory_space<vmem>>, vector<16xf32>,
        %add3A_1921 = arith.constant 112 : i32
        %add3A_1922 = arith.addi %mul3A_1892, %add3A_1921 : i32
        %swap3A_1923 = arith.index_cast %add3A_1922 : i32 to index
        %swap3A_1924 = tpu.vector_load %arg14[%swap3A_1923] {strides = array<i32>} : memref<12544xf32, #tpu.memory_space<vmem>>, vector<16xf32>,
        tpu.vector_store %arg14[%swap3A_1923], %get3A_1848 {strides = array<i32>} : memref<12544xf32, #tpu.memory_space<vmem>>, vector<16xf32>,
        %add3A_1925 = arith.constant 128 : i32
        %add3A_1926 = arith.addi %mul3A_1892, %add3A_1925 : i32
        %swap3A_1927 = arith.index_cast %add3A_1926 : i32 to index
        %swap3A_1928 = tpu.vector_load %arg14[%swap3A_1927] {strides = array<i32>} : memref<12544xf32, #tpu.memory_space<vmem>>, vector<16xf32>,
        tpu.vector_store %arg14[%swap3A_1927], %get3A_1853 {strides = array<i32>} : memref<12544xf32, #tpu.memory_space<vmem>>, vector<16xf32>,
        %add3A_1929 = arith.constant 144 : i32
        %add3A_1930 = arith.addi %mul3A_1892, %add3A_1929 : i32
        %swap3A_1931 = arith.index_cast %add3A_1930 : i32 to index
        %swap3A_1932 = tpu.vector_load %arg14[%swap3A_1931] {strides = array<i32>} : memref<12544xf32, #tpu.memory_space<vmem>>, vector<16xf32>,
        tpu.vector_store %arg14[%swap3A_1931], %get3A_1858 {strides = array<i32>} : memref<12544xf32, #tpu.memory_space<vmem>>, vector<16xf32>,
        %add3A_1933 = arith.constant 160 : i32
        %add3A_1934 = arith.addi %mul3A_1892, %add3A_1933 : i32
        %swap3A_1935 = arith.index_cast %add3A_1934 : i32 to index
        %swap3A_1936 = tpu.vector_load %arg14[%swap3A_1935] {strides = array<i32>} : memref<12544xf32, #tpu.memory_space<vmem>>, vector<16xf32>,
        tpu.vector_store %arg14[%swap3A_1935], %get3A_1863 {strides = array<i32>} : memref<12544xf32, #tpu.memory_space<vmem>>, vector<16xf32>,
        %add3A_1937 = arith.constant 176 : i32
        %add3A_1938 = arith.addi %mul3A_1892, %add3A_1937 : i32
        %swap3A_1939 = arith.index_cast %add3A_1938 : i32 to index
        %swap3A_1940 = tpu.vector_load %arg14[%swap3A_1939] {strides = array<i32>} : memref<12544xf32, #tpu.memory_space<vmem>>, vector<16xf32>,
        tpu.vector_store %arg14[%swap3A_1939], %get3A_1868 {strides = array<i32>} : memref<12544xf32, #tpu.memory_space<vmem>>, vector<16xf32>,
        %add3A_1941 = arith.constant 192 : i32
        %add3A_1942 = arith.addi %mul3A_1892, %add3A_1941 : i32
        %swap3A_1943 = arith.index_cast %add3A_1942 : i32 to index
        %swap3A_1944 = tpu.vector_load %arg14[%swap3A_1943] {strides = array<i32>} : memref<12544xf32, #tpu.memory_space<vmem>>, vector<16xf32>,
        tpu.vector_store %arg14[%swap3A_1943], %get3A_1873 {strides = array<i32>} : memref<12544xf32, #tpu.memory_space<vmem>>, vector<16xf32>,
        %add3A_1945 = arith.constant 208 : i32
        %add3A_1946 = arith.addi %mul3A_1892, %add3A_1945 : i32
        %swap3A_1947 = arith.index_cast %add3A_1946 : i32 to index
        %swap3A_1948 = tpu.vector_load %arg14[%swap3A_1947] {strides = array<i32>} : memref<12544xf32, #tpu.memory_space<vmem>>, vector<16xf32>,
        tpu.vector_store %arg14[%swap3A_1947], %get3A_1878 {strides = array<i32>} : memref<12544xf32, #tpu.memory_space<vmem>>, vector<16xf32>,
        %add3A_1949 = arith.constant 224 : i32
        %add3A_1950 = arith.addi %mul3A_1892, %add3A_1949 : i32
        %swap3A_1951 = arith.index_cast %add3A_1950 : i32 to index
        %swap3A_1952 = tpu.vector_load %arg14[%swap3A_1951] {strides = array<i32>} : memref<12544xf32, #tpu.memory_space<vmem>>, vector<16xf32>,
        tpu.vector_store %arg14[%swap3A_1951], %get3A_1883 {strides = array<i32>} : memref<12544xf32, #tpu.memory_space<vmem>>, vector<16xf32>,
        %add3A_1953 = arith.constant 240 : i32
        %add3A_1954 = arith.addi %mul3A_1892, %add3A_1953 : i32
        %swap3A_1955 = arith.index_cast %add3A_1954 : i32 to index
        %swap3A_1956 = tpu.vector_load %arg14[%swap3A_1955] {strides = array<i32>} : memref<12544xf32, #tpu.memory_space<vmem>>, vector<16xf32>,
        tpu.vector_store %arg14[%swap3A_1955], %get3A_1888 {strides = array<i32>} : memref<12544xf32, #tpu.memory_space<vmem>>, vector<16xf32>,
        %scan3A_1957 = arith.constant 0 : i32
        scf.yield %scan3A_1957 : i32
      }
      %scan3A_1504 = arith.constant 8 : i32
      %add3A_1505 = arith.constant 12 : i32
      %add3A_1506 = vector.broadcast %add3A_1505 : i32 to vector<16xi32>
      %add3A_1507 = arith.addi %add3A_25, %add3A_1506 : vector<16xi32>
      %add3A_1508 = arith.constant 12 : i32
      %add3A_1509 = vector.broadcast %add3A_1508 : i32 to vector<16xi32>
      %add3A_1510 = arith.addi %add3A_29, %add3A_1509 : vector<16xi32>
      %gather3A_1511 = tpu.vector_load_idx %arg6[%add3A_1507] : memref<32xi32, #tpu.memory_space<vmem>>[vector<16xi32>], vector<16xi32>,
      %gather3A_1512 = tpu.vector_load_idx %arg8[%add3A_1510] : memref<32xi32, #tpu.memory_space<vmem>>[vector<16xi32>], vector<16xi32>,
      %add3A_1513 = arith.addi %gather3A_1511, %gather3A_1512 : vector<16xi32>
      %gather3A_1514 = tpu.vector_load_idx %arg7[%add3A_1507] : memref<32xf32, #tpu.memory_space<vmem>>[vector<16xi32>], vector<16xf32>,
      %gather3A_1515 = tpu.vector_load_idx %arg9[%add3A_1510] : memref<32xf32, #tpu.memory_space<vmem>>[vector<16xi32>], vector<16xf32>,
      %mul3A_1516 = arith.mulf %gather3A_1514, %gather3A_1515 : vector<16xf32>
      %mul3A_1517 = arith.constant 2.500000e-01 : f32
      %mul3A_1518 = vector.broadcast %mul3A_1517 : f32 to vector<16xf32>
      %mul3A_1519 = arith.mulf %mul3A_1516, %mul3A_1518 : vector<16xf32>
      %swap3A_1520 = arith.constant 0 : index
      %swap3A_1521 = tpu.vector_load %arg10[%swap3A_1520] {strides = array<i32>} : memref<384xf32, #tpu.memory_space<vmem>>, vector<16xf32>,
      tpu.vector_store %arg10[%swap3A_1520], %mul3A_1519 {strides = array<i32>} : memref<384xf32, #tpu.memory_space<vmem>>, vector<16xf32>,
      %dma_start3A_1522 = arith.constant 0 : i32
      %dma_start3A_1523 = arith.constant 0 : i32
      %dma_start3A_1524 = tpu.memref_slice %arg11[%dma_start3A_1522, %dma_start3A_1523] : memref<128x256xf32, #tpu.memory_space<vmem>> -> memref<16x256xf32, #tpu.memory_space<vmem>>
      %dma_start3A_1525 = arith.constant 0 : i32
      %dma_start3A_1526 = arith.constant 0 : i32
      %dma_start3A_1527 = tpu.memref_slice %arg2[%dma_start3A_1525, %dma_start3A_1526] : memref<65536x256xf32, #tpu.memory_space<hbm>> -> memref<65536x256xf32, #tpu.memory_space<hbm>>
      tpu.enqueue_indirect_dma source(%dma_start3A_1527 : memref<65536x256xf32, #tpu.memory_space<hbm>>) target(%dma_start3A_1524 : memref<16x256xf32, #tpu.memory_space<vmem>>) offsets(%add3A_1513 : vector<16xi32>) semaphore(%arg15 : memref<!tpu.dma_semaphore, #tpu.memory_space<semaphore_mem>>)
      %dma_wait3A_1528 = arith.constant 0 : i32
      %dma_wait3A_1529 = arith.constant 0 : i32
      %dma_wait3A_1530 = tpu.memref_slice %arg12[%dma_wait3A_1528, %dma_wait3A_1529] : memref<128x256xf32, #tpu.memory_space<vmem>> -> memref<16x256xf32, #tpu.memory_space<vmem>>
      %dma_wait3A_1531 = arith.constant 0 : i32
      %dma_wait3A_1532 = arith.constant 0 : i32
      %dma_wait3A_1533 = tpu.memref_slice %arg2[%dma_wait3A_1531, %dma_wait3A_1532] : memref<65536x256xf32, #tpu.memory_space<hbm>> -> memref<65536x256xf32, #tpu.memory_space<hbm>>
      tpu.wait_indirect_dma semaphore(%arg16 : memref<!tpu.dma_semaphore, #tpu.memory_space<semaphore_mem>>) src(%dma_wait3A_1533 : memref<65536x256xf32, #tpu.memory_space<hbm>>) dst(%dma_wait3A_1530 : memref<16x256xf32, #tpu.memory_space<vmem>>)
      %dma_wait3A_1534 = arith.constant 16 : i32
      %dma_wait3A_1535 = arith.constant 0 : i32
      %dma_wait3A_1536 = tpu.memref_slice %arg12[%dma_wait3A_1534, %dma_wait3A_1535] : memref<128x256xf32, #tpu.memory_space<vmem>> -> memref<16x256xf32, #tpu.memory_space<vmem>>
      %dma_wait3A_1537 = arith.constant 0 : i32
      %dma_wait3A_1538 = arith.constant 0 : i32
      %dma_wait3A_1539 = tpu.memref_slice %arg2[%dma_wait3A_1537, %dma_wait3A_1538] : memref<65536x256xf32, #tpu.memory_space<hbm>> -> memref<65536x256xf32, #tpu.memory_space<hbm>>
      tpu.wait_indirect_dma semaphore(%arg16 : memref<!tpu.dma_semaphore, #tpu.memory_space<semaphore_mem>>) src(%dma_wait3A_1539 : memref<65536x256xf32, #tpu.memory_space<hbm>>) dst(%dma_wait3A_1536 : memref<16x256xf32, #tpu.memory_space<vmem>>)
      %dma_wait3A_1540 = arith.constant 32 : i32
      %dma_wait3A_1541 = arith.constant 0 : i32
      %dma_wait3A_1542 = tpu.memref_slice %arg12[%dma_wait3A_1540, %dma_wait3A_1541] : memref<128x256xf32, #tpu.memory_space<vmem>> -> memref<16x256xf32, #tpu.memory_space<vmem>>
      %dma_wait3A_1543 = arith.constant 0 : i32
      %dma_wait3A_1544 = arith.constant 0 : i32
      %dma_wait3A_1545 = tpu.memref_slice %arg2[%dma_wait3A_1543, %dma_wait3A_1544] : memref<65536x256xf32, #tpu.memory_space<hbm>> -> memref<65536x256xf32, #tpu.memory_space<hbm>>
      tpu.wait_indirect_dma semaphore(%arg16 : memref<!tpu.dma_semaphore, #tpu.memory_space<semaphore_mem>>) src(%dma_wait3A_1545 : memref<65536x256xf32, #tpu.memory_space<hbm>>) dst(%dma_wait3A_1542 : memref<16x256xf32, #tpu.memory_space<vmem>>)
      %dma_wait3A_1546 = arith.constant 48 : i32
      %dma_wait3A_1547 = arith.constant 0 : i32
      %dma_wait3A_1548 = tpu.memref_slice %arg12[%dma_wait3A_1546, %dma_wait3A_1547] : memref<128x256xf32, #tpu.memory_space<vmem>> -> memref<16x256xf32, #tpu.memory_space<vmem>>
      %dma_wait3A_1549 = arith.constant 0 : i32
      %dma_wait3A_1550 = arith.constant 0 : i32
      %dma_wait3A_1551 = tpu.memref_slice %arg2[%dma_wait3A_1549, %dma_wait3A_1550] : memref<65536x256xf32, #tpu.memory_space<hbm>> -> memref<65536x256xf32, #tpu.memory_space<hbm>>
      tpu.wait_indirect_dma semaphore(%arg16 : memref<!tpu.dma_semaphore, #tpu.memory_space<semaphore_mem>>) src(%dma_wait3A_1551 : memref<65536x256xf32, #tpu.memory_space<hbm>>) dst(%dma_wait3A_1548 : memref<16x256xf32, #tpu.memory_space<vmem>>)
      %dma_wait3A_1552 = arith.constant 64 : i32
      %dma_wait3A_1553 = arith.constant 0 : i32
      %dma_wait3A_1554 = tpu.memref_slice %arg12[%dma_wait3A_1552, %dma_wait3A_1553] : memref<128x256xf32, #tpu.memory_space<vmem>> -> memref<16x256xf32, #tpu.memory_space<vmem>>
      %dma_wait3A_1555 = arith.constant 0 : i32
      %dma_wait3A_1556 = arith.constant 0 : i32
      %dma_wait3A_1557 = tpu.memref_slice %arg2[%dma_wait3A_1555, %dma_wait3A_1556] : memref<65536x256xf32, #tpu.memory_space<hbm>> -> memref<65536x256xf32, #tpu.memory_space<hbm>>
      tpu.wait_indirect_dma semaphore(%arg16 : memref<!tpu.dma_semaphore, #tpu.memory_space<semaphore_mem>>) src(%dma_wait3A_1557 : memref<65536x256xf32, #tpu.memory_space<hbm>>) dst(%dma_wait3A_1554 : memref<16x256xf32, #tpu.memory_space<vmem>>)
      %dma_wait3A_1558 = arith.constant 80 : i32
      %dma_wait3A_1559 = arith.constant 0 : i32
      %dma_wait3A_1560 = tpu.memref_slice %arg12[%dma_wait3A_1558, %dma_wait3A_1559] : memref<128x256xf32, #tpu.memory_space<vmem>> -> memref<16x256xf32, #tpu.memory_space<vmem>>
      %dma_wait3A_1561 = arith.constant 0 : i32
      %dma_wait3A_1562 = arith.constant 0 : i32
      %dma_wait3A_1563 = tpu.memref_slice %arg2[%dma_wait3A_1561, %dma_wait3A_1562] : memref<65536x256xf32, #tpu.memory_space<hbm>> -> memref<65536x256xf32, #tpu.memory_space<hbm>>
      tpu.wait_indirect_dma semaphore(%arg16 : memref<!tpu.dma_semaphore, #tpu.memory_space<semaphore_mem>>) src(%dma_wait3A_1563 : memref<65536x256xf32, #tpu.memory_space<hbm>>) dst(%dma_wait3A_1560 : memref<16x256xf32, #tpu.memory_space<vmem>>)
      %dma_wait3A_1564 = arith.constant 96 : i32
      %dma_wait3A_1565 = arith.constant 0 : i32
      %dma_wait3A_1566 = tpu.memref_slice %arg12[%dma_wait3A_1564, %dma_wait3A_1565] : memref<128x256xf32, #tpu.memory_space<vmem>> -> memref<16x256xf32, #tpu.memory_space<vmem>>
      %dma_wait3A_1567 = arith.constant 0 : i32
      %dma_wait3A_1568 = arith.constant 0 : i32
      %dma_wait3A_1569 = tpu.memref_slice %arg2[%dma_wait3A_1567, %dma_wait3A_1568] : memref<65536x256xf32, #tpu.memory_space<hbm>> -> memref<65536x256xf32, #tpu.memory_space<hbm>>
      tpu.wait_indirect_dma semaphore(%arg16 : memref<!tpu.dma_semaphore, #tpu.memory_space<semaphore_mem>>) src(%dma_wait3A_1569 : memref<65536x256xf32, #tpu.memory_space<hbm>>) dst(%dma_wait3A_1566 : memref<16x256xf32, #tpu.memory_space<vmem>>)
      %dma_wait3A_1570 = arith.constant 112 : i32
      %dma_wait3A_1571 = arith.constant 0 : i32
      %dma_wait3A_1572 = tpu.memref_slice %arg12[%dma_wait3A_1570, %dma_wait3A_1571] : memref<128x256xf32, #tpu.memory_space<vmem>> -> memref<16x256xf32, #tpu.memory_space<vmem>>
      %dma_wait3A_1573 = arith.constant 0 : i32
      %dma_wait3A_1574 = arith.constant 0 : i32
      %dma_wait3A_1575 = tpu.memref_slice %arg2[%dma_wait3A_1573, %dma_wait3A_1574] : memref<65536x256xf32, #tpu.memory_space<hbm>> -> memref<65536x256xf32, #tpu.memory_space<hbm>>
      tpu.wait_indirect_dma semaphore(%arg16 : memref<!tpu.dma_semaphore, #tpu.memory_space<semaphore_mem>>) src(%dma_wait3A_1575 : memref<65536x256xf32, #tpu.memory_space<hbm>>) dst(%dma_wait3A_1572 : memref<16x256xf32, #tpu.memory_space<vmem>>)
      %scan3A_1576 = arith.constant 0 : i32
      %scan3A_1577 = arith.constant 0 : i32
      %scan3A_1578 = arith.constant 8 : i32
      %scan3A_1579 = arith.addi %scan3A_1577, %scan3A_1578 : i32
      %scan3A_1580 = arith.constant 1 : i32
      %scan3A_1581 = scf.for %scan3A_1803 = %scan3A_1577 to %scan3A_1579 step %scan3A_1580 iter_args(%scan3A_1804 = %scan3A_1576) -> (i32)  : i32 {
        %mul3A_1805 = arith.constant 16 : i32
        %mul3A_1806 = arith.muli %scan3A_1803, %mul3A_1805 : i32
        %add3A_1807 = arith.constant 128 : i32
        %add3A_1808 = arith.addi %add3A_1807, %mul3A_1806 : i32
        %mul3A_1809 = arith.constant 16 : i32
        %mul3A_1810 = arith.muli %scan3A_1803, %mul3A_1809 : i32
        %get3A_1811 = arith.index_cast %mul3A_1810 : i32 to index
        %get3A_1812 = arith.constant 0 : index
        %get3A_1813 = tpu.vector_load %arg12[%get3A_1811, %get3A_1812] {strides = array<i32>} : memref<128x256xf32, #tpu.memory_space<vmem>>, vector<16xf32>,
        %mul3A_1814 = arith.constant 16 : i32
        %mul3A_1815 = arith.muli %scan3A_1803, %mul3A_1814 : i32
        %get3A_1816 = arith.index_cast %mul3A_1815 : i32 to index
        %get3A_1817 = arith.constant 16 : index
        %get3A_1818 = tpu.vector_load %arg12[%get3A_1816, %get3A_1817] {strides = array<i32>} : memref<128x256xf32, #tpu.memory_space<vmem>>, vector<16xf32>,
        %mul3A_1819 = arith.constant 16 : i32
        %mul3A_1820 = arith.muli %scan3A_1803, %mul3A_1819 : i32
        %get3A_1821 = arith.index_cast %mul3A_1820 : i32 to index
        %get3A_1822 = arith.constant 32 : index
        %get3A_1823 = tpu.vector_load %arg12[%get3A_1821, %get3A_1822] {strides = array<i32>} : memref<128x256xf32, #tpu.memory_space<vmem>>, vector<16xf32>,
        %mul3A_1824 = arith.constant 16 : i32
        %mul3A_1825 = arith.muli %scan3A_1803, %mul3A_1824 : i32
        %get3A_1826 = arith.index_cast %mul3A_1825 : i32 to index
        %get3A_1827 = arith.constant 48 : index
        %get3A_1828 = tpu.vector_load %arg12[%get3A_1826, %get3A_1827] {strides = array<i32>} : memref<128x256xf32, #tpu.memory_space<vmem>>, vector<16xf32>,
        %mul3A_1829 = arith.constant 16 : i32
        %mul3A_1830 = arith.muli %scan3A_1803, %mul3A_1829 : i32
        %get3A_1831 = arith.index_cast %mul3A_1830 : i32 to index
        %get3A_1832 = arith.constant 64 : index
        %get3A_1833 = tpu.vector_load %arg12[%get3A_1831, %get3A_1832] {strides = array<i32>} : memref<128x256xf32, #tpu.memory_space<vmem>>, vector<16xf32>,
        %mul3A_1834 = arith.constant 16 : i32
        %mul3A_1835 = arith.muli %scan3A_1803, %mul3A_1834 : i32
        %get3A_1836 = arith.index_cast %mul3A_1835 : i32 to index
        %get3A_1837 = arith.constant 80 : index
        %get3A_1838 = tpu.vector_load %arg12[%get3A_1836, %get3A_1837] {strides = array<i32>} : memref<128x256xf32, #tpu.memory_space<vmem>>, vector<16xf32>,
        %mul3A_1839 = arith.constant 16 : i32
        %mul3A_1840 = arith.muli %scan3A_1803, %mul3A_1839 : i32
        %get3A_1841 = arith.index_cast %mul3A_1840 : i32 to index
        %get3A_1842 = arith.constant 96 : index
        %get3A_1843 = tpu.vector_load %arg12[%get3A_1841, %get3A_1842] {strides = array<i32>} : memref<128x256xf32, #tpu.memory_space<vmem>>, vector<16xf32>,
        %mul3A_1844 = arith.constant 16 : i32
        %mul3A_1845 = arith.muli %scan3A_1803, %mul3A_1844 : i32
        %get3A_1846 = arith.index_cast %mul3A_1845 : i32 to index
        %get3A_1847 = arith.constant 112 : index
        %get3A_1848 = tpu.vector_load %arg12[%get3A_1846, %get3A_1847] {strides = array<i32>} : memref<128x256xf32, #tpu.memory_space<vmem>>, vector<16xf32>,
        %mul3A_1849 = arith.constant 16 : i32
        %mul3A_1850 = arith.muli %scan3A_1803, %mul3A_1849 : i32
        %get3A_1851 = arith.index_cast %mul3A_1850 : i32 to index
        %get3A_1852 = arith.constant 128 : index
        %get3A_1853 = tpu.vector_load %arg12[%get3A_1851, %get3A_1852] {strides = array<i32>} : memref<128x256xf32, #tpu.memory_space<vmem>>, vector<16xf32>,
        %mul3A_1854 = arith.constant 16 : i32
        %mul3A_1855 = arith.muli %scan3A_1803, %mul3A_1854 : i32
        %get3A_1856 = arith.index_cast %mul3A_1855 : i32 to index
        %get3A_1857 = arith.constant 144 : index
        %get3A_1858 = tpu.vector_load %arg12[%get3A_1856, %get3A_1857] {strides = array<i32>} : memref<128x256xf32, #tpu.memory_space<vmem>>, vector<16xf32>,
        %mul3A_1859 = arith.constant 16 : i32
        %mul3A_1860 = arith.muli %scan3A_1803, %mul3A_1859 : i32
        %get3A_1861 = arith.index_cast %mul3A_1860 : i32 to index
        %get3A_1862 = arith.constant 160 : index
        %get3A_1863 = tpu.vector_load %arg12[%get3A_1861, %get3A_1862] {strides = array<i32>} : memref<128x256xf32, #tpu.memory_space<vmem>>, vector<16xf32>,
        %mul3A_1864 = arith.constant 16 : i32
        %mul3A_1865 = arith.muli %scan3A_1803, %mul3A_1864 : i32
        %get3A_1866 = arith.index_cast %mul3A_1865 : i32 to index
        %get3A_1867 = arith.constant 176 : index
        %get3A_1868 = tpu.vector_load %arg12[%get3A_1866, %get3A_1867] {strides = array<i32>} : memref<128x256xf32, #tpu.memory_space<vmem>>, vector<16xf32>,
        %mul3A_1869 = arith.constant 16 : i32
        %mul3A_1870 = arith.muli %scan3A_1803, %mul3A_1869 : i32
        %get3A_1871 = arith.index_cast %mul3A_1870 : i32 to index
        %get3A_1872 = arith.constant 192 : index
        %get3A_1873 = tpu.vector_load %arg12[%get3A_1871, %get3A_1872] {strides = array<i32>} : memref<128x256xf32, #tpu.memory_space<vmem>>, vector<16xf32>,
        %mul3A_1874 = arith.constant 16 : i32
        %mul3A_1875 = arith.muli %scan3A_1803, %mul3A_1874 : i32
        %get3A_1876 = arith.index_cast %mul3A_1875 : i32 to index
        %get3A_1877 = arith.constant 208 : index
        %get3A_1878 = tpu.vector_load %arg12[%get3A_1876, %get3A_1877] {strides = array<i32>} : memref<128x256xf32, #tpu.memory_space<vmem>>, vector<16xf32>,
        %mul3A_1879 = arith.constant 16 : i32
        %mul3A_1880 = arith.muli %scan3A_1803, %mul3A_1879 : i32
        %get3A_1881 = arith.index_cast %mul3A_1880 : i32 to index
        %get3A_1882 = arith.constant 224 : index
        %get3A_1883 = tpu.vector_load %arg12[%get3A_1881, %get3A_1882] {strides = array<i32>} : memref<128x256xf32, #tpu.memory_space<vmem>>, vector<16xf32>,
        %mul3A_1884 = arith.constant 16 : i32
        %mul3A_1885 = arith.muli %scan3A_1803, %mul3A_1884 : i32
        %get3A_1886 = arith.index_cast %mul3A_1885 : i32 to index
        %get3A_1887 = arith.constant 240 : index
        %get3A_1888 = tpu.vector_load %arg12[%get3A_1886, %get3A_1887] {strides = array<i32>} : memref<128x256xf32, #tpu.memory_space<vmem>>, vector<16xf32>,
        %add3A_1889 = arith.constant 32 : i32
        %add3A_1890 = arith.addi %add3A_1889, %scan3A_1803 : i32
        %mul3A_1891 = arith.constant 256 : i32
        %mul3A_1892 = arith.muli %add3A_1890, %mul3A_1891 : i32
        %add3A_1893 = arith.constant 0 : i32
        %add3A_1894 = arith.addi %mul3A_1892, %add3A_1893 : i32
        %swap3A_1895 = arith.index_cast %add3A_1894 : i32 to index
        %swap3A_1896 = tpu.vector_load %arg14[%swap3A_1895] {strides = array<i32>} : memref<12544xf32, #tpu.memory_space<vmem>>, vector<16xf32>,
        tpu.vector_store %arg14[%swap3A_1895], %get3A_1813 {strides = array<i32>} : memref<12544xf32, #tpu.memory_space<vmem>>, vector<16xf32>,
        %add3A_1897 = arith.constant 16 : i32
        %add3A_1898 = arith.addi %mul3A_1892, %add3A_1897 : i32
        %swap3A_1899 = arith.index_cast %add3A_1898 : i32 to index
        %swap3A_1900 = tpu.vector_load %arg14[%swap3A_1899] {strides = array<i32>} : memref<12544xf32, #tpu.memory_space<vmem>>, vector<16xf32>,
        tpu.vector_store %arg14[%swap3A_1899], %get3A_1818 {strides = array<i32>} : memref<12544xf32, #tpu.memory_space<vmem>>, vector<16xf32>,
        %add3A_1901 = arith.constant 32 : i32
        %add3A_1902 = arith.addi %mul3A_1892, %add3A_1901 : i32
        %swap3A_1903 = arith.index_cast %add3A_1902 : i32 to index
        %swap3A_1904 = tpu.vector_load %arg14[%swap3A_1903] {strides = array<i32>} : memref<12544xf32, #tpu.memory_space<vmem>>, vector<16xf32>,
        tpu.vector_store %arg14[%swap3A_1903], %get3A_1823 {strides = array<i32>} : memref<12544xf32, #tpu.memory_space<vmem>>, vector<16xf32>,
        %add3A_1905 = arith.constant 48 : i32
        %add3A_1906 = arith.addi %mul3A_1892, %add3A_1905 : i32
        %swap3A_1907 = arith.index_cast %add3A_1906 : i32 to index
        %swap3A_1908 = tpu.vector_load %arg14[%swap3A_1907] {strides = array<i32>} : memref<12544xf32, #tpu.memory_space<vmem>>, vector<16xf32>,
        tpu.vector_store %arg14[%swap3A_1907], %get3A_1828 {strides = array<i32>} : memref<12544xf32, #tpu.memory_space<vmem>>, vector<16xf32>,
        %add3A_1909 = arith.constant 64 : i32
        %add3A_1910 = arith.addi %mul3A_1892, %add3A_1909 : i32
        %swap3A_1911 = arith.index_cast %add3A_1910 : i32 to index
        %swap3A_1912 = tpu.vector_load %arg14[%swap3A_1911] {strides = array<i32>} : memref<12544xf32, #tpu.memory_space<vmem>>, vector<16xf32>,
        tpu.vector_store %arg14[%swap3A_1911], %get3A_1833 {strides = array<i32>} : memref<12544xf32, #tpu.memory_space<vmem>>, vector<16xf32>,
        %add3A_1913 = arith.constant 80 : i32
        %add3A_1914 = arith.addi %mul3A_1892, %add3A_1913 : i32
        %swap3A_1915 = arith.index_cast %add3A_1914 : i32 to index
        %swap3A_1916 = tpu.vector_load %arg14[%swap3A_1915] {strides = array<i32>} : memref<12544xf32, #tpu.memory_space<vmem>>, vector<16xf32>,
        tpu.vector_store %arg14[%swap3A_1915], %get3A_1838 {strides = array<i32>} : memref<12544xf32, #tpu.memory_space<vmem>>, vector<16xf32>,
        %add3A_1917 = arith.constant 96 : i32
        %add3A_1918 = arith.addi %mul3A_1892, %add3A_1917 : i32
        %swap3A_1919 = arith.index_cast %add3A_1918 : i32 to index
        %swap3A_1920 = tpu.vector_load %arg14[%swap3A_1919] {strides = array<i32>} : memref<12544xf32, #tpu.memory_space<vmem>>, vector<16xf32>,
        tpu.vector_store %arg14[%swap3A_1919], %get3A_1843 {strides = array<i32>} : memref<12544xf32, #tpu.memory_space<vmem>>, vector<16xf32>,
        %add3A_1921 = arith.constant 112 : i32
        %add3A_1922 = arith.addi %mul3A_1892, %add3A_1921 : i32
        %swap3A_1923 = arith.index_cast %add3A_1922 : i32 to index
        %swap3A_1924 = tpu.vector_load %arg14[%swap3A_1923] {strides = array<i32>} : memref<12544xf32, #tpu.memory_space<vmem>>, vector<16xf32>,
        tpu.vector_store %arg14[%swap3A_1923], %get3A_1848 {strides = array<i32>} : memref<12544xf32, #tpu.memory_space<vmem>>, vector<16xf32>,
        %add3A_1925 = arith.constant 128 : i32
        %add3A_1926 = arith.addi %mul3A_1892, %add3A_1925 : i32
        %swap3A_1927 = arith.index_cast %add3A_1926 : i32 to index
        %swap3A_1928 = tpu.vector_load %arg14[%swap3A_1927] {strides = array<i32>} : memref<12544xf32, #tpu.memory_space<vmem>>, vector<16xf32>,
        tpu.vector_store %arg14[%swap3A_1927], %get3A_1853 {strides = array<i32>} : memref<12544xf32, #tpu.memory_space<vmem>>, vector<16xf32>,
        %add3A_1929 = arith.constant 144 : i32
        %add3A_1930 = arith.addi %mul3A_1892, %add3A_1929 : i32
        %swap3A_1931 = arith.index_cast %add3A_1930 : i32 to index
        %swap3A_1932 = tpu.vector_load %arg14[%swap3A_1931] {strides = array<i32>} : memref<12544xf32, #tpu.memory_space<vmem>>, vector<16xf32>,
        tpu.vector_store %arg14[%swap3A_1931], %get3A_1858 {strides = array<i32>} : memref<12544xf32, #tpu.memory_space<vmem>>, vector<16xf32>,
        %add3A_1933 = arith.constant 160 : i32
        %add3A_1934 = arith.addi %mul3A_1892, %add3A_1933 : i32
        %swap3A_1935 = arith.index_cast %add3A_1934 : i32 to index
        %swap3A_1936 = tpu.vector_load %arg14[%swap3A_1935] {strides = array<i32>} : memref<12544xf32, #tpu.memory_space<vmem>>, vector<16xf32>,
        tpu.vector_store %arg14[%swap3A_1935], %get3A_1863 {strides = array<i32>} : memref<12544xf32, #tpu.memory_space<vmem>>, vector<16xf32>,
        %add3A_1937 = arith.constant 176 : i32
        %add3A_1938 = arith.addi %mul3A_1892, %add3A_1937 : i32
        %swap3A_1939 = arith.index_cast %add3A_1938 : i32 to index
        %swap3A_1940 = tpu.vector_load %arg14[%swap3A_1939] {strides = array<i32>} : memref<12544xf32, #tpu.memory_space<vmem>>, vector<16xf32>,
        tpu.vector_store %arg14[%swap3A_1939], %get3A_1868 {strides = array<i32>} : memref<12544xf32, #tpu.memory_space<vmem>>, vector<16xf32>,
        %add3A_1941 = arith.constant 192 : i32
        %add3A_1942 = arith.addi %mul3A_1892, %add3A_1941 : i32
        %swap3A_1943 = arith.index_cast %add3A_1942 : i32 to index
        %swap3A_1944 = tpu.vector_load %arg14[%swap3A_1943] {strides = array<i32>} : memref<12544xf32, #tpu.memory_space<vmem>>, vector<16xf32>,
        tpu.vector_store %arg14[%swap3A_1943], %get3A_1873 {strides = array<i32>} : memref<12544xf32, #tpu.memory_space<vmem>>, vector<16xf32>,
        %add3A_1945 = arith.constant 208 : i32
        %add3A_1946 = arith.addi %mul3A_1892, %add3A_1945 : i32
        %swap3A_1947 = arith.index_cast %add3A_1946 : i32 to index
        %swap3A_1948 = tpu.vector_load %arg14[%swap3A_1947] {strides = array<i32>} : memref<12544xf32, #tpu.memory_space<vmem>>, vector<16xf32>,
        tpu.vector_store %arg14[%swap3A_1947], %get3A_1878 {strides = array<i32>} : memref<12544xf32, #tpu.memory_space<vmem>>, vector<16xf32>,
        %add3A_1949 = arith.constant 224 : i32
        %add3A_1950 = arith.addi %mul3A_1892, %add3A_1949 : i32
        %swap3A_1951 = arith.index_cast %add3A_1950 : i32 to index
        %swap3A_1952 = tpu.vector_load %arg14[%swap3A_1951] {strides = array<i32>} : memref<12544xf32, #tpu.memory_space<vmem>>, vector<16xf32>,
        tpu.vector_store %arg14[%swap3A_1951], %get3A_1883 {strides = array<i32>} : memref<12544xf32, #tpu.memory_space<vmem>>, vector<16xf32>,
        %add3A_1953 = arith.constant 240 : i32
        %add3A_1954 = arith.addi %mul3A_1892, %add3A_1953 : i32
        %swap3A_1955 = arith.index_cast %add3A_1954 : i32 to index
        %swap3A_1956 = tpu.vector_load %arg14[%swap3A_1955] {strides = array<i32>} : memref<12544xf32, #tpu.memory_space<vmem>>, vector<16xf32>,
        tpu.vector_store %arg14[%swap3A_1955], %get3A_1888 {strides = array<i32>} : memref<12544xf32, #tpu.memory_space<vmem>>, vector<16xf32>,
        %scan3A_1957 = arith.constant 0 : i32
        scf.yield %scan3A_1957 : i32
      }
      %scan3A_1582 = arith.constant 8 : i32
      %dma_wait3A_1583 = arith.constant 0 : i32
      %dma_wait3A_1584 = arith.constant 0 : i32
      %dma_wait3A_1585 = tpu.memref_slice %arg13[%dma_wait3A_1583, %dma_wait3A_1584] : memref<128x256xf32, #tpu.memory_space<vmem>> -> memref<16x256xf32, #tpu.memory_space<vmem>>
      %dma_wait3A_1586 = arith.constant 0 : i32
      %dma_wait3A_1587 = arith.constant 0 : i32
      %dma_wait3A_1588 = tpu.memref_slice %arg2[%dma_wait3A_1586, %dma_wait3A_1587] : memref<65536x256xf32, #tpu.memory_space<hbm>> -> memref<65536x256xf32, #tpu.memory_space<hbm>>
      tpu.wait_indirect_dma semaphore(%arg17 : memref<!tpu.dma_semaphore, #tpu.memory_space<semaphore_mem>>) src(%dma_wait3A_1588 : memref<65536x256xf32, #tpu.memory_space<hbm>>) dst(%dma_wait3A_1585 : memref<16x256xf32, #tpu.memory_space<vmem>>)
      %dma_wait3A_1589 = arith.constant 16 : i32
      %dma_wait3A_1590 = arith.constant 0 : i32
      %dma_wait3A_1591 = tpu.memref_slice %arg13[%dma_wait3A_1589, %dma_wait3A_1590] : memref<128x256xf32, #tpu.memory_space<vmem>> -> memref<16x256xf32, #tpu.memory_space<vmem>>
      %dma_wait3A_1592 = arith.constant 0 : i32
      %dma_wait3A_1593 = arith.constant 0 : i32
      %dma_wait3A_1594 = tpu.memref_slice %arg2[%dma_wait3A_1592, %dma_wait3A_1593] : memref<65536x256xf32, #tpu.memory_space<hbm>> -> memref<65536x256xf32, #tpu.memory_space<hbm>>
      tpu.wait_indirect_dma semaphore(%arg17 : memref<!tpu.dma_semaphore, #tpu.memory_space<semaphore_mem>>) src(%dma_wait3A_1594 : memref<65536x256xf32, #tpu.memory_space<hbm>>) dst(%dma_wait3A_1591 : memref<16x256xf32, #tpu.memory_space<vmem>>)
      %dma_wait3A_1595 = arith.constant 32 : i32
      %dma_wait3A_1596 = arith.constant 0 : i32
      %dma_wait3A_1597 = tpu.memref_slice %arg13[%dma_wait3A_1595, %dma_wait3A_1596] : memref<128x256xf32, #tpu.memory_space<vmem>> -> memref<16x256xf32, #tpu.memory_space<vmem>>
      %dma_wait3A_1598 = arith.constant 0 : i32
      %dma_wait3A_1599 = arith.constant 0 : i32
      %dma_wait3A_1600 = tpu.memref_slice %arg2[%dma_wait3A_1598, %dma_wait3A_1599] : memref<65536x256xf32, #tpu.memory_space<hbm>> -> memref<65536x256xf32, #tpu.memory_space<hbm>>
      tpu.wait_indirect_dma semaphore(%arg17 : memref<!tpu.dma_semaphore, #tpu.memory_space<semaphore_mem>>) src(%dma_wait3A_1600 : memref<65536x256xf32, #tpu.memory_space<hbm>>) dst(%dma_wait3A_1597 : memref<16x256xf32, #tpu.memory_space<vmem>>)
      %dma_wait3A_1601 = arith.constant 48 : i32
      %dma_wait3A_1602 = arith.constant 0 : i32
      %dma_wait3A_1603 = tpu.memref_slice %arg13[%dma_wait3A_1601, %dma_wait3A_1602] : memref<128x256xf32, #tpu.memory_space<vmem>> -> memref<16x256xf32, #tpu.memory_space<vmem>>
      %dma_wait3A_1604 = arith.constant 0 : i32
      %dma_wait3A_1605 = arith.constant 0 : i32
      %dma_wait3A_1606 = tpu.memref_slice %arg2[%dma_wait3A_1604, %dma_wait3A_1605] : memref<65536x256xf32, #tpu.memory_space<hbm>> -> memref<65536x256xf32, #tpu.memory_space<hbm>>
      tpu.wait_indirect_dma semaphore(%arg17 : memref<!tpu.dma_semaphore, #tpu.memory_space<semaphore_mem>>) src(%dma_wait3A_1606 : memref<65536x256xf32, #tpu.memory_space<hbm>>) dst(%dma_wait3A_1603 : memref<16x256xf32, #tpu.memory_space<vmem>>)
      %dma_wait3A_1607 = arith.constant 64 : i32
      %dma_wait3A_1608 = arith.constant 0 : i32
      %dma_wait3A_1609 = tpu.memref_slice %arg13[%dma_wait3A_1607, %dma_wait3A_1608] : memref<128x256xf32, #tpu.memory_space<vmem>> -> memref<16x256xf32, #tpu.memory_space<vmem>>
      %dma_wait3A_1610 = arith.constant 0 : i32
      %dma_wait3A_1611 = arith.constant 0 : i32
      %dma_wait3A_1612 = tpu.memref_slice %arg2[%dma_wait3A_1610, %dma_wait3A_1611] : memref<65536x256xf32, #tpu.memory_space<hbm>> -> memref<65536x256xf32, #tpu.memory_space<hbm>>
      tpu.wait_indirect_dma semaphore(%arg17 : memref<!tpu.dma_semaphore, #tpu.memory_space<semaphore_mem>>) src(%dma_wait3A_1612 : memref<65536x256xf32, #tpu.memory_space<hbm>>) dst(%dma_wait3A_1609 : memref<16x256xf32, #tpu.memory_space<vmem>>)
      %dma_wait3A_1613 = arith.constant 80 : i32
      %dma_wait3A_1614 = arith.constant 0 : i32
      %dma_wait3A_1615 = tpu.memref_slice %arg13[%dma_wait3A_1613, %dma_wait3A_1614] : memref<128x256xf32, #tpu.memory_space<vmem>> -> memref<16x256xf32, #tpu.memory_space<vmem>>
      %dma_wait3A_1616 = arith.constant 0 : i32
      %dma_wait3A_1617 = arith.constant 0 : i32
      %dma_wait3A_1618 = tpu.memref_slice %arg2[%dma_wait3A_1616, %dma_wait3A_1617] : memref<65536x256xf32, #tpu.memory_space<hbm>> -> memref<65536x256xf32, #tpu.memory_space<hbm>>
      tpu.wait_indirect_dma semaphore(%arg17 : memref<!tpu.dma_semaphore, #tpu.memory_space<semaphore_mem>>) src(%dma_wait3A_1618 : memref<65536x256xf32, #tpu.memory_space<hbm>>) dst(%dma_wait3A_1615 : memref<16x256xf32, #tpu.memory_space<vmem>>)
      %dma_wait3A_1619 = arith.constant 96 : i32
      %dma_wait3A_1620 = arith.constant 0 : i32
      %dma_wait3A_1621 = tpu.memref_slice %arg13[%dma_wait3A_1619, %dma_wait3A_1620] : memref<128x256xf32, #tpu.memory_space<vmem>> -> memref<16x256xf32, #tpu.memory_space<vmem>>
      %dma_wait3A_1622 = arith.constant 0 : i32
      %dma_wait3A_1623 = arith.constant 0 : i32
      %dma_wait3A_1624 = tpu.memref_slice %arg2[%dma_wait3A_1622, %dma_wait3A_1623] : memref<65536x256xf32, #tpu.memory_space<hbm>> -> memref<65536x256xf32, #tpu.memory_space<hbm>>
      tpu.wait_indirect_dma semaphore(%arg17 : memref<!tpu.dma_semaphore, #tpu.memory_space<semaphore_mem>>) src(%dma_wait3A_1624 : memref<65536x256xf32, #tpu.memory_space<hbm>>) dst(%dma_wait3A_1621 : memref<16x256xf32, #tpu.memory_space<vmem>>)
      %dma_wait3A_1625 = arith.constant 112 : i32
      %dma_wait3A_1626 = arith.constant 0 : i32
      %dma_wait3A_1627 = tpu.memref_slice %arg13[%dma_wait3A_1625, %dma_wait3A_1626] : memref<128x256xf32, #tpu.memory_space<vmem>> -> memref<16x256xf32, #tpu.memory_space<vmem>>
      %dma_wait3A_1628 = arith.constant 0 : i32
      %dma_wait3A_1629 = arith.constant 0 : i32
      %dma_wait3A_1630 = tpu.memref_slice %arg2[%dma_wait3A_1628, %dma_wait3A_1629] : memref<65536x256xf32, #tpu.memory_space<hbm>> -> memref<65536x256xf32, #tpu.memory_space<hbm>>
      tpu.wait_indirect_dma semaphore(%arg17 : memref<!tpu.dma_semaphore, #tpu.memory_space<semaphore_mem>>) src(%dma_wait3A_1630 : memref<65536x256xf32, #tpu.memory_space<hbm>>) dst(%dma_wait3A_1627 : memref<16x256xf32, #tpu.memory_space<vmem>>)
      %scan3A_1631 = arith.constant 0 : i32
      %scan3A_1632 = arith.constant 0 : i32
      %scan3A_1633 = arith.constant 8 : i32
      %scan3A_1634 = arith.addi %scan3A_1632, %scan3A_1633 : i32
      %scan3A_1635 = arith.constant 1 : i32
      %scan3A_1636 = scf.for %scan3A_1803 = %scan3A_1632 to %scan3A_1634 step %scan3A_1635 iter_args(%scan3A_1804 = %scan3A_1631) -> (i32)  : i32 {
        %mul3A_1805 = arith.constant 16 : i32
        %mul3A_1806 = arith.muli %scan3A_1803, %mul3A_1805 : i32
        %add3A_1807 = arith.constant 256 : i32
        %add3A_1808 = arith.addi %add3A_1807, %mul3A_1806 : i32
        %mul3A_1809 = arith.constant 16 : i32
        %mul3A_1810 = arith.muli %scan3A_1803, %mul3A_1809 : i32
        %get3A_1811 = arith.index_cast %mul3A_1810 : i32 to index
        %get3A_1812 = arith.constant 0 : index
        %get3A_1813 = tpu.vector_load %arg13[%get3A_1811, %get3A_1812] {strides = array<i32>} : memref<128x256xf32, #tpu.memory_space<vmem>>, vector<16xf32>,
        %mul3A_1814 = arith.constant 16 : i32
        %mul3A_1815 = arith.muli %scan3A_1803, %mul3A_1814 : i32
        %get3A_1816 = arith.index_cast %mul3A_1815 : i32 to index
        %get3A_1817 = arith.constant 16 : index
        %get3A_1818 = tpu.vector_load %arg13[%get3A_1816, %get3A_1817] {strides = array<i32>} : memref<128x256xf32, #tpu.memory_space<vmem>>, vector<16xf32>,
        %mul3A_1819 = arith.constant 16 : i32
        %mul3A_1820 = arith.muli %scan3A_1803, %mul3A_1819 : i32
        %get3A_1821 = arith.index_cast %mul3A_1820 : i32 to index
        %get3A_1822 = arith.constant 32 : index
        %get3A_1823 = tpu.vector_load %arg13[%get3A_1821, %get3A_1822] {strides = array<i32>} : memref<128x256xf32, #tpu.memory_space<vmem>>, vector<16xf32>,
        %mul3A_1824 = arith.constant 16 : i32
        %mul3A_1825 = arith.muli %scan3A_1803, %mul3A_1824 : i32
        %get3A_1826 = arith.index_cast %mul3A_1825 : i32 to index
        %get3A_1827 = arith.constant 48 : index
        %get3A_1828 = tpu.vector_load %arg13[%get3A_1826, %get3A_1827] {strides = array<i32>} : memref<128x256xf32, #tpu.memory_space<vmem>>, vector<16xf32>,
        %mul3A_1829 = arith.constant 16 : i32
        %mul3A_1830 = arith.muli %scan3A_1803, %mul3A_1829 : i32
        %get3A_1831 = arith.index_cast %mul3A_1830 : i32 to index
        %get3A_1832 = arith.constant 64 : index
        %get3A_1833 = tpu.vector_load %arg13[%get3A_1831, %get3A_1832] {strides = array<i32>} : memref<128x256xf32, #tpu.memory_space<vmem>>, vector<16xf32>,
        %mul3A_1834 = arith.constant 16 : i32
        %mul3A_1835 = arith.muli %scan3A_1803, %mul3A_1834 : i32
        %get3A_1836 = arith.index_cast %mul3A_1835 : i32 to index
        %get3A_1837 = arith.constant 80 : index
        %get3A_1838 = tpu.vector_load %arg13[%get3A_1836, %get3A_1837] {strides = array<i32>} : memref<128x256xf32, #tpu.memory_space<vmem>>, vector<16xf32>,
        %mul3A_1839 = arith.constant 16 : i32
        %mul3A_1840 = arith.muli %scan3A_1803, %mul3A_1839 : i32
        %get3A_1841 = arith.index_cast %mul3A_1840 : i32 to index
        %get3A_1842 = arith.constant 96 : index
        %get3A_1843 = tpu.vector_load %arg13[%get3A_1841, %get3A_1842] {strides = array<i32>} : memref<128x256xf32, #tpu.memory_space<vmem>>, vector<16xf32>,
        %mul3A_1844 = arith.constant 16 : i32
        %mul3A_1845 = arith.muli %scan3A_1803, %mul3A_1844 : i32
        %get3A_1846 = arith.index_cast %mul3A_1845 : i32 to index
        %get3A_1847 = arith.constant 112 : index
        %get3A_1848 = tpu.vector_load %arg13[%get3A_1846, %get3A_1847] {strides = array<i32>} : memref<128x256xf32, #tpu.memory_space<vmem>>, vector<16xf32>,
        %mul3A_1849 = arith.constant 16 : i32
        %mul3A_1850 = arith.muli %scan3A_1803, %mul3A_1849 : i32
        %get3A_1851 = arith.index_cast %mul3A_1850 : i32 to index
        %get3A_1852 = arith.constant 128 : index
        %get3A_1853 = tpu.vector_load %arg13[%get3A_1851, %get3A_1852] {strides = array<i32>} : memref<128x256xf32, #tpu.memory_space<vmem>>, vector<16xf32>,
        %mul3A_1854 = arith.constant 16 : i32
        %mul3A_1855 = arith.muli %scan3A_1803, %mul3A_1854 : i32
        %get3A_1856 = arith.index_cast %mul3A_1855 : i32 to index
        %get3A_1857 = arith.constant 144 : index
        %get3A_1858 = tpu.vector_load %arg13[%get3A_1856, %get3A_1857] {strides = array<i32>} : memref<128x256xf32, #tpu.memory_space<vmem>>, vector<16xf32>,
        %mul3A_1859 = arith.constant 16 : i32
        %mul3A_1860 = arith.muli %scan3A_1803, %mul3A_1859 : i32
        %get3A_1861 = arith.index_cast %mul3A_1860 : i32 to index
        %get3A_1862 = arith.constant 160 : index
        %get3A_1863 = tpu.vector_load %arg13[%get3A_1861, %get3A_1862] {strides = array<i32>} : memref<128x256xf32, #tpu.memory_space<vmem>>, vector<16xf32>,
        %mul3A_1864 = arith.constant 16 : i32
        %mul3A_1865 = arith.muli %scan3A_1803, %mul3A_1864 : i32
        %get3A_1866 = arith.index_cast %mul3A_1865 : i32 to index
        %get3A_1867 = arith.constant 176 : index
        %get3A_1868 = tpu.vector_load %arg13[%get3A_1866, %get3A_1867] {strides = array<i32>} : memref<128x256xf32, #tpu.memory_space<vmem>>, vector<16xf32>,
        %mul3A_1869 = arith.constant 16 : i32
        %mul3A_1870 = arith.muli %scan3A_1803, %mul3A_1869 : i32
        %get3A_1871 = arith.index_cast %mul3A_1870 : i32 to index
        %get3A_1872 = arith.constant 192 : index
        %get3A_1873 = tpu.vector_load %arg13[%get3A_1871, %get3A_1872] {strides = array<i32>} : memref<128x256xf32, #tpu.memory_space<vmem>>, vector<16xf32>,
        %mul3A_1874 = arith.constant 16 : i32
        %mul3A_1875 = arith.muli %scan3A_1803, %mul3A_1874 : i32
        %get3A_1876 = arith.index_cast %mul3A_1875 : i32 to index
        %get3A_1877 = arith.constant 208 : index
        %get3A_1878 = tpu.vector_load %arg13[%get3A_1876, %get3A_1877] {strides = array<i32>} : memref<128x256xf32, #tpu.memory_space<vmem>>, vector<16xf32>,
        %mul3A_1879 = arith.constant 16 : i32
        %mul3A_1880 = arith.muli %scan3A_1803, %mul3A_1879 : i32
        %get3A_1881 = arith.index_cast %mul3A_1880 : i32 to index
        %get3A_1882 = arith.constant 224 : index
        %get3A_1883 = tpu.vector_load %arg13[%get3A_1881, %get3A_1882] {strides = array<i32>} : memref<128x256xf32, #tpu.memory_space<vmem>>, vector<16xf32>,
        %mul3A_1884 = arith.constant 16 : i32
        %mul3A_1885 = arith.muli %scan3A_1803, %mul3A_1884 : i32
        %get3A_1886 = arith.index_cast %mul3A_1885 : i32 to index
        %get3A_1887 = arith.constant 240 : index
        %get3A_1888 = tpu.vector_load %arg13[%get3A_1886, %get3A_1887] {strides = array<i32>} : memref<128x256xf32, #tpu.memory_space<vmem>>, vector<16xf32>,
        %add3A_1889 = arith.constant 40 : i32
        %add3A_1890 = arith.addi %add3A_1889, %scan3A_1803 : i32
        %mul3A_1891 = arith.constant 256 : i32
        %mul3A_1892 = arith.muli %add3A_1890, %mul3A_1891 : i32
        %add3A_1893 = arith.constant 0 : i32
        %add3A_1894 = arith.addi %mul3A_1892, %add3A_1893 : i32
        %swap3A_1895 = arith.index_cast %add3A_1894 : i32 to index
        %swap3A_1896 = tpu.vector_load %arg14[%swap3A_1895] {strides = array<i32>} : memref<12544xf32, #tpu.memory_space<vmem>>, vector<16xf32>,
        tpu.vector_store %arg14[%swap3A_1895], %get3A_1813 {strides = array<i32>} : memref<12544xf32, #tpu.memory_space<vmem>>, vector<16xf32>,
        %add3A_1897 = arith.constant 16 : i32
        %add3A_1898 = arith.addi %mul3A_1892, %add3A_1897 : i32
        %swap3A_1899 = arith.index_cast %add3A_1898 : i32 to index
        %swap3A_1900 = tpu.vector_load %arg14[%swap3A_1899] {strides = array<i32>} : memref<12544xf32, #tpu.memory_space<vmem>>, vector<16xf32>,
        tpu.vector_store %arg14[%swap3A_1899], %get3A_1818 {strides = array<i32>} : memref<12544xf32, #tpu.memory_space<vmem>>, vector<16xf32>,
        %add3A_1901 = arith.constant 32 : i32
        %add3A_1902 = arith.addi %mul3A_1892, %add3A_1901 : i32
        %swap3A_1903 = arith.index_cast %add3A_1902 : i32 to index
        %swap3A_1904 = tpu.vector_load %arg14[%swap3A_1903] {strides = array<i32>} : memref<12544xf32, #tpu.memory_space<vmem>>, vector<16xf32>,
        tpu.vector_store %arg14[%swap3A_1903], %get3A_1823 {strides = array<i32>} : memref<12544xf32, #tpu.memory_space<vmem>>, vector<16xf32>,
        %add3A_1905 = arith.constant 48 : i32
        %add3A_1906 = arith.addi %mul3A_1892, %add3A_1905 : i32
        %swap3A_1907 = arith.index_cast %add3A_1906 : i32 to index
        %swap3A_1908 = tpu.vector_load %arg14[%swap3A_1907] {strides = array<i32>} : memref<12544xf32, #tpu.memory_space<vmem>>, vector<16xf32>,
        tpu.vector_store %arg14[%swap3A_1907], %get3A_1828 {strides = array<i32>} : memref<12544xf32, #tpu.memory_space<vmem>>, vector<16xf32>,
        %add3A_1909 = arith.constant 64 : i32
        %add3A_1910 = arith.addi %mul3A_1892, %add3A_1909 : i32
        %swap3A_1911 = arith.index_cast %add3A_1910 : i32 to index
        %swap3A_1912 = tpu.vector_load %arg14[%swap3A_1911] {strides = array<i32>} : memref<12544xf32, #tpu.memory_space<vmem>>, vector<16xf32>,
        tpu.vector_store %arg14[%swap3A_1911], %get3A_1833 {strides = array<i32>} : memref<12544xf32, #tpu.memory_space<vmem>>, vector<16xf32>,
        %add3A_1913 = arith.constant 80 : i32
        %add3A_1914 = arith.addi %mul3A_1892, %add3A_1913 : i32
        %swap3A_1915 = arith.index_cast %add3A_1914 : i32 to index
        %swap3A_1916 = tpu.vector_load %arg14[%swap3A_1915] {strides = array<i32>} : memref<12544xf32, #tpu.memory_space<vmem>>, vector<16xf32>,
        tpu.vector_store %arg14[%swap3A_1915], %get3A_1838 {strides = array<i32>} : memref<12544xf32, #tpu.memory_space<vmem>>, vector<16xf32>,
        %add3A_1917 = arith.constant 96 : i32
        %add3A_1918 = arith.addi %mul3A_1892, %add3A_1917 : i32
        %swap3A_1919 = arith.index_cast %add3A_1918 : i32 to index
        %swap3A_1920 = tpu.vector_load %arg14[%swap3A_1919] {strides = array<i32>} : memref<12544xf32, #tpu.memory_space<vmem>>, vector<16xf32>,
        tpu.vector_store %arg14[%swap3A_1919], %get3A_1843 {strides = array<i32>} : memref<12544xf32, #tpu.memory_space<vmem>>, vector<16xf32>,
        %add3A_1921 = arith.constant 112 : i32
        %add3A_1922 = arith.addi %mul3A_1892, %add3A_1921 : i32
        %swap3A_1923 = arith.index_cast %add3A_1922 : i32 to index
        %swap3A_1924 = tpu.vector_load %arg14[%swap3A_1923] {strides = array<i32>} : memref<12544xf32, #tpu.memory_space<vmem>>, vector<16xf32>,
        tpu.vector_store %arg14[%swap3A_1923], %get3A_1848 {strides = array<i32>} : memref<12544xf32, #tpu.memory_space<vmem>>, vector<16xf32>,
        %add3A_1925 = arith.constant 128 : i32
        %add3A_1926 = arith.addi %mul3A_1892, %add3A_1925 : i32
        %swap3A_1927 = arith.index_cast %add3A_1926 : i32 to index
        %swap3A_1928 = tpu.vector_load %arg14[%swap3A_1927] {strides = array<i32>} : memref<12544xf32, #tpu.memory_space<vmem>>, vector<16xf32>,
        tpu.vector_store %arg14[%swap3A_1927], %get3A_1853 {strides = array<i32>} : memref<12544xf32, #tpu.memory_space<vmem>>, vector<16xf32>,
        %add3A_1929 = arith.constant 144 : i32
        %add3A_1930 = arith.addi %mul3A_1892, %add3A_1929 : i32
        %swap3A_1931 = arith.index_cast %add3A_1930 : i32 to index
        %swap3A_1932 = tpu.vector_load %arg14[%swap3A_1931] {strides = array<i32>} : memref<12544xf32, #tpu.memory_space<vmem>>, vector<16xf32>,
        tpu.vector_store %arg14[%swap3A_1931], %get3A_1858 {strides = array<i32>} : memref<12544xf32, #tpu.memory_space<vmem>>, vector<16xf32>,
        %add3A_1933 = arith.constant 160 : i32
        %add3A_1934 = arith.addi %mul3A_1892, %add3A_1933 : i32
        %swap3A_1935 = arith.index_cast %add3A_1934 : i32 to index
        %swap3A_1936 = tpu.vector_load %arg14[%swap3A_1935] {strides = array<i32>} : memref<12544xf32, #tpu.memory_space<vmem>>, vector<16xf32>,
        tpu.vector_store %arg14[%swap3A_1935], %get3A_1863 {strides = array<i32>} : memref<12544xf32, #tpu.memory_space<vmem>>, vector<16xf32>,
        %add3A_1937 = arith.constant 176 : i32
        %add3A_1938 = arith.addi %mul3A_1892, %add3A_1937 : i32
        %swap3A_1939 = arith.index_cast %add3A_1938 : i32 to index
        %swap3A_1940 = tpu.vector_load %arg14[%swap3A_1939] {strides = array<i32>} : memref<12544xf32, #tpu.memory_space<vmem>>, vector<16xf32>,
        tpu.vector_store %arg14[%swap3A_1939], %get3A_1868 {strides = array<i32>} : memref<12544xf32, #tpu.memory_space<vmem>>, vector<16xf32>,
        %add3A_1941 = arith.constant 192 : i32
        %add3A_1942 = arith.addi %mul3A_1892, %add3A_1941 : i32
        %swap3A_1943 = arith.index_cast %add3A_1942 : i32 to index
        %swap3A_1944 = tpu.vector_load %arg14[%swap3A_1943] {strides = array<i32>} : memref<12544xf32, #tpu.memory_space<vmem>>, vector<16xf32>,
        tpu.vector_store %arg14[%swap3A_1943], %get3A_1873 {strides = array<i32>} : memref<12544xf32, #tpu.memory_space<vmem>>, vector<16xf32>,
        %add3A_1945 = arith.constant 208 : i32
        %add3A_1946 = arith.addi %mul3A_1892, %add3A_1945 : i32
        %swap3A_1947 = arith.index_cast %add3A_1946 : i32 to index
        %swap3A_1948 = tpu.vector_load %arg14[%swap3A_1947] {strides = array<i32>} : memref<12544xf32, #tpu.memory_space<vmem>>, vector<16xf32>,
        tpu.vector_store %arg14[%swap3A_1947], %get3A_1878 {strides = array<i32>} : memref<12544xf32, #tpu.memory_space<vmem>>, vector<16xf32>,
        %add3A_1949 = arith.constant 224 : i32
        %add3A_1950 = arith.addi %mul3A_1892, %add3A_1949 : i32
        %swap3A_1951 = arith.index_cast %add3A_1950 : i32 to index
        %swap3A_1952 = tpu.vector_load %arg14[%swap3A_1951] {strides = array<i32>} : memref<12544xf32, #tpu.memory_space<vmem>>, vector<16xf32>,
        tpu.vector_store %arg14[%swap3A_1951], %get3A_1883 {strides = array<i32>} : memref<12544xf32, #tpu.memory_space<vmem>>, vector<16xf32>,
        %add3A_1953 = arith.constant 240 : i32
        %add3A_1954 = arith.addi %mul3A_1892, %add3A_1953 : i32
        %swap3A_1955 = arith.index_cast %add3A_1954 : i32 to index
        %swap3A_1956 = tpu.vector_load %arg14[%swap3A_1955] {strides = array<i32>} : memref<12544xf32, #tpu.memory_space<vmem>>, vector<16xf32>,
        tpu.vector_store %arg14[%swap3A_1955], %get3A_1888 {strides = array<i32>} : memref<12544xf32, #tpu.memory_space<vmem>>, vector<16xf32>,
        %scan3A_1957 = arith.constant 0 : i32
        scf.yield %scan3A_1957 : i32
      }
      %scan3A_1637 = arith.constant 8 : i32
      %dma_wait3A_1638 = arith.constant 0 : i32
      %dma_wait3A_1639 = arith.constant 0 : i32
      %dma_wait3A_1640 = tpu.memref_slice %arg11[%dma_wait3A_1638, %dma_wait3A_1639] : memref<128x256xf32, #tpu.memory_space<vmem>> -> memref<16x256xf32, #tpu.memory_space<vmem>>
      %dma_wait3A_1641 = arith.constant 0 : i32
      %dma_wait3A_1642 = arith.constant 0 : i32
      %dma_wait3A_1643 = tpu.memref_slice %arg2[%dma_wait3A_1641, %dma_wait3A_1642] : memref<65536x256xf32, #tpu.memory_space<hbm>> -> memref<65536x256xf32, #tpu.memory_space<hbm>>
      tpu.wait_indirect_dma semaphore(%arg15 : memref<!tpu.dma_semaphore, #tpu.memory_space<semaphore_mem>>) src(%dma_wait3A_1643 : memref<65536x256xf32, #tpu.memory_space<hbm>>) dst(%dma_wait3A_1640 : memref<16x256xf32, #tpu.memory_space<vmem>>)
      %scan3A_1644 = arith.constant 0 : i32
      %scan3A_1645 = arith.constant 0 : i32
      %mul3A_1646 = arith.constant 16 : i32
      %mul3A_1647 = arith.muli %scan3A_1645, %mul3A_1646 : i32
      %add3A_1648 = arith.constant 0 : i32
      %add3A_1649 = arith.addi %add3A_1648, %mul3A_1647 : i32
      %mul3A_1650 = arith.constant 16 : i32
      %mul3A_1651 = arith.muli %scan3A_1645, %mul3A_1650 : i32
      %get3A = arith.index_cast %mul3A_1651 : i32 to index
      %get3A_1652 = arith.constant 0 : index
      %get3A_1653 = tpu.vector_load %arg11[%get3A, %get3A_1652] {strides = array<i32>} : memref<128x256xf32, #tpu.memory_space<vmem>>, vector<16xf32>,
      %mul3A_1654 = arith.constant 16 : i32
      %mul3A_1655 = arith.muli %scan3A_1645, %mul3A_1654 : i32
      %get3A_1656 = arith.index_cast %mul3A_1655 : i32 to index
      %get3A_1657 = arith.constant 16 : index
      %get3A_1658 = tpu.vector_load %arg11[%get3A_1656, %get3A_1657] {strides = array<i32>} : memref<128x256xf32, #tpu.memory_space<vmem>>, vector<16xf32>,
      %mul3A_1659 = arith.constant 16 : i32
      %mul3A_1660 = arith.muli %scan3A_1645, %mul3A_1659 : i32
      %get3A_1661 = arith.index_cast %mul3A_1660 : i32 to index
      %get3A_1662 = arith.constant 32 : index
      %get3A_1663 = tpu.vector_load %arg11[%get3A_1661, %get3A_1662] {strides = array<i32>} : memref<128x256xf32, #tpu.memory_space<vmem>>, vector<16xf32>,
      %mul3A_1664 = arith.constant 16 : i32
      %mul3A_1665 = arith.muli %scan3A_1645, %mul3A_1664 : i32
      %get3A_1666 = arith.index_cast %mul3A_1665 : i32 to index
      %get3A_1667 = arith.constant 48 : index
      %get3A_1668 = tpu.vector_load %arg11[%get3A_1666, %get3A_1667] {strides = array<i32>} : memref<128x256xf32, #tpu.memory_space<vmem>>, vector<16xf32>,
      %mul3A_1669 = arith.constant 16 : i32
      %mul3A_1670 = arith.muli %scan3A_1645, %mul3A_1669 : i32
      %get3A_1671 = arith.index_cast %mul3A_1670 : i32 to index
      %get3A_1672 = arith.constant 64 : index
      %get3A_1673 = tpu.vector_load %arg11[%get3A_1671, %get3A_1672] {strides = array<i32>} : memref<128x256xf32, #tpu.memory_space<vmem>>, vector<16xf32>,
      %mul3A_1674 = arith.constant 16 : i32
      %mul3A_1675 = arith.muli %scan3A_1645, %mul3A_1674 : i32
      %get3A_1676 = arith.index_cast %mul3A_1675 : i32 to index
      %get3A_1677 = arith.constant 80 : index
      %get3A_1678 = tpu.vector_load %arg11[%get3A_1676, %get3A_1677] {strides = array<i32>} : memref<128x256xf32, #tpu.memory_space<vmem>>, vector<16xf32>,
      %mul3A_1679 = arith.constant 16 : i32
      %mul3A_1680 = arith.muli %scan3A_1645, %mul3A_1679 : i32
      %get3A_1681 = arith.index_cast %mul3A_1680 : i32 to index
      %get3A_1682 = arith.constant 96 : index
      %get3A_1683 = tpu.vector_load %arg11[%get3A_1681, %get3A_1682] {strides = array<i32>} : memref<128x256xf32, #tpu.memory_space<vmem>>, vector<16xf32>,
      %mul3A_1684 = arith.constant 16 : i32
      %mul3A_1685 = arith.muli %scan3A_1645, %mul3A_1684 : i32
      %get3A_1686 = arith.index_cast %mul3A_1685 : i32 to index
      %get3A_1687 = arith.constant 112 : index
      %get3A_1688 = tpu.vector_load %arg11[%get3A_1686, %get3A_1687] {strides = array<i32>} : memref<128x256xf32, #tpu.memory_space<vmem>>, vector<16xf32>,
      %mul3A_1689 = arith.constant 16 : i32
      %mul3A_1690 = arith.muli %scan3A_1645, %mul3A_1689 : i32
      %get3A_1691 = arith.index_cast %mul3A_1690 : i32 to index
      %get3A_1692 = arith.constant 128 : index
      %get3A_1693 = tpu.vector_load %arg11[%get3A_1691, %get3A_1692] {strides = array<i32>} : memref<128x256xf32, #tpu.memory_space<vmem>>, vector<16xf32>,
      %mul3A_1694 = arith.constant 16 : i32
      %mul3A_1695 = arith.muli %scan3A_1645, %mul3A_1694 : i32
      %get3A_1696 = arith.index_cast %mul3A_1695 : i32 to index
      %get3A_1697 = arith.constant 144 : index
      %get3A_1698 = tpu.vector_load %arg11[%get3A_1696, %get3A_1697] {strides = array<i32>} : memref<128x256xf32, #tpu.memory_space<vmem>>, vector<16xf32>,
      %mul3A_1699 = arith.constant 16 : i32
      %mul3A_1700 = arith.muli %scan3A_1645, %mul3A_1699 : i32
      %get3A_1701 = arith.index_cast %mul3A_1700 : i32 to index
      %get3A_1702 = arith.constant 160 : index
      %get3A_1703 = tpu.vector_load %arg11[%get3A_1701, %get3A_1702] {strides = array<i32>} : memref<128x256xf32, #tpu.memory_space<vmem>>, vector<16xf32>,
      %mul3A_1704 = arith.constant 16 : i32
      %mul3A_1705 = arith.muli %scan3A_1645, %mul3A_1704 : i32
      %get3A_1706 = arith.index_cast %mul3A_1705 : i32 to index
      %get3A_1707 = arith.constant 176 : index
      %get3A_1708 = tpu.vector_load %arg11[%get3A_1706, %get3A_1707] {strides = array<i32>} : memref<128x256xf32, #tpu.memory_space<vmem>>, vector<16xf32>,
      %mul3A_1709 = arith.constant 16 : i32
      %mul3A_1710 = arith.muli %scan3A_1645, %mul3A_1709 : i32
      %get3A_1711 = arith.index_cast %mul3A_1710 : i32 to index
      %get3A_1712 = arith.constant 192 : index
      %get3A_1713 = tpu.vector_load %arg11[%get3A_1711, %get3A_1712] {strides = array<i32>} : memref<128x256xf32, #tpu.memory_space<vmem>>, vector<16xf32>,
      %mul3A_1714 = arith.constant 16 : i32
      %mul3A_1715 = arith.muli %scan3A_1645, %mul3A_1714 : i32
      %get3A_1716 = arith.index_cast %mul3A_1715 : i32 to index
      %get3A_1717 = arith.constant 208 : index
      %get3A_1718 = tpu.vector_load %arg11[%get3A_1716, %get3A_1717] {strides = array<i32>} : memref<128x256xf32, #tpu.memory_space<vmem>>, vector<16xf32>,
      %mul3A_1719 = arith.constant 16 : i32
      %mul3A_1720 = arith.muli %scan3A_1645, %mul3A_1719 : i32
      %get3A_1721 = arith.index_cast %mul3A_1720 : i32 to index
      %get3A_1722 = arith.constant 224 : index
      %get3A_1723 = tpu.vector_load %arg11[%get3A_1721, %get3A_1722] {strides = array<i32>} : memref<128x256xf32, #tpu.memory_space<vmem>>, vector<16xf32>,
      %mul3A_1724 = arith.constant 16 : i32
      %mul3A_1725 = arith.muli %scan3A_1645, %mul3A_1724 : i32
      %get3A_1726 = arith.index_cast %mul3A_1725 : i32 to index
      %get3A_1727 = arith.constant 240 : index
      %get3A_1728 = tpu.vector_load %arg11[%get3A_1726, %get3A_1727] {strides = array<i32>} : memref<128x256xf32, #tpu.memory_space<vmem>>, vector<16xf32>,
      %add3A_1729 = arith.constant 48 : i32
      %add3A_1730 = arith.addi %add3A_1729, %scan3A_1645 : i32
      %mul3A_1731 = arith.constant 256 : i32
      %mul3A_1732 = arith.muli %add3A_1730, %mul3A_1731 : i32
      %add3A_1733 = arith.constant 0 : i32
      %add3A_1734 = arith.addi %mul3A_1732, %add3A_1733 : i32
      %swap3A_1735 = arith.index_cast %add3A_1734 : i32 to index
      %swap3A_1736 = tpu.vector_load %arg14[%swap3A_1735] {strides = array<i32>} : memref<12544xf32, #tpu.memory_space<vmem>>, vector<16xf32>,
      tpu.vector_store %arg14[%swap3A_1735], %get3A_1653 {strides = array<i32>} : memref<12544xf32, #tpu.memory_space<vmem>>, vector<16xf32>,
      %add3A_1737 = arith.constant 16 : i32
      %add3A_1738 = arith.addi %mul3A_1732, %add3A_1737 : i32
      %swap3A_1739 = arith.index_cast %add3A_1738 : i32 to index
      %swap3A_1740 = tpu.vector_load %arg14[%swap3A_1739] {strides = array<i32>} : memref<12544xf32, #tpu.memory_space<vmem>>, vector<16xf32>,
      tpu.vector_store %arg14[%swap3A_1739], %get3A_1658 {strides = array<i32>} : memref<12544xf32, #tpu.memory_space<vmem>>, vector<16xf32>,
      %add3A_1741 = arith.constant 32 : i32
      %add3A_1742 = arith.addi %mul3A_1732, %add3A_1741 : i32
      %swap3A_1743 = arith.index_cast %add3A_1742 : i32 to index
      %swap3A_1744 = tpu.vector_load %arg14[%swap3A_1743] {strides = array<i32>} : memref<12544xf32, #tpu.memory_space<vmem>>, vector<16xf32>,
      tpu.vector_store %arg14[%swap3A_1743], %get3A_1663 {strides = array<i32>} : memref<12544xf32, #tpu.memory_space<vmem>>, vector<16xf32>,
      %add3A_1745 = arith.constant 48 : i32
      %add3A_1746 = arith.addi %mul3A_1732, %add3A_1745 : i32
      %swap3A_1747 = arith.index_cast %add3A_1746 : i32 to index
      %swap3A_1748 = tpu.vector_load %arg14[%swap3A_1747] {strides = array<i32>} : memref<12544xf32, #tpu.memory_space<vmem>>, vector<16xf32>,
      tpu.vector_store %arg14[%swap3A_1747], %get3A_1668 {strides = array<i32>} : memref<12544xf32, #tpu.memory_space<vmem>>, vector<16xf32>,
      %add3A_1749 = arith.constant 64 : i32
      %add3A_1750 = arith.addi %mul3A_1732, %add3A_1749 : i32
      %swap3A_1751 = arith.index_cast %add3A_1750 : i32 to index
      %swap3A_1752 = tpu.vector_load %arg14[%swap3A_1751] {strides = array<i32>} : memref<12544xf32, #tpu.memory_space<vmem>>, vector<16xf32>,
      tpu.vector_store %arg14[%swap3A_1751], %get3A_1673 {strides = array<i32>} : memref<12544xf32, #tpu.memory_space<vmem>>, vector<16xf32>,
      %add3A_1753 = arith.constant 80 : i32
      %add3A_1754 = arith.addi %mul3A_1732, %add3A_1753 : i32
      %swap3A_1755 = arith.index_cast %add3A_1754 : i32 to index
      %swap3A_1756 = tpu.vector_load %arg14[%swap3A_1755] {strides = array<i32>} : memref<12544xf32, #tpu.memory_space<vmem>>, vector<16xf32>,
      tpu.vector_store %arg14[%swap3A_1755], %get3A_1678 {strides = array<i32>} : memref<12544xf32, #tpu.memory_space<vmem>>, vector<16xf32>,
      %add3A_1757 = arith.constant 96 : i32
      %add3A_1758 = arith.addi %mul3A_1732, %add3A_1757 : i32
      %swap3A_1759 = arith.index_cast %add3A_1758 : i32 to index
      %swap3A_1760 = tpu.vector_load %arg14[%swap3A_1759] {strides = array<i32>} : memref<12544xf32, #tpu.memory_space<vmem>>, vector<16xf32>,
      tpu.vector_store %arg14[%swap3A_1759], %get3A_1683 {strides = array<i32>} : memref<12544xf32, #tpu.memory_space<vmem>>, vector<16xf32>,
      %add3A_1761 = arith.constant 112 : i32
      %add3A_1762 = arith.addi %mul3A_1732, %add3A_1761 : i32
      %swap3A_1763 = arith.index_cast %add3A_1762 : i32 to index
      %swap3A_1764 = tpu.vector_load %arg14[%swap3A_1763] {strides = array<i32>} : memref<12544xf32, #tpu.memory_space<vmem>>, vector<16xf32>,
      tpu.vector_store %arg14[%swap3A_1763], %get3A_1688 {strides = array<i32>} : memref<12544xf32, #tpu.memory_space<vmem>>, vector<16xf32>,
      %add3A_1765 = arith.constant 128 : i32
      %add3A_1766 = arith.addi %mul3A_1732, %add3A_1765 : i32
      %swap3A_1767 = arith.index_cast %add3A_1766 : i32 to index
      %swap3A_1768 = tpu.vector_load %arg14[%swap3A_1767] {strides = array<i32>} : memref<12544xf32, #tpu.memory_space<vmem>>, vector<16xf32>,
      tpu.vector_store %arg14[%swap3A_1767], %get3A_1693 {strides = array<i32>} : memref<12544xf32, #tpu.memory_space<vmem>>, vector<16xf32>,
      %add3A_1769 = arith.constant 144 : i32
      %add3A_1770 = arith.addi %mul3A_1732, %add3A_1769 : i32
      %swap3A_1771 = arith.index_cast %add3A_1770 : i32 to index
      %swap3A_1772 = tpu.vector_load %arg14[%swap3A_1771] {strides = array<i32>} : memref<12544xf32, #tpu.memory_space<vmem>>, vector<16xf32>,
      tpu.vector_store %arg14[%swap3A_1771], %get3A_1698 {strides = array<i32>} : memref<12544xf32, #tpu.memory_space<vmem>>, vector<16xf32>,
      %add3A_1773 = arith.constant 160 : i32
      %add3A_1774 = arith.addi %mul3A_1732, %add3A_1773 : i32
      %swap3A_1775 = arith.index_cast %add3A_1774 : i32 to index
      %swap3A_1776 = tpu.vector_load %arg14[%swap3A_1775] {strides = array<i32>} : memref<12544xf32, #tpu.memory_space<vmem>>, vector<16xf32>,
      tpu.vector_store %arg14[%swap3A_1775], %get3A_1703 {strides = array<i32>} : memref<12544xf32, #tpu.memory_space<vmem>>, vector<16xf32>,
      %add3A_1777 = arith.constant 176 : i32
      %add3A_1778 = arith.addi %mul3A_1732, %add3A_1777 : i32
      %swap3A_1779 = arith.index_cast %add3A_1778 : i32 to index
      %swap3A_1780 = tpu.vector_load %arg14[%swap3A_1779] {strides = array<i32>} : memref<12544xf32, #tpu.memory_space<vmem>>, vector<16xf32>,
      tpu.vector_store %arg14[%swap3A_1779], %get3A_1708 {strides = array<i32>} : memref<12544xf32, #tpu.memory_space<vmem>>, vector<16xf32>,
      %add3A_1781 = arith.constant 192 : i32
      %add3A_1782 = arith.addi %mul3A_1732, %add3A_1781 : i32
      %swap3A_1783 = arith.index_cast %add3A_1782 : i32 to index
      %swap3A_1784 = tpu.vector_load %arg14[%swap3A_1783] {strides = array<i32>} : memref<12544xf32, #tpu.memory_space<vmem>>, vector<16xf32>,
      tpu.vector_store %arg14[%swap3A_1783], %get3A_1713 {strides = array<i32>} : memref<12544xf32, #tpu.memory_space<vmem>>, vector<16xf32>,
      %add3A_1785 = arith.constant 208 : i32
      %add3A_1786 = arith.addi %mul3A_1732, %add3A_1785 : i32
      %swap3A_1787 = arith.index_cast %add3A_1786 : i32 to index
      %swap3A_1788 = tpu.vector_load %arg14[%swap3A_1787] {strides = array<i32>} : memref<12544xf32, #tpu.memory_space<vmem>>, vector<16xf32>,
      tpu.vector_store %arg14[%swap3A_1787], %get3A_1718 {strides = array<i32>} : memref<12544xf32, #tpu.memory_space<vmem>>, vector<16xf32>,
      %add3A_1789 = arith.constant 224 : i32
      %add3A_1790 = arith.addi %mul3A_1732, %add3A_1789 : i32
      %swap3A_1791 = arith.index_cast %add3A_1790 : i32 to index
      %swap3A_1792 = tpu.vector_load %arg14[%swap3A_1791] {strides = array<i32>} : memref<12544xf32, #tpu.memory_space<vmem>>, vector<16xf32>,
      tpu.vector_store %arg14[%swap3A_1791], %get3A_1723 {strides = array<i32>} : memref<12544xf32, #tpu.memory_space<vmem>>, vector<16xf32>,
      %add3A_1793 = arith.constant 240 : i32
      %add3A_1794 = arith.addi %mul3A_1732, %add3A_1793 : i32
      %swap3A_1795 = arith.index_cast %add3A_1794 : i32 to index
      %swap3A_1796 = tpu.vector_load %arg14[%swap3A_1795] {strides = array<i32>} : memref<12544xf32, #tpu.memory_space<vmem>>, vector<16xf32>,
      tpu.vector_store %arg14[%swap3A_1795], %get3A_1728 {strides = array<i32>} : memref<12544xf32, #tpu.memory_space<vmem>>, vector<16xf32>,
      %scan3A_1797 = arith.constant 0 : i32
      %scan3A_1798 = arith.constant 1 : i32
      %mul3A_1799 = arith.constant 16 : i32
      %mul3A_1800 = arith.muli %add3A, %mul3A_1799 : i32
      %add3A_1801 = arith.addi %mul3A_1800, %scan3A_42 : i32
      "tpu.region"() ({
        %run_scoped3A = tpu.sem_alloc : memref<!tpu.dma_semaphore, #tpu.memory_space<semaphore_mem>>
        %dma_start3A_1803 = arith.constant 0 : i32
        %dma_start3A_1804 = tpu.memref_slice %arg14[%dma_start3A_1803] : memref<12544xf32, #tpu.memory_space<vmem>> -> memref<12544xf32, #tpu.memory_space<vmem>>
        %dma_start3A_1805 = arith.constant 0 : i32
        %dma_start3A_1806 = tpu.memref_slice %arg4[%add3A_1801, %dma_start3A_1805] : memref<512x12544xf32, #tpu.memory_space<hbm>> -> memref<1x12544xf32, #tpu.memory_space<hbm>>
        %dma_start3A_1807 = tpu.memref_squeeze %dma_start3A_1806 : memref<1x12544xf32, #tpu.memory_space<hbm>> -> memref<12544xf32, #tpu.memory_space<hbm>>
        %dma_start3A_1808 = arith.constant 0 : i32
        %dma_start3A_1809 = tpu.memref_slice %arg4[%add3A_1801, %dma_start3A_1808] : memref<512x12544xf32, #tpu.memory_space<hbm>> -> memref<1x12544xf32, #tpu.memory_space<hbm>>
        %dma_start3A_1810 = tpu.memref_squeeze %dma_start3A_1809 : memref<1x12544xf32, #tpu.memory_space<hbm>> -> memref<12544xf32, #tpu.memory_space<hbm>>
        %dma_start3A_1811 = arith.constant 0 : i32
        %dma_start3A_1812 = tpu.memref_slice %arg14[%dma_start3A_1811] : memref<12544xf32, #tpu.memory_space<vmem>> -> memref<12544xf32, #tpu.memory_space<vmem>>
        tpu.enqueue_dma source(%dma_start3A_1812 : memref<12544xf32, #tpu.memory_space<vmem>>) target(%dma_start3A_1810 : memref<12544xf32, #tpu.memory_space<hbm>>) target_semaphore(%run_scoped3A : memref<!tpu.dma_semaphore, #tpu.memory_space<semaphore_mem>>)
        %dma_wait3A_1813 = arith.constant 0 : i32
        %dma_wait3A_1814 = tpu.memref_slice %arg14[%dma_wait3A_1813] : memref<12544xf32, #tpu.memory_space<vmem>> -> memref<12544xf32, #tpu.memory_space<vmem>>
        %dma_wait3A_1815 = arith.constant 0 : i32
        %dma_wait3A_1816 = tpu.memref_slice %arg4[%add3A_1801, %dma_wait3A_1815] : memref<512x12544xf32, #tpu.memory_space<hbm>> -> memref<1x12544xf32, #tpu.memory_space<hbm>>
        %dma_wait3A_1817 = tpu.memref_squeeze %dma_wait3A_1816 : memref<1x12544xf32, #tpu.memory_space<hbm>> -> memref<12544xf32, #tpu.memory_space<hbm>>
        %dma_wait3A_1818 = arith.constant 0 : i32
        %dma_wait3A_1819 = tpu.memref_slice %arg4[%add3A_1801, %dma_wait3A_1818] : memref<512x12544xf32, #tpu.memory_space<hbm>> -> memref<1x12544xf32, #tpu.memory_space<hbm>>
        %dma_wait3A_1820 = tpu.memref_squeeze %dma_wait3A_1819 : memref<1x12544xf32, #tpu.memory_space<hbm>> -> memref<12544xf32, #tpu.memory_space<hbm>>
        %dma_wait3A_1821 = arith.constant 0 : i32
        %dma_wait3A_1822 = tpu.memref_slice %arg14[%dma_wait3A_1821] : memref<12544xf32, #tpu.memory_space<vmem>> -> memref<12544xf32, #tpu.memory_space<vmem>>
        tpu.wait_dma2 semaphore(%run_scoped3A : memref<!tpu.dma_semaphore, #tpu.memory_space<semaphore_mem>>) src(%dma_wait3A_1822 : memref<12544xf32, #tpu.memory_space<vmem>>) dst(%dma_wait3A_1820 : memref<12544xf32, #tpu.memory_space<hbm>>)
        tpu.yield
      }) : () -> ()
      %scan3A_1802 = arith.constant 0 : i32
      scf.yield %scan3A_1802 : i32
    }
    %scan3A_41 = arith.constant 16 : i32
    return
  }
}

</mosaic_0001>

<sc_bundles>
// kernel: kernel.3.cloned.1.call-start
scs
__scs_entry_jumppad:
0x0: {  	(pc) =	sbr.rel $0x88, $3  }
0x1: {  	(tag) =	ssettag $0x0;
	lr =	simm.s32 $0x1  }
0x2: {  	[smem:$0x3F9F] =	sst lr;
	_ =	strace $0xD0000000  }
0x3: {  	_ = 	snop  }
0x4: {  	_ = 	snop  }
0x5: {  	_ = 	snop  }
0x6: {  	_ = 	snop  }
0x7: {  	_ = 	snop  }
__scs_overlays_trampoline_lowered:
0x8: {  	[smem:$0x3FAE] =	sst s0  }
0x9: {  	[smem:$0x3FAF] =	sst s1  }
0xa: {  	[smem:$0x3FB0] =	sst s2  }
0xb: {  	[smem:$0x3FB1] =	sst s3  }
0xc: {  	[smem:$0x3FB2] =	sst s4  }
0xd: {  	[smem:$0x3FB3] =	sst s5  }
0xe: {  	[smem:$0x3FB4] =	sst s6  }
0xf: {  	[smem:$0x3FB5] =	sst s7  }
0x10: {  	[smem:$0x3FB6] =	sst s8  }
0x11: {  	[smem:$0x3FB7] =	sst s9;
	s0 =	simm.s32 @!p0 $0x0  }
0x12: {  	s1 =	sld [smem:$0x3F9D];
	s0 =	simm.s32 @p0 $0x1  }
0x13: {  	[smem:$0x3FB8] =	sst s0;
	s0 =	simm.s32 @!p1 $0x0  }
0x14: {  	s2 =	sld [smem:$0x3F9C];
	s0 =	simm.s32 @p1 $0x1  }
0x15: {  	[smem:$0x3FB9] =	sst s0;
	s0 =	simm.s32 @!p2 $0x0  }
0x16: {  	s3 =	sld [smem:$0x3FDB];
	s0 =	simm.s32 @p2 $0x1  }
0x17: {  	s4 =	simm.s32 $0x1BF5;
	[smem:$0x3FBB] =	sst s0  }
0x18: {  	s0 =	sld [smem:$0x3F9E];
	_ =	swait.ge [sflag:s4], $0x0  }
0x19: {  	s7 =	sld [smem:$0x3F9F]  }
0x1a: {  	s8 =	sadd.s32 $0xFFFFE003, lr  }
0x1b: {  	s9 =	sadd.s32 $0xFFFFFEF7, lr;
	s5 =	simm.s32 $0xFFFFFFFF;
	p2 =	slt.u32 s8, $0xFFFFF086  }
0x1c: {  	p1 =	slt.u32 s9, $0xF7A;
	s5 =	simm.s32 @!p2 $0x0  }
0x1d: {  	s5 =	simm.s32 @p1 $0x1;
	p0 =	seq.s32 s7, s2  }
0x1e: {  	s7 =	smul.u32 @!p0 $0xF7A, s2;
	p2 =	seq.s32 @!p0 s5, $0x0  }
0x1f: {  	s9 =	smul.u32 $0xF7A, s1;
	s8 =	simm.s32 @!p0 $0x1BF5;
	p2 =	por !p2, p0  }
0x20: {  	[sflag:s8] =	ssyncset.s32 @!p0 $0xFFFFF086;
	s6 =	sadd.s32 @!p0 s3, s7;
	s7 =	simm.s32 @!p0 $0x108  }
0x21: {  	s3 =	sadd.s32 s3, s9;
	s6 =	sadd.s32 @!p0 $0x88, s6;
	s7 =	simm.s32 @p2 $0x1082  }
0x22: {  	[simem:s7], [sflag:s8] =	dma.local @!p0 [hbm:s6], $0xF7A  }
0x23: {  	s9 =	sor.u32 $0xD0000000, s2;
	s6 =	simm.s32 $0x108;
	_ =	swait.ge @!p0 [sflag:s8], $0x0  }
0x24: {  	s3 =	sadd.s32 $0x88, s3;
	s6 =	simm.s32 @!p1 $0x1082;
	[sflag:s4] =	ssyncset.s32 $0xFFFFF086  }
0x25: {  	[simem:s6], [sflag:s4] =	dma.local [hbm:s3], $0xF7A  }
0x26: {  	[smem:$0x3F9F] =	sst s1;
	(tag) =	ssettag s2;
	_ =	strace s9  }
0x27: {  	s1 =	sld [smem:$0x3FAF]  }
0x28: {  	s2 =	sld [smem:$0x3FB0]  }
0x29: {  	s4 =	sld [smem:$0x3FB2]  }
0x2a: {  	p0 =	seq.s32 s5, $0x0;
	s5 =	sld [smem:$0x3FB3]  }
0x2b: {  	s6 =	sld [smem:$0x3FB4]  }
0x2c: {  	s7 =	sld [smem:$0x3FB5]  }
0x2d: {  	s3 =	simm.s32 $0x108;
	s8 =	sld [smem:$0x3FB6]  }
0x2e: {  	s3 =	simm.s32 @!p0 $0x1082;
	s9 =	sld [smem:$0x3FB7]  }
0x2f: {  	lr =	sadd.s32 s0, s3;
	s0 =	sld [smem:$0x3FAE]  }
0x30: {  	s3 =	sld [smem:$0x3FB1]  }
0x31: {  	[smem:$0x3FBA] =	sst s10  }
0x32: {  	s10 =	sld [smem:$0x3FB8];
	_ =	sdelay $0x3  }
0x33: {  	p0 =	seq.s32 s10, $0x1;
	s10 =	sld [smem:$0x3FBA];
	_ =	sdelay $0x3  }
0x34: {  	[smem:$0x3FBA] =	sst s10  }
0x35: {  	s10 =	sld [smem:$0x3FB9];
	_ =	sdelay $0x3  }
0x36: {  	p1 =	seq.s32 s10, $0x1;
	s10 =	sld [smem:$0x3FBA];
	_ =	sdelay $0x3  }
0x37: {  	[smem:$0x3FBA] =	sst s10  }
0x38: {  	s10 =	sld [smem:$0x3FBB]  }
0x39: {  	_ = 	snop;
	(pc) =	sbr.ind lr, $3  }
0x3a: {  	_ = 	snop  }
0x3b: {  	_ = 	snop  }
0x3c: {  	p2 =	seq.s32 s10, $0x1;
	s10 =	sld [smem:$0x3FBA]  }
0x3d: {  	_ =	shalt  }
0x3e: {  	_ =	shalt  }
0x3f: {  	_ =	shalt  }
0x40: {  	_ =	shalt  }
0x41: {  	_ =	shalt  }
0x42: {  	_ =	shalt  }
0x43: {  	_ =	shalt  }
0x44: {  	_ =	shalt  }
0x45: {  	_ =	shalt  }
0x46: {  	_ =	shalt  }
0x47: {  	_ =	shalt  }
0x48: {  	_ =	shalt  }
0x49: {  	_ =	shalt  }
0x4a: {  	_ =	shalt  }
0x4b: {  	_ =	shalt  }
0x4c: {  	_ =	shalt  }
0x4d: {  	_ =	shalt  }
0x4e: {  	_ =	shalt  }
0x4f: {  	_ =	shalt  }
0x50: {  	_ =	shalt  }
0x51: {  	_ =	shalt  }
0x52: {  	_ =	shalt  }
0x53: {  	_ =	shalt  }
0x54: {  	_ =	shalt  }
0x55: {  	_ =	shalt  }
0x56: {  	_ =	shalt  }
0x57: {  	_ =	shalt  }
0x58: {  	_ =	shalt  }
0x59: {  	_ =	shalt  }
0x5a: {  	_ =	shalt  }
0x5b: {  	_ =	shalt  }
0x5c: {  	_ =	shalt  }
0x5d: {  	_ =	shalt  }
0x5e: {  	_ =	shalt  }
0x5f: {  	_ =	shalt  }
0x60: {  	_ =	shalt  }
0x61: {  	_ =	shalt  }
0x62: {  	_ =	shalt  }
0x63: {  	_ =	shalt  }
0x64: {  	_ =	shalt  }
0x65: {  	_ =	shalt  }
0x66: {  	_ =	shalt  }
0x67: {  	_ =	shalt  }
0x68: {  	_ =	shalt  }
0x69: {  	_ =	shalt  }
0x6a: {  	_ =	shalt  }
0x6b: {  	_ =	shalt  }
0x6c: {  	_ =	shalt  }
0x6d: {  	_ =	shalt  }
0x6e: {  	_ =	shalt  }
0x6f: {  	_ =	shalt  }
0x70: {  	_ =	shalt  }
0x71: {  	_ =	shalt  }
0x72: {  	_ =	shalt  }
0x73: {  	_ =	shalt  }
0x74: {  	_ =	shalt  }
0x75: {  	_ =	shalt  }
0x76: {  	_ =	shalt  }
0x77: {  	_ =	shalt  }
0x78: {  	_ =	shalt  }
0x79: {  	_ =	shalt  }
0x7a: {  	_ =	shalt  }
0x7b: {  	_ =	shalt  }
0x7c: {  	_ =	shalt  }
0x7d: {  	_ =	shalt  }
0x7e: {  	_ =	shalt  }
0x7f: {  	_ =	shalt  }
0x80: {  	_ =	shalt  }
0x81: {  	_ =	shalt  }
0x82: {  	_ =	shalt  }
0x83: {  	_ =	shalt  }
0x84: {  	_ =	shalt  }
0x85: {  	_ =	shalt  }
0x86: {  	_ =	shalt  }
0x87: {  	_ =	shalt  }
.Lfunc_end0:
.L_simem_size_0:
called_computation.1_lowered:
.L_overlay_start_0:
0x88: {  	s2 =	sld [smem:$0x3FD9]  }
0x89: {  	s3 =	sld [smem:$0x3FFE];
	_ =	sdelay $0x1  }
0x8a: {  	s1 =	srdreg.scid  }
0x8b: {  	s0 =	sand.u32 $0x1, s1  }
0x8c: {  	s17 =	sshll.u32 s0, $0xA;
	s2 =	sadd.s32 s3, s2  }
0x8d: {  	s2 =	sadd.s32 s2, s17  }
0x8e: {  	[smem:$0x3FC6] =	sst s2  }
0x8f: {  	_ = 	snop  }
0x90: {  	s2 =	sld [smem:$0x3FD0];
	(tm) =	ssettm $0x1  }
0x91: {  	s18 =	sld [smem:$0x3FFB];
	_ =	sdelay $0x3  }
0x92: {  	_ =	strace s18  }
0x93: {  	s3 =	sld [smem:$0x3FFC];
	_ =	sdelay $0x3  }
0x94: {  	_ =	strace s3  }
0x95: {  	s3 =	sld [smem:$0x3FFD];
	_ =	sdelay $0x3  }
0x96: {  	_ =	strace s3  }
0x97: {  	_ =	strace $0x8FFFFFFF  }
0x98: {  	s19 =	sld [smem:$0x3FDB];
	_ =	sdelay $0x1  }
0x99: {  	s4 =	simm.s32 $_scs_section_size  }
0x9a: {  	s5 =	simm.s32 $_size__tile_overlayer_lowered;
	s6 =	simm.s32 $_tile_overlayer_lowered  }
0x9b: {  	s22 =	simm.s32 $0x1BFF;
	s21 =	sshll.u32 s6, $0x1;
	s3 =	sadd.s32 s4, s19  }
0x9c: {  	s7 =	simm.s32 $0x0;
	s20 =	sshll.u32 s5, $0x1;
	s5 =	sadd.s32 s21, s3  }
0x9d: {  	[timem:s7], [sflag:s22] =	dma.local [hbm:s5], s20  }
0x9e: {  	_ =	swait.ge [sflag:s22], s20  }
0x9f: {  	s4 =	ssub.s32 $0x0, s20;
	[sflag:s22] =	ssyncset.done $0x0  }
0xa0: {  	[sflag:s22] =	ssyncadd.s32 s4;
	_ =	sdelay $0x1  }
0xa1: {  	s23 =	simm.s32 $0x1B8B  }
0xa2: {  	_ =	swait.ge [sflag:s23], $0x1  }
0xa3: {  	[sflag:s23] =	ssyncset.done $0x0  }
0xa4: {  	s25 =	simm.s32 $0x1B8E;
	s24 =	sld [smem:$0x3FFE];
	[sflag:s23] =	ssyncadd.s32 $0xFFFFFFFF  }
0xa5: {  	s26 =	simm.s32 $execute0_lowered;
	[smem:$0x3FD2] =	sst s25  }
0xa6: {  	s5 =	sshll.u32 s26, $0x1;
	_ =	strace $0x80000049;
	[dreg:$0x1] =	wrdreg $0xFFFFFFFF  }
0xa7: {  	s28 =	simm.s32 $_size_execute0_lowered;
	s3 =	sadd.s32 s3, s5;
	[dreg:$0x0] =	wrdreg $0x0  }
0xa8: {  	s5 =	sshll.u32 s28, $0x1;
	[dreg:$0x2] =	wrdreg s3  }
0xa9: {  	[dreg:$0x3] =	wrdreg s5  }
0xaa: {  	[dreg:$0x4] =	wrdreg $0xC0  }
0xab: {  	_ =	task [dreg:s7], $0x5FFFF  }
0xac: {  	[dreg:$0x1] =	wrdreg $0xFFFFFFFF  }
0xad: {  	[dreg:$0x0] =	wrdreg $0x60  }
0xae: {  	[dreg:$0x2] =	wrdreg s24  }
0xaf: {  	[dreg:$0x3] =	wrdreg s2  }
0xb0: {  	[dreg:$0x4] =	wrdreg $0x9  }
0xb1: {  	_ =	task.clear_ibuf [dreg:s7], $0x5FFFF;
	_ =	strace $0x90000049  }
0xb2: {  	s29 =	simm.s32 $0x9;
	_ =	strace $0x8000004B  }
0xb3: {  	_ =	swait.ge [sflag:s29], $0x1  }
0xb4: {  	[sflag:s29] =	ssyncadd.s32 $0xFFFFFFFF  }
0xb5: {  	_ =	strace $0x9000004B  }
0xb6: {  	_ =	sfence  }
0xb7: {  	s30 =	sld [smem:$0x0];
	_ =	sdelay $0x2  }
0xb8: {  	s31 =	sshll.u32 s1, $0xD;
	s1 =	sshrl.u32 s1, $0x2  }
0xb9: {  	s3 =	sand.u32 $0x4000, s31;
	s1 =	sadd.s32 s1, s30  }
0xba: {  	s0 =	sor.u32 s3, s0;
	s1 =	sshll.u32 s1, $0x11  }
0xbb: {  	s0 =	sor.u32 s1, s0  }
0xbc: {  	s0 =	sadd.s32 $0x8F2B, s0  }
0xbd: {  	[sflag:s0] =	ssyncadd.remote.s32 $0x1  }
0xbe: {  	_ =	sfence.sel $0xFFFF  }
0xbf: {  	[dreg:$0x0] =	wrdreg $0xFFFFFFFF;
	(pc) =	sbr.abs _section_cstart, $3  }
0xc0: {  	[dreg:$0x1] =	wrdreg $0xFFFFFFFF  }
0xc1: {  	_ =	task.clear_ibuf [dreg:s7], $0x2FFFF;
	_ =	strace $0x9FFFFFFF  }
0xc2: {  	(tm) =	ssettm $0x7FFFFFFF  }
0xc3: {  	_ =	shalt  }
tec
execute0_lowered:
.L_overlay_start_1:
0x0: {  	(tag) =	ssettag $0x1  }
0x1: {  	v0 =	vimm.f32 $7.750000000e+00;
	vm0 =	vcmask $0x300;
	v1 =	vimm.f32 $7.000000000e+00  }
0x2: {  	vm2 =	vcmask $0xF00;
	vm3 =	vcmask $0x1F10;
	vm1 =	vcmask $0x2F20  }
0x3: {  	v6 =	vimm.s32 $0x13031202;
	v2 =	vimm.s32 $0x11011000;
	v5 =	vlaneseq.u32  }
0x4: {  	v7 =	vimm.s32 $0x15051404;
	v8 =	vimm.s32 $0x17071606;
	v9 =	vimm.s32 $0x19091808  }
0x5: {  	v10 =	vimm.s32 $0x1B0B1A0A;
	v11 =	vimm.s32 $0x1D0D1C0C;
	v12 =	vimm.s32 $0x13  }
0x6: {  	v13 =	vimm.s32 $0x15;
	v14 =	vimm.s32 $0x17;
	v15 =	vimm.s32 $0x19  }
0x7: {  	v16 =	vimm.s32 $0x1B;
	v17 =	vimm.s32 $0x1D;
	v0 =	vsel vm0, $0x3E800000, v0  }
0x8: {  	vm0 =	vcmask $0x704;
	v2 =	vunpack.c.0.s8.s32 v2;
	v4 =	vshrl.u32 v5, $0x3  }
0x9: {  	v3 =	vand.u32 $0x7, v5;
	v5 =	vor.u32 $0x8, v5;
	v6 =	vunpack.c.0.s8.s32 v6  }
0xa: {  	v7 =	vunpack.c.0.s8.s32 v7;
	v8 =	vunpack.c.0.s8.s32 v8;
	v9 =	vunpack.c.0.s8.s32 v9  }
0xb: {  	v10 =	vunpack.c.0.s8.s32 v10;
	v11 =	vunpack.c.0.s8.s32 v11;
	v12 =	vsel vm2, $0x2, v12  }
0xc: {  	s0 =	srdreg.scid;
	v13 =	vsel vm2, $0x4, v13;
	v14 =	vsel vm2, $0x6, v14;
	v15 =	vsel vm2, $0x8, v15  }
0xd: {  	s2 =	stileid.u32;
	s1 =	rddreg [dreg:$0x0];
	v16 =	vsel vm2, $0xA, v16;
	v17 =	vsel vm2, $0xC, v17;
	v0 =	vsel vm0, $0x3F400000, v0  }
0xe: {  	s4 =	simm.s32 $0x0;
	s8 =	simm.s32 $0x4;
	s9 =	simm.s32 $0x80;
	vm0 =	vcmask $0xB08;
	v4 =	vmul.u32 $0x8, v4;
	v12 =	vsel vm3, $0x12, v12  }
0xf: {  	s10 =	simm.s32 $0x180;
	s12 =	simm.s32 $0x200;
	s13 =	simm.s32 $0x400;
	v13 =	vsel vm3, $0x14, v13;
	v14 =	vsel vm3, $0x16, v14;
	v18 =	vsel vm3, $0x18, v15  }
0x10: {  	s14 =	simm.s32 $0xC00;
	s22 =	simm.s32 $0x1400;
	[smem:$0x7FF] =	sst s4;
	v19 =	vsel vm3, $0x1A, v16;
	v0 =	vsel vm0, $0x3FA00000, v0;
	vm0 =	vcmask $0xF0C  }
0x11: {  	s11 =	simm.s32 $0x100;
	s23 =	simm.s32 $0x10C00;
	_ =	strace $0x8000004A;
	v20 =	vsel vm3, $0x1C, v17;
	v0 =	vsel vm0, $0x3FE00000, v0;
	vm0 =	vcmask $0x1310  }
0x12: {  	s24 =	simm.s32 $0x11400;
	s28 =	simm.s32 $0x12C00;
	s29 =	simm.s32 $0x13400;
	(erf) = vrcp.f32 v1;
	v0 =	vsel vm0, $0x40100000, v0;
	vm0 =	vcmask $0x1714  }
0x13: {  	s30 =	simm.s32 $0x13C00;
	s31 =	simm.s32 $0x14400;
	s7 =	simm.s32 $0x16C00;
	v1 =	vimm.s32 $0x11;
	v0 =	vsel vm0, $0x40300000, v0;
	vm0 =	vcmask $0x1B18  }
0x14: {  	s6 =	simm.s32 $0x17C00;
	s15 =	simm.s32 $0x1;
	s16 =	simm.s32 $0x2;
	v12 =	vsel vm1, $0x3, v12;
	v0 =	vsel vm0, $0x40500000, v0;
	vm0 =	vcmask $0x1F1C  }
0x15: {  	s17 =	simm.s32 $0x3;
	s0 =	sand.u32 $0x1, s0;
	s2 =	sshll.u32 s2, $0x1;
	v13 =	vsel vm1, $0x5, v13;
	v0 =	vsel vm0, $0x40700000, v0;
	vm0 =	vcmask $0x2320  }
0x16: {  	s19 =	simm.s32 $0x0;
	s2 =	sor.u32 s0, s2;
	s0 =	ssub.s32 $0x2, s0;
	v14 =	vsel vm1, $0x7, v14;
	v0 =	vsel vm0, $0x40880000, v0;
	vm0 =	vcmask $0x2724  }
0x17: {  	s4 =	sadd.s32 $0xA00, s1;
	s3 =	smul.u32 $0xA, s2;
	s5 =	sshrl.u32 s0, $0x1;
	v16 =	vsel vm1, $0x9, v18;
	v0 =	vsel vm0, $0x40980000, v0;
	vm0 =	vcmask $0x2B28  }
0x18: {  	s26 =	sshll.u32 s2, $0x4;
	s2 =	simm.s32 $0x17400;
	v17 =	vsel vm1, $0xB, v19;
	s0 =	ssub.s32 s0, s5;
	v0 =	vsel vm0, $0x40A80000, v0;
	vm0 =	vcmask $0x2F2C  }
0x19: {  	v18 =	vsel vm1, $0xD, v20;
	[dreg:$0x4] =	wrdreg s26;
	s26 =	simm.s32 $0x12400;
	s5 =	simm.s32 $0x16400;
	v0 =	vsel vm0, $0x40B80000, v0;
	vm0 =	vcmask $0x3330  }
0x1a: {  	v1 =	vsel vm2, $0x0, v1;
	s3 =	sadd.s32 s3, s1;
	s0 =	smax.u32 s0, $0x1;
	s1 =	simm.s32 $0x14C00;
	v0 =	vsel vm0, $0x40C80000, v0;
	vm0 =	vcmask $0x3734  }
0x1b: {  	v1 =	vsel vm3, $0x10, v1;
	s25 =	sadd.s32 $0x200A00, s3;
	[dreg:$0x5] =	wrdreg s0;
	s0 =	simm.s32 $0x15400;
	v0 =	vsel vm0, $0x40D80000, v0;
	vm0 =	vcmask $0x3B38  }
0x1c: {  	v1 =	vsel vm1, $0x1, v1;
	s3 =	simm.s32 $0x15C00;
	[dreg:$0x3] =	wrdreg s25;
	s25 =	simm.s32 $0x11C00;
	v15 =	vpop (erf);
	v0 =	vsel vm0, $0x40E80000, v0;
	vm0 =	vmmov $0xffff  }
.LBB2_1:
0x1d: {  	[dreg:$0x6] =	wrdreg s19  }
0x1e: {  	s18 =	simm.s32 $0x0;
	s21 =	rddreg [dreg:$0x3]  }
0x1f: {  	[tilespmem:s18], [sflag:$0x4] =	stream.linear.gather [hbm4b:s21+s18], $0x50, $0x38;
	[tilespmem:$0x1B500] =	vst v63  }
0x20: {  	_ =	swait.ge [sflag:s8], $0x50  }
0x21: {  	[sflag:s8] =	ssyncset.done $0x0  }
0x22: {  	s18 =	simm.s32 $0x0;
	[sflag:s8] =	ssyncadd.s32 $0xFFFFFFB0  }
.LBB2_2:
0x23: {  	s20 =	smul.u32 $0x5, s18;
	_ =	sdelay $0x1  }
0x24: {  	s19 =	sadd.s32 $0x2, s20  }
0x25: {  	s21 =	sadd.s32 $0x4, s20;
	v19 =	vmov s19  }
0x26: {  	v20 =	vmov s21;
	_ =	sdelay $0x2  }
0x27: {  	s19 =	simm.s32 $0x0;
	s21 =	sadd.s32 $0x1, s20  }
0x28: {  	v21 =	vmov s21;
	s21 =	sadd.s32 $0x3, s20;
	v19 =	vld.idx.msk [tilespmem:v19+s19+$0x0], $0xffff  }
0x29: {  	v22 =	vmov s21;
	v20 =	vld.idx.msk [tilespmem:v20+s19+$0x0], $0xffff;
	_ =	sdelay $0x3  }
0x2a: {  	v21 =	vld.idx.msk [tilespmem:v21+s19+$0x0], $0xffff  }
0x2b: {  	v22 =	vld.idx.msk [tilespmem:v22+s19+$0x0], $0xffff;
	v19 =	vmul.f32 $2.500000000e-01, v19;
	v20 =	vmul.f32 $2.500000000e-01, v20;
	_ =	sdelay $0x1  }
0x2c: {  	v19 =	vadd.f32 $-5.000000000e-01, v19;
	v20 =	vadd.f32 $-5.000000000e-01, v20;
	_ =	sdelay $0x1  }
0x2d: {  	v20 =	vsub.f32 v20, v19  }
0x2e: {  	v23 =	vmov s20;
	v21 =	vmul.f32 $2.500000000e-01, v21;
	v22 =	vmul.f32 $2.500000000e-01, v22  }
0x2f: {  	v20 =	vmul.f32 v20, v15  }
0x30: {  	v21 =	vadd.f32 $-5.000000000e-01, v21;
	v22 =	vadd.f32 $-5.000000000e-01, v22  }
0x31: {  	v20 =	vmul.f32 v0, v20  }
0x32: {  	v22 =	vsub.f32 v22, v21  }
0x33: {  	v23 =	vld.idx.msk [tilespmem:v23+s19+$0x0], $0xffff;
	v19 =	vadd.f32 v20, v19  }
0x34: {  	v20 =	vmul.f32 v22, v15  }
0x35: {  	v22 =	vmax.f32 v19, $0.0e+00  }
0x36: {  	v20 =	vmul.f32 v0, v20;
	v22 =	vmin.f32 v22, $1.270000000e+02  }
0x37: {  	v24 =	vtrunc.f32 v22  }
0x38: {  	v23 =	vtrunc.f32 v23;
	v20 =	vadd.f32 v20, v21;
	v24 =	vcvt.f32.s32 v24  }
0x39: {  	v21 =	vcvt.f32.s32 v23  }
0x3a: {  	vm1 =	vgt.f32 v19, $-1.000000000e+00;
	v25 =	vmax.f32 v20, $0.0e+00;
	v23 =	vcvt.s32.f32 v24  }
0x3b: {  	vm2 =	vlt.f32 v19, $1.280000000e+02;
	v21 =	vshll.u32 v21, $0xE;
	v25 =	vmin.f32 v25, $1.270000000e+02  }
0x3c: {  	v26 =	vtrunc.f32 v25;
	v22 =	vsub.f32 v22, v23;
	v23 =	vadd.s32 $0x1, v24  }
0x3d: {  	v19 =	vcvt.f32.s32 v26;
	v24 =	vshll.u32 v24, $0x7;
	vm3 =	vlt.s32 v23, $0x7F  }
0x3e: {  	v24 =	vadd.s32 v21, v24;
	v23 =	vnsel vm3, $0x7F, v23  }
0x3f: {  	v26 =	vsub.f32 $1.000000000e+00, v22;
	v27 =	vcvt.s32.f32 v19;
	v23 =	vshll.u32 v23, $0x7  }
0x40: {  	vm1 =	vmand vm1, vm2;
	[tilespmem:$0x80] =	vst v24;
	v21 =	vadd.s32 v21, v23  }
0x41: {  	v23 =	vnsel vm1, $0x0, v26;
	[tilespmem:$0x90] =	vst v21;
	v21 =	vsub.f32 v25, v27  }
0x42: {  	vm2 =	vlt.f32 v20, $1.280000000e+02;
	v22 =	vnsel vm1, $0x0, v22;
	[tilespmem:$0x100] =	vst v23;
	v23 =	vadd.s32 $0x1, v19  }
0x43: {  	[tilespmem:$0x180] =	vst v19;
	vm1 =	vgt.f32 v20, $-1.000000000e+00;
	vm3 =	vlt.s32 v23, $0x7F;
	v20 =	vsub.f32 $1.000000000e+00, v21  }
0x44: {  	[tilespmem:$0x110] =	vst v22;
	vm1 =	vmand vm1, vm2;
	v22 =	vnsel vm3, $0x7F, v23  }
0x45: {  	[tilespmem:$0x190] =	vst v22;
	v19 =	vnsel vm1, $0x0, v20  }
0x46: {  	v20 =	vnsel vm1, $0x0, v21;
	[tilespmem:$0x200] =	vst v19  }
0x47: {  	[tilespmem:$0x210] =	vst v20  }
0x48: {  	v19 =	vld.idx.msk [tilespmem:v1+s9+$0x0], $0xffff  }
0x49: {  	v20 =	vld.idx.msk [tilespmem:v2+s10+$0x0], $0xffff;
	_ =	sdelay $0x4  }
0x4a: {  	v21 =	vld.idx.msk [tilespmem:v2+s12+$0x0], $0xffff;
	v19 =	vadd.s32 v19, v20  }
0x4b: {  	v20 =	vld.idx.msk [tilespmem:v1+s11+$0x0], $0xffff;
	v22 =	vshll.u32 v19, $0x1  }
0x4c: {  	v19 =	vand.u32 $0x7, v19;
	v22 =	vand.u32 $0xFFFFFFF0, v22  }
0x4d: {  	v19 =	vor.u32 v19, v22  }
0x4e: {  	v22 =	vperm.xlane v19, v3;
	_ =	sdelay $0x1  }
0x4f: {  	v19 =	vperm.xlane v19, v5;
	v20 =	vmul.f32 v21, v20;
	v21 =	vadd.s32 v4, v22;
	_ =	sdelay $0x1  }
0x50: {  	v19 =	vadd.s32 v4, v19;
	v20 =	vmul.f32 $2.500000000e-01, v20;
	_ =	sdelay $0x1  }
0x51: {  	[tilespmem:$0x280] =	vst v20  }
0x52: {  	[tilespmem:s13], [sflag:$0x1] =	stream.indirect_vreg.gather [hbm4b:s4+s19], $0x80, v21, vm0, $0xb8;
	[tilespmem:$0x1B500] =	vst v63  }
0x53: {  	_ = 	snop  }
0x54: {  	[tilespmem:s14], [sflag:$0x1] =	stream.indirect_vreg.gather [hbm4b:s4+s19], $0x80, v19, vm0, $0xb8;
	[tilespmem:$0x1B500] =	vst v63  }
0x55: {  	v19 =	vld.idx.msk [tilespmem:v1+s9+$0x0], $0xffff  }
0x56: {  	v20 =	vld.idx.msk [tilespmem:v6+s10+$0x0], $0xffff;
	_ =	sdelay $0x4  }
0x57: {  	v21 =	vld.idx.msk [tilespmem:v6+s12+$0x0], $0xffff;
	v19 =	vadd.s32 v19, v20  }
0x58: {  	v20 =	vld.idx.msk [tilespmem:v1+s11+$0x0], $0xffff;
	v22 =	vshll.u32 v19, $0x1  }
0x59: {  	v19 =	vand.u32 $0x7, v19;
	v22 =	vand.u32 $0xFFFFFFF0, v22  }
0x5a: {  	v19 =	vor.u32 v19, v22  }
0x5b: {  	v22 =	vperm.xlane v19, v3;
	_ =	sdelay $0x1  }
0x5c: {  	v19 =	vperm.xlane v19, v5;
	v20 =	vmul.f32 v21, v20;
	v21 =	vadd.s32 v4, v22;
	_ =	sdelay $0x1  }
0x5d: {  	v19 =	vadd.s32 v4, v19;
	v20 =	vmul.f32 $2.500000000e-01, v20;
	_ =	sdelay $0x1  }
0x5e: {  	[tilespmem:$0x290] =	vst v20  }
0x5f: {  	[tilespmem:s22], [sflag:$0x1] =	stream.indirect_vreg.gather [hbm4b:s4+s19], $0x80, v21, vm0, $0xb8;
	[tilespmem:$0x1B500] =	vst v63  }
0x60: {  	s21 =	simm.s32 $0x1C00  }
0x61: {  	[tilespmem:s21], [sflag:$0x1] =	stream.indirect_vreg.gather [hbm4b:s4+s19], $0x80, v19, vm0, $0xb8;
	[tilespmem:$0x1B500] =	vst v63  }
0x62: {  	v19 =	vld.idx.msk [tilespmem:v1+s9+$0x0], $0xffff  }
0x63: {  	v20 =	vld.idx.msk [tilespmem:v7+s10+$0x0], $0xffff;
	_ =	sdelay $0x4  }
0x64: {  	v21 =	vld.idx.msk [tilespmem:v7+s12+$0x0], $0xffff;
	v19 =	vadd.s32 v19, v20  }
0x65: {  	v20 =	vld.idx.msk [tilespmem:v1+s11+$0x0], $0xffff;
	v22 =	vshll.u32 v19, $0x1  }
0x66: {  	v19 =	vand.u32 $0x7, v19;
	v22 =	vand.u32 $0xFFFFFFF0, v22  }
0x67: {  	v19 =	vor.u32 v19, v22  }
0x68: {  	v22 =	vperm.xlane v19, v3;
	_ =	sdelay $0x1  }
0x69: {  	v19 =	vperm.xlane v19, v5;
	v20 =	vmul.f32 v21, v20;
	v21 =	vadd.s32 v4, v22;
	_ =	sdelay $0x1  }
0x6a: {  	v19 =	vadd.s32 v4, v19;
	v20 =	vmul.f32 $2.500000000e-01, v20;
	_ =	sdelay $0x1  }
0x6b: {  	s21 =	simm.s32 $0x2400;
	[tilespmem:$0x2A0] =	vst v20  }
0x6c: {  	[tilespmem:s21], [sflag:$0x1] =	stream.indirect_vreg.gather [hbm4b:s4+s19], $0x80, v21, vm0, $0xb8;
	[tilespmem:$0x1B500] =	vst v63  }
0x6d: {  	s21 =	simm.s32 $0x2C00  }
0x6e: {  	[tilespmem:s21], [sflag:$0x1] =	stream.indirect_vreg.gather [hbm4b:s4+s19], $0x80, v19, vm0, $0xb8;
	[tilespmem:$0x1B500] =	vst v63  }
0x6f: {  	v19 =	vld.idx.msk [tilespmem:v1+s9+$0x0], $0xffff  }
0x70: {  	v20 =	vld.idx.msk [tilespmem:v8+s10+$0x0], $0xffff;
	_ =	sdelay $0x4  }
0x71: {  	v21 =	vld.idx.msk [tilespmem:v8+s12+$0x0], $0xffff;
	v19 =	vadd.s32 v19, v20  }
0x72: {  	v20 =	vld.idx.msk [tilespmem:v1+s11+$0x0], $0xffff;
	v22 =	vshll.u32 v19, $0x1  }
0x73: {  	v19 =	vand.u32 $0x7, v19;
	v22 =	vand.u32 $0xFFFFFFF0, v22  }
0x74: {  	v19 =	vor.u32 v19, v22  }
0x75: {  	v22 =	vperm.xlane v19, v3;
	_ =	sdelay $0x1  }
0x76: {  	v19 =	vperm.xlane v19, v5;
	v20 =	vmul.f32 v21, v20;
	v21 =	vadd.s32 v4, v22;
	_ =	sdelay $0x1  }
0x77: {  	v19 =	vadd.s32 v4, v19;
	v20 =	vmul.f32 $2.500000000e-01, v20;
	_ =	sdelay $0x1  }
0x78: {  	s21 =	simm.s32 $0x3400;
	[tilespmem:$0x2B0] =	vst v20  }
0x79: {  	[tilespmem:s21], [sflag:$0x1] =	stream.indirect_vreg.gather [hbm4b:s4+s19], $0x80, v21, vm0, $0xb8;
	[tilespmem:$0x1B500] =	vst v63  }
0x7a: {  	s21 =	simm.s32 $0x3C00  }
0x7b: {  	[tilespmem:s21], [sflag:$0x1] =	stream.indirect_vreg.gather [hbm4b:s4+s19], $0x80, v19, vm0, $0xb8;
	[tilespmem:$0x1B500] =	vst v63  }
0x7c: {  	v19 =	vld.idx.msk [tilespmem:v1+s9+$0x0], $0xffff  }
0x7d: {  	v20 =	vld.idx.msk [tilespmem:v9+s10+$0x0], $0xffff;
	_ =	sdelay $0x4  }
0x7e: {  	v21 =	vld.idx.msk [tilespmem:v9+s12+$0x0], $0xffff;
	v19 =	vadd.s32 v19, v20  }
0x7f: {  	v20 =	vld.idx.msk [tilespmem:v1+s11+$0x0], $0xffff;
	v22 =	vshll.u32 v19, $0x1  }
0x80: {  	v19 =	vand.u32 $0x7, v19;
	v22 =	vand.u32 $0xFFFFFFF0, v22  }
0x81: {  	v19 =	vor.u32 v19, v22  }
0x82: {  	v22 =	vperm.xlane v19, v3;
	_ =	sdelay $0x1  }
0x83: {  	v19 =	vperm.xlane v19, v5;
	v20 =	vmul.f32 v21, v20;
	v21 =	vadd.s32 v4, v22;
	_ =	sdelay $0x1  }
0x84: {  	v19 =	vadd.s32 v4, v19;
	v20 =	vmul.f32 $2.500000000e-01, v20;
	_ =	sdelay $0x1  }
0x85: {  	s21 =	simm.s32 $0x4400;
	[tilespmem:$0x2C0] =	vst v20  }
0x86: {  	[tilespmem:s21], [sflag:$0x1] =	stream.indirect_vreg.gather [hbm4b:s4+s19], $0x80, v21, vm0, $0xb8;
	[tilespmem:$0x1B500] =	vst v63  }
0x87: {  	s21 =	simm.s32 $0x4C00  }
0x88: {  	[tilespmem:s21], [sflag:$0x1] =	stream.indirect_vreg.gather [hbm4b:s4+s19], $0x80, v19, vm0, $0xb8;
	[tilespmem:$0x1B500] =	vst v63  }
0x89: {  	v19 =	vld.idx.msk [tilespmem:v1+s9+$0x0], $0xffff  }
0x8a: {  	v20 =	vld.idx.msk [tilespmem:v10+s10+$0x0], $0xffff;
	_ =	sdelay $0x4  }
0x8b: {  	v21 =	vld.idx.msk [tilespmem:v10+s12+$0x0], $0xffff;
	v19 =	vadd.s32 v19, v20  }
0x8c: {  	v20 =	vld.idx.msk [tilespmem:v1+s11+$0x0], $0xffff;
	v22 =	vshll.u32 v19, $0x1  }
0x8d: {  	v19 =	vand.u32 $0x7, v19;
	v22 =	vand.u32 $0xFFFFFFF0, v22  }
0x8e: {  	v19 =	vor.u32 v19, v22  }
0x8f: {  	v22 =	vperm.xlane v19, v3;
	_ =	sdelay $0x1  }
0x90: {  	v19 =	vperm.xlane v19, v5;
	v20 =	vmul.f32 v21, v20;
	v21 =	vadd.s32 v4, v22;
	_ =	sdelay $0x1  }
0x91: {  	v19 =	vadd.s32 v4, v19;
	v20 =	vmul.f32 $2.500000000e-01, v20;
	_ =	sdelay $0x1  }
0x92: {  	s21 =	simm.s32 $0x5400;
	[tilespmem:$0x2D0] =	vst v20  }
0x93: {  	[tilespmem:s21], [sflag:$0x1] =	stream.indirect_vreg.gather [hbm4b:s4+s19], $0x80, v21, vm0, $0xb8;
	[tilespmem:$0x1B500] =	vst v63  }
0x94: {  	s21 =	simm.s32 $0x5C00  }
0x95: {  	[tilespmem:s21], [sflag:$0x1] =	stream.indirect_vreg.gather [hbm4b:s4+s19], $0x80, v19, vm0, $0xb8;
	[tilespmem:$0x1B500] =	vst v63  }
0x96: {  	v19 =	vld.idx.msk [tilespmem:v1+s9+$0x0], $0xffff  }
0x97: {  	v20 =	vld.idx.msk [tilespmem:v11+s10+$0x0], $0xffff;
	_ =	sdelay $0x4  }
0x98: {  	v21 =	vld.idx.msk [tilespmem:v11+s12+$0x0], $0xffff;
	v19 =	vadd.s32 v19, v20  }
0x99: {  	v20 =	vld.idx.msk [tilespmem:v1+s11+$0x0], $0xffff;
	v22 =	vshll.u32 v19, $0x1  }
0x9a: {  	v19 =	vand.u32 $0x7, v19;
	v22 =	vand.u32 $0xFFFFFFF0, v22  }
0x9b: {  	v19 =	vor.u32 v19, v22  }
0x9c: {  	v22 =	vperm.xlane v19, v3;
	_ =	sdelay $0x1  }
0x9d: {  	v19 =	vperm.xlane v19, v5;
	v20 =	vmul.f32 v21, v20;
	v21 =	vadd.s32 v4, v22;
	_ =	sdelay $0x1  }
0x9e: {  	v19 =	vadd.s32 v4, v19;
	v20 =	vmul.f32 $2.500000000e-01, v20;
	_ =	sdelay $0x1  }
0x9f: {  	s21 =	simm.s32 $0x6400;
	[tilespmem:$0x2E0] =	vst v20  }
0xa0: {  	[tilespmem:s21], [sflag:$0x1] =	stream.indirect_vreg.gather [hbm4b:s4+s19], $0x80, v21, vm0, $0xb8;
	[tilespmem:$0x1B500] =	vst v63  }
0xa1: {  	s21 =	simm.s32 $0x6C00  }
0xa2: {  	[tilespmem:s21], [sflag:$0x1] =	stream.indirect_vreg.gather [hbm4b:s4+s19], $0x80, v19, vm0, $0xb8;
	[tilespmem:$0x1B500] =	vst v63  }
0xa3: {  	v19 =	vld.idx.msk [tilespmem:v12+s9+$0x0], $0xffff  }
0xa4: {  	v20 =	vld.idx.msk [tilespmem:v2+s10+$0x0], $0xffff;
	_ =	sdelay $0x4  }
0xa5: {  	v21 =	vld.idx.msk [tilespmem:v2+s12+$0x0], $0xffff;
	v19 =	vadd.s32 v19, v20  }
0xa6: {  	v20 =	vld.idx.msk [tilespmem:v12+s11+$0x0], $0xffff;
	v22 =	vshll.u32 v19, $0x1  }
0xa7: {  	v19 =	vand.u32 $0x7, v19;
	v22 =	vand.u32 $0xFFFFFFF0, v22  }
0xa8: {  	v19 =	vor.u32 v19, v22  }
0xa9: {  	v22 =	vperm.xlane v19, v3;
	_ =	sdelay $0x1  }
0xaa: {  	v19 =	vperm.xlane v19, v5;
	v20 =	vmul.f32 v21, v20;
	v21 =	vadd.s32 v4, v22;
	_ =	sdelay $0x1  }
0xab: {  	v19 =	vadd.s32 v4, v19;
	v20 =	vmul.f32 $2.500000000e-01, v20;
	_ =	sdelay $0x1  }
0xac: {  	s21 =	simm.s32 $0x7400;
	[tilespmem:$0x2F0] =	vst v20  }
0xad: {  	[tilespmem:s21], [sflag:$0x1] =	stream.indirect_vreg.gather [hbm4b:s4+s19], $0x80, v21, vm0, $0xb8;
	[tilespmem:$0x1B500] =	vst v63  }
0xae: {  	s21 =	simm.s32 $0x7C00  }
0xaf: {  	[tilespmem:s21], [sflag:$0x1] =	stream.indirect_vreg.gather [hbm4b:s4+s19], $0x80, v19, vm0, $0xb8;
	[tilespmem:$0x1B500] =	vst v63  }
0xb0: {  	v19 =	vld.idx.msk [tilespmem:v12+s9+$0x0], $0xffff  }
0xb1: {  	v20 =	vld.idx.msk [tilespmem:v6+s10+$0x0], $0xffff;
	_ =	sdelay $0x4  }
0xb2: {  	v21 =	vld.idx.msk [tilespmem:v6+s12+$0x0], $0xffff;
	v19 =	vadd.s32 v19, v20  }
0xb3: {  	v20 =	vld.idx.msk [tilespmem:v12+s11+$0x0], $0xffff;
	v22 =	vshll.u32 v19, $0x1  }
0xb4: {  	v19 =	vand.u32 $0x7, v19;
	v22 =	vand.u32 $0xFFFFFFF0, v22  }
0xb5: {  	v19 =	vor.u32 v19, v22  }
0xb6: {  	v22 =	vperm.xlane v19, v3;
	_ =	sdelay $0x1  }
0xb7: {  	v19 =	vperm.xlane v19, v5;
	v20 =	vmul.f32 v21, v20;
	v21 =	vadd.s32 v4, v22;
	_ =	sdelay $0x1  }
0xb8: {  	v19 =	vadd.s32 v4, v19;
	v20 =	vmul.f32 $2.500000000e-01, v20;
	_ =	sdelay $0x1  }
0xb9: {  	s21 =	simm.s32 $0x8400;
	[tilespmem:$0x300] =	vst v20  }
0xba: {  	[tilespmem:s21], [sflag:$0x2] =	stream.indirect_vreg.gather [hbm4b:s4+s19], $0x80, v21, vm0, $0xb8;
	[tilespmem:$0x1B500] =	vst v63  }
0xbb: {  	s21 =	simm.s32 $0x8C00  }
0xbc: {  	[tilespmem:s21], [sflag:$0x2] =	stream.indirect_vreg.gather [hbm4b:s4+s19], $0x80, v19, vm0, $0xb8;
	[tilespmem:$0x1B500] =	vst v63  }
0xbd: {  	v19 =	vld.idx.msk [tilespmem:v12+s9+$0x0], $0xffff  }
0xbe: {  	v20 =	vld.idx.msk [tilespmem:v7+s10+$0x0], $0xffff;
	_ =	sdelay $0x4  }
0xbf: {  	v21 =	vld.idx.msk [tilespmem:v7+s12+$0x0], $0xffff;
	v19 =	vadd.s32 v19, v20  }
0xc0: {  	v20 =	vld.idx.msk [tilespmem:v12+s11+$0x0], $0xffff;
	v22 =	vshll.u32 v19, $0x1  }
0xc1: {  	v19 =	vand.u32 $0x7, v19;
	v22 =	vand.u32 $0xFFFFFFF0, v22  }
0xc2: {  	v19 =	vor.u32 v19, v22  }
0xc3: {  	v22 =	vperm.xlane v19, v3;
	_ =	sdelay $0x1  }
0xc4: {  	v19 =	vperm.xlane v19, v5;
	v20 =	vmul.f32 v21, v20;
	v21 =	vadd.s32 v4, v22;
	_ =	sdelay $0x1  }
0xc5: {  	v19 =	vadd.s32 v4, v19;
	v20 =	vmul.f32 $2.500000000e-01, v20;
	_ =	sdelay $0x1  }
0xc6: {  	s21 =	simm.s32 $0x9400;
	[tilespmem:$0x310] =	vst v20  }
0xc7: {  	[tilespmem:s21], [sflag:$0x2] =	stream.indirect_vreg.gather [hbm4b:s4+s19], $0x80, v21, vm0, $0xb8;
	[tilespmem:$0x1B500] =	vst v63  }
0xc8: {  	s21 =	simm.s32 $0x9C00  }
0xc9: {  	[tilespmem:s21], [sflag:$0x2] =	stream.indirect_vreg.gather [hbm4b:s4+s19], $0x80, v19, vm0, $0xb8;
	[tilespmem:$0x1B500] =	vst v63  }
0xca: {  	v19 =	vld.idx.msk [tilespmem:v12+s9+$0x0], $0xffff  }
0xcb: {  	v20 =	vld.idx.msk [tilespmem:v8+s10+$0x0], $0xffff;
	_ =	sdelay $0x4  }
0xcc: {  	v21 =	vld.idx.msk [tilespmem:v8+s12+$0x0], $0xffff;
	v19 =	vadd.s32 v19, v20  }
0xcd: {  	v20 =	vld.idx.msk [tilespmem:v12+s11+$0x0], $0xffff;
	v22 =	vshll.u32 v19, $0x1  }
0xce: {  	v19 =	vand.u32 $0x7, v19;
	v22 =	vand.u32 $0xFFFFFFF0, v22  }
0xcf: {  	v19 =	vor.u32 v19, v22  }
0xd0: {  	v22 =	vperm.xlane v19, v3;
	_ =	sdelay $0x1  }
0xd1: {  	v19 =	vperm.xlane v19, v5;
	v20 =	vmul.f32 v21, v20;
	v21 =	vadd.s32 v4, v22;
	_ =	sdelay $0x1  }
0xd2: {  	v19 =	vadd.s32 v4, v19;
	v20 =	vmul.f32 $2.500000000e-01, v20;
	_ =	sdelay $0x1  }
0xd3: {  	s21 =	simm.s32 $0xA400;
	[tilespmem:$0x320] =	vst v20  }
0xd4: {  	[tilespmem:s21], [sflag:$0x2] =	stream.indirect_vreg.gather [hbm4b:s4+s19], $0x80, v21, vm0, $0xb8;
	[tilespmem:$0x1B500] =	vst v63  }
0xd5: {  	s21 =	simm.s32 $0xAC00  }
0xd6: {  	[tilespmem:s21], [sflag:$0x2] =	stream.indirect_vreg.gather [hbm4b:s4+s19], $0x80, v19, vm0, $0xb8;
	[tilespmem:$0x1B500] =	vst v63  }
0xd7: {  	v19 =	vld.idx.msk [tilespmem:v12+s9+$0x0], $0xffff  }
0xd8: {  	v20 =	vld.idx.msk [tilespmem:v9+s10+$0x0], $0xffff;
	_ =	sdelay $0x4  }
0xd9: {  	v21 =	vld.idx.msk [tilespmem:v9+s12+$0x0], $0xffff;
	v19 =	vadd.s32 v19, v20  }
0xda: {  	v20 =	vld.idx.msk [tilespmem:v12+s11+$0x0], $0xffff;
	v22 =	vshll.u32 v19, $0x1  }
0xdb: {  	v19 =	vand.u32 $0x7, v19;
	v22 =	vand.u32 $0xFFFFFFF0, v22  }
0xdc: {  	v19 =	vor.u32 v19, v22  }
0xdd: {  	v22 =	vperm.xlane v19, v3;
	_ =	sdelay $0x1  }
0xde: {  	v19 =	vperm.xlane v19, v5;
	v20 =	vmul.f32 v21, v20;
	v21 =	vadd.s32 v4, v22;
	_ =	sdelay $0x1  }
0xdf: {  	v19 =	vadd.s32 v4, v19;
	v20 =	vmul.f32 $2.500000000e-01, v20;
	_ =	sdelay $0x1  }
0xe0: {  	s21 =	simm.s32 $0xB400;
	[tilespmem:$0x330] =	vst v20  }
0xe1: {  	[tilespmem:s21], [sflag:$0x2] =	stream.indirect_vreg.gather [hbm4b:s4+s19], $0x80, v21, vm0, $0xb8;
	[tilespmem:$0x1B500] =	vst v63  }
0xe2: {  	s21 =	simm.s32 $0xBC00  }
0xe3: {  	[tilespmem:s21], [sflag:$0x2] =	stream.indirect_vreg.gather [hbm4b:s4+s19], $0x80, v19, vm0, $0xb8;
	[tilespmem:$0x1B500] =	vst v63  }
0xe4: {  	v19 =	vld.idx.msk [tilespmem:v12+s9+$0x0], $0xffff  }
0xe5: {  	v20 =	vld.idx.msk [tilespmem:v10+s10+$0x0], $0xffff;
	_ =	sdelay $0x4  }
0xe6: {  	v21 =	vld.idx.msk [tilespmem:v10+s12+$0x0], $0xffff;
	v19 =	vadd.s32 v19, v20  }
0xe7: {  	v20 =	vld.idx.msk [tilespmem:v12+s11+$0x0], $0xffff;
	v22 =	vshll.u32 v19, $0x1  }
0xe8: {  	v19 =	vand.u32 $0x7, v19;
	v22 =	vand.u32 $0xFFFFFFF0, v22  }
0xe9: {  	v19 =	vor.u32 v19, v22  }
0xea: {  	v22 =	vperm.xlane v19, v3;
	_ =	sdelay $0x1  }
0xeb: {  	v19 =	vperm.xlane v19, v5;
	v20 =	vmul.f32 v21, v20;
	v21 =	vadd.s32 v4, v22;
	_ =	sdelay $0x1  }
0xec: {  	v19 =	vadd.s32 v4, v19;
	v20 =	vmul.f32 $2.500000000e-01, v20;
	_ =	sdelay $0x1  }
0xed: {  	s21 =	simm.s32 $0xC400;
	[tilespmem:$0x340] =	vst v20  }
0xee: {  	[tilespmem:s21], [sflag:$0x2] =	stream.indirect_vreg.gather [hbm4b:s4+s19], $0x80, v21, vm0, $0xb8;
	[tilespmem:$0x1B500] =	vst v63  }
0xef: {  	s21 =	simm.s32 $0xCC00  }
0xf0: {  	[tilespmem:s21], [sflag:$0x2] =	stream.indirect_vreg.gather [hbm4b:s4+s19], $0x80, v19, vm0, $0xb8;
	[tilespmem:$0x1B500] =	vst v63  }
0xf1: {  	v19 =	vld.idx.msk [tilespmem:v12+s9+$0x0], $0xffff  }
0xf2: {  	v20 =	vld.idx.msk [tilespmem:v11+s10+$0x0], $0xffff;
	_ =	sdelay $0x4  }
0xf3: {  	v21 =	vld.idx.msk [tilespmem:v11+s12+$0x0], $0xffff;
	v19 =	vadd.s32 v19, v20  }
0xf4: {  	v20 =	vld.idx.msk [tilespmem:v12+s11+$0x0], $0xffff;
	v22 =	vshll.u32 v19, $0x1  }
0xf5: {  	v19 =	vand.u32 $0x7, v19;
	v22 =	vand.u32 $0xFFFFFFF0, v22  }
0xf6: {  	v19 =	vor.u32 v19, v22  }
0xf7: {  	v22 =	vperm.xlane v19, v3;
	_ =	sdelay $0x1  }
0xf8: {  	v19 =	vperm.xlane v19, v5;
	v20 =	vmul.f32 v21, v20;
	v21 =	vadd.s32 v4, v22;
	_ =	sdelay $0x1  }
0xf9: {  	v19 =	vadd.s32 v4, v19;
	v20 =	vmul.f32 $2.500000000e-01, v20;
	_ =	sdelay $0x1  }
0xfa: {  	s21 =	simm.s32 $0xD400;
	[tilespmem:$0x350] =	vst v20  }
0xfb: {  	[tilespmem:s21], [sflag:$0x2] =	stream.indirect_vreg.gather [hbm4b:s4+s19], $0x80, v21, vm0, $0xb8;
	[tilespmem:$0x1B500] =	vst v63  }
0xfc: {  	s21 =	simm.s32 $0xDC00  }
0xfd: {  	[tilespmem:s21], [sflag:$0x2] =	stream.indirect_vreg.gather [hbm4b:s4+s19], $0x80, v19, vm0, $0xb8;
	[tilespmem:$0x1B500] =	vst v63  }
0xfe: {  	v19 =	vld.idx.msk [tilespmem:v13+s9+$0x0], $0xffff  }
0xff: {  	v20 =	vld.idx.msk [tilespmem:v2+s10+$0x0], $0xffff;
	_ =	sdelay $0x4  }
0x100: {  	v21 =	vld.idx.msk [tilespmem:v2+s12+$0x0], $0xffff;
	v19 =	vadd.s32 v19, v20  }
0x101: {  	v20 =	vld.idx.msk [tilespmem:v13+s11+$0x0], $0xffff;
	v22 =	vshll.u32 v19, $0x1  }
0x102: {  	v19 =	vand.u32 $0x7, v19;
	v22 =	vand.u32 $0xFFFFFFF0, v22  }
0x103: {  	v19 =	vor.u32 v19, v22  }
0x104: {  	v22 =	vperm.xlane v19, v3;
	_ =	sdelay $0x1  }
0x105: {  	v19 =	vperm.xlane v19, v5;
	v20 =	vmul.f32 v21, v20;
	v21 =	vadd.s32 v4, v22;
	_ =	sdelay $0x1  }
0x106: {  	v19 =	vadd.s32 v4, v19;
	v20 =	vmul.f32 $2.500000000e-01, v20;
	_ =	sdelay $0x1  }
0x107: {  	s21 =	simm.s32 $0xE400;
	[tilespmem:$0x360] =	vst v20  }
0x108: {  	[tilespmem:s21], [sflag:$0x2] =	stream.indirect_vreg.gather [hbm4b:s4+s19], $0x80, v21, vm0, $0xb8;
	[tilespmem:$0x1B500] =	vst v63  }
0x109: {  	s21 =	simm.s32 $0xEC00  }
0x10a: {  	[tilespmem:s21], [sflag:$0x2] =	stream.indirect_vreg.gather [hbm4b:s4+s19], $0x80, v19, vm0, $0xb8;
	[tilespmem:$0x1B500] =	vst v63  }
0x10b: {  	v19 =	vld.idx.msk [tilespmem:v13+s9+$0x0], $0xffff  }
0x10c: {  	v20 =	vld.idx.msk [tilespmem:v6+s10+$0x0], $0xffff;
	_ =	sdelay $0x4  }
0x10d: {  	v21 =	vld.idx.msk [tilespmem:v6+s12+$0x0], $0xffff;
	v19 =	vadd.s32 v19, v20  }
0x10e: {  	v20 =	vld.idx.msk [tilespmem:v13+s11+$0x0], $0xffff;
	v22 =	vshll.u32 v19, $0x1  }
0x10f: {  	v19 =	vand.u32 $0x7, v19;
	v22 =	vand.u32 $0xFFFFFFF0, v22  }
0x110: {  	v19 =	vor.u32 v19, v22  }
0x111: {  	v22 =	vperm.xlane v19, v3;
	_ =	sdelay $0x1  }
0x112: {  	v19 =	vperm.xlane v19, v5;
	v20 =	vmul.f32 v21, v20;
	v21 =	vadd.s32 v4, v22;
	_ =	sdelay $0x1  }
0x113: {  	v19 =	vadd.s32 v4, v19;
	v20 =	vmul.f32 $2.500000000e-01, v20;
	_ =	sdelay $0x1  }
0x114: {  	s21 =	simm.s32 $0xF400;
	[tilespmem:$0x370] =	vst v20  }
0x115: {  	[tilespmem:s21], [sflag:$0x2] =	stream.indirect_vreg.gather [hbm4b:s4+s19], $0x80, v21, vm0, $0xb8;
	[tilespmem:$0x1B500] =	vst v63  }
0x116: {  	s21 =	simm.s32 $0xFC00  }
0x117: {  	[tilespmem:s21], [sflag:$0x2] =	stream.indirect_vreg.gather [hbm4b:s4+s19], $0x80, v19, vm0, $0xb8;
	[tilespmem:$0x1B500] =	vst v63  }
0x118: {  	v19 =	vld.idx.msk [tilespmem:v13+s9+$0x0], $0xffff  }
0x119: {  	v20 =	vld.idx.msk [tilespmem:v7+s10+$0x0], $0xffff;
	_ =	sdelay $0x4  }
0x11a: {  	v21 =	vld.idx.msk [tilespmem:v7+s12+$0x0], $0xffff;
	v19 =	vadd.s32 v19, v20  }
0x11b: {  	v20 =	vld.idx.msk [tilespmem:v13+s11+$0x0], $0xffff;
	v22 =	vshll.u32 v19, $0x1  }
0x11c: {  	v19 =	vand.u32 $0x7, v19;
	v22 =	vand.u32 $0xFFFFFFF0, v22  }
0x11d: {  	v19 =	vor.u32 v19, v22  }
0x11e: {  	v22 =	vperm.xlane v19, v3;
	_ =	sdelay $0x1  }
0x11f: {  	v19 =	vperm.xlane v19, v5;
	v20 =	vmul.f32 v21, v20;
	v21 =	vadd.s32 v4, v22;
	_ =	sdelay $0x1  }
0x120: {  	v19 =	vadd.s32 v4, v19;
	v20 =	vmul.f32 $2.500000000e-01, v20;
	_ =	sdelay $0x1  }
0x121: {  	s21 =	simm.s32 $0x10400;
	[tilespmem:$0x380] =	vst v20  }
0x122: {  	[tilespmem:s21], [sflag:$0x3] =	stream.indirect_vreg.gather [hbm4b:s4+s19], $0x80, v21, vm0, $0xb8;
	[tilespmem:$0x1B500] =	vst v63  }
0x123: {  	_ = 	snop  }
0x124: {  	[tilespmem:s23], [sflag:$0x3] =	stream.indirect_vreg.gather [hbm4b:s4+s19], $0x80, v19, vm0, $0xb8;
	[tilespmem:$0x1B500] =	vst v63  }
0x125: {  	v19 =	vld.idx.msk [tilespmem:v13+s9+$0x0], $0xffff  }
0x126: {  	v20 =	vld.idx.msk [tilespmem:v8+s10+$0x0], $0xffff;
	_ =	sdelay $0x4  }
0x127: {  	v21 =	vld.idx.msk [tilespmem:v8+s12+$0x0], $0xffff;
	v19 =	vadd.s32 v19, v20  }
0x128: {  	v20 =	vld.idx.msk [tilespmem:v13+s11+$0x0], $0xffff;
	v22 =	vshll.u32 v19, $0x1  }
0x129: {  	v19 =	vand.u32 $0x7, v19;
	v22 =	vand.u32 $0xFFFFFFF0, v22  }
0x12a: {  	v19 =	vor.u32 v19, v22  }
0x12b: {  	v22 =	vperm.xlane v19, v3;
	_ =	sdelay $0x1  }
0x12c: {  	v19 =	vperm.xlane v19, v5;
	v20 =	vmul.f32 v21, v20;
	v21 =	vadd.s32 v4, v22;
	_ =	sdelay $0x1  }
0x12d: {  	v19 =	vadd.s32 v4, v19;
	v20 =	vmul.f32 $2.500000000e-01, v20;
	_ =	sdelay $0x1  }
0x12e: {  	[tilespmem:$0x390] =	vst v20  }
0x12f: {  	[tilespmem:s24], [sflag:$0x3] =	stream.indirect_vreg.gather [hbm4b:s4+s19], $0x80, v21, vm0, $0xb8;
	[tilespmem:$0x1B500] =	vst v63  }
0x130: {  	_ = 	snop  }
0x131: {  	[tilespmem:s25], [sflag:$0x3] =	stream.indirect_vreg.gather [hbm4b:s4+s19], $0x80, v19, vm0, $0xb8;
	[tilespmem:$0x1B500] =	vst v63  }
0x132: {  	v19 =	vld.idx.msk [tilespmem:v13+s9+$0x0], $0xffff  }
0x133: {  	v20 =	vld.idx.msk [tilespmem:v9+s10+$0x0], $0xffff;
	_ =	sdelay $0x4  }
0x134: {  	v21 =	vld.idx.msk [tilespmem:v9+s12+$0x0], $0xffff;
	v19 =	vadd.s32 v19, v20  }
0x135: {  	v20 =	vld.idx.msk [tilespmem:v13+s11+$0x0], $0xffff;
	v22 =	vshll.u32 v19, $0x1  }
0x136: {  	v19 =	vand.u32 $0x7, v19;
	v22 =	vand.u32 $0xFFFFFFF0, v22  }
0x137: {  	v19 =	vor.u32 v19, v22  }
0x138: {  	v22 =	vperm.xlane v19, v3;
	_ =	sdelay $0x1  }
0x139: {  	v19 =	vperm.xlane v19, v5;
	v20 =	vmul.f32 v21, v20;
	v21 =	vadd.s32 v4, v22;
	_ =	sdelay $0x1  }
0x13a: {  	v19 =	vadd.s32 v4, v19;
	v20 =	vmul.f32 $2.500000000e-01, v20;
	_ =	sdelay $0x1  }
0x13b: {  	[tilespmem:$0x3A0] =	vst v20  }
0x13c: {  	[tilespmem:s26], [sflag:$0x3] =	stream.indirect_vreg.gather [hbm4b:s4+s19], $0x80, v21, vm0, $0xb8;
	[tilespmem:$0x1B500] =	vst v63  }
0x13d: {  	_ = 	snop  }
0x13e: {  	[tilespmem:s28], [sflag:$0x3] =	stream.indirect_vreg.gather [hbm4b:s4+s19], $0x80, v19, vm0, $0xb8;
	[tilespmem:$0x1B500] =	vst v63  }
0x13f: {  	v19 =	vld.idx.msk [tilespmem:v13+s9+$0x0], $0xffff  }
0x140: {  	v20 =	vld.idx.msk [tilespmem:v10+s10+$0x0], $0xffff;
	_ =	sdelay $0x4  }
0x141: {  	v21 =	vld.idx.msk [tilespmem:v10+s12+$0x0], $0xffff;
	v19 =	vadd.s32 v19, v20  }
0x142: {  	v20 =	vld.idx.msk [tilespmem:v13+s11+$0x0], $0xffff;
	v22 =	vshll.u32 v19, $0x1  }
0x143: {  	v19 =	vand.u32 $0x7, v19;
	v22 =	vand.u32 $0xFFFFFFF0, v22  }
0x144: {  	v19 =	vor.u32 v19, v22  }
0x145: {  	v22 =	vperm.xlane v19, v3;
	_ =	sdelay $0x1  }
0x146: {  	v19 =	vperm.xlane v19, v5;
	v20 =	vmul.f32 v21, v20;
	v21 =	vadd.s32 v4, v22;
	_ =	sdelay $0x1  }
0x147: {  	v19 =	vadd.s32 v4, v19;
	v20 =	vmul.f32 $2.500000000e-01, v20;
	_ =	sdelay $0x1  }
0x148: {  	[tilespmem:$0x3B0] =	vst v20  }
0x149: {  	[tilespmem:s29], [sflag:$0x3] =	stream.indirect_vreg.gather [hbm4b:s4+s19], $0x80, v21, vm0, $0xb8;
	[tilespmem:$0x1B500] =	vst v63  }
0x14a: {  	_ = 	snop  }
0x14b: {  	[tilespmem:s30], [sflag:$0x3] =	stream.indirect_vreg.gather [hbm4b:s4+s19], $0x80, v19, vm0, $0xb8;
	[tilespmem:$0x1B500] =	vst v63  }
0x14c: {  	v19 =	vld.idx.msk [tilespmem:v13+s9+$0x0], $0xffff  }
0x14d: {  	v20 =	vld.idx.msk [tilespmem:v11+s10+$0x0], $0xffff;
	_ =	sdelay $0x4  }
0x14e: {  	v21 =	vld.idx.msk [tilespmem:v11+s12+$0x0], $0xffff;
	v19 =	vadd.s32 v19, v20  }
0x14f: {  	v20 =	vld.idx.msk [tilespmem:v13+s11+$0x0], $0xffff;
	v22 =	vshll.u32 v19, $0x1  }
0x150: {  	v19 =	vand.u32 $0x7, v19;
	v22 =	vand.u32 $0xFFFFFFF0, v22  }
0x151: {  	v19 =	vor.u32 v19, v22  }
0x152: {  	v22 =	vperm.xlane v19, v3;
	_ =	sdelay $0x1  }
0x153: {  	v19 =	vperm.xlane v19, v5;
	v20 =	vmul.f32 v21, v20;
	v21 =	vadd.s32 v4, v22;
	_ =	sdelay $0x1  }
0x154: {  	v19 =	vadd.s32 v4, v19;
	v20 =	vmul.f32 $2.500000000e-01, v20;
	_ =	sdelay $0x1  }
0x155: {  	[tilespmem:$0x3C0] =	vst v20  }
0x156: {  	[tilespmem:s31], [sflag:$0x3] =	stream.indirect_vreg.gather [hbm4b:s4+s19], $0x80, v21, vm0, $0xb8;
	[tilespmem:$0x1B500] =	vst v63  }
0x157: {  	_ = 	snop  }
0x158: {  	[tilespmem:s1], [sflag:$0x3] =	stream.indirect_vreg.gather [hbm4b:s4+s19], $0x80, v19, vm0, $0xb8;
	[tilespmem:$0x1B500] =	vst v63  }
0x159: {  	v19 =	vld.idx.msk [tilespmem:v14+s9+$0x0], $0xffff  }
0x15a: {  	v20 =	vld.idx.msk [tilespmem:v2+s10+$0x0], $0xffff;
	_ =	sdelay $0x4  }
0x15b: {  	v21 =	vld.idx.msk [tilespmem:v2+s12+$0x0], $0xffff;
	v19 =	vadd.s32 v19, v20  }
0x15c: {  	v20 =	vld.idx.msk [tilespmem:v14+s11+$0x0], $0xffff;
	v22 =	vshll.u32 v19, $0x1  }
0x15d: {  	v19 =	vand.u32 $0x7, v19;
	v22 =	vand.u32 $0xFFFFFFF0, v22  }
0x15e: {  	v19 =	vor.u32 v19, v22  }
0x15f: {  	v22 =	vperm.xlane v19, v3;
	_ =	sdelay $0x1  }
0x160: {  	v19 =	vperm.xlane v19, v5;
	v20 =	vmul.f32 v21, v20;
	v21 =	vadd.s32 v4, v22;
	_ =	sdelay $0x1  }
0x161: {  	v19 =	vadd.s32 v4, v19;
	v20 =	vmul.f32 $2.500000000e-01, v20;
	_ =	sdelay $0x1  }
0x162: {  	[tilespmem:$0x3D0] =	vst v20  }
0x163: {  	[tilespmem:s0], [sflag:$0x3] =	stream.indirect_vreg.gather [hbm4b:s4+s19], $0x80, v21, vm0, $0xb8;
	[tilespmem:$0x1B500] =	vst v63  }
0x164: {  	_ = 	snop  }
0x165: {  	[tilespmem:s3], [sflag:$0x3] =	stream.indirect_vreg.gather [hbm4b:s4+s19], $0x80, v19, vm0, $0xb8;
	[tilespmem:$0x1B500] =	vst v63  }
0x166: {  	v19 =	vld.idx.msk [tilespmem:v14+s9+$0x0], $0xffff  }
0x167: {  	v20 =	vld.idx.msk [tilespmem:v6+s10+$0x0], $0xffff;
	_ =	sdelay $0x4  }
0x168: {  	v21 =	vld.idx.msk [tilespmem:v6+s12+$0x0], $0xffff;
	v19 =	vadd.s32 v19, v20  }
0x169: {  	v20 =	vld.idx.msk [tilespmem:v14+s11+$0x0], $0xffff;
	v22 =	vshll.u32 v19, $0x1  }
0x16a: {  	v19 =	vand.u32 $0x7, v19;
	v22 =	vand.u32 $0xFFFFFFF0, v22  }
0x16b: {  	v19 =	vor.u32 v19, v22  }
0x16c: {  	v22 =	vperm.xlane v19, v3;
	_ =	sdelay $0x1  }
0x16d: {  	v19 =	vperm.xlane v19, v5;
	v20 =	vmul.f32 v21, v20;
	v21 =	vadd.s32 v4, v22;
	_ =	sdelay $0x1  }
0x16e: {  	v19 =	vadd.s32 v4, v19;
	v20 =	vmul.f32 $2.500000000e-01, v20;
	_ =	sdelay $0x1  }
0x16f: {  	[tilespmem:$0x3E0] =	vst v20  }
0x170: {  	[tilespmem:s5], [sflag:$0x3] =	stream.indirect_vreg.gather [hbm4b:s4+s19], $0x80, v21, vm0, $0xb8;
	[tilespmem:$0x1B500] =	vst v63  }
0x171: {  	_ = 	snop  }
0x172: {  	[tilespmem:s7], [sflag:$0x3] =	stream.indirect_vreg.gather [hbm4b:s4+s19], $0x80, v19, vm0, $0xb8;
	[tilespmem:$0x1B500] =	vst v63  }
0x173: {  	v19 =	vld.idx.msk [tilespmem:v14+s9+$0x0], $0xffff  }
0x174: {  	v20 =	vld.idx.msk [tilespmem:v7+s10+$0x0], $0xffff;
	_ =	sdelay $0x4  }
0x175: {  	v21 =	vld.idx.msk [tilespmem:v7+s12+$0x0], $0xffff;
	v19 =	vadd.s32 v19, v20  }
0x176: {  	v20 =	vld.idx.msk [tilespmem:v14+s11+$0x0], $0xffff;
	v22 =	vshll.u32 v19, $0x1  }
0x177: {  	v19 =	vand.u32 $0x7, v19;
	v22 =	vand.u32 $0xFFFFFFF0, v22  }
0x178: {  	v19 =	vor.u32 v19, v22  }
0x179: {  	v22 =	vperm.xlane v19, v3;
	_ =	sdelay $0x1  }
0x17a: {  	v19 =	vperm.xlane v19, v5;
	v20 =	vmul.f32 v21, v20;
	v21 =	vadd.s32 v4, v22;
	_ =	sdelay $0x1  }
0x17b: {  	v19 =	vadd.s32 v4, v19;
	v20 =	vmul.f32 $2.500000000e-01, v20;
	_ =	sdelay $0x1  }
0x17c: {  	[tilespmem:$0x3F0] =	vst v20  }
0x17d: {  	[tilespmem:s2], [sflag:$0x3] =	stream.indirect_vreg.gather [hbm4b:s4+s19], $0x80, v21, vm0, $0xb8;
	[tilespmem:$0x1B500] =	vst v63  }
0x17e: {  	_ = 	snop  }
0x17f: {  	[tilespmem:s6], [sflag:$0x3] =	stream.indirect_vreg.gather [hbm4b:s4+s19], $0x80, v19, vm0, $0xb8;
	[tilespmem:$0x1B500] =	vst v63  }
0x180: {  	_ =	swait.ge [sflag:s15], $0x1000  }
0x181: {  	[sflag:s15] =	ssyncset.done $0x0  }
0x182: {  	[sflag:s15] =	ssyncadd.s32 $0xFFFFF000  }
0x183: {  	_ =	swait.ge [sflag:s15], $0x1000  }
0x184: {  	[sflag:s15] =	ssyncset.done $0x0  }
0x185: {  	[sflag:s15] =	ssyncadd.s32 $0xFFFFF000  }
0x186: {  	_ =	swait.ge [sflag:s15], $0x1000  }
0x187: {  	[sflag:s15] =	ssyncset.done $0x0  }
0x188: {  	[sflag:s15] =	ssyncadd.s32 $0xFFFFF000  }
0x189: {  	_ =	swait.ge [sflag:s15], $0x1000  }
0x18a: {  	[sflag:s15] =	ssyncset.done $0x0  }
0x18b: {  	[sflag:s15] =	ssyncadd.s32 $0xFFFFF000  }
0x18c: {  	_ =	swait.ge [sflag:s15], $0x1000  }
0x18d: {  	[sflag:s15] =	ssyncset.done $0x0  }
0x18e: {  	[sflag:s15] =	ssyncadd.s32 $0xFFFFF000  }
0x18f: {  	_ =	swait.ge [sflag:s15], $0x1000  }
0x190: {  	[sflag:s15] =	ssyncset.done $0x0  }
0x191: {  	[sflag:s15] =	ssyncadd.s32 $0xFFFFF000  }
0x192: {  	_ =	swait.ge [sflag:s15], $0x1000  }
0x193: {  	[sflag:s15] =	ssyncset.done $0x0  }
0x194: {  	[sflag:s15] =	ssyncadd.s32 $0xFFFFF000  }
0x195: {  	_ =	swait.ge [sflag:s15], $0x1000  }
0x196: {  	[sflag:s15] =	ssyncset.done $0x0  }
0x197: {  	s21 =	simm.s32 $0x0;
	[sflag:s15] =	ssyncadd.s32 $0xFFFFF000  }
0x198: {  	v19 =	vld [tilespmem:s21+$0x400]  }
0x199: {  	v20 =	vld [tilespmem:s21+$0x410]  }
0x19a: {  	v21 =	vld [tilespmem:s21+$0x420]  }
0x19b: {  	v22 =	vld [tilespmem:s21+$0x430]  }
0x19c: {  	v23 =	vld [tilespmem:s21+$0x440]  }
0x19d: {  	v24 =	vld [tilespmem:s21+$0x450]  }
0x19e: {  	v25 =	vld [tilespmem:s21+$0x460]  }
0x19f: {  	v26 =	vld [tilespmem:s21+$0x470]  }
0x1a0: {  	v27 =	vld [tilespmem:s21+$0x800]  }
0x1a1: {  	v28 =	vld [tilespmem:s21+$0x810]  }
0x1a2: {  	v29 =	vld [tilespmem:s21+$0x870]  }
0x1a3: {  	v30 =	vld [tilespmem:s21+$0x820]  }
0x1a4: {  	v31 =	vld [tilespmem:s21+$0x830]  }
0x1a5: {  	v32 =	vld [tilespmem:s21+$0x840]  }
0x1a6: {  	s19 =	simm.s32 $0x18480;
	v33 =	vld [tilespmem:s21+$0x850]  }
0x1a7: {  	v34 =	vld [tilespmem:s21+$0x860];
	[tilespmem:s19+$0x70] =	vst v29  }
0x1a8: {  	[tilespmem:s19+$0xFFFFFF80] =	vst v19  }
0x1a9: {  	[tilespmem:s19+$0xFFFFFF90] =	vst v20  }
0x1aa: {  	[tilespmem:s19+$0xFFFFFFA0] =	vst v21  }
0x1ab: {  	[tilespmem:s19+$0xFFFFFFB0] =	vst v22  }
0x1ac: {  	[tilespmem:s19+$0xFFFFFFC0] =	vst v23  }
0x1ad: {  	[tilespmem:s19+$0xFFFFFFD0] =	vst v24  }
0x1ae: {  	[tilespmem:s19+$0xFFFFFFE0] =	vst v25  }
0x1af: {  	[tilespmem:s19+$0xFFFFFFF0] =	vst v26  }
0x1b0: {  	[tilespmem:s19+$0x0] =	vst v27  }
0x1b1: {  	[tilespmem:s19+$0x10] =	vst v28  }
0x1b2: {  	[tilespmem:s19+$0x20] =	vst v30  }
0x1b3: {  	[tilespmem:s19+$0x30] =	vst v31  }
0x1b4: {  	[tilespmem:s19+$0x40] =	vst v32  }
0x1b5: {  	[tilespmem:s19+$0x50] =	vst v33  }
0x1b6: {  	s21 =	simm.s32 $0x1000;
	[tilespmem:s19+$0x60] =	vst v34  }
0x1b7: {  	v19 =	vld [tilespmem:s21+$0x400]  }
0x1b8: {  	v20 =	vld [tilespmem:s21+$0x410]  }
0x1b9: {  	v21 =	vld [tilespmem:s21+$0x420]  }
0x1ba: {  	v22 =	vld [tilespmem:s21+$0x430]  }
0x1bb: {  	v23 =	vld [tilespmem:s21+$0x440]  }
0x1bc: {  	v24 =	vld [tilespmem:s21+$0x450]  }
0x1bd: {  	v25 =	vld [tilespmem:s21+$0x460]  }
0x1be: {  	v26 =	vld [tilespmem:s21+$0x470]  }
0x1bf: {  	v27 =	vld [tilespmem:s21+$0x800]  }
0x1c0: {  	s20 =	simm.s32 $0x8000;
	v28 =	vld [tilespmem:s21+$0x810]  }
.LBB2_3:
0x1c1: {  	p0 =	sne.s32 s20, $0x1C000;
	v29 =	vld [tilespmem:s21+$0x870]  }
0x1c2: {  	v30 =	vld [tilespmem:s21+$0x820]  }
0x1c3: {  	v31 =	vld [tilespmem:s21+$0x830]  }
0x1c4: {  	v32 =	vld [tilespmem:s21+$0x840]  }
0x1c5: {  	s19 =	sadd.s32 $0x100, s19;
	v33 =	vld [tilespmem:s21+$0x850]  }
0x1c6: {  	v34 =	vld [tilespmem:s21+$0x860];
	[tilespmem:s19+$0x70] =	vst v29  }
0x1c7: {  	[tilespmem:s19+$0xFFFFFF80] =	vst v19  }
0x1c8: {  	[tilespmem:s19+$0xFFFFFF90] =	vst v20  }
0x1c9: {  	[tilespmem:s19+$0xFFFFFFA0] =	vst v21  }
0x1ca: {  	[tilespmem:s19+$0xFFFFFFB0] =	vst v22  }
0x1cb: {  	[tilespmem:s19+$0xFFFFFFC0] =	vst v23  }
0x1cc: {  	[tilespmem:s19+$0xFFFFFFD0] =	vst v24  }
0x1cd: {  	[tilespmem:s19+$0xFFFFFFE0] =	vst v25  }
0x1ce: {  	[tilespmem:s19+$0xFFFFFFF0] =	vst v26  }
0x1cf: {  	[tilespmem:s19+$0x0] =	vst v27  }
0x1d0: {  	[tilespmem:s19+$0x10] =	vst v28  }
0x1d1: {  	[tilespmem:s19+$0x20] =	vst v30  }
0x1d2: {  	[tilespmem:s19+$0x30] =	vst v31  }
0x1d3: {  	[tilespmem:s19+$0x40] =	vst v32  }
0x1d4: {  	[tilespmem:s19+$0x50] =	vst v33  }
0x1d5: {  	s21 =	sshra.s32 s20, $0x2;
	[tilespmem:s19+$0x60] =	vst v34  }
0x1d6: {  	v19 =	vld [tilespmem:s21+$0x400]  }
0x1d7: {  	v20 =	vld [tilespmem:s21+$0x410]  }
0x1d8: {  	v21 =	vld [tilespmem:s21+$0x420]  }
0x1d9: {  	v22 =	vld [tilespmem:s21+$0x430]  }
0x1da: {  	v23 =	vld [tilespmem:s21+$0x440]  }
.Ltmp0:
0x1db: {  	v24 =	vld [tilespmem:s21+$0x450];
	(pc) =	sbr.rel @p0 .LBB2_3-.Ltmp0, $4  }
0x1dc: {  	v25 =	vld [tilespmem:s21+$0x460]  }
0x1dd: {  	v26 =	vld [tilespmem:s21+$0x470]  }
0x1de: {  	v27 =	vld [tilespmem:s21+$0x800]  }
0x1df: {  	s20 =	sadd.s32 $0x4000, s20;
	v28 =	vld [tilespmem:s21+$0x810]  }
0x1e0: {  	v29 =	vld [tilespmem:s21+$0x870]  }
0x1e1: {  	v30 =	vld [tilespmem:s21+$0x820]  }
0x1e2: {  	v31 =	vld [tilespmem:s21+$0x830]  }
0x1e3: {  	v32 =	vld [tilespmem:s21+$0x840]  }
0x1e4: {  	v33 =	vld [tilespmem:s21+$0x850];
	s19 =	sadd.s32 $0x100, s19  }
0x1e5: {  	v34 =	vld [tilespmem:s21+$0x860];
	[tilespmem:s19+$0xFFFFFF80] =	vst v19  }
0x1e6: {  	[tilespmem:s19+$0xFFFFFF90] =	vst v20  }
0x1e7: {  	[tilespmem:s19+$0xFFFFFFA0] =	vst v21  }
0x1e8: {  	[tilespmem:s19+$0xFFFFFFB0] =	vst v22  }
0x1e9: {  	[tilespmem:s19+$0xFFFFFFC0] =	vst v23  }
0x1ea: {  	[tilespmem:s19+$0xFFFFFFD0] =	vst v24  }
0x1eb: {  	[tilespmem:s19+$0xFFFFFFE0] =	vst v25  }
0x1ec: {  	[tilespmem:s19+$0xFFFFFFF0] =	vst v26  }
0x1ed: {  	[tilespmem:s19+$0x0] =	vst v27  }
0x1ee: {  	[tilespmem:s19+$0x10] =	vst v28  }
0x1ef: {  	[tilespmem:s19+$0x70] =	vst v29  }
0x1f0: {  	[tilespmem:s19+$0x20] =	vst v30  }
0x1f1: {  	[tilespmem:s19+$0x30] =	vst v31  }
0x1f2: {  	[tilespmem:s19+$0x40] =	vst v32  }
0x1f3: {  	[tilespmem:s19+$0x50] =	vst v33  }
0x1f4: {  	[tilespmem:s19+$0x60] =	vst v34  }
0x1f5: {  	v19 =	vld.idx.msk [tilespmem:v14+s9+$0x0], $0xffff  }
0x1f6: {  	v20 =	vld.idx.msk [tilespmem:v8+s10+$0x0], $0xffff;
	_ =	sdelay $0x4  }
0x1f7: {  	v21 =	vld.idx.msk [tilespmem:v8+s12+$0x0], $0xffff;
	v19 =	vadd.s32 v19, v20  }
0x1f8: {  	v20 =	vld.idx.msk [tilespmem:v14+s11+$0x0], $0xffff;
	v22 =	vshll.u32 v19, $0x1  }
0x1f9: {  	v19 =	vand.u32 $0x7, v19;
	v22 =	vand.u32 $0xFFFFFFF0, v22  }
0x1fa: {  	v19 =	vor.u32 v19, v22  }
0x1fb: {  	v22 =	vperm.xlane v19, v3;
	_ =	sdelay $0x1  }
0x1fc: {  	v19 =	vperm.xlane v19, v5;
	v20 =	vmul.f32 v21, v20;
	v21 =	vadd.s32 v4, v22;
	_ =	sdelay $0x1  }
0x1fd: {  	v19 =	vadd.s32 v4, v19;
	v20 =	vmul.f32 $2.500000000e-01, v20;
	_ =	sdelay $0x1  }
0x1fe: {  	s19 =	simm.s32 $0x0;
	[tilespmem:$0x280] =	vst v20  }
0x1ff: {  	[tilespmem:s13], [sflag:$0x1] =	stream.indirect_vreg.gather [hbm4b:s4+s19], $0x80, v21, vm0, $0xb8;
	[tilespmem:$0x1B500] =	vst v63  }
0x200: {  	_ = 	snop  }
0x201: {  	[tilespmem:s14], [sflag:$0x1] =	stream.indirect_vreg.gather [hbm4b:s4+s19], $0x80, v19, vm0, $0xb8;
	[tilespmem:$0x1B500] =	vst v63  }
0x202: {  	v19 =	vld.idx.msk [tilespmem:v14+s9+$0x0], $0xffff  }
0x203: {  	v20 =	vld.idx.msk [tilespmem:v9+s10+$0x0], $0xffff;
	_ =	sdelay $0x4  }
0x204: {  	v21 =	vld.idx.msk [tilespmem:v9+s12+$0x0], $0xffff;
	v19 =	vadd.s32 v19, v20  }
0x205: {  	v20 =	vld.idx.msk [tilespmem:v14+s11+$0x0], $0xffff;
	v22 =	vshll.u32 v19, $0x1  }
0x206: {  	v19 =	vand.u32 $0x7, v19;
	v22 =	vand.u32 $0xFFFFFFF0, v22  }
0x207: {  	v19 =	vor.u32 v19, v22  }
0x208: {  	v22 =	vperm.xlane v19, v3;
	_ =	sdelay $0x1  }
0x209: {  	v19 =	vperm.xlane v19, v5;
	v20 =	vmul.f32 v21, v20;
	v21 =	vadd.s32 v4, v22;
	_ =	sdelay $0x1  }
0x20a: {  	v19 =	vadd.s32 v4, v19;
	v20 =	vmul.f32 $2.500000000e-01, v20;
	_ =	sdelay $0x1  }
0x20b: {  	[tilespmem:$0x290] =	vst v20  }
0x20c: {  	[tilespmem:s22], [sflag:$0x1] =	stream.indirect_vreg.gather [hbm4b:s4+s19], $0x80, v21, vm0, $0xb8;
	[tilespmem:$0x1B500] =	vst v63  }
0x20d: {  	s20 =	simm.s32 $0x1C00  }
0x20e: {  	[tilespmem:s20], [sflag:$0x1] =	stream.indirect_vreg.gather [hbm4b:s4+s19], $0x80, v19, vm0, $0xb8;
	[tilespmem:$0x1B500] =	vst v63  }
0x20f: {  	v19 =	vld.idx.msk [tilespmem:v14+s9+$0x0], $0xffff  }
0x210: {  	v20 =	vld.idx.msk [tilespmem:v10+s10+$0x0], $0xffff;
	_ =	sdelay $0x4  }
0x211: {  	v21 =	vld.idx.msk [tilespmem:v10+s12+$0x0], $0xffff;
	v19 =	vadd.s32 v19, v20  }
0x212: {  	v20 =	vld.idx.msk [tilespmem:v14+s11+$0x0], $0xffff;
	v22 =	vshll.u32 v19, $0x1  }
0x213: {  	v19 =	vand.u32 $0x7, v19;
	v22 =	vand.u32 $0xFFFFFFF0, v22  }
0x214: {  	v19 =	vor.u32 v19, v22  }
0x215: {  	v22 =	vperm.xlane v19, v3;
	_ =	sdelay $0x1  }
0x216: {  	v19 =	vperm.xlane v19, v5;
	v20 =	vmul.f32 v21, v20;
	v21 =	vadd.s32 v4, v22;
	_ =	sdelay $0x1  }
0x217: {  	v19 =	vadd.s32 v4, v19;
	v20 =	vmul.f32 $2.500000000e-01, v20;
	_ =	sdelay $0x1  }
0x218: {  	s21 =	simm.s32 $0x2400;
	[tilespmem:$0x2A0] =	vst v20  }
0x219: {  	[tilespmem:s21], [sflag:$0x1] =	stream.indirect_vreg.gather [hbm4b:s4+s19], $0x80, v21, vm0, $0xb8;
	[tilespmem:$0x1B500] =	vst v63  }
0x21a: {  	s22 =	simm.s32 $0x2C00  }
0x21b: {  	[tilespmem:s22], [sflag:$0x1] =	stream.indirect_vreg.gather [hbm4b:s4+s19], $0x80, v19, vm0, $0xb8;
	[tilespmem:$0x1B500] =	vst v63  }
0x21c: {  	v19 =	vld.idx.msk [tilespmem:v14+s9+$0x0], $0xffff  }
0x21d: {  	v20 =	vld.idx.msk [tilespmem:v11+s10+$0x0], $0xffff;
	_ =	sdelay $0x4  }
0x21e: {  	v21 =	vld.idx.msk [tilespmem:v11+s12+$0x0], $0xffff;
	v19 =	vadd.s32 v19, v20  }
0x21f: {  	v20 =	vld.idx.msk [tilespmem:v14+s11+$0x0], $0xffff;
	v22 =	vshll.u32 v19, $0x1  }
0x220: {  	v19 =	vand.u32 $0x7, v19;
	v22 =	vand.u32 $0xFFFFFFF0, v22  }
0x221: {  	v19 =	vor.u32 v19, v22  }
0x222: {  	v22 =	vperm.xlane v19, v3;
	_ =	sdelay $0x1  }
0x223: {  	v19 =	vperm.xlane v19, v5;
	v20 =	vmul.f32 v21, v20;
	v21 =	vadd.s32 v4, v22;
	_ =	sdelay $0x1  }
0x224: {  	v19 =	vadd.s32 v4, v19;
	v20 =	vmul.f32 $2.500000000e-01, v20;
	_ =	sdelay $0x1  }
0x225: {  	s21 =	simm.s32 $0x3400;
	[tilespmem:$0x2B0] =	vst v20  }
0x226: {  	[tilespmem:s21], [sflag:$0x1] =	stream.indirect_vreg.gather [hbm4b:s4+s19], $0x80, v21, vm0, $0xb8;
	[tilespmem:$0x1B500] =	vst v63  }
0x227: {  	s22 =	simm.s32 $0x3C00  }
0x228: {  	[tilespmem:s22], [sflag:$0x1] =	stream.indirect_vreg.gather [hbm4b:s4+s19], $0x80, v19, vm0, $0xb8;
	[tilespmem:$0x1B500] =	vst v63  }
0x229: {  	v19 =	vld.idx.msk [tilespmem:v16+s9+$0x0], $0xffff  }
0x22a: {  	v20 =	vld.idx.msk [tilespmem:v2+s10+$0x0], $0xffff;
	_ =	sdelay $0x4  }
0x22b: {  	v21 =	vld.idx.msk [tilespmem:v2+s12+$0x0], $0xffff;
	v19 =	vadd.s32 v19, v20  }
0x22c: {  	v20 =	vld.idx.msk [tilespmem:v16+s11+$0x0], $0xffff;
	v22 =	vshll.u32 v19, $0x1  }
0x22d: {  	v19 =	vand.u32 $0x7, v19;
	v22 =	vand.u32 $0xFFFFFFF0, v22  }
0x22e: {  	v19 =	vor.u32 v19, v22  }
0x22f: {  	v22 =	vperm.xlane v19, v3;
	_ =	sdelay $0x1  }
0x230: {  	v19 =	vperm.xlane v19, v5;
	v20 =	vmul.f32 v21, v20;
	v21 =	vadd.s32 v4, v22;
	_ =	sdelay $0x1  }
0x231: {  	v19 =	vadd.s32 v4, v19;
	v20 =	vmul.f32 $2.500000000e-01, v20;
	_ =	sdelay $0x1  }
0x232: {  	s21 =	simm.s32 $0x4400;
	[tilespmem:$0x2C0] =	vst v20  }
0x233: {  	[tilespmem:s21], [sflag:$0x1] =	stream.indirect_vreg.gather [hbm4b:s4+s19], $0x80, v21, vm0, $0xb8;
	[tilespmem:$0x1B500] =	vst v63  }
0x234: {  	s22 =	simm.s32 $0x4C00  }
0x235: {  	[tilespmem:s22], [sflag:$0x1] =	stream.indirect_vreg.gather [hbm4b:s4+s19], $0x80, v19, vm0, $0xb8;
	[tilespmem:$0x1B500] =	vst v63  }
0x236: {  	v19 =	vld.idx.msk [tilespmem:v16+s9+$0x0], $0xffff  }
0x237: {  	v20 =	vld.idx.msk [tilespmem:v6+s10+$0x0], $0xffff;
	_ =	sdelay $0x4  }
0x238: {  	v21 =	vld.idx.msk [tilespmem:v6+s12+$0x0], $0xffff;
	v19 =	vadd.s32 v19, v20  }
0x239: {  	v20 =	vld.idx.msk [tilespmem:v16+s11+$0x0], $0xffff;
	v22 =	vshll.u32 v19, $0x1  }
0x23a: {  	v19 =	vand.u32 $0x7, v19;
	v22 =	vand.u32 $0xFFFFFFF0, v22  }
0x23b: {  	v19 =	vor.u32 v19, v22  }
0x23c: {  	v22 =	vperm.xlane v19, v3;
	_ =	sdelay $0x1  }
0x23d: {  	v19 =	vperm.xlane v19, v5;
	v20 =	vmul.f32 v21, v20;
	v21 =	vadd.s32 v4, v22;
	_ =	sdelay $0x1  }
0x23e: {  	v19 =	vadd.s32 v4, v19;
	v20 =	vmul.f32 $2.500000000e-01, v20;
	_ =	sdelay $0x1  }
0x23f: {  	s21 =	simm.s32 $0x5400;
	[tilespmem:$0x2D0] =	vst v20  }
0x240: {  	[tilespmem:s21], [sflag:$0x1] =	stream.indirect_vreg.gather [hbm4b:s4+s19], $0x80, v21, vm0, $0xb8;
	[tilespmem:$0x1B500] =	vst v63  }
0x241: {  	s22 =	simm.s32 $0x5C00  }
0x242: {  	[tilespmem:s22], [sflag:$0x1] =	stream.indirect_vreg.gather [hbm4b:s4+s19], $0x80, v19, vm0, $0xb8;
	[tilespmem:$0x1B500] =	vst v63  }
0x243: {  	v19 =	vld.idx.msk [tilespmem:v16+s9+$0x0], $0xffff  }
0x244: {  	v20 =	vld.idx.msk [tilespmem:v7+s10+$0x0], $0xffff;
	_ =	sdelay $0x4  }
0x245: {  	v21 =	vld.idx.msk [tilespmem:v7+s12+$0x0], $0xffff;
	v19 =	vadd.s32 v19, v20  }
0x246: {  	v20 =	vld.idx.msk [tilespmem:v16+s11+$0x0], $0xffff;
	v22 =	vshll.u32 v19, $0x1  }
0x247: {  	v19 =	vand.u32 $0x7, v19;
	v22 =	vand.u32 $0xFFFFFFF0, v22  }
0x248: {  	v19 =	vor.u32 v19, v22  }
0x249: {  	v22 =	vperm.xlane v19, v3;
	_ =	sdelay $0x1  }
0x24a: {  	v19 =	vperm.xlane v19, v5;
	v20 =	vmul.f32 v21, v20;
	v21 =	vadd.s32 v4, v22;
	_ =	sdelay $0x1  }
0x24b: {  	v19 =	vadd.s32 v4, v19;
	v20 =	vmul.f32 $2.500000000e-01, v20;
	_ =	sdelay $0x1  }
0x24c: {  	s21 =	simm.s32 $0x6400;
	[tilespmem:$0x2E0] =	vst v20  }
0x24d: {  	[tilespmem:s21], [sflag:$0x1] =	stream.indirect_vreg.gather [hbm4b:s4+s19], $0x80, v21, vm0, $0xb8;
	[tilespmem:$0x1B500] =	vst v63  }
0x24e: {  	s22 =	simm.s32 $0x6C00  }
0x24f: {  	[tilespmem:s22], [sflag:$0x1] =	stream.indirect_vreg.gather [hbm4b:s4+s19], $0x80, v19, vm0, $0xb8;
	[tilespmem:$0x1B500] =	vst v63  }
0x250: {  	v19 =	vld.idx.msk [tilespmem:v16+s9+$0x0], $0xffff  }
0x251: {  	v20 =	vld.idx.msk [tilespmem:v8+s10+$0x0], $0xffff;
	_ =	sdelay $0x4  }
0x252: {  	v21 =	vld.idx.msk [tilespmem:v8+s12+$0x0], $0xffff;
	v19 =	vadd.s32 v19, v20  }
0x253: {  	v20 =	vld.idx.msk [tilespmem:v16+s11+$0x0], $0xffff;
	v22 =	vshll.u32 v19, $0x1  }
0x254: {  	v19 =	vand.u32 $0x7, v19;
	v22 =	vand.u32 $0xFFFFFFF0, v22  }
0x255: {  	v19 =	vor.u32 v19, v22  }
0x256: {  	v22 =	vperm.xlane v19, v3;
	_ =	sdelay $0x1  }
0x257: {  	v19 =	vperm.xlane v19, v5;
	v20 =	vmul.f32 v21, v20;
	v21 =	vadd.s32 v4, v22;
	_ =	sdelay $0x1  }
0x258: {  	v19 =	vadd.s32 v4, v19;
	v20 =	vmul.f32 $2.500000000e-01, v20;
	_ =	sdelay $0x1  }
0x259: {  	s21 =	simm.s32 $0x7400;
	[tilespmem:$0x2F0] =	vst v20  }
0x25a: {  	[tilespmem:s21], [sflag:$0x1] =	stream.indirect_vreg.gather [hbm4b:s4+s19], $0x80, v21, vm0, $0xb8;
	[tilespmem:$0x1B500] =	vst v63  }
0x25b: {  	s22 =	simm.s32 $0x7C00  }
0x25c: {  	[tilespmem:s22], [sflag:$0x1] =	stream.indirect_vreg.gather [hbm4b:s4+s19], $0x80, v19, vm0, $0xb8;
	[tilespmem:$0x1B500] =	vst v63  }
0x25d: {  	_ =	swait.ge [sflag:s16], $0x1000  }
0x25e: {  	[sflag:s16] =	ssyncset.done $0x0  }
0x25f: {  	[sflag:s16] =	ssyncadd.s32 $0xFFFFF000  }
0x260: {  	_ =	swait.ge [sflag:s16], $0x1000  }
0x261: {  	[sflag:s16] =	ssyncset.done $0x0  }
0x262: {  	[sflag:s16] =	ssyncadd.s32 $0xFFFFF000  }
0x263: {  	_ =	swait.ge [sflag:s16], $0x1000  }
0x264: {  	[sflag:s16] =	ssyncset.done $0x0  }
0x265: {  	[sflag:s16] =	ssyncadd.s32 $0xFFFFF000  }
0x266: {  	_ =	swait.ge [sflag:s16], $0x1000  }
0x267: {  	[sflag:s16] =	ssyncset.done $0x0  }
0x268: {  	[sflag:s16] =	ssyncadd.s32 $0xFFFFF000  }
0x269: {  	_ =	swait.ge [sflag:s16], $0x1000  }
0x26a: {  	[sflag:s16] =	ssyncset.done $0x0  }
0x26b: {  	[sflag:s16] =	ssyncadd.s32 $0xFFFFF000  }
0x26c: {  	_ =	swait.ge [sflag:s16], $0x1000  }
0x26d: {  	[sflag:s16] =	ssyncset.done $0x0  }
0x26e: {  	[sflag:s16] =	ssyncadd.s32 $0xFFFFF000  }
0x26f: {  	_ =	swait.ge [sflag:s16], $0x1000  }
0x270: {  	[sflag:s16] =	ssyncset.done $0x0  }
0x271: {  	[sflag:s16] =	ssyncadd.s32 $0xFFFFF000  }
0x272: {  	_ =	swait.ge [sflag:s16], $0x1000  }
0x273: {  	[sflag:s16] =	ssyncset.done $0x0  }
0x274: {  	s20 =	simm.s32 $0x8800;
	[sflag:s16] =	ssyncadd.s32 $0xFFFFF000  }
0x275: {  	v19 =	vld [tilespmem:s20+$0xFFFFFC00]  }
0x276: {  	v20 =	vld [tilespmem:s20+$0xFFFFFC10]  }
0x277: {  	v21 =	vld [tilespmem:s20+$0xFFFFFC20]  }
0x278: {  	v22 =	vld [tilespmem:s20+$0xFFFFFC30]  }
0x279: {  	v23 =	vld [tilespmem:s20+$0xFFFFFC40]  }
0x27a: {  	v24 =	vld [tilespmem:s20+$0xFFFFFC50]  }
0x27b: {  	v25 =	vld [tilespmem:s20+$0xFFFFFC60]  }
0x27c: {  	v26 =	vld [tilespmem:s20+$0xFFFFFC70]  }
0x27d: {  	v27 =	vld [tilespmem:s20+$0x0]  }
0x27e: {  	v28 =	vld [tilespmem:s20+$0x10]  }
0x27f: {  	s21 =	simm.s32 $0x400;
	v29 =	vld [tilespmem:s20+$0x70]  }
.LBB2_5:
0x280: {  	p0 =	sne.s32 s21, $0x1C00;
	v30 =	vld [tilespmem:s20+$0x20]  }
0x281: {  	v31 =	vld [tilespmem:s20+$0x30]  }
0x282: {  	v32 =	vld [tilespmem:s20+$0x40]  }
0x283: {  	s22 =	sshra.s32 s19, $0x2;
	s19 =	smov.u32 s21;
	v33 =	vld [tilespmem:s20+$0x50]  }
0x284: {  	v34 =	vld [tilespmem:s20+$0x60];
	[tilespmem:s22+$0x18CF0] =	vst v29  }
0x285: {  	[tilespmem:s22+$0x18C00] =	vst v19  }
0x286: {  	[tilespmem:s22+$0x18C10] =	vst v20  }
0x287: {  	[tilespmem:s22+$0x18C20] =	vst v21  }
0x288: {  	[tilespmem:s22+$0x18C30] =	vst v22  }
0x289: {  	[tilespmem:s22+$0x18C40] =	vst v23  }
0x28a: {  	[tilespmem:s22+$0x18C50] =	vst v24  }
0x28b: {  	[tilespmem:s22+$0x18C60] =	vst v25  }
0x28c: {  	[tilespmem:s22+$0x18C70] =	vst v26  }
0x28d: {  	[tilespmem:s22+$0x18C80] =	vst v27  }
0x28e: {  	[tilespmem:s22+$0x18C90] =	vst v28  }
0x28f: {  	[tilespmem:s22+$0x18CA0] =	vst v30  }
0x290: {  	[tilespmem:s22+$0x18CB0] =	vst v31  }
0x291: {  	[tilespmem:s22+$0x18CC0] =	vst v32  }
0x292: {  	[tilespmem:s22+$0x18CD0] =	vst v33  }
0x293: {  	s20 =	sadd.s32 $0x1000, s20;
	[tilespmem:s22+$0x18CE0] =	vst v34  }
0x294: {  	v19 =	vld [tilespmem:s20+$0xFFFFFC00]  }
0x295: {  	v20 =	vld [tilespmem:s20+$0xFFFFFC10]  }
0x296: {  	v21 =	vld [tilespmem:s20+$0xFFFFFC20]  }
0x297: {  	v22 =	vld [tilespmem:s20+$0xFFFFFC30]  }
0x298: {  	v23 =	vld [tilespmem:s20+$0xFFFFFC40]  }
0x299: {  	v24 =	vld [tilespmem:s20+$0xFFFFFC50]  }
.Ltmp1:
0x29a: {  	v25 =	vld [tilespmem:s20+$0xFFFFFC60];
	(pc) =	sbr.rel @p0 .LBB2_5-.Ltmp1, $4  }
0x29b: {  	v26 =	vld [tilespmem:s20+$0xFFFFFC70]  }
0x29c: {  	v27 =	vld [tilespmem:s20+$0x0]  }
0x29d: {  	v28 =	vld [tilespmem:s20+$0x10]  }
0x29e: {  	s21 =	sadd.s32 $0x400, s21;
	v29 =	vld [tilespmem:s20+$0x70]  }
0x29f: {  	v30 =	vld [tilespmem:s20+$0x20]  }
0x2a0: {  	v31 =	vld [tilespmem:s20+$0x30]  }
0x2a1: {  	v32 =	vld [tilespmem:s20+$0x40]  }
0x2a2: {  	v33 =	vld [tilespmem:s20+$0x50];
	s19 =	sshra.s32 s19, $0x2  }
0x2a3: {  	v34 =	vld [tilespmem:s20+$0x60];
	[tilespmem:s19+$0x18C00] =	vst v19  }
0x2a4: {  	[tilespmem:s19+$0x18C10] =	vst v20  }
0x2a5: {  	[tilespmem:s19+$0x18C20] =	vst v21  }
0x2a6: {  	[tilespmem:s19+$0x18C30] =	vst v22  }
0x2a7: {  	[tilespmem:s19+$0x18C40] =	vst v23  }
0x2a8: {  	[tilespmem:s19+$0x18C50] =	vst v24  }
0x2a9: {  	[tilespmem:s19+$0x18C60] =	vst v25  }
0x2aa: {  	[tilespmem:s19+$0x18C70] =	vst v26  }
0x2ab: {  	[tilespmem:s19+$0x18C80] =	vst v27  }
0x2ac: {  	[tilespmem:s19+$0x18C90] =	vst v28  }
0x2ad: {  	[tilespmem:s19+$0x18CF0] =	vst v29  }
0x2ae: {  	[tilespmem:s19+$0x18CA0] =	vst v30  }
0x2af: {  	[tilespmem:s19+$0x18CB0] =	vst v31  }
0x2b0: {  	[tilespmem:s19+$0x18CC0] =	vst v32  }
0x2b1: {  	[tilespmem:s19+$0x18CD0] =	vst v33  }
0x2b2: {  	[tilespmem:s19+$0x18CE0] =	vst v34  }
0x2b3: {  	v19 =	vld.idx.msk [tilespmem:v16+s9+$0x0], $0xffff  }
0x2b4: {  	v20 =	vld.idx.msk [tilespmem:v9+s10+$0x0], $0xffff;
	_ =	sdelay $0x4  }
0x2b5: {  	v21 =	vld.idx.msk [tilespmem:v9+s12+$0x0], $0xffff;
	v19 =	vadd.s32 v19, v20  }
0x2b6: {  	v20 =	vld.idx.msk [tilespmem:v16+s11+$0x0], $0xffff;
	v22 =	vshll.u32 v19, $0x1  }
0x2b7: {  	v19 =	vand.u32 $0x7, v19;
	v22 =	vand.u32 $0xFFFFFFF0, v22  }
0x2b8: {  	v19 =	vor.u32 v19, v22  }
0x2b9: {  	v22 =	vperm.xlane v19, v3;
	_ =	sdelay $0x1  }
0x2ba: {  	v19 =	vperm.xlane v19, v5;
	v20 =	vmul.f32 v21, v20;
	v21 =	vadd.s32 v4, v22;
	_ =	sdelay $0x1  }
0x2bb: {  	v19 =	vadd.s32 v4, v19;
	v20 =	vmul.f32 $2.500000000e-01, v20;
	_ =	sdelay $0x1  }
0x2bc: {  	s21 =	simm.s32 $0x8400;
	s19 =	simm.s32 $0x0;
	[tilespmem:$0x300] =	vst v20  }
0x2bd: {  	[tilespmem:s21], [sflag:$0x2] =	stream.indirect_vreg.gather [hbm4b:s4+s19], $0x80, v21, vm0, $0xb8;
	[tilespmem:$0x1B500] =	vst v63  }
0x2be: {  	s22 =	simm.s32 $0x8C00  }
0x2bf: {  	[tilespmem:s22], [sflag:$0x2] =	stream.indirect_vreg.gather [hbm4b:s4+s19], $0x80, v19, vm0, $0xb8;
	[tilespmem:$0x1B500] =	vst v63  }
0x2c0: {  	v19 =	vld.idx.msk [tilespmem:v16+s9+$0x0], $0xffff  }
0x2c1: {  	v20 =	vld.idx.msk [tilespmem:v10+s10+$0x0], $0xffff;
	_ =	sdelay $0x4  }
0x2c2: {  	v21 =	vld.idx.msk [tilespmem:v10+s12+$0x0], $0xffff;
	v19 =	vadd.s32 v19, v20  }
0x2c3: {  	v20 =	vld.idx.msk [tilespmem:v16+s11+$0x0], $0xffff;
	v22 =	vshll.u32 v19, $0x1  }
0x2c4: {  	v19 =	vand.u32 $0x7, v19;
	v22 =	vand.u32 $0xFFFFFFF0, v22  }
0x2c5: {  	v19 =	vor.u32 v19, v22  }
0x2c6: {  	v22 =	vperm.xlane v19, v3;
	_ =	sdelay $0x1  }
0x2c7: {  	v19 =	vperm.xlane v19, v5;
	v20 =	vmul.f32 v21, v20;
	v21 =	vadd.s32 v4, v22;
	_ =	sdelay $0x1  }
0x2c8: {  	v19 =	vadd.s32 v4, v19;
	v20 =	vmul.f32 $2.500000000e-01, v20;
	_ =	sdelay $0x1  }
0x2c9: {  	s21 =	simm.s32 $0x9400;
	[tilespmem:$0x310] =	vst v20  }
0x2ca: {  	[tilespmem:s21], [sflag:$0x2] =	stream.indirect_vreg.gather [hbm4b:s4+s19], $0x80, v21, vm0, $0xb8;
	[tilespmem:$0x1B500] =	vst v63  }
0x2cb: {  	s22 =	simm.s32 $0x9C00  }
0x2cc: {  	[tilespmem:s22], [sflag:$0x2] =	stream.indirect_vreg.gather [hbm4b:s4+s19], $0x80, v19, vm0, $0xb8;
	[tilespmem:$0x1B500] =	vst v63  }
0x2cd: {  	v19 =	vld.idx.msk [tilespmem:v16+s9+$0x0], $0xffff  }
0x2ce: {  	v20 =	vld.idx.msk [tilespmem:v11+s10+$0x0], $0xffff;
	_ =	sdelay $0x4  }
0x2cf: {  	v21 =	vld.idx.msk [tilespmem:v11+s12+$0x0], $0xffff;
	v19 =	vadd.s32 v19, v20  }
0x2d0: {  	v20 =	vld.idx.msk [tilespmem:v16+s11+$0x0], $0xffff;
	v22 =	vshll.u32 v19, $0x1  }
0x2d1: {  	v19 =	vand.u32 $0x7, v19;
	v22 =	vand.u32 $0xFFFFFFF0, v22  }
0x2d2: {  	v19 =	vor.u32 v19, v22  }
0x2d3: {  	v22 =	vperm.xlane v19, v3;
	_ =	sdelay $0x1  }
0x2d4: {  	v19 =	vperm.xlane v19, v5;
	v20 =	vmul.f32 v21, v20;
	v21 =	vadd.s32 v4, v22;
	_ =	sdelay $0x1  }
0x2d5: {  	v19 =	vadd.s32 v4, v19;
	v20 =	vmul.f32 $2.500000000e-01, v20;
	_ =	sdelay $0x1  }
0x2d6: {  	s21 =	simm.s32 $0xA400;
	[tilespmem:$0x320] =	vst v20  }
0x2d7: {  	[tilespmem:s21], [sflag:$0x2] =	stream.indirect_vreg.gather [hbm4b:s4+s19], $0x80, v21, vm0, $0xb8;
	[tilespmem:$0x1B500] =	vst v63  }
0x2d8: {  	s22 =	simm.s32 $0xAC00  }
0x2d9: {  	[tilespmem:s22], [sflag:$0x2] =	stream.indirect_vreg.gather [hbm4b:s4+s19], $0x80, v19, vm0, $0xb8;
	[tilespmem:$0x1B500] =	vst v63  }
0x2da: {  	v19 =	vld.idx.msk [tilespmem:v17+s9+$0x0], $0xffff  }
0x2db: {  	v20 =	vld.idx.msk [tilespmem:v2+s10+$0x0], $0xffff;
	_ =	sdelay $0x4  }
0x2dc: {  	v21 =	vld.idx.msk [tilespmem:v2+s12+$0x0], $0xffff;
	v19 =	vadd.s32 v19, v20  }
0x2dd: {  	v20 =	vld.idx.msk [tilespmem:v17+s11+$0x0], $0xffff;
	v22 =	vshll.u32 v19, $0x1  }
0x2de: {  	v19 =	vand.u32 $0x7, v19;
	v22 =	vand.u32 $0xFFFFFFF0, v22  }
0x2df: {  	v19 =	vor.u32 v19, v22  }
0x2e0: {  	v22 =	vperm.xlane v19, v3;
	_ =	sdelay $0x1  }
0x2e1: {  	v19 =	vperm.xlane v19, v5;
	v20 =	vmul.f32 v21, v20;
	v21 =	vadd.s32 v4, v22;
	_ =	sdelay $0x1  }
0x2e2: {  	v19 =	vadd.s32 v4, v19;
	v20 =	vmul.f32 $2.500000000e-01, v20;
	_ =	sdelay $0x1  }
0x2e3: {  	s21 =	simm.s32 $0xB400;
	[tilespmem:$0x330] =	vst v20  }
0x2e4: {  	[tilespmem:s21], [sflag:$0x2] =	stream.indirect_vreg.gather [hbm4b:s4+s19], $0x80, v21, vm0, $0xb8;
	[tilespmem:$0x1B500] =	vst v63  }
0x2e5: {  	s22 =	simm.s32 $0xBC00  }
0x2e6: {  	[tilespmem:s22], [sflag:$0x2] =	stream.indirect_vreg.gather [hbm4b:s4+s19], $0x80, v19, vm0, $0xb8;
	[tilespmem:$0x1B500] =	vst v63  }
0x2e7: {  	v19 =	vld.idx.msk [tilespmem:v17+s9+$0x0], $0xffff  }
0x2e8: {  	v20 =	vld.idx.msk [tilespmem:v6+s10+$0x0], $0xffff;
	_ =	sdelay $0x4  }
0x2e9: {  	v21 =	vld.idx.msk [tilespmem:v6+s12+$0x0], $0xffff;
	v19 =	vadd.s32 v19, v20  }
0x2ea: {  	v20 =	vld.idx.msk [tilespmem:v17+s11+$0x0], $0xffff;
	v22 =	vshll.u32 v19, $0x1  }
0x2eb: {  	v19 =	vand.u32 $0x7, v19;
	v22 =	vand.u32 $0xFFFFFFF0, v22  }
0x2ec: {  	v19 =	vor.u32 v19, v22  }
0x2ed: {  	v22 =	vperm.xlane v19, v3;
	_ =	sdelay $0x1  }
0x2ee: {  	v19 =	vperm.xlane v19, v5;
	v20 =	vmul.f32 v21, v20;
	v21 =	vadd.s32 v4, v22;
	_ =	sdelay $0x1  }
0x2ef: {  	v19 =	vadd.s32 v4, v19;
	v20 =	vmul.f32 $2.500000000e-01, v20;
	_ =	sdelay $0x1  }
0x2f0: {  	s21 =	simm.s32 $0xC400;
	[tilespmem:$0x340] =	vst v20  }
0x2f1: {  	[tilespmem:s21], [sflag:$0x2] =	stream.indirect_vreg.gather [hbm4b:s4+s19], $0x80, v21, vm0, $0xb8;
	[tilespmem:$0x1B500] =	vst v63  }
0x2f2: {  	s22 =	simm.s32 $0xCC00  }
0x2f3: {  	[tilespmem:s22], [sflag:$0x2] =	stream.indirect_vreg.gather [hbm4b:s4+s19], $0x80, v19, vm0, $0xb8;
	[tilespmem:$0x1B500] =	vst v63  }
0x2f4: {  	v19 =	vld.idx.msk [tilespmem:v17+s9+$0x0], $0xffff  }
0x2f5: {  	v20 =	vld.idx.msk [tilespmem:v7+s10+$0x0], $0xffff;
	_ =	sdelay $0x4  }
0x2f6: {  	v21 =	vld.idx.msk [tilespmem:v7+s12+$0x0], $0xffff;
	v19 =	vadd.s32 v19, v20  }
0x2f7: {  	v20 =	vld.idx.msk [tilespmem:v17+s11+$0x0], $0xffff;
	v22 =	vshll.u32 v19, $0x1  }
0x2f8: {  	v19 =	vand.u32 $0x7, v19;
	v22 =	vand.u32 $0xFFFFFFF0, v22  }
0x2f9: {  	v19 =	vor.u32 v19, v22  }
0x2fa: {  	v22 =	vperm.xlane v19, v3;
	_ =	sdelay $0x1  }
0x2fb: {  	v19 =	vperm.xlane v19, v5;
	v20 =	vmul.f32 v21, v20;
	v21 =	vadd.s32 v4, v22;
	_ =	sdelay $0x1  }
0x2fc: {  	v19 =	vadd.s32 v4, v19;
	v20 =	vmul.f32 $2.500000000e-01, v20;
	_ =	sdelay $0x1  }
0x2fd: {  	s21 =	simm.s32 $0xD400;
	[tilespmem:$0x350] =	vst v20  }
0x2fe: {  	[tilespmem:s21], [sflag:$0x2] =	stream.indirect_vreg.gather [hbm4b:s4+s19], $0x80, v21, vm0, $0xb8;
	[tilespmem:$0x1B500] =	vst v63  }
0x2ff: {  	s22 =	simm.s32 $0xDC00  }
0x300: {  	[tilespmem:s22], [sflag:$0x2] =	stream.indirect_vreg.gather [hbm4b:s4+s19], $0x80, v19, vm0, $0xb8;
	[tilespmem:$0x1B500] =	vst v63  }
0x301: {  	v19 =	vld.idx.msk [tilespmem:v17+s9+$0x0], $0xffff  }
0x302: {  	v20 =	vld.idx.msk [tilespmem:v8+s10+$0x0], $0xffff;
	_ =	sdelay $0x4  }
0x303: {  	v21 =	vld.idx.msk [tilespmem:v8+s12+$0x0], $0xffff;
	v19 =	vadd.s32 v19, v20  }
0x304: {  	v20 =	vld.idx.msk [tilespmem:v17+s11+$0x0], $0xffff;
	v22 =	vshll.u32 v19, $0x1  }
0x305: {  	v19 =	vand.u32 $0x7, v19;
	v22 =	vand.u32 $0xFFFFFFF0, v22  }
0x306: {  	v19 =	vor.u32 v19, v22  }
0x307: {  	v22 =	vperm.xlane v19, v3;
	_ =	sdelay $0x1  }
0x308: {  	v19 =	vperm.xlane v19, v5;
	v20 =	vmul.f32 v21, v20;
	v21 =	vadd.s32 v4, v22;
	_ =	sdelay $0x1  }
0x309: {  	v19 =	vadd.s32 v4, v19;
	v20 =	vmul.f32 $2.500000000e-01, v20;
	_ =	sdelay $0x1  }
0x30a: {  	s21 =	simm.s32 $0xE400;
	[tilespmem:$0x360] =	vst v20  }
0x30b: {  	[tilespmem:s21], [sflag:$0x2] =	stream.indirect_vreg.gather [hbm4b:s4+s19], $0x80, v21, vm0, $0xb8;
	[tilespmem:$0x1B500] =	vst v63  }
0x30c: {  	s22 =	simm.s32 $0xEC00  }
0x30d: {  	[tilespmem:s22], [sflag:$0x2] =	stream.indirect_vreg.gather [hbm4b:s4+s19], $0x80, v19, vm0, $0xb8;
	[tilespmem:$0x1B500] =	vst v63  }
0x30e: {  	v19 =	vld.idx.msk [tilespmem:v17+s9+$0x0], $0xffff  }
0x30f: {  	v20 =	vld.idx.msk [tilespmem:v9+s10+$0x0], $0xffff;
	_ =	sdelay $0x4  }
0x310: {  	v21 =	vld.idx.msk [tilespmem:v9+s12+$0x0], $0xffff;
	v19 =	vadd.s32 v19, v20  }
0x311: {  	v20 =	vld.idx.msk [tilespmem:v17+s11+$0x0], $0xffff;
	v22 =	vshll.u32 v19, $0x1  }
0x312: {  	v19 =	vand.u32 $0x7, v19;
	v22 =	vand.u32 $0xFFFFFFF0, v22  }
0x313: {  	v19 =	vor.u32 v19, v22  }
0x314: {  	v22 =	vperm.xlane v19, v3;
	_ =	sdelay $0x1  }
0x315: {  	v19 =	vperm.xlane v19, v5;
	v20 =	vmul.f32 v21, v20;
	v21 =	vadd.s32 v4, v22;
	_ =	sdelay $0x1  }
0x316: {  	v19 =	vadd.s32 v4, v19;
	v20 =	vmul.f32 $2.500000000e-01, v20;
	_ =	sdelay $0x1  }
0x317: {  	s21 =	simm.s32 $0xF400;
	[tilespmem:$0x370] =	vst v20  }
0x318: {  	[tilespmem:s21], [sflag:$0x2] =	stream.indirect_vreg.gather [hbm4b:s4+s19], $0x80, v21, vm0, $0xb8;
	[tilespmem:$0x1B500] =	vst v63  }
0x319: {  	s22 =	simm.s32 $0xFC00  }
0x31a: {  	[tilespmem:s22], [sflag:$0x2] =	stream.indirect_vreg.gather [hbm4b:s4+s19], $0x80, v19, vm0, $0xb8;
	[tilespmem:$0x1B500] =	vst v63  }
0x31b: {  	_ =	swait.ge [sflag:s17], $0x1000  }
0x31c: {  	[sflag:s17] =	ssyncset.done $0x0  }
0x31d: {  	[sflag:s17] =	ssyncadd.s32 $0xFFFFF000  }
0x31e: {  	_ =	swait.ge [sflag:s17], $0x1000  }
0x31f: {  	[sflag:s17] =	ssyncset.done $0x0  }
0x320: {  	[sflag:s17] =	ssyncadd.s32 $0xFFFFF000  }
0x321: {  	_ =	swait.ge [sflag:s17], $0x1000  }
0x322: {  	[sflag:s17] =	ssyncset.done $0x0  }
0x323: {  	[sflag:s17] =	ssyncadd.s32 $0xFFFFF000  }
0x324: {  	_ =	swait.ge [sflag:s17], $0x1000  }
0x325: {  	[sflag:s17] =	ssyncset.done $0x0  }
0x326: {  	[sflag:s17] =	ssyncadd.s32 $0xFFFFF000  }
0x327: {  	_ =	swait.ge [sflag:s17], $0x1000  }
0x328: {  	[sflag:s17] =	ssyncset.done $0x0  }
0x329: {  	[sflag:s17] =	ssyncadd.s32 $0xFFFFF000  }
0x32a: {  	_ =	swait.ge [sflag:s17], $0x1000  }
0x32b: {  	[sflag:s17] =	ssyncset.done $0x0  }
0x32c: {  	[sflag:s17] =	ssyncadd.s32 $0xFFFFF000  }
0x32d: {  	_ =	swait.ge [sflag:s17], $0x1000  }
0x32e: {  	[sflag:s17] =	ssyncset.done $0x0  }
0x32f: {  	[sflag:s17] =	ssyncadd.s32 $0xFFFFF000  }
0x330: {  	_ =	swait.ge [sflag:s17], $0x1000  }
0x331: {  	[sflag:s17] =	ssyncset.done $0x0  }
0x332: {  	s20 =	simm.s32 $0x10800;
	[sflag:s17] =	ssyncadd.s32 $0xFFFFF000  }
0x333: {  	v19 =	vld [tilespmem:s20+$0xFFFFFC00]  }
0x334: {  	v20 =	vld [tilespmem:s20+$0xFFFFFC10]  }
0x335: {  	v21 =	vld [tilespmem:s20+$0xFFFFFC20]  }
0x336: {  	v22 =	vld [tilespmem:s20+$0xFFFFFC30]  }
0x337: {  	v23 =	vld [tilespmem:s20+$0xFFFFFC40]  }
0x338: {  	v24 =	vld [tilespmem:s20+$0xFFFFFC50]  }
0x339: {  	v25 =	vld [tilespmem:s20+$0xFFFFFC60]  }
0x33a: {  	v26 =	vld [tilespmem:s20+$0xFFFFFC70]  }
0x33b: {  	v27 =	vld [tilespmem:s20+$0x0]  }
0x33c: {  	v28 =	vld [tilespmem:s20+$0x10]  }
0x33d: {  	s21 =	simm.s32 $0x400;
	v29 =	vld [tilespmem:s20+$0x70]  }
.LBB2_7:
0x33e: {  	p0 =	sne.s32 s21, $0x1C00;
	v30 =	vld [tilespmem:s20+$0x20]  }
0x33f: {  	v31 =	vld [tilespmem:s20+$0x30]  }
0x340: {  	v32 =	vld [tilespmem:s20+$0x40]  }
0x341: {  	s22 =	sshra.s32 s19, $0x2;
	s19 =	smov.u32 s21;
	v33 =	vld [tilespmem:s20+$0x50]  }
0x342: {  	v34 =	vld [tilespmem:s20+$0x60];
	[tilespmem:s22+$0x194F0] =	vst v29  }
0x343: {  	[tilespmem:s22+$0x19400] =	vst v19  }
0x344: {  	[tilespmem:s22+$0x19410] =	vst v20  }
0x345: {  	[tilespmem:s22+$0x19420] =	vst v21  }
0x346: {  	[tilespmem:s22+$0x19430] =	vst v22  }
0x347: {  	[tilespmem:s22+$0x19440] =	vst v23  }
0x348: {  	[tilespmem:s22+$0x19450] =	vst v24  }
0x349: {  	[tilespmem:s22+$0x19460] =	vst v25  }
0x34a: {  	[tilespmem:s22+$0x19470] =	vst v26  }
0x34b: {  	[tilespmem:s22+$0x19480] =	vst v27  }
0x34c: {  	[tilespmem:s22+$0x19490] =	vst v28  }
0x34d: {  	[tilespmem:s22+$0x194A0] =	vst v30  }
0x34e: {  	[tilespmem:s22+$0x194B0] =	vst v31  }
0x34f: {  	[tilespmem:s22+$0x194C0] =	vst v32  }
0x350: {  	[tilespmem:s22+$0x194D0] =	vst v33  }
0x351: {  	s20 =	sadd.s32 $0x1000, s20;
	[tilespmem:s22+$0x194E0] =	vst v34  }
0x352: {  	v19 =	vld [tilespmem:s20+$0xFFFFFC00]  }
0x353: {  	v20 =	vld [tilespmem:s20+$0xFFFFFC10]  }
0x354: {  	v21 =	vld [tilespmem:s20+$0xFFFFFC20]  }
0x355: {  	v22 =	vld [tilespmem:s20+$0xFFFFFC30]  }
0x356: {  	v23 =	vld [tilespmem:s20+$0xFFFFFC40]  }
0x357: {  	v24 =	vld [tilespmem:s20+$0xFFFFFC50]  }
.Ltmp2:
0x358: {  	v25 =	vld [tilespmem:s20+$0xFFFFFC60];
	(pc) =	sbr.rel @p0 .LBB2_7-.Ltmp2, $4  }
0x359: {  	v26 =	vld [tilespmem:s20+$0xFFFFFC70]  }
0x35a: {  	v27 =	vld [tilespmem:s20+$0x0]  }
0x35b: {  	v28 =	vld [tilespmem:s20+$0x10]  }
0x35c: {  	s21 =	sadd.s32 $0x400, s21;
	v29 =	vld [tilespmem:s20+$0x70]  }
0x35d: {  	v30 =	vld [tilespmem:s20+$0x20]  }
0x35e: {  	v31 =	vld [tilespmem:s20+$0x30]  }
0x35f: {  	v32 =	vld [tilespmem:s20+$0x40]  }
0x360: {  	v33 =	vld [tilespmem:s20+$0x50];
	s19 =	sshra.s32 s19, $0x2  }
0x361: {  	v34 =	vld [tilespmem:s20+$0x60];
	[tilespmem:s19+$0x19400] =	vst v19  }
0x362: {  	[tilespmem:s19+$0x19410] =	vst v20  }
0x363: {  	[tilespmem:s19+$0x19420] =	vst v21  }
0x364: {  	[tilespmem:s19+$0x19430] =	vst v22  }
0x365: {  	[tilespmem:s19+$0x19440] =	vst v23  }
0x366: {  	[tilespmem:s19+$0x19450] =	vst v24  }
0x367: {  	[tilespmem:s19+$0x19460] =	vst v25  }
0x368: {  	[tilespmem:s19+$0x19470] =	vst v26  }
0x369: {  	[tilespmem:s19+$0x19480] =	vst v27  }
0x36a: {  	[tilespmem:s19+$0x19490] =	vst v28  }
0x36b: {  	[tilespmem:s19+$0x194F0] =	vst v29  }
0x36c: {  	[tilespmem:s19+$0x194A0] =	vst v30  }
0x36d: {  	[tilespmem:s19+$0x194B0] =	vst v31  }
0x36e: {  	[tilespmem:s19+$0x194C0] =	vst v32  }
0x36f: {  	[tilespmem:s19+$0x194D0] =	vst v33  }
0x370: {  	[tilespmem:s19+$0x194E0] =	vst v34  }
0x371: {  	v19 =	vld.idx.msk [tilespmem:v17+s9+$0x0], $0xffff  }
0x372: {  	v20 =	vld.idx.msk [tilespmem:v10+s10+$0x0], $0xffff;
	_ =	sdelay $0x4  }
0x373: {  	v21 =	vld.idx.msk [tilespmem:v10+s12+$0x0], $0xffff;
	v19 =	vadd.s32 v19, v20  }
0x374: {  	v20 =	vld.idx.msk [tilespmem:v17+s11+$0x0], $0xffff;
	v22 =	vshll.u32 v19, $0x1  }
0x375: {  	v19 =	vand.u32 $0x7, v19;
	v22 =	vand.u32 $0xFFFFFFF0, v22  }
0x376: {  	v19 =	vor.u32 v19, v22  }
0x377: {  	v22 =	vperm.xlane v19, v3;
	_ =	sdelay $0x1  }
0x378: {  	v19 =	vperm.xlane v19, v5;
	v20 =	vmul.f32 v21, v20;
	v21 =	vadd.s32 v4, v22;
	_ =	sdelay $0x1  }
0x379: {  	v19 =	vadd.s32 v4, v19;
	v20 =	vmul.f32 $2.500000000e-01, v20;
	_ =	sdelay $0x1  }
0x37a: {  	s22 =	simm.s32 $0x10400;
	s19 =	simm.s32 $0x0;
	[tilespmem:$0x380] =	vst v20  }
0x37b: {  	[tilespmem:s22], [sflag:$0x3] =	stream.indirect_vreg.gather [hbm4b:s4+s19], $0x80, v21, vm0, $0xb8;
	[tilespmem:$0x1B500] =	vst v63  }
0x37c: {  	_ = 	snop  }
0x37d: {  	[tilespmem:s23], [sflag:$0x3] =	stream.indirect_vreg.gather [hbm4b:s4+s19], $0x80, v19, vm0, $0xb8;
	[tilespmem:$0x1B500] =	vst v63  }
0x37e: {  	v19 =	vld.idx.msk [tilespmem:v17+s9+$0x0], $0xffff  }
0x37f: {  	v20 =	vld.idx.msk [tilespmem:v11+s10+$0x0], $0xffff;
	_ =	sdelay $0x4  }
0x380: {  	v21 =	vld.idx.msk [tilespmem:v11+s12+$0x0], $0xffff;
	v19 =	vadd.s32 v19, v20  }
0x381: {  	v20 =	vld.idx.msk [tilespmem:v17+s11+$0x0], $0xffff;
	v22 =	vshll.u32 v19, $0x1  }
0x382: {  	v19 =	vand.u32 $0x7, v19;
	v22 =	vand.u32 $0xFFFFFFF0, v22  }
0x383: {  	v19 =	vor.u32 v19, v22  }
0x384: {  	v22 =	vperm.xlane v19, v3;
	_ =	sdelay $0x1  }
0x385: {  	v19 =	vperm.xlane v19, v5;
	v20 =	vmul.f32 v21, v20;
	v21 =	vadd.s32 v4, v22;
	_ =	sdelay $0x1  }
0x386: {  	v19 =	vadd.s32 v4, v19;
	v20 =	vmul.f32 $2.500000000e-01, v20;
	_ =	sdelay $0x1  }
0x387: {  	[tilespmem:$0x390] =	vst v20  }
0x388: {  	[tilespmem:s24], [sflag:$0x3] =	stream.indirect_vreg.gather [hbm4b:s4+s19], $0x80, v21, vm0, $0xb8;
	[tilespmem:$0x1B500] =	vst v63  }
0x389: {  	_ = 	snop  }
0x38a: {  	[tilespmem:s25], [sflag:$0x3] =	stream.indirect_vreg.gather [hbm4b:s4+s19], $0x80, v19, vm0, $0xb8;
	[tilespmem:$0x1B500] =	vst v63  }
0x38b: {  	v19 =	vld.idx.msk [tilespmem:v18+s9+$0x0], $0xffff  }
0x38c: {  	v20 =	vld.idx.msk [tilespmem:v2+s10+$0x0], $0xffff;
	_ =	sdelay $0x4  }
0x38d: {  	v21 =	vld.idx.msk [tilespmem:v2+s12+$0x0], $0xffff;
	v19 =	vadd.s32 v19, v20  }
0x38e: {  	v20 =	vld.idx.msk [tilespmem:v18+s11+$0x0], $0xffff;
	v22 =	vshll.u32 v19, $0x1  }
0x38f: {  	v19 =	vand.u32 $0x7, v19;
	v22 =	vand.u32 $0xFFFFFFF0, v22  }
0x390: {  	v19 =	vor.u32 v19, v22  }
0x391: {  	v22 =	vperm.xlane v19, v3;
	_ =	sdelay $0x1  }
0x392: {  	v19 =	vperm.xlane v19, v5;
	v20 =	vmul.f32 v21, v20;
	v21 =	vadd.s32 v4, v22;
	_ =	sdelay $0x1  }
0x393: {  	v19 =	vadd.s32 v4, v19;
	v20 =	vmul.f32 $2.500000000e-01, v20;
	_ =	sdelay $0x1  }
0x394: {  	[tilespmem:$0x3A0] =	vst v20  }
0x395: {  	[tilespmem:s26], [sflag:$0x3] =	stream.indirect_vreg.gather [hbm4b:s4+s19], $0x80, v21, vm0, $0xb8;
	[tilespmem:$0x1B500] =	vst v63  }
0x396: {  	_ = 	snop  }
0x397: {  	[tilespmem:s28], [sflag:$0x3] =	stream.indirect_vreg.gather [hbm4b:s4+s19], $0x80, v19, vm0, $0xb8;
	[tilespmem:$0x1B500] =	vst v63  }
0x398: {  	v19 =	vld.idx.msk [tilespmem:v18+s9+$0x0], $0xffff  }
0x399: {  	v20 =	vld.idx.msk [tilespmem:v6+s10+$0x0], $0xffff;
	_ =	sdelay $0x4  }
0x39a: {  	v21 =	vld.idx.msk [tilespmem:v6+s12+$0x0], $0xffff;
	v19 =	vadd.s32 v19, v20  }
0x39b: {  	v20 =	vld.idx.msk [tilespmem:v18+s11+$0x0], $0xffff;
	v22 =	vshll.u32 v19, $0x1  }
0x39c: {  	v19 =	vand.u32 $0x7, v19;
	v22 =	vand.u32 $0xFFFFFFF0, v22  }
0x39d: {  	v19 =	vor.u32 v19, v22  }
0x39e: {  	v22 =	vperm.xlane v19, v3;
	_ =	sdelay $0x1  }
0x39f: {  	v19 =	vperm.xlane v19, v5;
	v20 =	vmul.f32 v21, v20;
	v21 =	vadd.s32 v4, v22;
	_ =	sdelay $0x1  }
0x3a0: {  	v19 =	vadd.s32 v4, v19;
	v20 =	vmul.f32 $2.500000000e-01, v20;
	_ =	sdelay $0x1  }
0x3a1: {  	[tilespmem:$0x3B0] =	vst v20  }
0x3a2: {  	[tilespmem:s29], [sflag:$0x3] =	stream.indirect_vreg.gather [hbm4b:s4+s19], $0x80, v21, vm0, $0xb8;
	[tilespmem:$0x1B500] =	vst v63  }
0x3a3: {  	_ = 	snop  }
0x3a4: {  	[tilespmem:s30], [sflag:$0x3] =	stream.indirect_vreg.gather [hbm4b:s4+s19], $0x80, v19, vm0, $0xb8;
	[tilespmem:$0x1B500] =	vst v63  }
0x3a5: {  	v19 =	vld.idx.msk [tilespmem:v18+s9+$0x0], $0xffff  }
0x3a6: {  	v20 =	vld.idx.msk [tilespmem:v7+s10+$0x0], $0xffff;
	_ =	sdelay $0x4  }
0x3a7: {  	v21 =	vld.idx.msk [tilespmem:v7+s12+$0x0], $0xffff;
	v19 =	vadd.s32 v19, v20  }
0x3a8: {  	v20 =	vld.idx.msk [tilespmem:v18+s11+$0x0], $0xffff;
	v22 =	vshll.u32 v19, $0x1  }
0x3a9: {  	v19 =	vand.u32 $0x7, v19;
	v22 =	vand.u32 $0xFFFFFFF0, v22  }
0x3aa: {  	v19 =	vor.u32 v19, v22  }
0x3ab: {  	v22 =	vperm.xlane v19, v3;
	_ =	sdelay $0x1  }
0x3ac: {  	v19 =	vperm.xlane v19, v5;
	v20 =	vmul.f32 v21, v20;
	v21 =	vadd.s32 v4, v22;
	_ =	sdelay $0x1  }
0x3ad: {  	v19 =	vadd.s32 v4, v19;
	v20 =	vmul.f32 $2.500000000e-01, v20;
	_ =	sdelay $0x1  }
0x3ae: {  	[tilespmem:$0x3C0] =	vst v20  }
0x3af: {  	[tilespmem:s31], [sflag:$0x3] =	stream.indirect_vreg.gather [hbm4b:s4+s19], $0x80, v21, vm0, $0xb8;
	[tilespmem:$0x1B500] =	vst v63  }
0x3b0: {  	_ = 	snop  }
0x3b1: {  	[tilespmem:s1], [sflag:$0x3] =	stream.indirect_vreg.gather [hbm4b:s4+s19], $0x80, v19, vm0, $0xb8;
	[tilespmem:$0x1B500] =	vst v63  }
0x3b2: {  	v19 =	vld.idx.msk [tilespmem:v18+s9+$0x0], $0xffff  }
0x3b3: {  	v20 =	vld.idx.msk [tilespmem:v8+s10+$0x0], $0xffff;
	_ =	sdelay $0x4  }
0x3b4: {  	v21 =	vld.idx.msk [tilespmem:v8+s12+$0x0], $0xffff;
	v19 =	vadd.s32 v19, v20  }
0x3b5: {  	v20 =	vld.idx.msk [tilespmem:v18+s11+$0x0], $0xffff;
	v22 =	vshll.u32 v19, $0x1  }
0x3b6: {  	v19 =	vand.u32 $0x7, v19;
	v22 =	vand.u32 $0xFFFFFFF0, v22  }
0x3b7: {  	v19 =	vor.u32 v19, v22  }
0x3b8: {  	v22 =	vperm.xlane v19, v3;
	_ =	sdelay $0x1  }
0x3b9: {  	v19 =	vperm.xlane v19, v5;
	v20 =	vmul.f32 v21, v20;
	v21 =	vadd.s32 v4, v22;
	_ =	sdelay $0x1  }
0x3ba: {  	v19 =	vadd.s32 v4, v19;
	v20 =	vmul.f32 $2.500000000e-01, v20;
	_ =	sdelay $0x1  }
0x3bb: {  	[tilespmem:$0x3D0] =	vst v20  }
0x3bc: {  	[tilespmem:s0], [sflag:$0x3] =	stream.indirect_vreg.gather [hbm4b:s4+s19], $0x80, v21, vm0, $0xb8;
	[tilespmem:$0x1B500] =	vst v63  }
0x3bd: {  	_ = 	snop  }
0x3be: {  	[tilespmem:s3], [sflag:$0x3] =	stream.indirect_vreg.gather [hbm4b:s4+s19], $0x80, v19, vm0, $0xb8;
	[tilespmem:$0x1B500] =	vst v63  }
0x3bf: {  	v19 =	vld.idx.msk [tilespmem:v18+s9+$0x0], $0xffff  }
0x3c0: {  	v20 =	vld.idx.msk [tilespmem:v9+s10+$0x0], $0xffff;
	_ =	sdelay $0x4  }
0x3c1: {  	v21 =	vld.idx.msk [tilespmem:v9+s12+$0x0], $0xffff;
	v19 =	vadd.s32 v19, v20  }
0x3c2: {  	v20 =	vld.idx.msk [tilespmem:v18+s11+$0x0], $0xffff;
	v22 =	vshll.u32 v19, $0x1  }
0x3c3: {  	v19 =	vand.u32 $0x7, v19;
	v22 =	vand.u32 $0xFFFFFFF0, v22  }
0x3c4: {  	v19 =	vor.u32 v19, v22  }
0x3c5: {  	v22 =	vperm.xlane v19, v3;
	_ =	sdelay $0x1  }
0x3c6: {  	v19 =	vperm.xlane v19, v5;
	v20 =	vmul.f32 v21, v20;
	v21 =	vadd.s32 v4, v22;
	_ =	sdelay $0x1  }
0x3c7: {  	v19 =	vadd.s32 v4, v19;
	v20 =	vmul.f32 $2.500000000e-01, v20;
	_ =	sdelay $0x1  }
0x3c8: {  	[tilespmem:$0x3E0] =	vst v20  }
0x3c9: {  	[tilespmem:s5], [sflag:$0x3] =	stream.indirect_vreg.gather [hbm4b:s4+s19], $0x80, v21, vm0, $0xb8;
	[tilespmem:$0x1B500] =	vst v63  }
0x3ca: {  	_ = 	snop  }
0x3cb: {  	[tilespmem:s7], [sflag:$0x3] =	stream.indirect_vreg.gather [hbm4b:s4+s19], $0x80, v19, vm0, $0xb8;
	[tilespmem:$0x1B500] =	vst v63  }
0x3cc: {  	v19 =	vld.idx.msk [tilespmem:v18+s9+$0x0], $0xffff  }
0x3cd: {  	v20 =	vld.idx.msk [tilespmem:v10+s10+$0x0], $0xffff;
	_ =	sdelay $0x4  }
0x3ce: {  	v21 =	vld.idx.msk [tilespmem:v10+s12+$0x0], $0xffff;
	v19 =	vadd.s32 v19, v20  }
0x3cf: {  	v20 =	vld.idx.msk [tilespmem:v18+s11+$0x0], $0xffff;
	v22 =	vshll.u32 v19, $0x1  }
0x3d0: {  	v19 =	vand.u32 $0x7, v19;
	v22 =	vand.u32 $0xFFFFFFF0, v22  }
0x3d1: {  	v19 =	vor.u32 v19, v22  }
0x3d2: {  	v22 =	vperm.xlane v19, v3;
	_ =	sdelay $0x1  }
0x3d3: {  	v19 =	vperm.xlane v19, v5;
	v20 =	vmul.f32 v21, v20;
	v21 =	vadd.s32 v4, v22;
	_ =	sdelay $0x1  }
0x3d4: {  	v19 =	vadd.s32 v4, v19;
	v20 =	vmul.f32 $2.500000000e-01, v20;
	_ =	sdelay $0x1  }
0x3d5: {  	[tilespmem:$0x3F0] =	vst v20  }
0x3d6: {  	[tilespmem:s2], [sflag:$0x3] =	stream.indirect_vreg.gather [hbm4b:s4+s19], $0x80, v21, vm0, $0xb8;
	[tilespmem:$0x1B500] =	vst v63  }
0x3d7: {  	_ = 	snop  }
0x3d8: {  	[tilespmem:s6], [sflag:$0x3] =	stream.indirect_vreg.gather [hbm4b:s4+s19], $0x80, v19, vm0, $0xb8;
	[tilespmem:$0x1B500] =	vst v63  }
0x3d9: {  	_ =	swait.ge [sflag:s15], $0x1000  }
0x3da: {  	[sflag:s15] =	ssyncset.done $0x0  }
0x3db: {  	[sflag:s15] =	ssyncadd.s32 $0xFFFFF000  }
0x3dc: {  	_ =	swait.ge [sflag:s15], $0x1000  }
0x3dd: {  	[sflag:s15] =	ssyncset.done $0x0  }
0x3de: {  	[sflag:s15] =	ssyncadd.s32 $0xFFFFF000  }
0x3df: {  	_ =	swait.ge [sflag:s15], $0x1000  }
0x3e0: {  	[sflag:s15] =	ssyncset.done $0x0  }
0x3e1: {  	[sflag:s15] =	ssyncadd.s32 $0xFFFFF000  }
0x3e2: {  	_ =	swait.ge [sflag:s15], $0x1000  }
0x3e3: {  	[sflag:s15] =	ssyncset.done $0x0  }
0x3e4: {  	[sflag:s15] =	ssyncadd.s32 $0xFFFFF000  }
0x3e5: {  	_ =	swait.ge [sflag:s15], $0x1000  }
0x3e6: {  	[sflag:s15] =	ssyncset.done $0x0  }
0x3e7: {  	[sflag:s15] =	ssyncadd.s32 $0xFFFFF000  }
0x3e8: {  	_ =	swait.ge [sflag:s15], $0x1000  }
0x3e9: {  	[sflag:s15] =	ssyncset.done $0x0  }
0x3ea: {  	[sflag:s15] =	ssyncadd.s32 $0xFFFFF000  }
0x3eb: {  	_ =	swait.ge [sflag:s15], $0x1000  }
0x3ec: {  	[sflag:s15] =	ssyncset.done $0x0  }
0x3ed: {  	[sflag:s15] =	ssyncadd.s32 $0xFFFFF000  }
0x3ee: {  	_ =	swait.ge [sflag:s15], $0x1000  }
0x3ef: {  	[sflag:s15] =	ssyncset.done $0x0  }
0x3f0: {  	s20 =	simm.s32 $0x800;
	[sflag:s15] =	ssyncadd.s32 $0xFFFFF000  }
0x3f1: {  	v19 =	vld [tilespmem:s20+$0xFFFFFC00]  }
0x3f2: {  	v20 =	vld [tilespmem:s20+$0xFFFFFC10]  }
0x3f3: {  	v21 =	vld [tilespmem:s20+$0xFFFFFC20]  }
0x3f4: {  	v22 =	vld [tilespmem:s20+$0xFFFFFC30]  }
0x3f5: {  	v23 =	vld [tilespmem:s20+$0xFFFFFC40]  }
0x3f6: {  	v24 =	vld [tilespmem:s20+$0xFFFFFC50]  }
0x3f7: {  	v25 =	vld [tilespmem:s20+$0xFFFFFC60]  }
0x3f8: {  	v26 =	vld [tilespmem:s20+$0xFFFFFC70]  }
0x3f9: {  	v27 =	vld [tilespmem:s20+$0x0]  }
0x3fa: {  	v28 =	vld [tilespmem:s20+$0x10]  }
0x3fb: {  	s21 =	simm.s32 $0x400;
	v29 =	vld [tilespmem:s20+$0x70]  }
.LBB2_9:
0x3fc: {  	p0 =	sne.s32 s21, $0x1C00;
	v30 =	vld [tilespmem:s20+$0x20]  }
0x3fd: {  	v31 =	vld [tilespmem:s20+$0x30]  }
0x3fe: {  	v32 =	vld [tilespmem:s20+$0x40]  }
0x3ff: {  	s22 =	sshra.s32 s19, $0x2;
	s19 =	smov.u32 s21;
	v33 =	vld [tilespmem:s20+$0x50]  }
0x400: {  	v34 =	vld [tilespmem:s20+$0x60];
	[tilespmem:s22+$0x19CF0] =	vst v29  }
0x401: {  	[tilespmem:s22+$0x19C00] =	vst v19  }
0x402: {  	[tilespmem:s22+$0x19C10] =	vst v20  }
0x403: {  	[tilespmem:s22+$0x19C20] =	vst v21  }
0x404: {  	[tilespmem:s22+$0x19C30] =	vst v22  }
0x405: {  	[tilespmem:s22+$0x19C40] =	vst v23  }
0x406: {  	[tilespmem:s22+$0x19C50] =	vst v24  }
0x407: {  	[tilespmem:s22+$0x19C60] =	vst v25  }
0x408: {  	[tilespmem:s22+$0x19C70] =	vst v26  }
0x409: {  	[tilespmem:s22+$0x19C80] =	vst v27  }
0x40a: {  	[tilespmem:s22+$0x19C90] =	vst v28  }
0x40b: {  	[tilespmem:s22+$0x19CA0] =	vst v30  }
0x40c: {  	[tilespmem:s22+$0x19CB0] =	vst v31  }
0x40d: {  	[tilespmem:s22+$0x19CC0] =	vst v32  }
0x40e: {  	[tilespmem:s22+$0x19CD0] =	vst v33  }
0x40f: {  	s20 =	sadd.s32 $0x1000, s20;
	[tilespmem:s22+$0x19CE0] =	vst v34  }
0x410: {  	v19 =	vld [tilespmem:s20+$0xFFFFFC00]  }
0x411: {  	v20 =	vld [tilespmem:s20+$0xFFFFFC10]  }
0x412: {  	v21 =	vld [tilespmem:s20+$0xFFFFFC20]  }
0x413: {  	v22 =	vld [tilespmem:s20+$0xFFFFFC30]  }
0x414: {  	v23 =	vld [tilespmem:s20+$0xFFFFFC40]  }
0x415: {  	v24 =	vld [tilespmem:s20+$0xFFFFFC50]  }
.Ltmp3:
0x416: {  	v25 =	vld [tilespmem:s20+$0xFFFFFC60];
	(pc) =	sbr.rel @p0 .LBB2_9-.Ltmp3, $4  }
0x417: {  	v26 =	vld [tilespmem:s20+$0xFFFFFC70]  }
0x418: {  	v27 =	vld [tilespmem:s20+$0x0]  }
0x419: {  	v28 =	vld [tilespmem:s20+$0x10]  }
0x41a: {  	s21 =	sadd.s32 $0x400, s21;
	v29 =	vld [tilespmem:s20+$0x70]  }
0x41b: {  	v30 =	vld [tilespmem:s20+$0x20]  }
0x41c: {  	v31 =	vld [tilespmem:s20+$0x30]  }
0x41d: {  	v32 =	vld [tilespmem:s20+$0x40]  }
0x41e: {  	v33 =	vld [tilespmem:s20+$0x50];
	s19 =	sshra.s32 s19, $0x2  }
0x41f: {  	v34 =	vld [tilespmem:s20+$0x60];
	[tilespmem:s19+$0x19C00] =	vst v19  }
0x420: {  	[tilespmem:s19+$0x19C10] =	vst v20  }
0x421: {  	[tilespmem:s19+$0x19C20] =	vst v21  }
0x422: {  	[tilespmem:s19+$0x19C30] =	vst v22  }
0x423: {  	[tilespmem:s19+$0x19C40] =	vst v23  }
0x424: {  	[tilespmem:s19+$0x19C50] =	vst v24  }
0x425: {  	[tilespmem:s19+$0x19C60] =	vst v25  }
0x426: {  	[tilespmem:s19+$0x19C70] =	vst v26  }
0x427: {  	[tilespmem:s19+$0x19C80] =	vst v27  }
0x428: {  	[tilespmem:s19+$0x19C90] =	vst v28  }
0x429: {  	[tilespmem:s19+$0x19CF0] =	vst v29  }
0x42a: {  	[tilespmem:s19+$0x19CA0] =	vst v30  }
0x42b: {  	[tilespmem:s19+$0x19CB0] =	vst v31  }
0x42c: {  	[tilespmem:s19+$0x19CC0] =	vst v32  }
0x42d: {  	[tilespmem:s19+$0x19CD0] =	vst v33  }
0x42e: {  	[tilespmem:s19+$0x19CE0] =	vst v34  }
0x42f: {  	v19 =	vld.idx.msk [tilespmem:v18+s9+$0x0], $0xffff  }
0x430: {  	v20 =	vld.idx.msk [tilespmem:v11+s10+$0x0], $0xffff;
	_ =	sdelay $0x4  }
0x431: {  	v21 =	vld.idx.msk [tilespmem:v11+s12+$0x0], $0xffff;
	v19 =	vadd.s32 v19, v20  }
0x432: {  	v20 =	vld.idx.msk [tilespmem:v18+s11+$0x0], $0xffff;
	v22 =	vshll.u32 v19, $0x1  }
0x433: {  	v19 =	vand.u32 $0x7, v19;
	v22 =	vand.u32 $0xFFFFFFF0, v22  }
0x434: {  	v19 =	vor.u32 v19, v22  }
0x435: {  	v22 =	vperm.xlane v19, v3;
	_ =	sdelay $0x1  }
0x436: {  	v19 =	vperm.xlane v19, v5;
	v20 =	vmul.f32 v21, v20;
	v21 =	vadd.s32 v4, v22;
	_ =	sdelay $0x1  }
0x437: {  	v19 =	vadd.s32 v4, v19;
	v20 =	vmul.f32 $2.500000000e-01, v20;
	_ =	sdelay $0x1  }
0x438: {  	s19 =	simm.s32 $0x0;
	[tilespmem:$0x280] =	vst v20  }
0x439: {  	[tilespmem:s13], [sflag:$0x1] =	stream.indirect_vreg.gather [hbm4b:s4+s19], $0x80, v21, vm0, $0xb8;
	[tilespmem:$0x1B500] =	vst v63  }
0x43a: {  	_ = 	snop  }
0x43b: {  	[tilespmem:s14], [sflag:$0x1] =	stream.indirect_vreg.gather [hbm4b:s4+s19], $0x80, v19, vm0, $0xb8;
	[tilespmem:$0x1B500] =	vst v63  }
0x43c: {  	_ =	swait.ge [sflag:s16], $0x1000  }
0x43d: {  	[sflag:s16] =	ssyncset.done $0x0  }
0x43e: {  	[sflag:s16] =	ssyncadd.s32 $0xFFFFF000  }
0x43f: {  	_ =	swait.ge [sflag:s16], $0x1000  }
0x440: {  	[sflag:s16] =	ssyncset.done $0x0  }
0x441: {  	[sflag:s16] =	ssyncadd.s32 $0xFFFFF000  }
0x442: {  	_ =	swait.ge [sflag:s16], $0x1000  }
0x443: {  	[sflag:s16] =	ssyncset.done $0x0  }
0x444: {  	[sflag:s16] =	ssyncadd.s32 $0xFFFFF000  }
0x445: {  	_ =	swait.ge [sflag:s16], $0x1000  }
0x446: {  	[sflag:s16] =	ssyncset.done $0x0  }
0x447: {  	[sflag:s16] =	ssyncadd.s32 $0xFFFFF000  }
0x448: {  	_ =	swait.ge [sflag:s16], $0x1000  }
0x449: {  	[sflag:s16] =	ssyncset.done $0x0  }
0x44a: {  	[sflag:s16] =	ssyncadd.s32 $0xFFFFF000  }
0x44b: {  	_ =	swait.ge [sflag:s16], $0x1000  }
0x44c: {  	[sflag:s16] =	ssyncset.done $0x0  }
0x44d: {  	[sflag:s16] =	ssyncadd.s32 $0xFFFFF000  }
0x44e: {  	_ =	swait.ge [sflag:s16], $0x1000  }
0x44f: {  	[sflag:s16] =	ssyncset.done $0x0  }
0x450: {  	[sflag:s16] =	ssyncadd.s32 $0xFFFFF000  }
0x451: {  	_ =	swait.ge [sflag:s16], $0x1000  }
0x452: {  	[sflag:s16] =	ssyncset.done $0x0  }
0x453: {  	s20 =	simm.s32 $0x8800;
	[sflag:s16] =	ssyncadd.s32 $0xFFFFF000  }
0x454: {  	v19 =	vld [tilespmem:s20+$0xFFFFFC00]  }
0x455: {  	v20 =	vld [tilespmem:s20+$0xFFFFFC10]  }
0x456: {  	v21 =	vld [tilespmem:s20+$0xFFFFFC20]  }
0x457: {  	v22 =	vld [tilespmem:s20+$0xFFFFFC30]  }
0x458: {  	v23 =	vld [tilespmem:s20+$0xFFFFFC40]  }
0x459: {  	v24 =	vld [tilespmem:s20+$0xFFFFFC50]  }
0x45a: {  	v25 =	vld [tilespmem:s20+$0xFFFFFC60]  }
0x45b: {  	v26 =	vld [tilespmem:s20+$0xFFFFFC70]  }
0x45c: {  	v27 =	vld [tilespmem:s20+$0x0]  }
0x45d: {  	v28 =	vld [tilespmem:s20+$0x10]  }
0x45e: {  	s21 =	simm.s32 $0x400;
	v29 =	vld [tilespmem:s20+$0x70]  }
.LBB2_11:
0x45f: {  	p0 =	sne.s32 s21, $0x1C00;
	v30 =	vld [tilespmem:s20+$0x20]  }
0x460: {  	v31 =	vld [tilespmem:s20+$0x30]  }
0x461: {  	v32 =	vld [tilespmem:s20+$0x40]  }
0x462: {  	s22 =	sshra.s32 s19, $0x2;
	s19 =	smov.u32 s21;
	v33 =	vld [tilespmem:s20+$0x50]  }
0x463: {  	v34 =	vld [tilespmem:s20+$0x60];
	[tilespmem:s22+$0x1A4F0] =	vst v29  }
0x464: {  	[tilespmem:s22+$0x1A400] =	vst v19  }
0x465: {  	[tilespmem:s22+$0x1A410] =	vst v20  }
0x466: {  	[tilespmem:s22+$0x1A420] =	vst v21  }
0x467: {  	[tilespmem:s22+$0x1A430] =	vst v22  }
0x468: {  	[tilespmem:s22+$0x1A440] =	vst v23  }
0x469: {  	[tilespmem:s22+$0x1A450] =	vst v24  }
0x46a: {  	[tilespmem:s22+$0x1A460] =	vst v25  }
0x46b: {  	[tilespmem:s22+$0x1A470] =	vst v26  }
0x46c: {  	[tilespmem:s22+$0x1A480] =	vst v27  }
0x46d: {  	[tilespmem:s22+$0x1A490] =	vst v28  }
0x46e: {  	[tilespmem:s22+$0x1A4A0] =	vst v30  }
0x46f: {  	[tilespmem:s22+$0x1A4B0] =	vst v31  }
0x470: {  	[tilespmem:s22+$0x1A4C0] =	vst v32  }
0x471: {  	[tilespmem:s22+$0x1A4D0] =	vst v33  }
0x472: {  	s20 =	sadd.s32 $0x1000, s20;
	[tilespmem:s22+$0x1A4E0] =	vst v34  }
0x473: {  	v19 =	vld [tilespmem:s20+$0xFFFFFC00]  }
0x474: {  	v20 =	vld [tilespmem:s20+$0xFFFFFC10]  }
0x475: {  	v21 =	vld [tilespmem:s20+$0xFFFFFC20]  }
0x476: {  	v22 =	vld [tilespmem:s20+$0xFFFFFC30]  }
0x477: {  	v23 =	vld [tilespmem:s20+$0xFFFFFC40]  }
0x478: {  	v24 =	vld [tilespmem:s20+$0xFFFFFC50]  }
.Ltmp4:
0x479: {  	v25 =	vld [tilespmem:s20+$0xFFFFFC60];
	(pc) =	sbr.rel @p0 .LBB2_11-.Ltmp4, $4  }
0x47a: {  	v26 =	vld [tilespmem:s20+$0xFFFFFC70]  }
0x47b: {  	v27 =	vld [tilespmem:s20+$0x0]  }
0x47c: {  	v28 =	vld [tilespmem:s20+$0x10]  }
0x47d: {  	s21 =	sadd.s32 $0x400, s21;
	v29 =	vld [tilespmem:s20+$0x70]  }
0x47e: {  	v30 =	vld [tilespmem:s20+$0x20]  }
0x47f: {  	v31 =	vld [tilespmem:s20+$0x30]  }
0x480: {  	v32 =	vld [tilespmem:s20+$0x40]  }
0x481: {  	v33 =	vld [tilespmem:s20+$0x50];
	s19 =	sshra.s32 s19, $0x2  }
0x482: {  	v34 =	vld [tilespmem:s20+$0x60];
	[tilespmem:s19+$0x1A400] =	vst v19  }
0x483: {  	[tilespmem:s19+$0x1A410] =	vst v20  }
0x484: {  	[tilespmem:s19+$0x1A420] =	vst v21  }
0x485: {  	[tilespmem:s19+$0x1A430] =	vst v22  }
0x486: {  	[tilespmem:s19+$0x1A440] =	vst v23  }
0x487: {  	[tilespmem:s19+$0x1A450] =	vst v24  }
0x488: {  	[tilespmem:s19+$0x1A460] =	vst v25  }
0x489: {  	[tilespmem:s19+$0x1A470] =	vst v26  }
0x48a: {  	[tilespmem:s19+$0x1A480] =	vst v27  }
0x48b: {  	[tilespmem:s19+$0x1A490] =	vst v28  }
0x48c: {  	[tilespmem:s19+$0x1A4F0] =	vst v29  }
0x48d: {  	[tilespmem:s19+$0x1A4A0] =	vst v30  }
0x48e: {  	[tilespmem:s19+$0x1A4B0] =	vst v31  }
0x48f: {  	[tilespmem:s19+$0x1A4C0] =	vst v32  }
0x490: {  	[tilespmem:s19+$0x1A4D0] =	vst v33  }
0x491: {  	[tilespmem:s19+$0x1A4E0] =	vst v34  }
0x492: {  	_ =	swait.ge [sflag:s17], $0x1000  }
0x493: {  	[sflag:s17] =	ssyncset.done $0x0  }
0x494: {  	[sflag:s17] =	ssyncadd.s32 $0xFFFFF000  }
0x495: {  	_ =	swait.ge [sflag:s17], $0x1000  }
0x496: {  	[sflag:s17] =	ssyncset.done $0x0  }
0x497: {  	[sflag:s17] =	ssyncadd.s32 $0xFFFFF000  }
0x498: {  	_ =	swait.ge [sflag:s17], $0x1000  }
0x499: {  	[sflag:s17] =	ssyncset.done $0x0  }
0x49a: {  	[sflag:s17] =	ssyncadd.s32 $0xFFFFF000  }
0x49b: {  	_ =	swait.ge [sflag:s17], $0x1000  }
0x49c: {  	[sflag:s17] =	ssyncset.done $0x0  }
0x49d: {  	[sflag:s17] =	ssyncadd.s32 $0xFFFFF000  }
0x49e: {  	_ =	swait.ge [sflag:s17], $0x1000  }
0x49f: {  	[sflag:s17] =	ssyncset.done $0x0  }
0x4a0: {  	[sflag:s17] =	ssyncadd.s32 $0xFFFFF000  }
0x4a1: {  	_ =	swait.ge [sflag:s17], $0x1000  }
0x4a2: {  	[sflag:s17] =	ssyncset.done $0x0  }
0x4a3: {  	[sflag:s17] =	ssyncadd.s32 $0xFFFFF000  }
0x4a4: {  	_ =	swait.ge [sflag:s17], $0x1000  }
0x4a5: {  	[sflag:s17] =	ssyncset.done $0x0  }
0x4a6: {  	[sflag:s17] =	ssyncadd.s32 $0xFFFFF000  }
0x4a7: {  	_ =	swait.ge [sflag:s17], $0x1000  }
0x4a8: {  	[sflag:s17] =	ssyncset.done $0x0  }
0x4a9: {  	s19 =	simm.s32 $0x10800;
	[sflag:s17] =	ssyncadd.s32 $0xFFFFF000  }
0x4aa: {  	v19 =	vld [tilespmem:s19+$0xFFFFFC00]  }
0x4ab: {  	v20 =	vld [tilespmem:s19+$0xFFFFFC10]  }
0x4ac: {  	v21 =	vld [tilespmem:s19+$0xFFFFFC20]  }
0x4ad: {  	v22 =	vld [tilespmem:s19+$0xFFFFFC30]  }
0x4ae: {  	v23 =	vld [tilespmem:s19+$0xFFFFFC40]  }
0x4af: {  	v24 =	vld [tilespmem:s19+$0xFFFFFC50]  }
0x4b0: {  	v25 =	vld [tilespmem:s19+$0xFFFFFC60]  }
0x4b1: {  	v26 =	vld [tilespmem:s19+$0xFFFFFC70]  }
0x4b2: {  	v27 =	vld [tilespmem:s19+$0x0]  }
0x4b3: {  	v28 =	vld [tilespmem:s19+$0x10]  }
0x4b4: {  	s20 =	simm.s32 $0x0;
	s21 =	simm.s32 $0x400;
	v29 =	vld [tilespmem:s19+$0x70]  }
.LBB2_13:
0x4b5: {  	p0 =	sne.s32 s21, $0x1C00;
	v30 =	vld [tilespmem:s19+$0x20]  }
0x4b6: {  	v31 =	vld [tilespmem:s19+$0x30]  }
0x4b7: {  	v32 =	vld [tilespmem:s19+$0x40]  }
0x4b8: {  	s22 =	sshra.s32 s20, $0x2;
	s20 =	smov.u32 s21;
	v33 =	vld [tilespmem:s19+$0x50]  }
0x4b9: {  	v34 =	vld [tilespmem:s19+$0x60];
	[tilespmem:s22+$0x1ACF0] =	vst v29  }
0x4ba: {  	[tilespmem:s22+$0x1AC00] =	vst v19  }
0x4bb: {  	[tilespmem:s22+$0x1AC10] =	vst v20  }
0x4bc: {  	[tilespmem:s22+$0x1AC20] =	vst v21  }
0x4bd: {  	[tilespmem:s22+$0x1AC30] =	vst v22  }
0x4be: {  	[tilespmem:s22+$0x1AC40] =	vst v23  }
0x4bf: {  	[tilespmem:s22+$0x1AC50] =	vst v24  }
0x4c0: {  	[tilespmem:s22+$0x1AC60] =	vst v25  }
0x4c1: {  	[tilespmem:s22+$0x1AC70] =	vst v26  }
0x4c2: {  	[tilespmem:s22+$0x1AC80] =	vst v27  }
0x4c3: {  	[tilespmem:s22+$0x1AC90] =	vst v28  }
0x4c4: {  	[tilespmem:s22+$0x1ACA0] =	vst v30  }
0x4c5: {  	[tilespmem:s22+$0x1ACB0] =	vst v31  }
0x4c6: {  	[tilespmem:s22+$0x1ACC0] =	vst v32  }
0x4c7: {  	[tilespmem:s22+$0x1ACD0] =	vst v33  }
0x4c8: {  	s19 =	sadd.s32 $0x1000, s19;
	[tilespmem:s22+$0x1ACE0] =	vst v34  }
0x4c9: {  	v19 =	vld [tilespmem:s19+$0xFFFFFC00]  }
0x4ca: {  	v20 =	vld [tilespmem:s19+$0xFFFFFC10]  }
0x4cb: {  	v21 =	vld [tilespmem:s19+$0xFFFFFC20]  }
0x4cc: {  	v22 =	vld [tilespmem:s19+$0xFFFFFC30]  }
0x4cd: {  	v23 =	vld [tilespmem:s19+$0xFFFFFC40]  }
0x4ce: {  	v24 =	vld [tilespmem:s19+$0xFFFFFC50]  }
.Ltmp5:
0x4cf: {  	v25 =	vld [tilespmem:s19+$0xFFFFFC60];
	(pc) =	sbr.rel @p0 .LBB2_13-.Ltmp5, $4  }
0x4d0: {  	v26 =	vld [tilespmem:s19+$0xFFFFFC70]  }
0x4d1: {  	v27 =	vld [tilespmem:s19+$0x0]  }
0x4d2: {  	v28 =	vld [tilespmem:s19+$0x10]  }
0x4d3: {  	s21 =	sadd.s32 $0x400, s21;
	v29 =	vld [tilespmem:s19+$0x70]  }
0x4d4: {  	v30 =	vld [tilespmem:s19+$0x20]  }
0x4d5: {  	v31 =	vld [tilespmem:s19+$0x30]  }
0x4d6: {  	v32 =	vld [tilespmem:s19+$0x40]  }
0x4d7: {  	v33 =	vld [tilespmem:s19+$0x50];
	s20 =	sshra.s32 s20, $0x2  }
0x4d8: {  	v34 =	vld [tilespmem:s19+$0x60];
	[tilespmem:s20+$0x1AC00] =	vst v19  }
0x4d9: {  	[tilespmem:s20+$0x1AC10] =	vst v20  }
0x4da: {  	[tilespmem:s20+$0x1AC20] =	vst v21  }
0x4db: {  	[tilespmem:s20+$0x1AC30] =	vst v22  }
0x4dc: {  	[tilespmem:s20+$0x1AC40] =	vst v23  }
0x4dd: {  	[tilespmem:s20+$0x1AC50] =	vst v24  }
0x4de: {  	[tilespmem:s20+$0x1AC60] =	vst v25  }
0x4df: {  	[tilespmem:s20+$0x1AC70] =	vst v26  }
0x4e0: {  	[tilespmem:s20+$0x1AC80] =	vst v27  }
0x4e1: {  	[tilespmem:s20+$0x1AC90] =	vst v28  }
0x4e2: {  	[tilespmem:s20+$0x1ACF0] =	vst v29  }
0x4e3: {  	[tilespmem:s20+$0x1ACA0] =	vst v30  }
0x4e4: {  	[tilespmem:s20+$0x1ACB0] =	vst v31  }
0x4e5: {  	[tilespmem:s20+$0x1ACC0] =	vst v32  }
0x4e6: {  	[tilespmem:s20+$0x1ACD0] =	vst v33  }
0x4e7: {  	[tilespmem:s20+$0x1ACE0] =	vst v34  }
0x4e8: {  	_ =	swait.ge [sflag:s15], $0x1000  }
0x4e9: {  	[sflag:s15] =	ssyncset.done $0x0  }
0x4ea: {  	[sflag:s15] =	ssyncadd.s32 $0xFFFFF000  }
0x4eb: {  	v19 =	vld [tilespmem:$0x400]  }
0x4ec: {  	v20 =	vld [tilespmem:$0x410]  }
0x4ed: {  	v54 =	vld [tilespmem:$0x420]  }
0x4ee: {  	v55 =	vld [tilespmem:$0x430]  }
0x4ef: {  	v56 =	vld [tilespmem:$0x440]  }
0x4f0: {  	v57 =	vld [tilespmem:$0x450];
	[tilespmem:$0x1B400] =	vst v19  }
0x4f1: {  	v58 =	vld [tilespmem:$0x800];
	[tilespmem:$0x1B410] =	vst v20  }
0x4f2: {  	v59 =	vld [tilespmem:$0x810];
	[tilespmem:$0x1B420] =	vst v54  }
0x4f3: {  	v60 =	vld [tilespmem:$0x820];
	[tilespmem:$0x1B430] =	vst v55  }
0x4f4: {  	v19 =	vld [tilespmem:$0x460];
	[tilespmem:$0x1B440] =	vst v56  }
0x4f5: {  	v20 =	vld [tilespmem:$0x470];
	[tilespmem:$0x1B450] =	vst v57  }
0x4f6: {  	v61 =	vld [tilespmem:$0x830];
	[tilespmem:$0x1B480] =	vst v58  }
0x4f7: {  	v62 =	vld [tilespmem:$0x860];
	[tilespmem:$0x1B490] =	vst v59  }
0x4f8: {  	s21 =	rddreg [dreg:$0x4];
	v63 =	vld [tilespmem:$0x870];
	[tilespmem:$0x1B4A0] =	vst v60  }
0x4f9: {  	s19 =	sadd.s32 s21, s18;
	[tilespmem:$0x1B460] =	vst v19;
	v19 =	vld [tilespmem:$0x840]  }
0x4fa: {  	s19 =	sshrl.u32 s19, $0x3;
	[tilespmem:$0x1B470] =	vst v20;
	v20 =	vld [tilespmem:$0x850]  }
0x4fb: {  	s22 =	sshll.u32 s18, $0x7;
	s19 =	smul.u32 $0x18800, s19;
	[tilespmem:$0x1B4B0] =	vst v61  }
0x4fc: {  	s20 =	sand.u32 $0x380, s22;
	[tilespmem:$0x1B4E0] =	vst v62  }
0x4fd: {  	s18 =	sadd.s32 $0x1, s18;
	s19 =	sor.u32 s20, s19;
	[tilespmem:$0x1B4F0] =	vst v63  }
0x4fe: {  	s21 =	rddreg [dreg:$0x1];
	p0 =	sne.s32 s18, $0x10;
	s19 =	sshrl.u32 s19, $0x3;
	[tilespmem:$0x1B4C0] =	vst v19  }
.Ltmp6:
0x4ff: {  	s22 =	simm.s32 $0x18400;
	s19 =	sadd.s32 s21, s19;
	[tilespmem:$0x1B4D0] =	vst v20;
	(pc) =	sbr.rel @p0 .LBB2_2-.Ltmp6, $4  }
0x500: {  	[hbm4b:s19+s9] =	stream.strided.scatter [tilespmem:s22], [sflag:$0x4], $0x3100, s13, s9, $0x38;
	[tilespmem:$0x1B500] =	vst v63  }
0x501: {  	_ =	swait.ge [sflag:s8], $0x3100  }
0x502: {  	[sflag:s8] =	ssyncset.done $0x0  }
0x503: {  	s22 =	simm.s32 $0x1400;
	[sflag:s8] =	ssyncadd.s32 $0xFFFFCF00  }
0x504: {  	s19 =	rddreg [dreg:$0x6]  }
0x505: {  	s18 =	rddreg [dreg:$0x5];
	s19 =	sadd.s32 $0x1, s19  }
0x506: {  	p0 =	sne.s32 s19, s18  }
.Ltmp7:
0x507: {  	_ = 	snop;
	(pc) =	sbr.rel @p0 .LBB2_1-.Ltmp7, $1  }
0x508: {  	_ =	sdelay $0x3  }
0x509: {  	_ =	sfence.sel $0x180000  }
0x50a: {  	[bflag:$0x0] =	sbarrier.arrive $0xFFFF  }
0x50b: {  	_ =	strace $0x9000004A  }
0x50c: {  	s0 =	stileid.u32;
	[bflag:$0x2] =	sbarrier.arrive $0xFFFF  }
0x50d: {  	p0 =	sne.s32 s0, $0x0;
	s0 =	rddreg [dreg:$0x2]  }
0x50e: {  	s0 =	sadd.s32 @!p0 $0x100000, s0  }
0x50f: {  	[sflag:s0] =	ssyncadd.tile.s32 @!p0 $0x1;
	_ =	shalt  }
.Lfunc_end2:
_tile_overlayer_lowered:
.L_overlay_start_2:
0x510: {  	(tag) =	ssettag $0x2  }
0x511: {  	s0 =	rddreg [dreg:$0x0];
	s2 =	stileid.u32  }
0x512: {  	s1 =	rddreg [dreg:$0x1];
	p0 =	sne.s32 s2, $0x0  }
0x513: {  	s3 =	rddreg [dreg:$0x2];
	[bflag:$0x3] =	sbarrier.arrive $0xFFFF;
	s2 =	simm.s32 @!p0 $0x1C04  }
0x514: {  	[timem:s3], [sflag:s2] =	dma.local @!p0 [hbm:s0], s1  }
0x515: {  	s0 =	simm.s32 @!p0 $0x4  }
0x516: {  	_ =	swait.ge @!p0 [sflag:s0], s1  }
0x517: {  	s1 =	ssub.s32 @!p0 $0x0, s1;
	[sflag:s0] =	ssyncset.done @!p0 $0x0  }
0x518: {  	[sflag:s0] =	ssyncadd.s32 @!p0 s1  }
0x519: {  	[bflag:$0x3] =	sbarrier.arrive $0xFFFF  }
0x51a: {  	_ =	shalt  }

// kernel: sparse-core-data-format-call.cloned.1.call-start
scs
called_computation_lowered:
.L_overlay_start_0:
0x0: {  	s2 =	sld [smem:$0x3FD9]  }
0x1: {  	s3 =	sld [smem:$0x3FFE];
	_ =	sdelay $0x1  }
0x2: {  	s1 =	srdreg.scid  }
0x3: {  	s0 =	sand.u32 $0x1, s1  }
0x4: {  	s18 =	sshll.u32 s0, $0xA;
	s2 =	sadd.s32 s3, s2  }
0x5: {  	s2 =	sadd.s32 s2, s18  }
0x6: {  	[smem:$0x3FC6] =	sst s2  }
0x7: {  	_ = 	snop  }
0x8: {  	s2 =	sld [smem:$0x3FC9];
	(tm) =	ssettm $0x1  }
0x9: {  	s19 =	sld [smem:$0x3FFB];
	_ =	sdelay $0x3  }
0xa: {  	_ =	strace s19  }
0xb: {  	s3 =	sld [smem:$0x3FFC];
	_ =	sdelay $0x3  }
0xc: {  	_ =	strace s3  }
0xd: {  	s3 =	sld [smem:$0x3FFD];
	_ =	sdelay $0x3  }
0xe: {  	_ =	strace s3  }
0xf: {  	_ =	strace $0x8FFFFFFF  }
0x10: {  	s20 =	sld [smem:$0x3FDB];
	_ =	sdelay $0x1  }
0x11: {  	s4 =	simm.s32 $_scs_section_size  }
0x12: {  	s5 =	simm.s32 $_size__tile_overlayer_lowered;
	s6 =	simm.s32 $_tile_overlayer_lowered  }
0x13: {  	s23 =	simm.s32 $0x1BFF;
	s22 =	sshll.u32 s6, $0x1;
	s3 =	sadd.s32 s4, s20  }
0x14: {  	s7 =	simm.s32 $0x0;
	s21 =	sshll.u32 s5, $0x1;
	s5 =	sadd.s32 s22, s3  }
0x15: {  	[timem:s7], [sflag:s23] =	dma.local [hbm:s5], s21  }
0x16: {  	_ =	swait.ge [sflag:s23], s21  }
0x17: {  	s4 =	ssub.s32 $0x0, s21;
	[sflag:s23] =	ssyncset.done $0x0  }
0x18: {  	[sflag:s23] =	ssyncadd.s32 s4;
	_ =	sdelay $0x1  }
0x19: {  	s24 =	simm.s32 $0x1B8B  }
0x1a: {  	_ =	swait.ge [sflag:s24], $0x1  }
0x1b: {  	[sflag:s24] =	ssyncset.done $0x0  }
0x1c: {  	s26 =	simm.s32 $0x1B8E;
	s25 =	sld [smem:$0x3FFE];
	[sflag:s24] =	ssyncadd.s32 $0xFFFFFFFF  }
0x1d: {  	s27 =	simm.s32 $execute0_lowered;
	[smem:$0x3FD2] =	sst s26  }
0x1e: {  	s5 =	sshll.u32 s27, $0x1;
	_ =	strace $0x80000046;
	[dreg:$0x1] =	wrdreg $0xFFFFFFFF  }
0x1f: {  	s28 =	simm.s32 $_size_execute0_lowered;
	s3 =	sadd.s32 s3, s5;
	[dreg:$0x0] =	wrdreg $0x0  }
0x20: {  	s5 =	sshll.u32 s28, $0x1;
	[dreg:$0x2] =	wrdreg s3  }
0x21: {  	[dreg:$0x3] =	wrdreg s5  }
0x22: {  	[dreg:$0x4] =	wrdreg $0xC0  }
0x23: {  	_ =	task [dreg:s7], $0x5FFFF  }
0x24: {  	[dreg:$0x1] =	wrdreg $0xFFFFFFFF  }
0x25: {  	[dreg:$0x0] =	wrdreg $0x60  }
0x26: {  	[dreg:$0x2] =	wrdreg s2  }
0x27: {  	[dreg:$0x3] =	wrdreg s25  }
0x28: {  	[dreg:$0x4] =	wrdreg $0x9  }
0x29: {  	_ =	task.clear_ibuf [dreg:s7], $0x5FFFF;
	_ =	strace $0x90000046  }
0x2a: {  	s29 =	simm.s32 $0x9;
	_ =	strace $0x80000048  }
0x2b: {  	_ =	swait.ge [sflag:s29], $0x1  }
0x2c: {  	[sflag:s29] =	ssyncadd.s32 $0xFFFFFFFF  }
0x2d: {  	_ =	strace $0x90000048  }
0x2e: {  	_ =	sfence  }
0x2f: {  	s30 =	sld [smem:$0x0];
	_ =	sdelay $0x2  }
0x30: {  	s31 =	sshll.u32 s1, $0xD;
	s1 =	sshrl.u32 s1, $0x2  }
0x31: {  	s3 =	sand.u32 $0x4000, s31;
	s1 =	sadd.s32 s1, s30  }
0x32: {  	s0 =	sor.u32 s3, s0;
	s1 =	sshll.u32 s1, $0x11  }
0x33: {  	s0 =	sor.u32 s1, s0  }
0x34: {  	s0 =	sadd.s32 $0x8F2B, s0  }
0x35: {  	[sflag:s0] =	ssyncadd.remote.s32 $0x1  }
0x36: {  	_ =	sfence.sel $0xFFFF  }
0x37: {  	[dreg:$0x0] =	wrdreg $0xFFFFFFFF;
	(pc) =	sbr.abs _section_cstart, $3  }
0x38: {  	[dreg:$0x1] =	wrdreg $0xFFFFFFFF  }
0x39: {  	_ =	task.clear_ibuf [dreg:s7], $0x2FFFF;
	_ =	strace $0x9FFFFFFF  }
0x3a: {  	(tm) =	ssettm $0x7FFFFFFF  }
0x3b: {  	_ =	shalt  }
tec
execute0_lowered:
.L_overlay_start_1:
0x0: {  	(tag) =	ssettag $0x1  }
0x1: {  	s2 =	rddreg [dreg:$0x0]  }
0x2: {  	s0 =	stileid.u32;
	s4 =	rddreg [dreg:$0x1]  }
0x3: {  	s1 =	rddreg [dreg:$0x2];
	s5 =	srdreg.scid  }
0x4: {  	_ =	strace $0x80000047;
	s31 =	simm.s32 $0x2;
	s16 =	simm.s32 $0x0  }
0x5: {  	p0 =	por $0x0, $0x0;
	s10 =	simm.s32 $0x800;
	s15 =	simm.s32 $0x0  }
0x6: {  	s17 =	simm.s32 $0x0;
	s3 =	sshll.u32 s0, $0x5;
	s5 =	sshll.u32 s5, $0x4  }
0x7: {  	s14 =	simm.s32 $0x0;
	s3 =	sand.u32 $0x80, s3;
	s5 =	sand.u32 $0x10, s5  }
0x8: {  	s4 =	sadd.s32 $0xA00, s4;
	s6 =	ssub.s32 $0x100, s3;
	s8 =	sor.u32 s0, s5  }
.Ltmp0:
0x9: {  	s5 =	sand.u32 $0x3, s0;
	s7 =	sshrl.u32 s6, $0x7;
	(pc) =	sbr.rel .LBB1_1-.Ltmp0, $4  }
0xa: {  	s12 =	smov.u32 s3;
	s9 =	sshrl.u32 s6, $0x8;
	s7 =	sand.u32 $0x1, s7  }
0xb: {  	s6 =	simm.s32 $0x1;
	s8 =	sshrl.u32 s8, $0x3;
	s7 =	sadd.s32 s9, s7  }
0xc: {  	s13 =	smov.u32 s5;
	[sflag:s6] =	ssyncpa.u1 $0x0;
	s7 =	sshll.u32 s7, $0x5  }
0xd: {  	s11 =	smov.u32 s8;
	[sflag:s31] =	ssyncpa.u1 $0x0;
	s9 =	sor.u32 $0x1, s7  }
.LBB1_4:
0xe: {  	v5 =	vld [tilespmem:s21+$0xFFFFFFD0];
	[tilespmem:s20+$0x2040 ss:$0x81] =	vst.msk $0xffff, v1  }
0xf: {  	v58 =	vld [tilespmem:s21+$0xFFFFFFE0];
	[tilespmem:s20+$0x2850 ss:$0x81] =	vst.msk $0xffff, v2  }
0x10: {  	s22 =	sshra.s32 s22, $0x2;
	v59 =	vld [tilespmem:s21+$0xFFFFFFF0];
	[tilespmem:s20+$0x3060 ss:$0x81] =	vst.msk $0xffff, v3  }
0x11: {  	v60 =	vld [tilespmem:s21+$0x0];
	[tilespmem:s20+$0x0 ss:$0x81] =	vst.msk $0xffff, v0;
	s19 =	sadd.s32 s22, s19  }
0x12: {  	v61 =	vld [tilespmem:s21+$0x10];
	[tilespmem:s19+$0x3870 ss:$0x81] =	vst.msk $0xffff, v4  }
0x13: {  	v62 =	vld [tilespmem:s21+$0x20];
	[tilespmem:s19+$0x810 ss:$0x81] =	vst.msk $0xffff, v5  }
0x14: {  	v63 =	vld [tilespmem:s21+$0xFFFFFFC0];
	[tilespmem:s19+$0x1020 ss:$0x81] =	vst.msk $0xffff, v58  }
0x15: {  	s17 =	sshll.u32 s17, $0x13;
	[tilespmem:s19+$0x1830 ss:$0x81] =	vst.msk $0xffff, v59  }
0x16: {  	s28 =	sand.u32 $0xF80, s15;
	s16 =	sshll.u32 s16, $0xC;
	s17 =	sadd.s32 s4, s17;
	[tilespmem:s19+$0x2040 ss:$0x81] =	vst.msk $0xffff, v60  }
0x17: {  	s29 =	sshrl.u32 s15, $0x3;
	s30 =	sand.u32 $0x7, s15;
	s17 =	sadd.s32 s28, s17;
	[tilespmem:s19+$0x2850 ss:$0x81] =	vst.msk $0xffff, v61  }
0x18: {  	s31 =	sand.u32 $0xF, s29;
	s15 =	sshll.u32 s30, $0x12;
	s16 =	sadd.s32 s16, s17;
	[tilespmem:s19+$0x3060 ss:$0x81] =	vst.msk $0xffff, v62  }
0x19: {  	s15 =	sor.u32 $0x400, s15;
	s16 =	sadd.s32 s31, s16;
	[tilespmem:s19+$0x0 ss:$0x81] =	vst.msk $0xffff, v63  }
0x1a: {  	[hbm4b:s16+s15] =	stream.strided.scatter [tilespmem:s18], [sflag:$0x2], $0x4000, s10, s15, $0x20;
	[tilespmem:$0x10100] =	vst v63  }
.LBB1_5:
0x1b: {  	s18 =	sadd.s32 $0x4, s11  }
0x1c: {  	s15 =	sadd.s32 $0x100, s12;
	s19 =	smov.u32 s12;
	p2 =	sgt.s32 s18, $0x7F  }
0x1d: {  	s19 =	smov.u32 @p2 s15  }
0x1e: {  	s21 =	smov.u32 s13;
	s15 =	sadd.s32 $0x4, s13;
	p3 =	sgt.s32 s19, $0xFF  }
0x1f: {  	s21 =	smov.u32 @p3 s15  }
0x20: {  	s18 =	smov.u32 @p2 s8;
	p2 =	sgt.s32 s21, $0x3  }
0x21: {  	p1 =	slt.u32 s14, $0x2;
	s21 =	smov.u32 @p2 s5;
	p2 =	sne.s32 s14, s9  }
.Ltmp1:
0x22: {  	s20 =	simm.s32 @!p1 $0x2;
	(pc) =	sbr.rel @!p2 .LBB1_6-.Ltmp1, $4  }
0x23: {  	s16 =	smov.u32 s11;
	s17 =	smov.u32 s13;
	_ =	swait.ge @!p1 [sflag:s20], $0x4000  }
0x24: {  	p0 =	por !p0, !p0;
	[sflag:s20] =	ssyncset.done @!p1 $0x0;
	s11 =	smov.u32 s18  }
0x25: {  	s19 =	smov.u32 @p3 s3;
	s15 =	smov.u32 s12;
	[sflag:s20] =	ssyncadd.s32 @!p1 $0xFFFFC000  }
0x26: {  	s12 =	smov.u32 s19;
	s14 =	sadd.s32 $0x1, s14;
	s13 =	smov.u32 s21  }
.LBB1_1:
0x27: {  	p1 =	sge.u32 s14, s7;
	s31 =	sadd.s32 $0xFFFFFFFF, s14  }
0x28: {  	s18 =	sxor.u32 @!p1 $0xFFFFFFFF, s14;
	s19 =	sshll.u32 @!p1 s13, $0x13;
	s20 =	sshll.u32 @!p1 s12, $0xB  }
0x29: {  	s21 =	sshll.u32 @!p1 s11, $0x4;
	s18 =	sshll.u32 @!p1 s18, $0xE;
	s19 =	sadd.s32 @!p1 s2, s19  }
0x2a: {  	s21 =	sand.u32 @!p1 $0x7F0, s21;
	s18 =	sand.u32 @!p1 $0x4000, s18;
	s19 =	sadd.s32 @!p1 s20, s19  }
0x2b: {  	s20 =	simm.s32 @!p1 $0x80;
	s19 =	sadd.s32 @!p1 s21, s19;
	s21 =	simm.s32 @!p1 $0x4000  }
0x2c: {  	[tilespmem:s18], [sflag:$0x1] =	stream.strided.gather @!p1 [hbm4b:s19+s20], $0x4000, s21, s20, $0x38;
	[tilespmem:$0x10100] =	vst v63  }
0x2d: {  	p1 =	sge.u32 s31, s7  }
.Ltmp2:
0x2e: {  	_ = 	snop;
	(pc) =	sbr.rel @p1 .LBB1_5-.Ltmp2, $1  }
0x2f: {  	_ =	sdelay $0x3  }
0x30: {  	s18 =	simm.s32 $0x1  }
0x31: {  	_ =	swait.ge [sflag:s6], $0x4000;
	s18 =	simm.s32 @!p0 $0x0  }
0x32: {  	[sflag:s6] =	ssyncset.done $0x0;
	s19 =	sshll.u32 s18, $0xE  }
0x33: {  	[sflag:s6] =	ssyncadd.s32 $0xFFFFC000;
	s21 =	sor.u32 $0x40, s19  }
0x34: {  	s18 =	smul.u32 $0x10200, s18;
	v0 =	vld [tilespmem:s21+$0x30]  }
0x35: {  	v3 =	vld [tilespmem:s21+$0xFFFFFFD0]  }
0x36: {  	s18 =	sshrl.u32 s18, $0x2;
	v4 =	vld [tilespmem:s21+$0xFFFFFFE0]  }
0x37: {  	v5 =	vld [tilespmem:s21+$0xFFFFFFF0];
	s19 =	sor.u32 $0x8000, s18  }
0x38: {  	s31 =	sand.u32 $0x1, s14;
	v1 =	vld [tilespmem:s21+$0x0];
	s20 =	sadd.s32 $0x0, s19  }
0x39: {  	v2 =	vld [tilespmem:s21+$0x10];
	s18 =	smul.u32 $0x10200, s31;
	[tilespmem:s20+$0x3870 ss:$0x81] =	vst.msk $0xffff, v0  }
0x3a: {  	[tilespmem:s20+$0x810 ss:$0x81] =	vst.msk $0xffff, v3;
	v3 =	vld [tilespmem:s21+$0x20]  }
0x3b: {  	s18 =	sshrl.u32 s18, $0x2;
	v0 =	vld [tilespmem:s21+$0xFFFFFFC0];
	[tilespmem:s20+$0x1020 ss:$0x81] =	vst.msk $0xffff, v4;
	s21 =	sadd.s32 $0x80, s21  }
0x3c: {  	s22 =	simm.s32 $0x4;
	s23 =	simm.s32 $0x8;
	s18 =	sor.u32 $0x8000, s18;
	[tilespmem:s20+$0x1830 ss:$0x81] =	vst.msk $0xffff, v5;
	v4 =	vld [tilespmem:s21+$0x30]  }
.LBB1_3:
0x3d: {  	p1 =	sne.s32 s23, $0x1FC;
	v5 =	vld [tilespmem:s21+$0xFFFFFFD0];
	[tilespmem:s20+$0x2040 ss:$0x81] =	vst.msk $0xffff, v1  }
0x3e: {  	v6 =	vld [tilespmem:s21+$0xFFFFFFE0];
	[tilespmem:s20+$0x2850 ss:$0x81] =	vst.msk $0xffff, v2  }
0x3f: {  	s24 =	sshra.s32 s22, $0x2;
	s22 =	smov.u32 s23;
	v7 =	vld [tilespmem:s21+$0xFFFFFFF0];
	[tilespmem:s20+$0x3060 ss:$0x81] =	vst.msk $0xffff, v3  }
.Ltmp3:
0x40: {  	v1 =	vld [tilespmem:s21+$0x0];
	[tilespmem:s20+$0x0 ss:$0x81] =	vst.msk $0xffff, v0;
	s20 =	sadd.s32 s24, s19;
	(pc) =	sbr.rel @p1 .LBB1_3-.Ltmp3, $4  }
0x41: {  	v2 =	vld [tilespmem:s21+$0x10];
	[tilespmem:s20+$0x3870 ss:$0x81] =	vst.msk $0xffff, v4  }
0x42: {  	[tilespmem:s20+$0x810 ss:$0x81] =	vst.msk $0xffff, v5;
	v3 =	vld [tilespmem:s21+$0x20]  }
0x43: {  	v0 =	vld [tilespmem:s21+$0xFFFFFFC0];
	[tilespmem:s20+$0x1020 ss:$0x81] =	vst.msk $0xffff, v6;
	s21 =	sadd.s32 $0x80, s21  }
0x44: {  	s23 =	sadd.s32 $0x4, s23;
	v4 =	vld [tilespmem:s21+$0x30];
	[tilespmem:s20+$0x1830 ss:$0x81] =	vst.msk $0xffff, v7  }
.Ltmp4:
0x45: {  	_ = 	snop;
	(pc) =	sbr.rel .LBB1_4-.Ltmp4, $1  }
0x46: {  	_ =	sdelay $0x3  }
.LBB1_6:
0x47: {  	_ =	sfence.sel $0x180000  }
0x48: {  	s2 =	simm.s32 $0x1;
	[bflag:$0x0] =	sbarrier.arrive $0xFFFF  }
0x49: {  	s31 =	simm.s32 $0x2;
	[sflag:s2] =	ssyncpa.u1 $0x1  }
0x4a: {  	[sflag:s31] =	ssyncpa.u1 $0x1  }
0x4b: {  	p0 =	sne.s32 s0, $0x0;
	_ =	strace $0x90000047  }
0x4c: {  	s0 =	sadd.s32 @!p0 $0x100000, s1;
	[bflag:$0x2] =	sbarrier.arrive $0xFFFF  }
0x4d: {  	[sflag:s0] =	ssyncadd.tile.s32 @!p0 $0x1;
	_ =	shalt  }
.Lfunc_end1:
_tile_overlayer_lowered:
.L_overlay_start_2:
0x4e: {  	(tag) =	ssettag $0x2  }
0x4f: {  	s0 =	rddreg [dreg:$0x0];
	s2 =	stileid.u32  }
0x50: {  	s1 =	rddreg [dreg:$0x1];
	p0 =	sne.s32 s2, $0x0  }
0x51: {  	s3 =	rddreg [dreg:$0x2];
	[bflag:$0x3] =	sbarrier.arrive $0xFFFF;
	s2 =	simm.s32 @!p0 $0x1C01  }
0x52: {  	[timem:s3], [sflag:s2] =	dma.local @!p0 [hbm:s0], s1  }
0x53: {  	s0 =	simm.s32 @!p0 $0x1  }
0x54: {  	_ =	swait.ge @!p0 [sflag:s0], s1  }
0x55: {  	s1 =	ssub.s32 @!p0 $0x0, s1;
	[sflag:s0] =	ssyncset.done @!p0 $0x0  }
0x56: {  	[sflag:s0] =	ssyncadd.s32 @!p0 s1  }
0x57: {  	[bflag:$0x3] =	sbarrier.arrive $0xFFFF  }
0x58: {  	_ =	shalt  }

</sc_bundles>
